<compile_context>
chip_gen: v7x
topology: tpu7x:2x2x1
jax: 0.10.2.dev20260603
libtpu: 0.0.44.dev20260713+nightly
codegen_flags: <defaults>
</compile_context>

<pallas_src>
import functools

import jax
import jax.numpy as jnp
from jax import lax
from jax.experimental import pallas as pl
from jax.experimental.pallas import tpu as pltpu
from jax.experimental.pallas import tpu_sc as plsc

_N = 10000
_E = 320000
_NPAD = 10240
_SENT = 10000
_NC, _NS = 2, 16
_NW = _NC * _NS
_CHUNK = 128
_RPT = _NPAD // _NS
_NEG = -1e30

_NCH16 = -(-_E // (_NS * _CHUNK))
_EPT16 = _NCH16 * _CHUNK
_EPAD16 = _NS * _EPT16
_NCH32 = -(-_E // (_NW * _CHUNK))
_EPT32 = _NCH32 * _CHUNK
_EPAD32 = _NW * _EPT32



def _logits(h, a_s, a_d, es_ref, ed_ref, mh_ref):
    es = jnp.sum(h * a_s, axis=1, keepdims=True)
    ed = jnp.sum(h * a_d, axis=1, keepdims=True)
    es_ref[0:_N, :] = es
    es_ref[_N:_NPAD, :] = jnp.full((_NPAD - _N, 1), _NEG, jnp.float32)
    ed_ref[0:_N, :] = ed
    ed_ref[_N:_NPAD, :] = jnp.full((_NPAD - _N, 1), _NEG, jnp.float32)
    mh_ref[0:_N, :] = jnp.maximum(jnp.max(es) + ed, 0.0)
    mh_ref[_N:_NPAD, :] = jnp.zeros((_NPAD - _N, 1), jnp.float32)


def _pack_half(h_half, ones_col, hp_ref):
    fh = h_half.shape[1]
    fp = hp_ref.shape[1]
    hp_ref[0:_N, 0:fh] = h_half
    colid = lax.broadcasted_iota(jnp.int32, (_N, fp - fh), 1)
    fill = jnp.where(colid == 0, 1.0, 0.0) if ones_col else jnp.zeros((_N, fp - fh))
    hp_ref[0:_N, fh:fp] = fill.astype(jnp.float32)
    hp_ref[_N:_NPAD, :] = jnp.zeros((_NPAD - _N, fp), jnp.float32)


def _tc_split_body(x_and_w_to_h, sp_ref, w_ref, as_ref, ad_ref,
                   hp0_ref, hp1_ref, es_ref, ed_ref, mh_ref):
    h = x_and_w_to_h(sp_ref, w_ref)
    _pack_half(h[:, 0:64], True, hp0_ref)
    _pack_half(h[:, 64:128], False, hp1_ref)
    _logits(h, as_ref[...], ad_ref[...], es_ref, ed_ref, mh_ref)


def _h_first(x_ref, w_ref):
    return jnp.dot(x_ref[...], w_ref[...], preferred_element_type=jnp.float32)


def _h_mid_split(sp_ref, w_ref):
    s0 = sp_ref[0]
    s1 = sp_ref[1]
    d = s0[0:_N, 64:65]
    dsafe = jnp.where(d > 0.0, d, 1.0)
    hin = jnp.concatenate([s0[0:_N, 0:64], s1[0:_N, 0:64]], axis=1) / dsafe
    return jnp.dot(hin, w_ref[...], preferred_element_type=jnp.float32)


def _tc_mid48_body(sp_ref, w_ref, as_ref, ad_ref,
                   hp_ref, es_ref, ed_ref, mh_ref):
    h = _h_mid_split(sp_ref, w_ref)
    _pack_half(h, True, hp_ref)
    _logits(h, as_ref[...], ad_ref[...], es_ref, ed_ref, mh_ref)


def _tc_last_body(sp_ref, out_ref):
    s = sp_ref[0] + sp_ref[1]
    d = s[0:_N, 40:41]
    dsafe = jnp.where(d > 0.0, d, 1.0)
    logits = s[0:_N, 0:40] / dsafe
    m = jnp.max(logits, axis=1, keepdims=True)
    ex = jnp.exp(logits - m)
    lse = jnp.log(jnp.sum(ex, axis=1, keepdims=True)) + m
    out_ref[...] = logits - lse


def _vec_shapes():
    return [jax.ShapeDtypeStruct((_NPAD, 1), jnp.float32)] * 3


def _tc_split(h_fn):
    return pl.pallas_call(
        functools.partial(_tc_split_body, h_fn),
        out_shape=[jax.ShapeDtypeStruct((_NPAD, 80), jnp.float32)] * 2
        + _vec_shapes(),
    )


_tc_mid48 = pl.pallas_call(
    _tc_mid48_body,
    out_shape=[jax.ShapeDtypeStruct((_NPAD, 48), jnp.float32)] + _vec_shapes(),
)

_tc_last = pl.pallas_call(
    _tc_last_body,
    out_shape=jax.ShapeDtypeStruct((_N, 40), jnp.float32),
)



_SC_PARAMS = pltpu.CompilerParams(
    needs_layout_passes=False, use_tc_tiling_on_sc=False)


def _sc_scratch(fp):
    return [
        pltpu.VMEM((_NPAD,), jnp.float32),
        pltpu.VMEM((_NPAD,), jnp.float32),
        pltpu.VMEM((_NPAD,), jnp.float32),
        pltpu.VMEM((_CHUNK,), jnp.int32),
        pltpu.VMEM((_CHUNK,), jnp.int32),
        pltpu.VMEM((_CHUNK,), jnp.float32),
        pltpu.VMEM((_CHUNK, fp), jnp.float32),
        pltpu.VMEM_SHARED((_NPAD, fp), jnp.float32),
        pltpu.SemaphoreType.DMA,
    ]


def _zero_accumulator(rows, s_sh, tid, nvec):
    def _zrow(r, carry):
        for j in range(nvec):
            rows[r, pl.ds(j * 16, 16)] = jnp.zeros((16,), jnp.float32)
        return carry
    lax.fori_loop(0, _CHUNK, _zrow, 0)
    obase = tid * _RPT
    for kk in range(_RPT // _CHUNK):
        pltpu.sync_copy(rows, s_sh.at[pl.ds(obase + kk * _CHUNK, _CHUNK)])


def _edge_weights(src_v, dst_v, es_loc, ed_loc, mh_loc, w_v):
    for g in range(_CHUNK // 16):
        si = src_v[pl.ds(g * 16, 16)]
        di = dst_v[pl.ds(g * 16, 16)]
        e = plsc.load_gather(es_loc, [si]) + plsc.load_gather(ed_loc, [di])
        e = jnp.maximum(e, 0.2 * e) - plsc.load_gather(mh_loc, [di])
        w_v[pl.ds(g * 16, 16)] = jnp.exp(e)


def _scale_rows(rows, w_v, nvec):
    def _srow(r, carry):
        wspl = plsc.load_gather(w_v, [jnp.full((16,), r, jnp.int32)])
        for j in range(nvec):
            rows[r, pl.ds(j * 16, 16)] = rows[r, pl.ds(j * 16, 16)] * wspl
        return carry
    lax.fori_loop(0, _CHUNK, _srow, 0)


def _write_out(rows, s_sh, out_ref, tid):
    obase = tid * _RPT
    for kk in range(_RPT // _CHUNK):
        pltpu.sync_copy(s_sh.at[pl.ds(obase + kk * _CHUNK, _CHUNK)], rows)
        pltpu.sync_copy(rows, out_ref.at[pl.ds(obase + kk * _CHUNK, _CHUNK)])


def _sc_edge_featsplit():
    fp = 80
    nvec = fp // 16
    mesh = plsc.VectorSubcoreMesh(
        core_axis_name="c", subcore_axis_name="s",
        num_cores=_NC, num_subcores=_NS)

    @functools.partial(
        pl.kernel, mesh=mesh, compiler_params=_SC_PARAMS,
        out_type=jax.ShapeDtypeStruct((_NC, _NPAD, fp), jnp.float32),
        scratch_types=_sc_scratch(fp),
    )
    def k(src_hbm, dst_hbm, es_hbm, ed_hbm, mh_hbm, h0_hbm, h1_hbm, out_hbm,
          es_loc, ed_loc, mh_loc, src_v, dst_v, w_v, rows, s_sh, sem):
        cid = lax.axis_index("c")
        tid = lax.axis_index("s")

        _zero_accumulator(rows, s_sh, tid, nvec)
        pltpu.sync_copy(es_hbm, es_loc)
        pltpu.sync_copy(ed_hbm, ed_loc)
        pltpu.sync_copy(mh_hbm, mh_loc)
        plsc.subcore_barrier()

        ebase = tid * _EPT16

        def _chunk(c, carry):
            off = ebase + c * _CHUNK
            pltpu.sync_copy(src_hbm.at[pl.ds(off, _CHUNK)], src_v)
            pltpu.sync_copy(dst_hbm.at[pl.ds(off, _CHUNK)], dst_v)

            @pl.when(cid == 0)
            def _():
                pltpu.async_copy(h0_hbm.at[src_v], rows, sem).wait()

            @pl.when(cid == 1)
            def _():
                pltpu.async_copy(h1_hbm.at[src_v], rows, sem).wait()

            _edge_weights(src_v, dst_v, es_loc, ed_loc, mh_loc, w_v)
            _scale_rows(rows, w_v, nvec)
            pltpu.sync_copy(rows, s_sh.at[dst_v], add=True)
            return carry
        lax.fori_loop(0, _NCH16, _chunk, 0)

        plsc.subcore_barrier()
        _write_out(rows, s_sh, out_hbm.at[cid], tid)

    return k


def _sc_edge_edgesplit():
    fp = 48
    nvec = fp // 16
    mesh = plsc.VectorSubcoreMesh(
        core_axis_name="c", subcore_axis_name="s",
        num_cores=_NC, num_subcores=_NS)

    @functools.partial(
        pl.kernel, mesh=mesh, compiler_params=_SC_PARAMS,
        out_type=jax.ShapeDtypeStruct((_NC, _NPAD, fp), jnp.float32),
        scratch_types=_sc_scratch(fp),
    )
    def k(src_hbm, dst_hbm, es_hbm, ed_hbm, mh_hbm, h_hbm, out_hbm,
          es_loc, ed_loc, mh_loc, src_v, dst_v, w_v, rows, s_sh, sem):
        cid = lax.axis_index("c")
        sid = lax.axis_index("s")
        wid = sid * _NC + cid
        tid = sid

        _zero_accumulator(rows, s_sh, tid, nvec)
        pltpu.sync_copy(es_hbm, es_loc)
        pltpu.sync_copy(ed_hbm, ed_loc)
        pltpu.sync_copy(mh_hbm, mh_loc)
        plsc.subcore_barrier()

        ebase = wid * _EPT32

        def _chunk(c, carry):
            off = ebase + c * _CHUNK
            pltpu.sync_copy(src_hbm.at[pl.ds(off, _CHUNK)], src_v)
            pltpu.sync_copy(dst_hbm.at[pl.ds(off, _CHUNK)], dst_v)
            pltpu.async_copy(h_hbm.at[src_v], rows, sem).wait()
            _edge_weights(src_v, dst_v, es_loc, ed_loc, mh_loc, w_v)
            _scale_rows(rows, w_v, nvec)
            pltpu.sync_copy(rows, s_sh.at[dst_v], add=True)
            return carry
        lax.fori_loop(0, _NCH32, _chunk, 0)

        plsc.subcore_barrier()
        _write_out(rows, s_sh, out_hbm.at[cid], tid)

    return k



def _padded_edges(src, dst, epad):
    pad = jnp.full((epad - _E,), _SENT, jnp.int32)
    return jnp.concatenate([src, pad]), jnp.concatenate([dst, pad])


def kernel(x, edge_index, W1, a_src1, a_dst1, W2, a_src2, a_dst2,
           W3, a_src3, a_dst3):
    src = edge_index[0].astype(jnp.int32)
    dst = edge_index[1].astype(jnp.int32)
    src16, dst16 = _padded_edges(src, dst, _EPAD16)
    src32, dst32 = _padded_edges(src, dst, _EPAD32)

    sc_split = _sc_edge_featsplit()
    sc_part = _sc_edge_edgesplit()

    def _flat(a):
        return a.reshape(-1)

    h0, h1, es, ed, mh = _tc_split(_h_first)(
        x, W1, a_src1.reshape(1, -1), a_dst1.reshape(1, -1))
    s1 = sc_split(src16, dst16, _flat(es), _flat(ed), _flat(mh), h0, h1)
    h0, h1, es, ed, mh = _tc_split(_h_mid_split)(
        s1, W2, a_src2.reshape(1, -1), a_dst2.reshape(1, -1))
    s2 = sc_split(src16, dst16, _flat(es), _flat(ed), _flat(mh), h0, h1)
    hp, es, ed, mh = _tc_mid48(
        s2, W3, a_src3.reshape(1, -1), a_dst3.reshape(1, -1))
    s3 = sc_part(src32, dst32, _flat(es), _flat(ed), _flat(mh), hp)
    return _tc_last(s3)

# --- scband reference (transcript-rebuilt; emitter-appended) ---
"""Pipeline reference for scband-gat-1219770712258 (READ-ONLY COPY).

The authoritative reference and input builder live on the scoring server;
editing this copy changes nothing except your own understanding.
"""

import jax, jax.numpy as jnp
import numpy as np

N_NODES = 10000
N_EDGES = 320000
IN_DIM = 128
HID = 128
OUT_DIM = 40


def gat_conv(x, edge_index, W, a_src, a_dst, n_nodes):
    # Linear transform
    h = x @ W  # [N, out_c]
    src = edge_index[0]
    dst = edge_index[1]
    # Attention logits per edge (GATConv style: additive attention)
    e_src = (h * a_src[None, :]).sum(axis=-1)  # [N]
    e_dst = (h * a_dst[None, :]).sum(axis=-1)  # [N]
    e = e_src[src] + e_dst[dst]                # [E]
    e = jax.nn.leaky_relu(e, negative_slope=0.2)
    # Segment softmax over incoming edges of each dst node
    m = jax.ops.segment_max(e, dst, num_segments=n_nodes)  # [N]
    e_exp = jnp.exp(e - m[dst])
    denom = jax.ops.segment_sum(e_exp, dst, num_segments=n_nodes)  # [N]
    alpha = e_exp / (denom[dst] + 1e-16)       # [E]
    # Weighted message aggregation (scatter-add)
    msgs = h[src] * alpha[:, None]             # [E, out_c]
    out = jax.ops.segment_sum(msgs, dst, num_segments=n_nodes)  # [N, out_c]
    return out


def setup_inputs(seed: int = 0) -> dict:
    key = jax.random.key(seed)
    ks = jax.random.split(key, 9)
    x = jax.random.normal(ks[0], (N_NODES, IN_DIM), dtype=jnp.float32)
    edge_index = jax.random.randint(ks[1], (2, N_EDGES), 0, N_NODES, dtype=jnp.int64 if jax.config.jax_enable_x64 else jnp.int32)
    s = 1.0 / np.sqrt(IN_DIM)
    W1 = jax.random.normal(ks[2], (IN_DIM, HID), dtype=jnp.float32) * s
    a_src1 = jax.random.normal(ks[3], (HID,), dtype=jnp.float32) * 0.1
    a_dst1 = jax.random.normal(ks[4], (HID,), dtype=jnp.float32) * 0.1
    sh = 1.0 / np.sqrt(HID)
    W2 = jax.random.normal(ks[5], (HID, HID), dtype=jnp.float32) * sh
    a_src2 = jax.random.normal(ks[6], (HID,), dtype=jnp.float32) * 0.1
    a_dst2 = jax.random.normal(ks[7], (HID,), dtype=jnp.float32) * 0.1
    W3 = jax.random.normal(ks[8], (HID, OUT_DIM), dtype=jnp.float32) * sh
    kk = jax.random.split(jax.random.fold_in(key, 7), 2)
    a_src3 = jax.random.normal(kk[0], (OUT_DIM,), dtype=jnp.float32) * 0.1
    a_dst3 = jax.random.normal(kk[1], (OUT_DIM,), dtype=jnp.float32) * 0.1
    return {"x": x, "edge_index": edge_index, "W1": W1, "a_src1": a_src1, "a_dst1": a_dst1,
            "W2": W2, "a_src2": a_src2, "a_dst2": a_dst2, "W3": W3, "a_src3": a_src3, "a_dst3": a_dst3}


def reference(x, edge_index, W1, a_src1, a_dst1, W2, a_src2, a_dst2, W3, a_src3, a_dst3):
    # Layer 1 (no dropout applied after layer 0 per original forward; dropout is
    # identity in eval mode anyway)
    h = gat_conv(x, edge_index, W1, a_src1, a_dst1, N_NODES)
    # Layer 2 (dropout p=0.5 -> identity at inference)
    h = gat_conv(h, edge_index, W2, a_src2, a_dst2, N_NODES)
    # Layer 3 (output layer)
    h = gat_conv(h, edge_index, W3, a_src3, a_dst3, N_NODES)
    return jax.nn.log_softmax(h, axis=1)

if __name__ == "__main__":
    import jax
    _d = setup_inputs()
    print(jax.jit(kernel)(*tuple(_d.values())))

</pallas_src>

<mosaic_0001>
#map = affine_map<(d0, d1) -> (0)>
#map1 = affine_map<(d0, d1) -> (0, 0)>
#map2 = affine_map<(d0, d1) -> (0, 0, 0)>
module attributes {stable_mosaic.version = 14 : i64} {
  func.func @k(%arg0: i32, %arg1: i32, %arg2: memref<323584xi32, #tpu.memory_space<hbm>>, %arg3: memref<323584xi32, #tpu.memory_space<hbm>>, %arg4: memref<10240xf32, #tpu.memory_space<hbm>>, %arg5: memref<10240xf32, #tpu.memory_space<hbm>>, %arg6: memref<10240xf32, #tpu.memory_space<hbm>>, %arg7: memref<10240x48xf32, #tpu.memory_space<hbm>>, %arg8: memref<2x10240x48xf32, #tpu.memory_space<hbm>>, %arg9: memref<10240xf32, #tpu.memory_space<vmem>>, %arg10: memref<10240xf32, #tpu.memory_space<vmem>>, %arg11: memref<10240xf32, #tpu.memory_space<vmem>>, %arg12: memref<128xi32, #tpu.memory_space<vmem>>, %arg13: memref<128xi32, #tpu.memory_space<vmem>>, %arg14: memref<128xf32, #tpu.memory_space<vmem>>, %arg15: memref<128x48xf32, #tpu.memory_space<vmem>>, %arg16: memref<10240x48xf32, #tpu.memory_space<vmem_shared>>, %arg17: memref<!tpu.dma_semaphore, #tpu.memory_space<semaphore_mem>>) attributes {dimension_semantics = [#tpu.dimension_semantics<core_parallel>, #tpu.dimension_semantics<subcore_parallel>], iteration_bounds = array<i64: 2, 16>, scalar_prefetch = 0 : i64, scratch_operands = 9 : i64, tpu.core_type = #tpu.core_type<sc_vector_subcore>, window_params = [{transform_indices = #map}, {transform_indices = #map}, {transform_indices = #map}, {transform_indices = #map}, {transform_indices = #map}, {transform_indices = #map1}, {transform_indices = #map2}]} {
    %mul3A = arith.constant 2 : i32
    %mul3A_0 = arith.muli %arg1, %mul3A : i32
    %add3A = arith.addi %mul3A_0, %arg0 : i32
    %scan3A = arith.constant 0 : i32
    %scan3A_1 = arith.constant 0 : i32
    %scan3A_2 = arith.constant 128 : i32
    %scan3A_3 = arith.addi %scan3A_1, %scan3A_2 : i32
    %scan3A_4 = arith.constant 1 : i32
    scf.for %scan3A_49 = %scan3A_1 to %scan3A_3 step %scan3A_4  : i32 {
      %broadcast_in_dim3A = arith.constant 0.000000e+00 : f32
      %broadcast_in_dim3A_50 = vector.broadcast %broadcast_in_dim3A : f32 to vector<16xf32>
      %swap3A = arith.index_cast %scan3A_49 : i32 to index
      %swap3A_51 = arith.constant 0 : index
      %swap3A_52 = tpu.vector_load %arg15[%swap3A, %swap3A_51] {strides = array<i32>} : memref<128x48xf32, #tpu.memory_space<vmem>>, vector<16xf32>,
      tpu.vector_store %arg15[%swap3A, %swap3A_51], %broadcast_in_dim3A_50 {strides = array<i32>} : memref<128x48xf32, #tpu.memory_space<vmem>>, vector<16xf32>,
      %broadcast_in_dim3A_53 = arith.constant 0.000000e+00 : f32
      %broadcast_in_dim3A_54 = vector.broadcast %broadcast_in_dim3A_53 : f32 to vector<16xf32>
      %swap3A_55 = arith.index_cast %scan3A_49 : i32 to index
      %swap3A_56 = arith.constant 16 : index
      %swap3A_57 = tpu.vector_load %arg15[%swap3A_55, %swap3A_56] {strides = array<i32>} : memref<128x48xf32, #tpu.memory_space<vmem>>, vector<16xf32>,
      tpu.vector_store %arg15[%swap3A_55, %swap3A_56], %broadcast_in_dim3A_54 {strides = array<i32>} : memref<128x48xf32, #tpu.memory_space<vmem>>, vector<16xf32>,
      %broadcast_in_dim3A_58 = arith.constant 0.000000e+00 : f32
      %broadcast_in_dim3A_59 = vector.broadcast %broadcast_in_dim3A_58 : f32 to vector<16xf32>
      %swap3A_60 = arith.index_cast %scan3A_49 : i32 to index
      %swap3A_61 = arith.constant 32 : index
      %swap3A_62 = tpu.vector_load %arg15[%swap3A_60, %swap3A_61] {strides = array<i32>} : memref<128x48xf32, #tpu.memory_space<vmem>>, vector<16xf32>,
      tpu.vector_store %arg15[%swap3A_60, %swap3A_61], %broadcast_in_dim3A_59 {strides = array<i32>} : memref<128x48xf32, #tpu.memory_space<vmem>>, vector<16xf32>,
    }
    %scan3A_5 = arith.constant 128 : i32
    %mul3A_6 = arith.constant 640 : i32
    %mul3A_7 = arith.muli %arg1, %mul3A_6 : i32
    %add3A_8 = arith.constant 0 : i32
    %add3A_9 = arith.addi %mul3A_7, %add3A_8 : i32
    "tpu.region"() ({
      %run_scoped3A = tpu.sem_alloc : memref<!tpu.dma_semaphore, #tpu.memory_space<semaphore_mem>>
      %dma_start3A = arith.constant 0 : i32
      %dma_start3A_49 = tpu.memref_slice %arg16[%add3A_9, %dma_start3A] : memref<10240x48xf32, #tpu.memory_space<vmem_shared>> -> memref<128x48xf32, #tpu.memory_space<vmem_shared>>
      %dma_start3A_50 = arith.constant 0 : i32
      %dma_start3A_51 = tpu.memref_slice %arg16[%add3A_9, %dma_start3A_50] : memref<10240x48xf32, #tpu.memory_space<vmem_shared>> -> memref<128x48xf32, #tpu.memory_space<vmem_shared>>
      tpu.enqueue_dma source(%arg15 : memref<128x48xf32, #tpu.memory_space<vmem>>) target(%dma_start3A_51 : memref<128x48xf32, #tpu.memory_space<vmem_shared>>) target_semaphore(%run_scoped3A : memref<!tpu.dma_semaphore, #tpu.memory_space<semaphore_mem>>)
      %dma_wait3A = arith.constant 0 : i32
      %dma_wait3A_52 = tpu.memref_slice %arg16[%add3A_9, %dma_wait3A] : memref<10240x48xf32, #tpu.memory_space<vmem_shared>> -> memref<128x48xf32, #tpu.memory_space<vmem_shared>>
      %dma_wait3A_53 = arith.constant 0 : i32
      %dma_wait3A_54 = tpu.memref_slice %arg16[%add3A_9, %dma_wait3A_53] : memref<10240x48xf32, #tpu.memory_space<vmem_shared>> -> memref<128x48xf32, #tpu.memory_space<vmem_shared>>
      tpu.wait_dma2 semaphore(%run_scoped3A : memref<!tpu.dma_semaphore, #tpu.memory_space<semaphore_mem>>) src(%arg15 : memref<128x48xf32, #tpu.memory_space<vmem>>) dst(%dma_wait3A_54 : memref<128x48xf32, #tpu.memory_space<vmem_shared>>)
      tpu.yield
    }) : () -> ()
    %add3A_10 = arith.constant 128 : i32
    %add3A_11 = arith.addi %mul3A_7, %add3A_10 : i32
    "tpu.region"() ({
      %run_scoped3A = tpu.sem_alloc : memref<!tpu.dma_semaphore, #tpu.memory_space<semaphore_mem>>
      %dma_start3A = arith.constant 0 : i32
      %dma_start3A_49 = tpu.memref_slice %arg16[%add3A_11, %dma_start3A] : memref<10240x48xf32, #tpu.memory_space<vmem_shared>> -> memref<128x48xf32, #tpu.memory_space<vmem_shared>>
      %dma_start3A_50 = arith.constant 0 : i32
      %dma_start3A_51 = tpu.memref_slice %arg16[%add3A_11, %dma_start3A_50] : memref<10240x48xf32, #tpu.memory_space<vmem_shared>> -> memref<128x48xf32, #tpu.memory_space<vmem_shared>>
      tpu.enqueue_dma source(%arg15 : memref<128x48xf32, #tpu.memory_space<vmem>>) target(%dma_start3A_51 : memref<128x48xf32, #tpu.memory_space<vmem_shared>>) target_semaphore(%run_scoped3A : memref<!tpu.dma_semaphore, #tpu.memory_space<semaphore_mem>>)
      %dma_wait3A = arith.constant 0 : i32
      %dma_wait3A_52 = tpu.memref_slice %arg16[%add3A_11, %dma_wait3A] : memref<10240x48xf32, #tpu.memory_space<vmem_shared>> -> memref<128x48xf32, #tpu.memory_space<vmem_shared>>
      %dma_wait3A_53 = arith.constant 0 : i32
      %dma_wait3A_54 = tpu.memref_slice %arg16[%add3A_11, %dma_wait3A_53] : memref<10240x48xf32, #tpu.memory_space<vmem_shared>> -> memref<128x48xf32, #tpu.memory_space<vmem_shared>>
      tpu.wait_dma2 semaphore(%run_scoped3A : memref<!tpu.dma_semaphore, #tpu.memory_space<semaphore_mem>>) src(%arg15 : memref<128x48xf32, #tpu.memory_space<vmem>>) dst(%dma_wait3A_54 : memref<128x48xf32, #tpu.memory_space<vmem_shared>>)
      tpu.yield
    }) : () -> ()
    %add3A_12 = arith.constant 256 : i32
    %add3A_13 = arith.addi %mul3A_7, %add3A_12 : i32
    "tpu.region"() ({
      %run_scoped3A = tpu.sem_alloc : memref<!tpu.dma_semaphore, #tpu.memory_space<semaphore_mem>>
      %dma_start3A = arith.constant 0 : i32
      %dma_start3A_49 = tpu.memref_slice %arg16[%add3A_13, %dma_start3A] : memref<10240x48xf32, #tpu.memory_space<vmem_shared>> -> memref<128x48xf32, #tpu.memory_space<vmem_shared>>
      %dma_start3A_50 = arith.constant 0 : i32
      %dma_start3A_51 = tpu.memref_slice %arg16[%add3A_13, %dma_start3A_50] : memref<10240x48xf32, #tpu.memory_space<vmem_shared>> -> memref<128x48xf32, #tpu.memory_space<vmem_shared>>
      tpu.enqueue_dma source(%arg15 : memref<128x48xf32, #tpu.memory_space<vmem>>) target(%dma_start3A_51 : memref<128x48xf32, #tpu.memory_space<vmem_shared>>) target_semaphore(%run_scoped3A : memref<!tpu.dma_semaphore, #tpu.memory_space<semaphore_mem>>)
      %dma_wait3A = arith.constant 0 : i32
      %dma_wait3A_52 = tpu.memref_slice %arg16[%add3A_13, %dma_wait3A] : memref<10240x48xf32, #tpu.memory_space<vmem_shared>> -> memref<128x48xf32, #tpu.memory_space<vmem_shared>>
      %dma_wait3A_53 = arith.constant 0 : i32
      %dma_wait3A_54 = tpu.memref_slice %arg16[%add3A_13, %dma_wait3A_53] : memref<10240x48xf32, #tpu.memory_space<vmem_shared>> -> memref<128x48xf32, #tpu.memory_space<vmem_shared>>
      tpu.wait_dma2 semaphore(%run_scoped3A : memref<!tpu.dma_semaphore, #tpu.memory_space<semaphore_mem>>) src(%arg15 : memref<128x48xf32, #tpu.memory_space<vmem>>) dst(%dma_wait3A_54 : memref<128x48xf32, #tpu.memory_space<vmem_shared>>)
      tpu.yield
    }) : () -> ()
    %add3A_14 = arith.constant 384 : i32
    %add3A_15 = arith.addi %mul3A_7, %add3A_14 : i32
    "tpu.region"() ({
      %run_scoped3A = tpu.sem_alloc : memref<!tpu.dma_semaphore, #tpu.memory_space<semaphore_mem>>
      %dma_start3A = arith.constant 0 : i32
      %dma_start3A_49 = tpu.memref_slice %arg16[%add3A_15, %dma_start3A] : memref<10240x48xf32, #tpu.memory_space<vmem_shared>> -> memref<128x48xf32, #tpu.memory_space<vmem_shared>>
      %dma_start3A_50 = arith.constant 0 : i32
      %dma_start3A_51 = tpu.memref_slice %arg16[%add3A_15, %dma_start3A_50] : memref<10240x48xf32, #tpu.memory_space<vmem_shared>> -> memref<128x48xf32, #tpu.memory_space<vmem_shared>>
      tpu.enqueue_dma source(%arg15 : memref<128x48xf32, #tpu.memory_space<vmem>>) target(%dma_start3A_51 : memref<128x48xf32, #tpu.memory_space<vmem_shared>>) target_semaphore(%run_scoped3A : memref<!tpu.dma_semaphore, #tpu.memory_space<semaphore_mem>>)
      %dma_wait3A = arith.constant 0 : i32
      %dma_wait3A_52 = tpu.memref_slice %arg16[%add3A_15, %dma_wait3A] : memref<10240x48xf32, #tpu.memory_space<vmem_shared>> -> memref<128x48xf32, #tpu.memory_space<vmem_shared>>
      %dma_wait3A_53 = arith.constant 0 : i32
      %dma_wait3A_54 = tpu.memref_slice %arg16[%add3A_15, %dma_wait3A_53] : memref<10240x48xf32, #tpu.memory_space<vmem_shared>> -> memref<128x48xf32, #tpu.memory_space<vmem_shared>>
      tpu.wait_dma2 semaphore(%run_scoped3A : memref<!tpu.dma_semaphore, #tpu.memory_space<semaphore_mem>>) src(%arg15 : memref<128x48xf32, #tpu.memory_space<vmem>>) dst(%dma_wait3A_54 : memref<128x48xf32, #tpu.memory_space<vmem_shared>>)
      tpu.yield
    }) : () -> ()
    %add3A_16 = arith.constant 512 : i32
    %add3A_17 = arith.addi %mul3A_7, %add3A_16 : i32
    "tpu.region"() ({
      %run_scoped3A = tpu.sem_alloc : memref<!tpu.dma_semaphore, #tpu.memory_space<semaphore_mem>>
      %dma_start3A = arith.constant 0 : i32
      %dma_start3A_49 = tpu.memref_slice %arg16[%add3A_17, %dma_start3A] : memref<10240x48xf32, #tpu.memory_space<vmem_shared>> -> memref<128x48xf32, #tpu.memory_space<vmem_shared>>
      %dma_start3A_50 = arith.constant 0 : i32
      %dma_start3A_51 = tpu.memref_slice %arg16[%add3A_17, %dma_start3A_50] : memref<10240x48xf32, #tpu.memory_space<vmem_shared>> -> memref<128x48xf32, #tpu.memory_space<vmem_shared>>
      tpu.enqueue_dma source(%arg15 : memref<128x48xf32, #tpu.memory_space<vmem>>) target(%dma_start3A_51 : memref<128x48xf32, #tpu.memory_space<vmem_shared>>) target_semaphore(%run_scoped3A : memref<!tpu.dma_semaphore, #tpu.memory_space<semaphore_mem>>)
      %dma_wait3A = arith.constant 0 : i32
      %dma_wait3A_52 = tpu.memref_slice %arg16[%add3A_17, %dma_wait3A] : memref<10240x48xf32, #tpu.memory_space<vmem_shared>> -> memref<128x48xf32, #tpu.memory_space<vmem_shared>>
      %dma_wait3A_53 = arith.constant 0 : i32
      %dma_wait3A_54 = tpu.memref_slice %arg16[%add3A_17, %dma_wait3A_53] : memref<10240x48xf32, #tpu.memory_space<vmem_shared>> -> memref<128x48xf32, #tpu.memory_space<vmem_shared>>
      tpu.wait_dma2 semaphore(%run_scoped3A : memref<!tpu.dma_semaphore, #tpu.memory_space<semaphore_mem>>) src(%arg15 : memref<128x48xf32, #tpu.memory_space<vmem>>) dst(%dma_wait3A_54 : memref<128x48xf32, #tpu.memory_space<vmem_shared>>)
      tpu.yield
    }) : () -> ()
    "tpu.region"() ({
      %run_scoped3A = tpu.sem_alloc : memref<!tpu.dma_semaphore, #tpu.memory_space<semaphore_mem>>
      tpu.enqueue_dma source(%arg4 : memref<10240xf32, #tpu.memory_space<hbm>>) target(%arg9 : memref<10240xf32, #tpu.memory_space<vmem>>) target_semaphore(%run_scoped3A : memref<!tpu.dma_semaphore, #tpu.memory_space<semaphore_mem>>)
      tpu.wait_dma2 semaphore(%run_scoped3A : memref<!tpu.dma_semaphore, #tpu.memory_space<semaphore_mem>>) src(%arg4 : memref<10240xf32, #tpu.memory_space<hbm>>) dst(%arg9 : memref<10240xf32, #tpu.memory_space<vmem>>)
      tpu.yield
    }) : () -> ()
    "tpu.region"() ({
      %run_scoped3A = tpu.sem_alloc : memref<!tpu.dma_semaphore, #tpu.memory_space<semaphore_mem>>
      tpu.enqueue_dma source(%arg5 : memref<10240xf32, #tpu.memory_space<hbm>>) target(%arg10 : memref<10240xf32, #tpu.memory_space<vmem>>) target_semaphore(%run_scoped3A : memref<!tpu.dma_semaphore, #tpu.memory_space<semaphore_mem>>)
      tpu.wait_dma2 semaphore(%run_scoped3A : memref<!tpu.dma_semaphore, #tpu.memory_space<semaphore_mem>>) src(%arg5 : memref<10240xf32, #tpu.memory_space<hbm>>) dst(%arg10 : memref<10240xf32, #tpu.memory_space<vmem>>)
      tpu.yield
    }) : () -> ()
    "tpu.region"() ({
      %run_scoped3A = tpu.sem_alloc : memref<!tpu.dma_semaphore, #tpu.memory_space<semaphore_mem>>
      tpu.enqueue_dma source(%arg6 : memref<10240xf32, #tpu.memory_space<hbm>>) target(%arg11 : memref<10240xf32, #tpu.memory_space<vmem>>) target_semaphore(%run_scoped3A : memref<!tpu.dma_semaphore, #tpu.memory_space<semaphore_mem>>)
      tpu.wait_dma2 semaphore(%run_scoped3A : memref<!tpu.dma_semaphore, #tpu.memory_space<semaphore_mem>>) src(%arg6 : memref<10240xf32, #tpu.memory_space<hbm>>) dst(%arg11 : memref<10240xf32, #tpu.memory_space<vmem>>)
      tpu.yield
    }) : () -> ()
    %barrier3A = arith.constant 0 : index
    tpu.barrier barrier_id(%barrier3A)
    %mul3A_18 = arith.constant 10112 : i32
    %mul3A_19 = arith.muli %add3A, %mul3A_18 : i32
    %scan3A_20 = arith.constant 0 : i32
    %scan3A_21 = arith.constant 0 : i32
    %scan3A_22 = arith.constant 79 : i32
    %scan3A_23 = arith.addi %scan3A_21, %scan3A_22 : i32
    %scan3A_24 = arith.constant 1 : i32
    scf.for %scan3A_49 = %scan3A_21 to %scan3A_23 step %scan3A_24  : i32 {
      %mul3A_50 = arith.constant 128 : i32
      %mul3A_51 = arith.muli %scan3A_49, %mul3A_50 : i32
      %add3A_52 = arith.addi %mul3A_19, %mul3A_51 : i32
      "tpu.region"() ({
        %run_scoped3A = tpu.sem_alloc : memref<!tpu.dma_semaphore, #tpu.memory_space<semaphore_mem>>
        %dma_start3A_185 = tpu.memref_slice %arg2[%add3A_52] : memref<323584xi32, #tpu.memory_space<hbm>> -> memref<128xi32, #tpu.memory_space<hbm>>
        %dma_start3A_186 = tpu.memref_slice %arg2[%add3A_52] : memref<323584xi32, #tpu.memory_space<hbm>> -> memref<128xi32, #tpu.memory_space<hbm>>
        tpu.enqueue_dma source(%dma_start3A_186 : memref<128xi32, #tpu.memory_space<hbm>>) target(%arg12 : memref<128xi32, #tpu.memory_space<vmem>>) target_semaphore(%run_scoped3A : memref<!tpu.dma_semaphore, #tpu.memory_space<semaphore_mem>>)
        %dma_wait3A_187 = tpu.memref_slice %arg2[%add3A_52] : memref<323584xi32, #tpu.memory_space<hbm>> -> memref<128xi32, #tpu.memory_space<hbm>>
        %dma_wait3A_188 = tpu.memref_slice %arg2[%add3A_52] : memref<323584xi32, #tpu.memory_space<hbm>> -> memref<128xi32, #tpu.memory_space<hbm>>
        tpu.wait_dma2 semaphore(%run_scoped3A : memref<!tpu.dma_semaphore, #tpu.memory_space<semaphore_mem>>) src(%dma_wait3A_188 : memref<128xi32, #tpu.memory_space<hbm>>) dst(%arg12 : memref<128xi32, #tpu.memory_space<vmem>>)
        tpu.yield
      }) : () -> ()
      "tpu.region"() ({
        %run_scoped3A = tpu.sem_alloc : memref<!tpu.dma_semaphore, #tpu.memory_space<semaphore_mem>>
        %dma_start3A_185 = tpu.memref_slice %arg3[%add3A_52] : memref<323584xi32, #tpu.memory_space<hbm>> -> memref<128xi32, #tpu.memory_space<hbm>>
        %dma_start3A_186 = tpu.memref_slice %arg3[%add3A_52] : memref<323584xi32, #tpu.memory_space<hbm>> -> memref<128xi32, #tpu.memory_space<hbm>>
        tpu.enqueue_dma source(%dma_start3A_186 : memref<128xi32, #tpu.memory_space<hbm>>) target(%arg13 : memref<128xi32, #tpu.memory_space<vmem>>) target_semaphore(%run_scoped3A : memref<!tpu.dma_semaphore, #tpu.memory_space<semaphore_mem>>)
        %dma_wait3A_187 = tpu.memref_slice %arg3[%add3A_52] : memref<323584xi32, #tpu.memory_space<hbm>> -> memref<128xi32, #tpu.memory_space<hbm>>
        %dma_wait3A_188 = tpu.memref_slice %arg3[%add3A_52] : memref<323584xi32, #tpu.memory_space<hbm>> -> memref<128xi32, #tpu.memory_space<hbm>>
        tpu.wait_dma2 semaphore(%run_scoped3A : memref<!tpu.dma_semaphore, #tpu.memory_space<semaphore_mem>>) src(%dma_wait3A_188 : memref<128xi32, #tpu.memory_space<hbm>>) dst(%arg13 : memref<128xi32, #tpu.memory_space<vmem>>)
        tpu.yield
      }) : () -> ()
      %dma_start3A = arith.constant 0 : i32
      %dma_start3A_53 = arith.constant 0 : i32
      %dma_start3A_54 = tpu.memref_slice %arg7[%dma_start3A, %dma_start3A_53] : memref<10240x48xf32, #tpu.memory_space<hbm>> -> memref<10240x48xf32, #tpu.memory_space<hbm>>
      tpu.enqueue_indirect_dma source(%dma_start3A_54 : memref<10240x48xf32, #tpu.memory_space<hbm>>) target(%arg15 : memref<128x48xf32, #tpu.memory_space<vmem>>) offsets(%arg12 : memref<128xi32, #tpu.memory_space<vmem>>) semaphore(%arg17 : memref<!tpu.dma_semaphore, #tpu.memory_space<semaphore_mem>>)
      %dma_wait3A = arith.constant 0 : i32
      %dma_wait3A_55 = arith.constant 0 : i32
      %dma_wait3A_56 = tpu.memref_slice %arg7[%dma_wait3A, %dma_wait3A_55] : memref<10240x48xf32, #tpu.memory_space<hbm>> -> memref<10240x48xf32, #tpu.memory_space<hbm>>
      tpu.wait_indirect_dma semaphore(%arg17 : memref<!tpu.dma_semaphore, #tpu.memory_space<semaphore_mem>>) src(%dma_wait3A_56 : memref<10240x48xf32, #tpu.memory_space<hbm>>) dst(%arg15 : memref<128x48xf32, #tpu.memory_space<vmem>>)
      %get3A = arith.constant 0 : index
      %get3A_57 = tpu.vector_load %arg12[%get3A] {strides = array<i32>} : memref<128xi32, #tpu.memory_space<vmem>>, vector<16xi32>,
      %get3A_58 = arith.constant 0 : index
      %get3A_59 = tpu.vector_load %arg13[%get3A_58] {strides = array<i32>} : memref<128xi32, #tpu.memory_space<vmem>>, vector<16xi32>,
      %gather3A = tpu.vector_load_idx %arg9[%get3A_57] : memref<10240xf32, #tpu.memory_space<vmem>>[vector<16xi32>], vector<16xf32>,
      %gather3A_60 = tpu.vector_load_idx %arg10[%get3A_59] : memref<10240xf32, #tpu.memory_space<vmem>>[vector<16xi32>], vector<16xf32>,
      %add3A_61 = arith.addf %gather3A, %gather3A_60 : vector<16xf32>
      %mul3A_62 = arith.constant 2.000000e-01 : f32
      %mul3A_63 = vector.broadcast %mul3A_62 : f32 to vector<16xf32>
      %mul3A_64 = arith.mulf %mul3A_63, %add3A_61 : vector<16xf32>
      %max3A = arith.maximumf %add3A_61, %mul3A_64 : vector<16xf32>
      %gather3A_65 = tpu.vector_load_idx %arg11[%get3A_59] : memref<10240xf32, #tpu.memory_space<vmem>>[vector<16xi32>], vector<16xf32>,
      %sub3A = arith.subf %max3A, %gather3A_65 : vector<16xf32>
      %exp3A = math.exp %sub3A : vector<16xf32>
      %swap3A = arith.constant 0 : index
      %swap3A_66 = tpu.vector_load %arg14[%swap3A] {strides = array<i32>} : memref<128xf32, #tpu.memory_space<vmem>>, vector<16xf32>,
      tpu.vector_store %arg14[%swap3A], %exp3A {strides = array<i32>} : memref<128xf32, #tpu.memory_space<vmem>>, vector<16xf32>,
      %get3A_67 = arith.constant 16 : index
      %get3A_68 = tpu.vector_load %arg12[%get3A_67] {strides = array<i32>} : memref<128xi32, #tpu.memory_space<vmem>>, vector<16xi32>,
      %get3A_69 = arith.constant 16 : index
      %get3A_70 = tpu.vector_load %arg13[%get3A_69] {strides = array<i32>} : memref<128xi32, #tpu.memory_space<vmem>>, vector<16xi32>,
      %gather3A_71 = tpu.vector_load_idx %arg9[%get3A_68] : memref<10240xf32, #tpu.memory_space<vmem>>[vector<16xi32>], vector<16xf32>,
      %gather3A_72 = tpu.vector_load_idx %arg10[%get3A_70] : memref<10240xf32, #tpu.memory_space<vmem>>[vector<16xi32>], vector<16xf32>,
      %add3A_73 = arith.addf %gather3A_71, %gather3A_72 : vector<16xf32>
      %mul3A_74 = arith.constant 2.000000e-01 : f32
      %mul3A_75 = vector.broadcast %mul3A_74 : f32 to vector<16xf32>
      %mul3A_76 = arith.mulf %mul3A_75, %add3A_73 : vector<16xf32>
      %max3A_77 = arith.maximumf %add3A_73, %mul3A_76 : vector<16xf32>
      %gather3A_78 = tpu.vector_load_idx %arg11[%get3A_70] : memref<10240xf32, #tpu.memory_space<vmem>>[vector<16xi32>], vector<16xf32>,
      %sub3A_79 = arith.subf %max3A_77, %gather3A_78 : vector<16xf32>
      %exp3A_80 = math.exp %sub3A_79 : vector<16xf32>
      %swap3A_81 = arith.constant 16 : index
      %swap3A_82 = tpu.vector_load %arg14[%swap3A_81] {strides = array<i32>} : memref<128xf32, #tpu.memory_space<vmem>>, vector<16xf32>,
      tpu.vector_store %arg14[%swap3A_81], %exp3A_80 {strides = array<i32>} : memref<128xf32, #tpu.memory_space<vmem>>, vector<16xf32>,
      %get3A_83 = arith.constant 32 : index
      %get3A_84 = tpu.vector_load %arg12[%get3A_83] {strides = array<i32>} : memref<128xi32, #tpu.memory_space<vmem>>, vector<16xi32>,
      %get3A_85 = arith.constant 32 : index
      %get3A_86 = tpu.vector_load %arg13[%get3A_85] {strides = array<i32>} : memref<128xi32, #tpu.memory_space<vmem>>, vector<16xi32>,
      %gather3A_87 = tpu.vector_load_idx %arg9[%get3A_84] : memref<10240xf32, #tpu.memory_space<vmem>>[vector<16xi32>], vector<16xf32>,
      %gather3A_88 = tpu.vector_load_idx %arg10[%get3A_86] : memref<10240xf32, #tpu.memory_space<vmem>>[vector<16xi32>], vector<16xf32>,
      %add3A_89 = arith.addf %gather3A_87, %gather3A_88 : vector<16xf32>
      %mul3A_90 = arith.constant 2.000000e-01 : f32
      %mul3A_91 = vector.broadcast %mul3A_90 : f32 to vector<16xf32>
      %mul3A_92 = arith.mulf %mul3A_91, %add3A_89 : vector<16xf32>
      %max3A_93 = arith.maximumf %add3A_89, %mul3A_92 : vector<16xf32>
      %gather3A_94 = tpu.vector_load_idx %arg11[%get3A_86] : memref<10240xf32, #tpu.memory_space<vmem>>[vector<16xi32>], vector<16xf32>,
      %sub3A_95 = arith.subf %max3A_93, %gather3A_94 : vector<16xf32>
      %exp3A_96 = math.exp %sub3A_95 : vector<16xf32>
      %swap3A_97 = arith.constant 32 : index
      %swap3A_98 = tpu.vector_load %arg14[%swap3A_97] {strides = array<i32>} : memref<128xf32, #tpu.memory_space<vmem>>, vector<16xf32>,
      tpu.vector_store %arg14[%swap3A_97], %exp3A_96 {strides = array<i32>} : memref<128xf32, #tpu.memory_space<vmem>>, vector<16xf32>,
      %get3A_99 = arith.constant 48 : index
      %get3A_100 = tpu.vector_load %arg12[%get3A_99] {strides = array<i32>} : memref<128xi32, #tpu.memory_space<vmem>>, vector<16xi32>,
      %get3A_101 = arith.constant 48 : index
      %get3A_102 = tpu.vector_load %arg13[%get3A_101] {strides = array<i32>} : memref<128xi32, #tpu.memory_space<vmem>>, vector<16xi32>,
      %gather3A_103 = tpu.vector_load_idx %arg9[%get3A_100] : memref<10240xf32, #tpu.memory_space<vmem>>[vector<16xi32>], vector<16xf32>,
      %gather3A_104 = tpu.vector_load_idx %arg10[%get3A_102] : memref<10240xf32, #tpu.memory_space<vmem>>[vector<16xi32>], vector<16xf32>,
      %add3A_105 = arith.addf %gather3A_103, %gather3A_104 : vector<16xf32>
      %mul3A_106 = arith.constant 2.000000e-01 : f32
      %mul3A_107 = vector.broadcast %mul3A_106 : f32 to vector<16xf32>
      %mul3A_108 = arith.mulf %mul3A_107, %add3A_105 : vector<16xf32>
      %max3A_109 = arith.maximumf %add3A_105, %mul3A_108 : vector<16xf32>
      %gather3A_110 = tpu.vector_load_idx %arg11[%get3A_102] : memref<10240xf32, #tpu.memory_space<vmem>>[vector<16xi32>], vector<16xf32>,
      %sub3A_111 = arith.subf %max3A_109, %gather3A_110 : vector<16xf32>
      %exp3A_112 = math.exp %sub3A_111 : vector<16xf32>
      %swap3A_113 = arith.constant 48 : index
      %swap3A_114 = tpu.vector_load %arg14[%swap3A_113] {strides = array<i32>} : memref<128xf32, #tpu.memory_space<vmem>>, vector<16xf32>,
      tpu.vector_store %arg14[%swap3A_113], %exp3A_112 {strides = array<i32>} : memref<128xf32, #tpu.memory_space<vmem>>, vector<16xf32>,
      %get3A_115 = arith.constant 64 : index
      %get3A_116 = tpu.vector_load %arg12[%get3A_115] {strides = array<i32>} : memref<128xi32, #tpu.memory_space<vmem>>, vector<16xi32>,
      %get3A_117 = arith.constant 64 : index
      %get3A_118 = tpu.vector_load %arg13[%get3A_117] {strides = array<i32>} : memref<128xi32, #tpu.memory_space<vmem>>, vector<16xi32>,
      %gather3A_119 = tpu.vector_load_idx %arg9[%get3A_116] : memref<10240xf32, #tpu.memory_space<vmem>>[vector<16xi32>], vector<16xf32>,
      %gather3A_120 = tpu.vector_load_idx %arg10[%get3A_118] : memref<10240xf32, #tpu.memory_space<vmem>>[vector<16xi32>], vector<16xf32>,
      %add3A_121 = arith.addf %gather3A_119, %gather3A_120 : vector<16xf32>
      %mul3A_122 = arith.constant 2.000000e-01 : f32
      %mul3A_123 = vector.broadcast %mul3A_122 : f32 to vector<16xf32>
      %mul3A_124 = arith.mulf %mul3A_123, %add3A_121 : vector<16xf32>
      %max3A_125 = arith.maximumf %add3A_121, %mul3A_124 : vector<16xf32>
      %gather3A_126 = tpu.vector_load_idx %arg11[%get3A_118] : memref<10240xf32, #tpu.memory_space<vmem>>[vector<16xi32>], vector<16xf32>,
      %sub3A_127 = arith.subf %max3A_125, %gather3A_126 : vector<16xf32>
      %exp3A_128 = math.exp %sub3A_127 : vector<16xf32>
      %swap3A_129 = arith.constant 64 : index
      %swap3A_130 = tpu.vector_load %arg14[%swap3A_129] {strides = array<i32>} : memref<128xf32, #tpu.memory_space<vmem>>, vector<16xf32>,
      tpu.vector_store %arg14[%swap3A_129], %exp3A_128 {strides = array<i32>} : memref<128xf32, #tpu.memory_space<vmem>>, vector<16xf32>,
      %get3A_131 = arith.constant 80 : index
      %get3A_132 = tpu.vector_load %arg12[%get3A_131] {strides = array<i32>} : memref<128xi32, #tpu.memory_space<vmem>>, vector<16xi32>,
      %get3A_133 = arith.constant 80 : index
      %get3A_134 = tpu.vector_load %arg13[%get3A_133] {strides = array<i32>} : memref<128xi32, #tpu.memory_space<vmem>>, vector<16xi32>,
      %gather3A_135 = tpu.vector_load_idx %arg9[%get3A_132] : memref<10240xf32, #tpu.memory_space<vmem>>[vector<16xi32>], vector<16xf32>,
      %gather3A_136 = tpu.vector_load_idx %arg10[%get3A_134] : memref<10240xf32, #tpu.memory_space<vmem>>[vector<16xi32>], vector<16xf32>,
      %add3A_137 = arith.addf %gather3A_135, %gather3A_136 : vector<16xf32>
      %mul3A_138 = arith.constant 2.000000e-01 : f32
      %mul3A_139 = vector.broadcast %mul3A_138 : f32 to vector<16xf32>
      %mul3A_140 = arith.mulf %mul3A_139, %add3A_137 : vector<16xf32>
      %max3A_141 = arith.maximumf %add3A_137, %mul3A_140 : vector<16xf32>
      %gather3A_142 = tpu.vector_load_idx %arg11[%get3A_134] : memref<10240xf32, #tpu.memory_space<vmem>>[vector<16xi32>], vector<16xf32>,
      %sub3A_143 = arith.subf %max3A_141, %gather3A_142 : vector<16xf32>
      %exp3A_144 = math.exp %sub3A_143 : vector<16xf32>
      %swap3A_145 = arith.constant 80 : index
      %swap3A_146 = tpu.vector_load %arg14[%swap3A_145] {strides = array<i32>} : memref<128xf32, #tpu.memory_space<vmem>>, vector<16xf32>,
      tpu.vector_store %arg14[%swap3A_145], %exp3A_144 {strides = array<i32>} : memref<128xf32, #tpu.memory_space<vmem>>, vector<16xf32>,
      %get3A_147 = arith.constant 96 : index
      %get3A_148 = tpu.vector_load %arg12[%get3A_147] {strides = array<i32>} : memref<128xi32, #tpu.memory_space<vmem>>, vector<16xi32>,
      %get3A_149 = arith.constant 96 : index
      %get3A_150 = tpu.vector_load %arg13[%get3A_149] {strides = array<i32>} : memref<128xi32, #tpu.memory_space<vmem>>, vector<16xi32>,
      %gather3A_151 = tpu.vector_load_idx %arg9[%get3A_148] : memref<10240xf32, #tpu.memory_space<vmem>>[vector<16xi32>], vector<16xf32>,
      %gather3A_152 = tpu.vector_load_idx %arg10[%get3A_150] : memref<10240xf32, #tpu.memory_space<vmem>>[vector<16xi32>], vector<16xf32>,
      %add3A_153 = arith.addf %gather3A_151, %gather3A_152 : vector<16xf32>
      %mul3A_154 = arith.constant 2.000000e-01 : f32
      %mul3A_155 = vector.broadcast %mul3A_154 : f32 to vector<16xf32>
      %mul3A_156 = arith.mulf %mul3A_155, %add3A_153 : vector<16xf32>
      %max3A_157 = arith.maximumf %add3A_153, %mul3A_156 : vector<16xf32>
      %gather3A_158 = tpu.vector_load_idx %arg11[%get3A_150] : memref<10240xf32, #tpu.memory_space<vmem>>[vector<16xi32>], vector<16xf32>,
      %sub3A_159 = arith.subf %max3A_157, %gather3A_158 : vector<16xf32>
      %exp3A_160 = math.exp %sub3A_159 : vector<16xf32>
      %swap3A_161 = arith.constant 96 : index
      %swap3A_162 = tpu.vector_load %arg14[%swap3A_161] {strides = array<i32>} : memref<128xf32, #tpu.memory_space<vmem>>, vector<16xf32>,
      tpu.vector_store %arg14[%swap3A_161], %exp3A_160 {strides = array<i32>} : memref<128xf32, #tpu.memory_space<vmem>>, vector<16xf32>,
      %get3A_163 = arith.constant 112 : index
      %get3A_164 = tpu.vector_load %arg12[%get3A_163] {strides = array<i32>} : memref<128xi32, #tpu.memory_space<vmem>>, vector<16xi32>,
      %get3A_165 = arith.constant 112 : index
      %get3A_166 = tpu.vector_load %arg13[%get3A_165] {strides = array<i32>} : memref<128xi32, #tpu.memory_space<vmem>>, vector<16xi32>,
      %gather3A_167 = tpu.vector_load_idx %arg9[%get3A_164] : memref<10240xf32, #tpu.memory_space<vmem>>[vector<16xi32>], vector<16xf32>,
      %gather3A_168 = tpu.vector_load_idx %arg10[%get3A_166] : memref<10240xf32, #tpu.memory_space<vmem>>[vector<16xi32>], vector<16xf32>,
      %add3A_169 = arith.addf %gather3A_167, %gather3A_168 : vector<16xf32>
      %mul3A_170 = arith.constant 2.000000e-01 : f32
      %mul3A_171 = vector.broadcast %mul3A_170 : f32 to vector<16xf32>
      %mul3A_172 = arith.mulf %mul3A_171, %add3A_169 : vector<16xf32>
      %max3A_173 = arith.maximumf %add3A_169, %mul3A_172 : vector<16xf32>
      %gather3A_174 = tpu.vector_load_idx %arg11[%get3A_166] : memref<10240xf32, #tpu.memory_space<vmem>>[vector<16xi32>], vector<16xf32>,
      %sub3A_175 = arith.subf %max3A_173, %gather3A_174 : vector<16xf32>
      %exp3A_176 = math.exp %sub3A_175 : vector<16xf32>
      %swap3A_177 = arith.constant 112 : index
      %swap3A_178 = tpu.vector_load %arg14[%swap3A_177] {strides = array<i32>} : memref<128xf32, #tpu.memory_space<vmem>>, vector<16xf32>,
      tpu.vector_store %arg14[%swap3A_177], %exp3A_176 {strides = array<i32>} : memref<128xf32, #tpu.memory_space<vmem>>, vector<16xf32>,
      %scan3A_179 = arith.constant 0 : i32
      %scan3A_180 = arith.constant 0 : i32
      %scan3A_181 = arith.constant 128 : i32
      %scan3A_182 = arith.addi %scan3A_180, %scan3A_181 : i32
      %scan3A_183 = arith.constant 1 : i32
      scf.for %scan3A_185 = %scan3A_180 to %scan3A_182 step %scan3A_183  : i32 {
        %broadcast_in_dim3A = vector.broadcast %scan3A_185 : i32 to vector<16xi32>
        %gather3A_186 = tpu.vector_load_idx %arg14[%broadcast_in_dim3A] : memref<128xf32, #tpu.memory_space<vmem>>[vector<16xi32>], vector<16xf32>,
        %get3A_187 = arith.index_cast %scan3A_185 : i32 to index
        %get3A_188 = arith.constant 0 : index
        %get3A_189 = tpu.vector_load %arg15[%get3A_187, %get3A_188] {strides = array<i32>} : memref<128x48xf32, #tpu.memory_space<vmem>>, vector<16xf32>,
        %mul3A_190 = arith.mulf %get3A_189, %gather3A_186 : vector<16xf32>
        %swap3A_191 = arith.index_cast %scan3A_185 : i32 to index
        %swap3A_192 = arith.constant 0 : index
        %swap3A_193 = tpu.vector_load %arg15[%swap3A_191, %swap3A_192] {strides = array<i32>} : memref<128x48xf32, #tpu.memory_space<vmem>>, vector<16xf32>,
        tpu.vector_store %arg15[%swap3A_191, %swap3A_192], %mul3A_190 {strides = array<i32>} : memref<128x48xf32, #tpu.memory_space<vmem>>, vector<16xf32>,
        %get3A_194 = arith.index_cast %scan3A_185 : i32 to index
        %get3A_195 = arith.constant 16 : index
        %get3A_196 = tpu.vector_load %arg15[%get3A_194, %get3A_195] {strides = array<i32>} : memref<128x48xf32, #tpu.memory_space<vmem>>, vector<16xf32>,
        %mul3A_197 = arith.mulf %get3A_196, %gather3A_186 : vector<16xf32>
        %swap3A_198 = arith.index_cast %scan3A_185 : i32 to index
        %swap3A_199 = arith.constant 16 : index
        %swap3A_200 = tpu.vector_load %arg15[%swap3A_198, %swap3A_199] {strides = array<i32>} : memref<128x48xf32, #tpu.memory_space<vmem>>, vector<16xf32>,
        tpu.vector_store %arg15[%swap3A_198, %swap3A_199], %mul3A_197 {strides = array<i32>} : memref<128x48xf32, #tpu.memory_space<vmem>>, vector<16xf32>,
        %get3A_201 = arith.index_cast %scan3A_185 : i32 to index
        %get3A_202 = arith.constant 32 : index
        %get3A_203 = tpu.vector_load %arg15[%get3A_201, %get3A_202] {strides = array<i32>} : memref<128x48xf32, #tpu.memory_space<vmem>>, vector<16xf32>,
        %mul3A_204 = arith.mulf %get3A_203, %gather3A_186 : vector<16xf32>
        %swap3A_205 = arith.index_cast %scan3A_185 : i32 to index
        %swap3A_206 = arith.constant 32 : index
        %swap3A_207 = tpu.vector_load %arg15[%swap3A_205, %swap3A_206] {strides = array<i32>} : memref<128x48xf32, #tpu.memory_space<vmem>>, vector<16xf32>,
        tpu.vector_store %arg15[%swap3A_205, %swap3A_206], %mul3A_204 {strides = array<i32>} : memref<128x48xf32, #tpu.memory_space<vmem>>, vector<16xf32>,
      }
      %scan3A_184 = arith.constant 128 : i32
      "tpu.region"() ({
        %run_scoped3A = tpu.sem_alloc : memref<!tpu.dma_semaphore, #tpu.memory_space<semaphore_mem>>
        %dma_start3A_185 = arith.constant 0 : i32
        %dma_start3A_186 = arith.constant 0 : i32
        %dma_start3A_187 = tpu.memref_slice %arg16[%dma_start3A_185, %dma_start3A_186] : memref<10240x48xf32, #tpu.memory_space<vmem_shared>> -> memref<10240x48xf32, #tpu.memory_space<vmem_shared>>
        tpu.enqueue_indirect_dma source(%arg15 : memref<128x48xf32, #tpu.memory_space<vmem>>) target(%dma_start3A_187 : memref<10240x48xf32, #tpu.memory_space<vmem_shared>>) offsets(%arg13 : memref<128xi32, #tpu.memory_space<vmem>>) semaphore(%run_scoped3A : memref<!tpu.dma_semaphore, #tpu.memory_space<semaphore_mem>>) {add = true}
        %dma_wait3A_188 = arith.constant 0 : i32
        %dma_wait3A_189 = arith.constant 0 : i32
        %dma_wait3A_190 = tpu.memref_slice %arg16[%dma_wait3A_188, %dma_wait3A_189] : memref<10240x48xf32, #tpu.memory_space<vmem_shared>> -> memref<10240x48xf32, #tpu.memory_space<vmem_shared>>
        tpu.wait_indirect_dma semaphore(%run_scoped3A : memref<!tpu.dma_semaphore, #tpu.memory_space<semaphore_mem>>) src(%arg15 : memref<128x48xf32, #tpu.memory_space<vmem>>) dst(%dma_wait3A_190 : memref<10240x48xf32, #tpu.memory_space<vmem_shared>>)
        tpu.yield
      }) : () -> ()
    }
    %scan3A_25 = arith.constant 79 : i32
    %barrier3A_26 = arith.constant 0 : index
    tpu.barrier barrier_id(%barrier3A_26)
    %mul3A_27 = arith.constant 640 : i32
    %mul3A_28 = arith.muli %arg1, %mul3A_27 : i32
    %add3A_29 = arith.constant 0 : i32
    %add3A_30 = arith.addi %mul3A_28, %add3A_29 : i32
    "tpu.region"() ({
      %run_scoped3A = tpu.sem_alloc : memref<!tpu.dma_semaphore, #tpu.memory_space<semaphore_mem>>
      %dma_start3A = arith.constant 0 : i32
      %dma_start3A_49 = tpu.memref_slice %arg16[%add3A_30, %dma_start3A] : memref<10240x48xf32, #tpu.memory_space<vmem_shared>> -> memref<128x48xf32, #tpu.memory_space<vmem_shared>>
      %dma_start3A_50 = arith.constant 0 : i32
      %dma_start3A_51 = tpu.memref_slice %arg16[%add3A_30, %dma_start3A_50] : memref<10240x48xf32, #tpu.memory_space<vmem_shared>> -> memref<128x48xf32, #tpu.memory_space<vmem_shared>>
      tpu.enqueue_dma source(%dma_start3A_51 : memref<128x48xf32, #tpu.memory_space<vmem_shared>>) target(%arg15 : memref<128x48xf32, #tpu.memory_space<vmem>>) target_semaphore(%run_scoped3A : memref<!tpu.dma_semaphore, #tpu.memory_space<semaphore_mem>>)
      %dma_wait3A = arith.constant 0 : i32
      %dma_wait3A_52 = tpu.memref_slice %arg16[%add3A_30, %dma_wait3A] : memref<10240x48xf32, #tpu.memory_space<vmem_shared>> -> memref<128x48xf32, #tpu.memory_space<vmem_shared>>
      %dma_wait3A_53 = arith.constant 0 : i32
      %dma_wait3A_54 = tpu.memref_slice %arg16[%add3A_30, %dma_wait3A_53] : memref<10240x48xf32, #tpu.memory_space<vmem_shared>> -> memref<128x48xf32, #tpu.memory_space<vmem_shared>>
      tpu.wait_dma2 semaphore(%run_scoped3A : memref<!tpu.dma_semaphore, #tpu.memory_space<semaphore_mem>>) src(%dma_wait3A_54 : memref<128x48xf32, #tpu.memory_space<vmem_shared>>) dst(%arg15 : memref<128x48xf32, #tpu.memory_space<vmem>>)
      tpu.yield
    }) : () -> ()
    %add3A_31 = arith.constant 0 : i32
    %add3A_32 = arith.addi %mul3A_28, %add3A_31 : i32
    "tpu.region"() ({
      %run_scoped3A = tpu.sem_alloc : memref<!tpu.dma_semaphore, #tpu.memory_space<semaphore_mem>>
      %dma_start3A = arith.constant 0 : i32
      %dma_start3A_49 = arith.constant 0 : i32
      %dma_start3A_50 = tpu.memref_slice %arg8[%arg0, %dma_start3A, %dma_start3A_49] : memref<2x10240x48xf32, #tpu.memory_space<hbm>> -> memref<1x10240x48xf32, #tpu.memory_space<hbm>>
      %dma_start3A_51 = tpu.memref_squeeze %dma_start3A_50 : memref<1x10240x48xf32, #tpu.memory_space<hbm>> -> memref<10240x48xf32, #tpu.memory_space<hbm>>
      %dma_start3A_52 = arith.constant 0 : i32
      %dma_start3A_53 = tpu.memref_slice %dma_start3A_51[%add3A_32, %dma_start3A_52] : memref<10240x48xf32, #tpu.memory_space<hbm>> -> memref<128x48xf32, #tpu.memory_space<hbm>>
      %dma_start3A_54 = arith.constant 0 : i32
      %dma_start3A_55 = arith.constant 0 : i32
      %dma_start3A_56 = tpu.memref_slice %arg8[%arg0, %dma_start3A_54, %dma_start3A_55] : memref<2x10240x48xf32, #tpu.memory_space<hbm>> -> memref<1x10240x48xf32, #tpu.memory_space<hbm>>
      %dma_start3A_57 = tpu.memref_squeeze %dma_start3A_56 : memref<1x10240x48xf32, #tpu.memory_space<hbm>> -> memref<10240x48xf32, #tpu.memory_space<hbm>>
      %dma_start3A_58 = arith.constant 0 : i32
      %dma_start3A_59 = tpu.memref_slice %dma_start3A_57[%add3A_32, %dma_start3A_58] : memref<10240x48xf32, #tpu.memory_space<hbm>> -> memref<128x48xf32, #tpu.memory_space<hbm>>
      tpu.enqueue_dma source(%arg15 : memref<128x48xf32, #tpu.memory_space<vmem>>) target(%dma_start3A_59 : memref<128x48xf32, #tpu.memory_space<hbm>>) target_semaphore(%run_scoped3A : memref<!tpu.dma_semaphore, #tpu.memory_space<semaphore_mem>>)
      %dma_wait3A = arith.constant 0 : i32
      %dma_wait3A_60 = arith.constant 0 : i32
      %dma_wait3A_61 = tpu.memref_slice %arg8[%arg0, %dma_wait3A, %dma_wait3A_60] : memref<2x10240x48xf32, #tpu.memory_space<hbm>> -> memref<1x10240x48xf32, #tpu.memory_space<hbm>>
      %dma_wait3A_62 = tpu.memref_squeeze %dma_wait3A_61 : memref<1x10240x48xf32, #tpu.memory_space<hbm>> -> memref<10240x48xf32, #tpu.memory_space<hbm>>
      %dma_wait3A_63 = arith.constant 0 : i32
      %dma_wait3A_64 = tpu.memref_slice %dma_wait3A_62[%add3A_32, %dma_wait3A_63] : memref<10240x48xf32, #tpu.memory_space<hbm>> -> memref<128x48xf32, #tpu.memory_space<hbm>>
      %dma_wait3A_65 = arith.constant 0 : i32
      %dma_wait3A_66 = arith.constant 0 : i32
      %dma_wait3A_67 = tpu.memref_slice %arg8[%arg0, %dma_wait3A_65, %dma_wait3A_66] : memref<2x10240x48xf32, #tpu.memory_space<hbm>> -> memref<1x10240x48xf32, #tpu.memory_space<hbm>>
      %dma_wait3A_68 = tpu.memref_squeeze %dma_wait3A_67 : memref<1x10240x48xf32, #tpu.memory_space<hbm>> -> memref<10240x48xf32, #tpu.memory_space<hbm>>
      %dma_wait3A_69 = arith.constant 0 : i32
      %dma_wait3A_70 = tpu.memref_slice %dma_wait3A_68[%add3A_32, %dma_wait3A_69] : memref<10240x48xf32, #tpu.memory_space<hbm>> -> memref<128x48xf32, #tpu.memory_space<hbm>>
      tpu.wait_dma2 semaphore(%run_scoped3A : memref<!tpu.dma_semaphore, #tpu.memory_space<semaphore_mem>>) src(%arg15 : memref<128x48xf32, #tpu.memory_space<vmem>>) dst(%dma_wait3A_70 : memref<128x48xf32, #tpu.memory_space<hbm>>)
      tpu.yield
    }) : () -> ()
    %add3A_33 = arith.constant 128 : i32
    %add3A_34 = arith.addi %mul3A_28, %add3A_33 : i32
    "tpu.region"() ({
      %run_scoped3A = tpu.sem_alloc : memref<!tpu.dma_semaphore, #tpu.memory_space<semaphore_mem>>
      %dma_start3A = arith.constant 0 : i32
      %dma_start3A_49 = tpu.memref_slice %arg16[%add3A_34, %dma_start3A] : memref<10240x48xf32, #tpu.memory_space<vmem_shared>> -> memref<128x48xf32, #tpu.memory_space<vmem_shared>>
      %dma_start3A_50 = arith.constant 0 : i32
      %dma_start3A_51 = tpu.memref_slice %arg16[%add3A_34, %dma_start3A_50] : memref<10240x48xf32, #tpu.memory_space<vmem_shared>> -> memref<128x48xf32, #tpu.memory_space<vmem_shared>>
      tpu.enqueue_dma source(%dma_start3A_51 : memref<128x48xf32, #tpu.memory_space<vmem_shared>>) target(%arg15 : memref<128x48xf32, #tpu.memory_space<vmem>>) target_semaphore(%run_scoped3A : memref<!tpu.dma_semaphore, #tpu.memory_space<semaphore_mem>>)
      %dma_wait3A = arith.constant 0 : i32
      %dma_wait3A_52 = tpu.memref_slice %arg16[%add3A_34, %dma_wait3A] : memref<10240x48xf32, #tpu.memory_space<vmem_shared>> -> memref<128x48xf32, #tpu.memory_space<vmem_shared>>
      %dma_wait3A_53 = arith.constant 0 : i32
      %dma_wait3A_54 = tpu.memref_slice %arg16[%add3A_34, %dma_wait3A_53] : memref<10240x48xf32, #tpu.memory_space<vmem_shared>> -> memref<128x48xf32, #tpu.memory_space<vmem_shared>>
      tpu.wait_dma2 semaphore(%run_scoped3A : memref<!tpu.dma_semaphore, #tpu.memory_space<semaphore_mem>>) src(%dma_wait3A_54 : memref<128x48xf32, #tpu.memory_space<vmem_shared>>) dst(%arg15 : memref<128x48xf32, #tpu.memory_space<vmem>>)
      tpu.yield
    }) : () -> ()
    %add3A_35 = arith.constant 128 : i32
    %add3A_36 = arith.addi %mul3A_28, %add3A_35 : i32
    "tpu.region"() ({
      %run_scoped3A = tpu.sem_alloc : memref<!tpu.dma_semaphore, #tpu.memory_space<semaphore_mem>>
      %dma_start3A = arith.constant 0 : i32
      %dma_start3A_49 = arith.constant 0 : i32
      %dma_start3A_50 = tpu.memref_slice %arg8[%arg0, %dma_start3A, %dma_start3A_49] : memref<2x10240x48xf32, #tpu.memory_space<hbm>> -> memref<1x10240x48xf32, #tpu.memory_space<hbm>>
      %dma_start3A_51 = tpu.memref_squeeze %dma_start3A_50 : memref<1x10240x48xf32, #tpu.memory_space<hbm>> -> memref<10240x48xf32, #tpu.memory_space<hbm>>
      %dma_start3A_52 = arith.constant 0 : i32
      %dma_start3A_53 = tpu.memref_slice %dma_start3A_51[%add3A_36, %dma_start3A_52] : memref<10240x48xf32, #tpu.memory_space<hbm>> -> memref<128x48xf32, #tpu.memory_space<hbm>>
      %dma_start3A_54 = arith.constant 0 : i32
      %dma_start3A_55 = arith.constant 0 : i32
      %dma_start3A_56 = tpu.memref_slice %arg8[%arg0, %dma_start3A_54, %dma_start3A_55] : memref<2x10240x48xf32, #tpu.memory_space<hbm>> -> memref<1x10240x48xf32, #tpu.memory_space<hbm>>
      %dma_start3A_57 = tpu.memref_squeeze %dma_start3A_56 : memref<1x10240x48xf32, #tpu.memory_space<hbm>> -> memref<10240x48xf32, #tpu.memory_space<hbm>>
      %dma_start3A_58 = arith.constant 0 : i32
      %dma_start3A_59 = tpu.memref_slice %dma_start3A_57[%add3A_36, %dma_start3A_58] : memref<10240x48xf32, #tpu.memory_space<hbm>> -> memref<128x48xf32, #tpu.memory_space<hbm>>
      tpu.enqueue_dma source(%arg15 : memref<128x48xf32, #tpu.memory_space<vmem>>) target(%dma_start3A_59 : memref<128x48xf32, #tpu.memory_space<hbm>>) target_semaphore(%run_scoped3A : memref<!tpu.dma_semaphore, #tpu.memory_space<semaphore_mem>>)
      %dma_wait3A = arith.constant 0 : i32
      %dma_wait3A_60 = arith.constant 0 : i32
      %dma_wait3A_61 = tpu.memref_slice %arg8[%arg0, %dma_wait3A, %dma_wait3A_60] : memref<2x10240x48xf32, #tpu.memory_space<hbm>> -> memref<1x10240x48xf32, #tpu.memory_space<hbm>>
      %dma_wait3A_62 = tpu.memref_squeeze %dma_wait3A_61 : memref<1x10240x48xf32, #tpu.memory_space<hbm>> -> memref<10240x48xf32, #tpu.memory_space<hbm>>
      %dma_wait3A_63 = arith.constant 0 : i32
      %dma_wait3A_64 = tpu.memref_slice %dma_wait3A_62[%add3A_36, %dma_wait3A_63] : memref<10240x48xf32, #tpu.memory_space<hbm>> -> memref<128x48xf32, #tpu.memory_space<hbm>>
      %dma_wait3A_65 = arith.constant 0 : i32
      %dma_wait3A_66 = arith.constant 0 : i32
      %dma_wait3A_67 = tpu.memref_slice %arg8[%arg0, %dma_wait3A_65, %dma_wait3A_66] : memref<2x10240x48xf32, #tpu.memory_space<hbm>> -> memref<1x10240x48xf32, #tpu.memory_space<hbm>>
      %dma_wait3A_68 = tpu.memref_squeeze %dma_wait3A_67 : memref<1x10240x48xf32, #tpu.memory_space<hbm>> -> memref<10240x48xf32, #tpu.memory_space<hbm>>
      %dma_wait3A_69 = arith.constant 0 : i32
      %dma_wait3A_70 = tpu.memref_slice %dma_wait3A_68[%add3A_36, %dma_wait3A_69] : memref<10240x48xf32, #tpu.memory_space<hbm>> -> memref<128x48xf32, #tpu.memory_space<hbm>>
      tpu.wait_dma2 semaphore(%run_scoped3A : memref<!tpu.dma_semaphore, #tpu.memory_space<semaphore_mem>>) src(%arg15 : memref<128x48xf32, #tpu.memory_space<vmem>>) dst(%dma_wait3A_70 : memref<128x48xf32, #tpu.memory_space<hbm>>)
      tpu.yield
    }) : () -> ()
    %add3A_37 = arith.constant 256 : i32
    %add3A_38 = arith.addi %mul3A_28, %add3A_37 : i32
    "tpu.region"() ({
      %run_scoped3A = tpu.sem_alloc : memref<!tpu.dma_semaphore, #tpu.memory_space<semaphore_mem>>
      %dma_start3A = arith.constant 0 : i32
      %dma_start3A_49 = tpu.memref_slice %arg16[%add3A_38, %dma_start3A] : memref<10240x48xf32, #tpu.memory_space<vmem_shared>> -> memref<128x48xf32, #tpu.memory_space<vmem_shared>>
      %dma_start3A_50 = arith.constant 0 : i32
      %dma_start3A_51 = tpu.memref_slice %arg16[%add3A_38, %dma_start3A_50] : memref<10240x48xf32, #tpu.memory_space<vmem_shared>> -> memref<128x48xf32, #tpu.memory_space<vmem_shared>>
      tpu.enqueue_dma source(%dma_start3A_51 : memref<128x48xf32, #tpu.memory_space<vmem_shared>>) target(%arg15 : memref<128x48xf32, #tpu.memory_space<vmem>>) target_semaphore(%run_scoped3A : memref<!tpu.dma_semaphore, #tpu.memory_space<semaphore_mem>>)
      %dma_wait3A = arith.constant 0 : i32
      %dma_wait3A_52 = tpu.memref_slice %arg16[%add3A_38, %dma_wait3A] : memref<10240x48xf32, #tpu.memory_space<vmem_shared>> -> memref<128x48xf32, #tpu.memory_space<vmem_shared>>
      %dma_wait3A_53 = arith.constant 0 : i32
      %dma_wait3A_54 = tpu.memref_slice %arg16[%add3A_38, %dma_wait3A_53] : memref<10240x48xf32, #tpu.memory_space<vmem_shared>> -> memref<128x48xf32, #tpu.memory_space<vmem_shared>>
      tpu.wait_dma2 semaphore(%run_scoped3A : memref<!tpu.dma_semaphore, #tpu.memory_space<semaphore_mem>>) src(%dma_wait3A_54 : memref<128x48xf32, #tpu.memory_space<vmem_shared>>) dst(%arg15 : memref<128x48xf32, #tpu.memory_space<vmem>>)
      tpu.yield
    }) : () -> ()
    %add3A_39 = arith.constant 256 : i32
    %add3A_40 = arith.addi %mul3A_28, %add3A_39 : i32
    "tpu.region"() ({
      %run_scoped3A = tpu.sem_alloc : memref<!tpu.dma_semaphore, #tpu.memory_space<semaphore_mem>>
      %dma_start3A = arith.constant 0 : i32
      %dma_start3A_49 = arith.constant 0 : i32
      %dma_start3A_50 = tpu.memref_slice %arg8[%arg0, %dma_start3A, %dma_start3A_49] : memref<2x10240x48xf32, #tpu.memory_space<hbm>> -> memref<1x10240x48xf32, #tpu.memory_space<hbm>>
      %dma_start3A_51 = tpu.memref_squeeze %dma_start3A_50 : memref<1x10240x48xf32, #tpu.memory_space<hbm>> -> memref<10240x48xf32, #tpu.memory_space<hbm>>
      %dma_start3A_52 = arith.constant 0 : i32
      %dma_start3A_53 = tpu.memref_slice %dma_start3A_51[%add3A_40, %dma_start3A_52] : memref<10240x48xf32, #tpu.memory_space<hbm>> -> memref<128x48xf32, #tpu.memory_space<hbm>>
      %dma_start3A_54 = arith.constant 0 : i32
      %dma_start3A_55 = arith.constant 0 : i32
      %dma_start3A_56 = tpu.memref_slice %arg8[%arg0, %dma_start3A_54, %dma_start3A_55] : memref<2x10240x48xf32, #tpu.memory_space<hbm>> -> memref<1x10240x48xf32, #tpu.memory_space<hbm>>
      %dma_start3A_57 = tpu.memref_squeeze %dma_start3A_56 : memref<1x10240x48xf32, #tpu.memory_space<hbm>> -> memref<10240x48xf32, #tpu.memory_space<hbm>>
      %dma_start3A_58 = arith.constant 0 : i32
      %dma_start3A_59 = tpu.memref_slice %dma_start3A_57[%add3A_40, %dma_start3A_58] : memref<10240x48xf32, #tpu.memory_space<hbm>> -> memref<128x48xf32, #tpu.memory_space<hbm>>
      tpu.enqueue_dma source(%arg15 : memref<128x48xf32, #tpu.memory_space<vmem>>) target(%dma_start3A_59 : memref<128x48xf32, #tpu.memory_space<hbm>>) target_semaphore(%run_scoped3A : memref<!tpu.dma_semaphore, #tpu.memory_space<semaphore_mem>>)
      %dma_wait3A = arith.constant 0 : i32
      %dma_wait3A_60 = arith.constant 0 : i32
      %dma_wait3A_61 = tpu.memref_slice %arg8[%arg0, %dma_wait3A, %dma_wait3A_60] : memref<2x10240x48xf32, #tpu.memory_space<hbm>> -> memref<1x10240x48xf32, #tpu.memory_space<hbm>>
      %dma_wait3A_62 = tpu.memref_squeeze %dma_wait3A_61 : memref<1x10240x48xf32, #tpu.memory_space<hbm>> -> memref<10240x48xf32, #tpu.memory_space<hbm>>
      %dma_wait3A_63 = arith.constant 0 : i32
      %dma_wait3A_64 = tpu.memref_slice %dma_wait3A_62[%add3A_40, %dma_wait3A_63] : memref<10240x48xf32, #tpu.memory_space<hbm>> -> memref<128x48xf32, #tpu.memory_space<hbm>>
      %dma_wait3A_65 = arith.constant 0 : i32
      %dma_wait3A_66 = arith.constant 0 : i32
      %dma_wait3A_67 = tpu.memref_slice %arg8[%arg0, %dma_wait3A_65, %dma_wait3A_66] : memref<2x10240x48xf32, #tpu.memory_space<hbm>> -> memref<1x10240x48xf32, #tpu.memory_space<hbm>>
      %dma_wait3A_68 = tpu.memref_squeeze %dma_wait3A_67 : memref<1x10240x48xf32, #tpu.memory_space<hbm>> -> memref<10240x48xf32, #tpu.memory_space<hbm>>
      %dma_wait3A_69 = arith.constant 0 : i32
      %dma_wait3A_70 = tpu.memref_slice %dma_wait3A_68[%add3A_40, %dma_wait3A_69] : memref<10240x48xf32, #tpu.memory_space<hbm>> -> memref<128x48xf32, #tpu.memory_space<hbm>>
      tpu.wait_dma2 semaphore(%run_scoped3A : memref<!tpu.dma_semaphore, #tpu.memory_space<semaphore_mem>>) src(%arg15 : memref<128x48xf32, #tpu.memory_space<vmem>>) dst(%dma_wait3A_70 : memref<128x48xf32, #tpu.memory_space<hbm>>)
      tpu.yield
    }) : () -> ()
    %add3A_41 = arith.constant 384 : i32
    %add3A_42 = arith.addi %mul3A_28, %add3A_41 : i32
    "tpu.region"() ({
      %run_scoped3A = tpu.sem_alloc : memref<!tpu.dma_semaphore, #tpu.memory_space<semaphore_mem>>
      %dma_start3A = arith.constant 0 : i32
      %dma_start3A_49 = tpu.memref_slice %arg16[%add3A_42, %dma_start3A] : memref<10240x48xf32, #tpu.memory_space<vmem_shared>> -> memref<128x48xf32, #tpu.memory_space<vmem_shared>>
      %dma_start3A_50 = arith.constant 0 : i32
      %dma_start3A_51 = tpu.memref_slice %arg16[%add3A_42, %dma_start3A_50] : memref<10240x48xf32, #tpu.memory_space<vmem_shared>> -> memref<128x48xf32, #tpu.memory_space<vmem_shared>>
      tpu.enqueue_dma source(%dma_start3A_51 : memref<128x48xf32, #tpu.memory_space<vmem_shared>>) target(%arg15 : memref<128x48xf32, #tpu.memory_space<vmem>>) target_semaphore(%run_scoped3A : memref<!tpu.dma_semaphore, #tpu.memory_space<semaphore_mem>>)
      %dma_wait3A = arith.constant 0 : i32
      %dma_wait3A_52 = tpu.memref_slice %arg16[%add3A_42, %dma_wait3A] : memref<10240x48xf32, #tpu.memory_space<vmem_shared>> -> memref<128x48xf32, #tpu.memory_space<vmem_shared>>
      %dma_wait3A_53 = arith.constant 0 : i32
      %dma_wait3A_54 = tpu.memref_slice %arg16[%add3A_42, %dma_wait3A_53] : memref<10240x48xf32, #tpu.memory_space<vmem_shared>> -> memref<128x48xf32, #tpu.memory_space<vmem_shared>>
      tpu.wait_dma2 semaphore(%run_scoped3A : memref<!tpu.dma_semaphore, #tpu.memory_space<semaphore_mem>>) src(%dma_wait3A_54 : memref<128x48xf32, #tpu.memory_space<vmem_shared>>) dst(%arg15 : memref<128x48xf32, #tpu.memory_space<vmem>>)
      tpu.yield
    }) : () -> ()
    %add3A_43 = arith.constant 384 : i32
    %add3A_44 = arith.addi %mul3A_28, %add3A_43 : i32
    "tpu.region"() ({
      %run_scoped3A = tpu.sem_alloc : memref<!tpu.dma_semaphore, #tpu.memory_space<semaphore_mem>>
      %dma_start3A = arith.constant 0 : i32
      %dma_start3A_49 = arith.constant 0 : i32
      %dma_start3A_50 = tpu.memref_slice %arg8[%arg0, %dma_start3A, %dma_start3A_49] : memref<2x10240x48xf32, #tpu.memory_space<hbm>> -> memref<1x10240x48xf32, #tpu.memory_space<hbm>>
      %dma_start3A_51 = tpu.memref_squeeze %dma_start3A_50 : memref<1x10240x48xf32, #tpu.memory_space<hbm>> -> memref<10240x48xf32, #tpu.memory_space<hbm>>
      %dma_start3A_52 = arith.constant 0 : i32
      %dma_start3A_53 = tpu.memref_slice %dma_start3A_51[%add3A_44, %dma_start3A_52] : memref<10240x48xf32, #tpu.memory_space<hbm>> -> memref<128x48xf32, #tpu.memory_space<hbm>>
      %dma_start3A_54 = arith.constant 0 : i32
      %dma_start3A_55 = arith.constant 0 : i32
      %dma_start3A_56 = tpu.memref_slice %arg8[%arg0, %dma_start3A_54, %dma_start3A_55] : memref<2x10240x48xf32, #tpu.memory_space<hbm>> -> memref<1x10240x48xf32, #tpu.memory_space<hbm>>
      %dma_start3A_57 = tpu.memref_squeeze %dma_start3A_56 : memref<1x10240x48xf32, #tpu.memory_space<hbm>> -> memref<10240x48xf32, #tpu.memory_space<hbm>>
      %dma_start3A_58 = arith.constant 0 : i32
      %dma_start3A_59 = tpu.memref_slice %dma_start3A_57[%add3A_44, %dma_start3A_58] : memref<10240x48xf32, #tpu.memory_space<hbm>> -> memref<128x48xf32, #tpu.memory_space<hbm>>
      tpu.enqueue_dma source(%arg15 : memref<128x48xf32, #tpu.memory_space<vmem>>) target(%dma_start3A_59 : memref<128x48xf32, #tpu.memory_space<hbm>>) target_semaphore(%run_scoped3A : memref<!tpu.dma_semaphore, #tpu.memory_space<semaphore_mem>>)
      %dma_wait3A = arith.constant 0 : i32
      %dma_wait3A_60 = arith.constant 0 : i32
      %dma_wait3A_61 = tpu.memref_slice %arg8[%arg0, %dma_wait3A, %dma_wait3A_60] : memref<2x10240x48xf32, #tpu.memory_space<hbm>> -> memref<1x10240x48xf32, #tpu.memory_space<hbm>>
      %dma_wait3A_62 = tpu.memref_squeeze %dma_wait3A_61 : memref<1x10240x48xf32, #tpu.memory_space<hbm>> -> memref<10240x48xf32, #tpu.memory_space<hbm>>
      %dma_wait3A_63 = arith.constant 0 : i32
      %dma_wait3A_64 = tpu.memref_slice %dma_wait3A_62[%add3A_44, %dma_wait3A_63] : memref<10240x48xf32, #tpu.memory_space<hbm>> -> memref<128x48xf32, #tpu.memory_space<hbm>>
      %dma_wait3A_65 = arith.constant 0 : i32
      %dma_wait3A_66 = arith.constant 0 : i32
      %dma_wait3A_67 = tpu.memref_slice %arg8[%arg0, %dma_wait3A_65, %dma_wait3A_66] : memref<2x10240x48xf32, #tpu.memory_space<hbm>> -> memref<1x10240x48xf32, #tpu.memory_space<hbm>>
      %dma_wait3A_68 = tpu.memref_squeeze %dma_wait3A_67 : memref<1x10240x48xf32, #tpu.memory_space<hbm>> -> memref<10240x48xf32, #tpu.memory_space<hbm>>
      %dma_wait3A_69 = arith.constant 0 : i32
      %dma_wait3A_70 = tpu.memref_slice %dma_wait3A_68[%add3A_44, %dma_wait3A_69] : memref<10240x48xf32, #tpu.memory_space<hbm>> -> memref<128x48xf32, #tpu.memory_space<hbm>>
      tpu.wait_dma2 semaphore(%run_scoped3A : memref<!tpu.dma_semaphore, #tpu.memory_space<semaphore_mem>>) src(%arg15 : memref<128x48xf32, #tpu.memory_space<vmem>>) dst(%dma_wait3A_70 : memref<128x48xf32, #tpu.memory_space<hbm>>)
      tpu.yield
    }) : () -> ()
    %add3A_45 = arith.constant 512 : i32
    %add3A_46 = arith.addi %mul3A_28, %add3A_45 : i32
    "tpu.region"() ({
      %run_scoped3A = tpu.sem_alloc : memref<!tpu.dma_semaphore, #tpu.memory_space<semaphore_mem>>
      %dma_start3A = arith.constant 0 : i32
      %dma_start3A_49 = tpu.memref_slice %arg16[%add3A_46, %dma_start3A] : memref<10240x48xf32, #tpu.memory_space<vmem_shared>> -> memref<128x48xf32, #tpu.memory_space<vmem_shared>>
      %dma_start3A_50 = arith.constant 0 : i32
      %dma_start3A_51 = tpu.memref_slice %arg16[%add3A_46, %dma_start3A_50] : memref<10240x48xf32, #tpu.memory_space<vmem_shared>> -> memref<128x48xf32, #tpu.memory_space<vmem_shared>>
      tpu.enqueue_dma source(%dma_start3A_51 : memref<128x48xf32, #tpu.memory_space<vmem_shared>>) target(%arg15 : memref<128x48xf32, #tpu.memory_space<vmem>>) target_semaphore(%run_scoped3A : memref<!tpu.dma_semaphore, #tpu.memory_space<semaphore_mem>>)
      %dma_wait3A = arith.constant 0 : i32
      %dma_wait3A_52 = tpu.memref_slice %arg16[%add3A_46, %dma_wait3A] : memref<10240x48xf32, #tpu.memory_space<vmem_shared>> -> memref<128x48xf32, #tpu.memory_space<vmem_shared>>
      %dma_wait3A_53 = arith.constant 0 : i32
      %dma_wait3A_54 = tpu.memref_slice %arg16[%add3A_46, %dma_wait3A_53] : memref<10240x48xf32, #tpu.memory_space<vmem_shared>> -> memref<128x48xf32, #tpu.memory_space<vmem_shared>>
      tpu.wait_dma2 semaphore(%run_scoped3A : memref<!tpu.dma_semaphore, #tpu.memory_space<semaphore_mem>>) src(%dma_wait3A_54 : memref<128x48xf32, #tpu.memory_space<vmem_shared>>) dst(%arg15 : memref<128x48xf32, #tpu.memory_space<vmem>>)
      tpu.yield
    }) : () -> ()
    %add3A_47 = arith.constant 512 : i32
    %add3A_48 = arith.addi %mul3A_28, %add3A_47 : i32
    "tpu.region"() ({
      %run_scoped3A = tpu.sem_alloc : memref<!tpu.dma_semaphore, #tpu.memory_space<semaphore_mem>>
      %dma_start3A = arith.constant 0 : i32
      %dma_start3A_49 = arith.constant 0 : i32
      %dma_start3A_50 = tpu.memref_slice %arg8[%arg0, %dma_start3A, %dma_start3A_49] : memref<2x10240x48xf32, #tpu.memory_space<hbm>> -> memref<1x10240x48xf32, #tpu.memory_space<hbm>>
      %dma_start3A_51 = tpu.memref_squeeze %dma_start3A_50 : memref<1x10240x48xf32, #tpu.memory_space<hbm>> -> memref<10240x48xf32, #tpu.memory_space<hbm>>
      %dma_start3A_52 = arith.constant 0 : i32
      %dma_start3A_53 = tpu.memref_slice %dma_start3A_51[%add3A_48, %dma_start3A_52] : memref<10240x48xf32, #tpu.memory_space<hbm>> -> memref<128x48xf32, #tpu.memory_space<hbm>>
      %dma_start3A_54 = arith.constant 0 : i32
      %dma_start3A_55 = arith.constant 0 : i32
      %dma_start3A_56 = tpu.memref_slice %arg8[%arg0, %dma_start3A_54, %dma_start3A_55] : memref<2x10240x48xf32, #tpu.memory_space<hbm>> -> memref<1x10240x48xf32, #tpu.memory_space<hbm>>
      %dma_start3A_57 = tpu.memref_squeeze %dma_start3A_56 : memref<1x10240x48xf32, #tpu.memory_space<hbm>> -> memref<10240x48xf32, #tpu.memory_space<hbm>>
      %dma_start3A_58 = arith.constant 0 : i32
      %dma_start3A_59 = tpu.memref_slice %dma_start3A_57[%add3A_48, %dma_start3A_58] : memref<10240x48xf32, #tpu.memory_space<hbm>> -> memref<128x48xf32, #tpu.memory_space<hbm>>
      tpu.enqueue_dma source(%arg15 : memref<128x48xf32, #tpu.memory_space<vmem>>) target(%dma_start3A_59 : memref<128x48xf32, #tpu.memory_space<hbm>>) target_semaphore(%run_scoped3A : memref<!tpu.dma_semaphore, #tpu.memory_space<semaphore_mem>>)
      %dma_wait3A = arith.constant 0 : i32
      %dma_wait3A_60 = arith.constant 0 : i32
      %dma_wait3A_61 = tpu.memref_slice %arg8[%arg0, %dma_wait3A, %dma_wait3A_60] : memref<2x10240x48xf32, #tpu.memory_space<hbm>> -> memref<1x10240x48xf32, #tpu.memory_space<hbm>>
      %dma_wait3A_62 = tpu.memref_squeeze %dma_wait3A_61 : memref<1x10240x48xf32, #tpu.memory_space<hbm>> -> memref<10240x48xf32, #tpu.memory_space<hbm>>
      %dma_wait3A_63 = arith.constant 0 : i32
      %dma_wait3A_64 = tpu.memref_slice %dma_wait3A_62[%add3A_48, %dma_wait3A_63] : memref<10240x48xf32, #tpu.memory_space<hbm>> -> memref<128x48xf32, #tpu.memory_space<hbm>>
      %dma_wait3A_65 = arith.constant 0 : i32
      %dma_wait3A_66 = arith.constant 0 : i32
      %dma_wait3A_67 = tpu.memref_slice %arg8[%arg0, %dma_wait3A_65, %dma_wait3A_66] : memref<2x10240x48xf32, #tpu.memory_space<hbm>> -> memref<1x10240x48xf32, #tpu.memory_space<hbm>>
      %dma_wait3A_68 = tpu.memref_squeeze %dma_wait3A_67 : memref<1x10240x48xf32, #tpu.memory_space<hbm>> -> memref<10240x48xf32, #tpu.memory_space<hbm>>
      %dma_wait3A_69 = arith.constant 0 : i32
      %dma_wait3A_70 = tpu.memref_slice %dma_wait3A_68[%add3A_48, %dma_wait3A_69] : memref<10240x48xf32, #tpu.memory_space<hbm>> -> memref<128x48xf32, #tpu.memory_space<hbm>>
      tpu.wait_dma2 semaphore(%run_scoped3A : memref<!tpu.dma_semaphore, #tpu.memory_space<semaphore_mem>>) src(%arg15 : memref<128x48xf32, #tpu.memory_space<vmem>>) dst(%dma_wait3A_70 : memref<128x48xf32, #tpu.memory_space<hbm>>)
      tpu.yield
    }) : () -> ()
    return
  }
}

#map = affine_map<(d0, d1) -> (0)>
#map1 = affine_map<(d0, d1) -> (0, 0)>
#map2 = affine_map<(d0, d1) -> (0, 0, 0)>
module attributes {stable_mosaic.version = 14 : i64} {
  func.func @k(%arg0: i32, %arg1: i32, %arg2: memref<321536xi32, #tpu.memory_space<hbm>>, %arg3: memref<321536xi32, #tpu.memory_space<hbm>>, %arg4: memref<10240xf32, #tpu.memory_space<hbm>>, %arg5: memref<10240xf32, #tpu.memory_space<hbm>>, %arg6: memref<10240xf32, #tpu.memory_space<hbm>>, %arg7: memref<10240x80xf32, #tpu.memory_space<hbm>>, %arg8: memref<10240x80xf32, #tpu.memory_space<hbm>>, %arg9: memref<2x10240x80xf32, #tpu.memory_space<hbm>>, %arg10: memref<10240xf32, #tpu.memory_space<vmem>>, %arg11: memref<10240xf32, #tpu.memory_space<vmem>>, %arg12: memref<10240xf32, #tpu.memory_space<vmem>>, %arg13: memref<128xi32, #tpu.memory_space<vmem>>, %arg14: memref<128xi32, #tpu.memory_space<vmem>>, %arg15: memref<128xf32, #tpu.memory_space<vmem>>, %arg16: memref<128x80xf32, #tpu.memory_space<vmem>>, %arg17: memref<10240x80xf32, #tpu.memory_space<vmem_shared>>, %arg18: memref<!tpu.dma_semaphore, #tpu.memory_space<semaphore_mem>>) attributes {dimension_semantics = [#tpu.dimension_semantics<core_parallel>, #tpu.dimension_semantics<subcore_parallel>], iteration_bounds = array<i64: 2, 16>, scalar_prefetch = 0 : i64, scratch_operands = 9 : i64, tpu.core_type = #tpu.core_type<sc_vector_subcore>, window_params = [{transform_indices = #map}, {transform_indices = #map}, {transform_indices = #map}, {transform_indices = #map}, {transform_indices = #map}, {transform_indices = #map1}, {transform_indices = #map1}, {transform_indices = #map2}]} {
    %scan3A = arith.constant 0 : i32
    %scan3A_0 = arith.constant 0 : i32
    %scan3A_1 = arith.constant 128 : i32
    %scan3A_2 = arith.addi %scan3A_0, %scan3A_1 : i32
    %scan3A_3 = arith.constant 1 : i32
    scf.for %scan3A_46 = %scan3A_0 to %scan3A_2 step %scan3A_3  : i32 {
      %broadcast_in_dim3A = arith.constant 0.000000e+00 : f32
      %broadcast_in_dim3A_47 = vector.broadcast %broadcast_in_dim3A : f32 to vector<16xf32>
      %swap3A = arith.index_cast %scan3A_46 : i32 to index
      %swap3A_48 = arith.constant 0 : index
      %swap3A_49 = tpu.vector_load %arg16[%swap3A, %swap3A_48] {strides = array<i32>} : memref<128x80xf32, #tpu.memory_space<vmem>>, vector<16xf32>,
      tpu.vector_store %arg16[%swap3A, %swap3A_48], %broadcast_in_dim3A_47 {strides = array<i32>} : memref<128x80xf32, #tpu.memory_space<vmem>>, vector<16xf32>,
      %broadcast_in_dim3A_50 = arith.constant 0.000000e+00 : f32
      %broadcast_in_dim3A_51 = vector.broadcast %broadcast_in_dim3A_50 : f32 to vector<16xf32>
      %swap3A_52 = arith.index_cast %scan3A_46 : i32 to index
      %swap3A_53 = arith.constant 16 : index
      %swap3A_54 = tpu.vector_load %arg16[%swap3A_52, %swap3A_53] {strides = array<i32>} : memref<128x80xf32, #tpu.memory_space<vmem>>, vector<16xf32>,
      tpu.vector_store %arg16[%swap3A_52, %swap3A_53], %broadcast_in_dim3A_51 {strides = array<i32>} : memref<128x80xf32, #tpu.memory_space<vmem>>, vector<16xf32>,
      %broadcast_in_dim3A_55 = arith.constant 0.000000e+00 : f32
      %broadcast_in_dim3A_56 = vector.broadcast %broadcast_in_dim3A_55 : f32 to vector<16xf32>
      %swap3A_57 = arith.index_cast %scan3A_46 : i32 to index
      %swap3A_58 = arith.constant 32 : index
      %swap3A_59 = tpu.vector_load %arg16[%swap3A_57, %swap3A_58] {strides = array<i32>} : memref<128x80xf32, #tpu.memory_space<vmem>>, vector<16xf32>,
      tpu.vector_store %arg16[%swap3A_57, %swap3A_58], %broadcast_in_dim3A_56 {strides = array<i32>} : memref<128x80xf32, #tpu.memory_space<vmem>>, vector<16xf32>,
      %broadcast_in_dim3A_60 = arith.constant 0.000000e+00 : f32
      %broadcast_in_dim3A_61 = vector.broadcast %broadcast_in_dim3A_60 : f32 to vector<16xf32>
      %swap3A_62 = arith.index_cast %scan3A_46 : i32 to index
      %swap3A_63 = arith.constant 48 : index
      %swap3A_64 = tpu.vector_load %arg16[%swap3A_62, %swap3A_63] {strides = array<i32>} : memref<128x80xf32, #tpu.memory_space<vmem>>, vector<16xf32>,
      tpu.vector_store %arg16[%swap3A_62, %swap3A_63], %broadcast_in_dim3A_61 {strides = array<i32>} : memref<128x80xf32, #tpu.memory_space<vmem>>, vector<16xf32>,
      %broadcast_in_dim3A_65 = arith.constant 0.000000e+00 : f32
      %broadcast_in_dim3A_66 = vector.broadcast %broadcast_in_dim3A_65 : f32 to vector<16xf32>
      %swap3A_67 = arith.index_cast %scan3A_46 : i32 to index
      %swap3A_68 = arith.constant 64 : index
      %swap3A_69 = tpu.vector_load %arg16[%swap3A_67, %swap3A_68] {strides = array<i32>} : memref<128x80xf32, #tpu.memory_space<vmem>>, vector<16xf32>,
      tpu.vector_store %arg16[%swap3A_67, %swap3A_68], %broadcast_in_dim3A_66 {strides = array<i32>} : memref<128x80xf32, #tpu.memory_space<vmem>>, vector<16xf32>,
    }
    %scan3A_4 = arith.constant 128 : i32
    %mul3A = arith.constant 640 : i32
    %mul3A_5 = arith.muli %arg1, %mul3A : i32
    %add3A = arith.constant 0 : i32
    %add3A_6 = arith.addi %mul3A_5, %add3A : i32
    "tpu.region"() ({
      %run_scoped3A = tpu.sem_alloc : memref<!tpu.dma_semaphore, #tpu.memory_space<semaphore_mem>>
      %dma_start3A = arith.constant 0 : i32
      %dma_start3A_46 = tpu.memref_slice %arg17[%add3A_6, %dma_start3A] : memref<10240x80xf32, #tpu.memory_space<vmem_shared>> -> memref<128x80xf32, #tpu.memory_space<vmem_shared>>
      %dma_start3A_47 = arith.constant 0 : i32
      %dma_start3A_48 = tpu.memref_slice %arg17[%add3A_6, %dma_start3A_47] : memref<10240x80xf32, #tpu.memory_space<vmem_shared>> -> memref<128x80xf32, #tpu.memory_space<vmem_shared>>
      tpu.enqueue_dma source(%arg16 : memref<128x80xf32, #tpu.memory_space<vmem>>) target(%dma_start3A_48 : memref<128x80xf32, #tpu.memory_space<vmem_shared>>) target_semaphore(%run_scoped3A : memref<!tpu.dma_semaphore, #tpu.memory_space<semaphore_mem>>)
      %dma_wait3A = arith.constant 0 : i32
      %dma_wait3A_49 = tpu.memref_slice %arg17[%add3A_6, %dma_wait3A] : memref<10240x80xf32, #tpu.memory_space<vmem_shared>> -> memref<128x80xf32, #tpu.memory_space<vmem_shared>>
      %dma_wait3A_50 = arith.constant 0 : i32
      %dma_wait3A_51 = tpu.memref_slice %arg17[%add3A_6, %dma_wait3A_50] : memref<10240x80xf32, #tpu.memory_space<vmem_shared>> -> memref<128x80xf32, #tpu.memory_space<vmem_shared>>
      tpu.wait_dma2 semaphore(%run_scoped3A : memref<!tpu.dma_semaphore, #tpu.memory_space<semaphore_mem>>) src(%arg16 : memref<128x80xf32, #tpu.memory_space<vmem>>) dst(%dma_wait3A_51 : memref<128x80xf32, #tpu.memory_space<vmem_shared>>)
      tpu.yield
    }) : () -> ()
    %add3A_7 = arith.constant 128 : i32
    %add3A_8 = arith.addi %mul3A_5, %add3A_7 : i32
    "tpu.region"() ({
      %run_scoped3A = tpu.sem_alloc : memref<!tpu.dma_semaphore, #tpu.memory_space<semaphore_mem>>
      %dma_start3A = arith.constant 0 : i32
      %dma_start3A_46 = tpu.memref_slice %arg17[%add3A_8, %dma_start3A] : memref<10240x80xf32, #tpu.memory_space<vmem_shared>> -> memref<128x80xf32, #tpu.memory_space<vmem_shared>>
      %dma_start3A_47 = arith.constant 0 : i32
      %dma_start3A_48 = tpu.memref_slice %arg17[%add3A_8, %dma_start3A_47] : memref<10240x80xf32, #tpu.memory_space<vmem_shared>> -> memref<128x80xf32, #tpu.memory_space<vmem_shared>>
      tpu.enqueue_dma source(%arg16 : memref<128x80xf32, #tpu.memory_space<vmem>>) target(%dma_start3A_48 : memref<128x80xf32, #tpu.memory_space<vmem_shared>>) target_semaphore(%run_scoped3A : memref<!tpu.dma_semaphore, #tpu.memory_space<semaphore_mem>>)
      %dma_wait3A = arith.constant 0 : i32
      %dma_wait3A_49 = tpu.memref_slice %arg17[%add3A_8, %dma_wait3A] : memref<10240x80xf32, #tpu.memory_space<vmem_shared>> -> memref<128x80xf32, #tpu.memory_space<vmem_shared>>
      %dma_wait3A_50 = arith.constant 0 : i32
      %dma_wait3A_51 = tpu.memref_slice %arg17[%add3A_8, %dma_wait3A_50] : memref<10240x80xf32, #tpu.memory_space<vmem_shared>> -> memref<128x80xf32, #tpu.memory_space<vmem_shared>>
      tpu.wait_dma2 semaphore(%run_scoped3A : memref<!tpu.dma_semaphore, #tpu.memory_space<semaphore_mem>>) src(%arg16 : memref<128x80xf32, #tpu.memory_space<vmem>>) dst(%dma_wait3A_51 : memref<128x80xf32, #tpu.memory_space<vmem_shared>>)
      tpu.yield
    }) : () -> ()
    %add3A_9 = arith.constant 256 : i32
    %add3A_10 = arith.addi %mul3A_5, %add3A_9 : i32
    "tpu.region"() ({
      %run_scoped3A = tpu.sem_alloc : memref<!tpu.dma_semaphore, #tpu.memory_space<semaphore_mem>>
      %dma_start3A = arith.constant 0 : i32
      %dma_start3A_46 = tpu.memref_slice %arg17[%add3A_10, %dma_start3A] : memref<10240x80xf32, #tpu.memory_space<vmem_shared>> -> memref<128x80xf32, #tpu.memory_space<vmem_shared>>
      %dma_start3A_47 = arith.constant 0 : i32
      %dma_start3A_48 = tpu.memref_slice %arg17[%add3A_10, %dma_start3A_47] : memref<10240x80xf32, #tpu.memory_space<vmem_shared>> -> memref<128x80xf32, #tpu.memory_space<vmem_shared>>
      tpu.enqueue_dma source(%arg16 : memref<128x80xf32, #tpu.memory_space<vmem>>) target(%dma_start3A_48 : memref<128x80xf32, #tpu.memory_space<vmem_shared>>) target_semaphore(%run_scoped3A : memref<!tpu.dma_semaphore, #tpu.memory_space<semaphore_mem>>)
      %dma_wait3A = arith.constant 0 : i32
      %dma_wait3A_49 = tpu.memref_slice %arg17[%add3A_10, %dma_wait3A] : memref<10240x80xf32, #tpu.memory_space<vmem_shared>> -> memref<128x80xf32, #tpu.memory_space<vmem_shared>>
      %dma_wait3A_50 = arith.constant 0 : i32
      %dma_wait3A_51 = tpu.memref_slice %arg17[%add3A_10, %dma_wait3A_50] : memref<10240x80xf32, #tpu.memory_space<vmem_shared>> -> memref<128x80xf32, #tpu.memory_space<vmem_shared>>
      tpu.wait_dma2 semaphore(%run_scoped3A : memref<!tpu.dma_semaphore, #tpu.memory_space<semaphore_mem>>) src(%arg16 : memref<128x80xf32, #tpu.memory_space<vmem>>) dst(%dma_wait3A_51 : memref<128x80xf32, #tpu.memory_space<vmem_shared>>)
      tpu.yield
    }) : () -> ()
    %add3A_11 = arith.constant 384 : i32
    %add3A_12 = arith.addi %mul3A_5, %add3A_11 : i32
    "tpu.region"() ({
      %run_scoped3A = tpu.sem_alloc : memref<!tpu.dma_semaphore, #tpu.memory_space<semaphore_mem>>
      %dma_start3A = arith.constant 0 : i32
      %dma_start3A_46 = tpu.memref_slice %arg17[%add3A_12, %dma_start3A] : memref<10240x80xf32, #tpu.memory_space<vmem_shared>> -> memref<128x80xf32, #tpu.memory_space<vmem_shared>>
      %dma_start3A_47 = arith.constant 0 : i32
      %dma_start3A_48 = tpu.memref_slice %arg17[%add3A_12, %dma_start3A_47] : memref<10240x80xf32, #tpu.memory_space<vmem_shared>> -> memref<128x80xf32, #tpu.memory_space<vmem_shared>>
      tpu.enqueue_dma source(%arg16 : memref<128x80xf32, #tpu.memory_space<vmem>>) target(%dma_start3A_48 : memref<128x80xf32, #tpu.memory_space<vmem_shared>>) target_semaphore(%run_scoped3A : memref<!tpu.dma_semaphore, #tpu.memory_space<semaphore_mem>>)
      %dma_wait3A = arith.constant 0 : i32
      %dma_wait3A_49 = tpu.memref_slice %arg17[%add3A_12, %dma_wait3A] : memref<10240x80xf32, #tpu.memory_space<vmem_shared>> -> memref<128x80xf32, #tpu.memory_space<vmem_shared>>
      %dma_wait3A_50 = arith.constant 0 : i32
      %dma_wait3A_51 = tpu.memref_slice %arg17[%add3A_12, %dma_wait3A_50] : memref<10240x80xf32, #tpu.memory_space<vmem_shared>> -> memref<128x80xf32, #tpu.memory_space<vmem_shared>>
      tpu.wait_dma2 semaphore(%run_scoped3A : memref<!tpu.dma_semaphore, #tpu.memory_space<semaphore_mem>>) src(%arg16 : memref<128x80xf32, #tpu.memory_space<vmem>>) dst(%dma_wait3A_51 : memref<128x80xf32, #tpu.memory_space<vmem_shared>>)
      tpu.yield
    }) : () -> ()
    %add3A_13 = arith.constant 512 : i32
    %add3A_14 = arith.addi %mul3A_5, %add3A_13 : i32
    "tpu.region"() ({
      %run_scoped3A = tpu.sem_alloc : memref<!tpu.dma_semaphore, #tpu.memory_space<semaphore_mem>>
      %dma_start3A = arith.constant 0 : i32
      %dma_start3A_46 = tpu.memref_slice %arg17[%add3A_14, %dma_start3A] : memref<10240x80xf32, #tpu.memory_space<vmem_shared>> -> memref<128x80xf32, #tpu.memory_space<vmem_shared>>
      %dma_start3A_47 = arith.constant 0 : i32
      %dma_start3A_48 = tpu.memref_slice %arg17[%add3A_14, %dma_start3A_47] : memref<10240x80xf32, #tpu.memory_space<vmem_shared>> -> memref<128x80xf32, #tpu.memory_space<vmem_shared>>
      tpu.enqueue_dma source(%arg16 : memref<128x80xf32, #tpu.memory_space<vmem>>) target(%dma_start3A_48 : memref<128x80xf32, #tpu.memory_space<vmem_shared>>) target_semaphore(%run_scoped3A : memref<!tpu.dma_semaphore, #tpu.memory_space<semaphore_mem>>)
      %dma_wait3A = arith.constant 0 : i32
      %dma_wait3A_49 = tpu.memref_slice %arg17[%add3A_14, %dma_wait3A] : memref<10240x80xf32, #tpu.memory_space<vmem_shared>> -> memref<128x80xf32, #tpu.memory_space<vmem_shared>>
      %dma_wait3A_50 = arith.constant 0 : i32
      %dma_wait3A_51 = tpu.memref_slice %arg17[%add3A_14, %dma_wait3A_50] : memref<10240x80xf32, #tpu.memory_space<vmem_shared>> -> memref<128x80xf32, #tpu.memory_space<vmem_shared>>
      tpu.wait_dma2 semaphore(%run_scoped3A : memref<!tpu.dma_semaphore, #tpu.memory_space<semaphore_mem>>) src(%arg16 : memref<128x80xf32, #tpu.memory_space<vmem>>) dst(%dma_wait3A_51 : memref<128x80xf32, #tpu.memory_space<vmem_shared>>)
      tpu.yield
    }) : () -> ()
    "tpu.region"() ({
      %run_scoped3A = tpu.sem_alloc : memref<!tpu.dma_semaphore, #tpu.memory_space<semaphore_mem>>
      tpu.enqueue_dma source(%arg4 : memref<10240xf32, #tpu.memory_space<hbm>>) target(%arg10 : memref<10240xf32, #tpu.memory_space<vmem>>) target_semaphore(%run_scoped3A : memref<!tpu.dma_semaphore, #tpu.memory_space<semaphore_mem>>)
      tpu.wait_dma2 semaphore(%run_scoped3A : memref<!tpu.dma_semaphore, #tpu.memory_space<semaphore_mem>>) src(%arg4 : memref<10240xf32, #tpu.memory_space<hbm>>) dst(%arg10 : memref<10240xf32, #tpu.memory_space<vmem>>)
      tpu.yield
    }) : () -> ()
    "tpu.region"() ({
      %run_scoped3A = tpu.sem_alloc : memref<!tpu.dma_semaphore, #tpu.memory_space<semaphore_mem>>
      tpu.enqueue_dma source(%arg5 : memref<10240xf32, #tpu.memory_space<hbm>>) target(%arg11 : memref<10240xf32, #tpu.memory_space<vmem>>) target_semaphore(%run_scoped3A : memref<!tpu.dma_semaphore, #tpu.memory_space<semaphore_mem>>)
      tpu.wait_dma2 semaphore(%run_scoped3A : memref<!tpu.dma_semaphore, #tpu.memory_space<semaphore_mem>>) src(%arg5 : memref<10240xf32, #tpu.memory_space<hbm>>) dst(%arg11 : memref<10240xf32, #tpu.memory_space<vmem>>)
      tpu.yield
    }) : () -> ()
    "tpu.region"() ({
      %run_scoped3A = tpu.sem_alloc : memref<!tpu.dma_semaphore, #tpu.memory_space<semaphore_mem>>
      tpu.enqueue_dma source(%arg6 : memref<10240xf32, #tpu.memory_space<hbm>>) target(%arg12 : memref<10240xf32, #tpu.memory_space<vmem>>) target_semaphore(%run_scoped3A : memref<!tpu.dma_semaphore, #tpu.memory_space<semaphore_mem>>)
      tpu.wait_dma2 semaphore(%run_scoped3A : memref<!tpu.dma_semaphore, #tpu.memory_space<semaphore_mem>>) src(%arg6 : memref<10240xf32, #tpu.memory_space<hbm>>) dst(%arg12 : memref<10240xf32, #tpu.memory_space<vmem>>)
      tpu.yield
    }) : () -> ()
    %barrier3A = arith.constant 0 : index
    tpu.barrier barrier_id(%barrier3A)
    %mul3A_15 = arith.constant 20096 : i32
    %mul3A_16 = arith.muli %arg1, %mul3A_15 : i32
    %scan3A_17 = arith.constant 0 : i32
    %scan3A_18 = arith.constant 0 : i32
    %scan3A_19 = arith.constant 157 : i32
    %scan3A_20 = arith.addi %scan3A_18, %scan3A_19 : i32
    %scan3A_21 = arith.constant 1 : i32
    scf.for %scan3A_46 = %scan3A_18 to %scan3A_20 step %scan3A_21  : i32 {
      %mul3A_47 = arith.constant 128 : i32
      %mul3A_48 = arith.muli %scan3A_46, %mul3A_47 : i32
      %add3A_49 = arith.addi %mul3A_16, %mul3A_48 : i32
      "tpu.region"() ({
        %run_scoped3A = tpu.sem_alloc : memref<!tpu.dma_semaphore, #tpu.memory_space<semaphore_mem>>
        %dma_start3A = tpu.memref_slice %arg2[%add3A_49] : memref<321536xi32, #tpu.memory_space<hbm>> -> memref<128xi32, #tpu.memory_space<hbm>>
        %dma_start3A_185 = tpu.memref_slice %arg2[%add3A_49] : memref<321536xi32, #tpu.memory_space<hbm>> -> memref<128xi32, #tpu.memory_space<hbm>>
        tpu.enqueue_dma source(%dma_start3A_185 : memref<128xi32, #tpu.memory_space<hbm>>) target(%arg13 : memref<128xi32, #tpu.memory_space<vmem>>) target_semaphore(%run_scoped3A : memref<!tpu.dma_semaphore, #tpu.memory_space<semaphore_mem>>)
        %dma_wait3A = tpu.memref_slice %arg2[%add3A_49] : memref<321536xi32, #tpu.memory_space<hbm>> -> memref<128xi32, #tpu.memory_space<hbm>>
        %dma_wait3A_186 = tpu.memref_slice %arg2[%add3A_49] : memref<321536xi32, #tpu.memory_space<hbm>> -> memref<128xi32, #tpu.memory_space<hbm>>
        tpu.wait_dma2 semaphore(%run_scoped3A : memref<!tpu.dma_semaphore, #tpu.memory_space<semaphore_mem>>) src(%dma_wait3A_186 : memref<128xi32, #tpu.memory_space<hbm>>) dst(%arg13 : memref<128xi32, #tpu.memory_space<vmem>>)
        tpu.yield
      }) : () -> ()
      "tpu.region"() ({
        %run_scoped3A = tpu.sem_alloc : memref<!tpu.dma_semaphore, #tpu.memory_space<semaphore_mem>>
        %dma_start3A = tpu.memref_slice %arg3[%add3A_49] : memref<321536xi32, #tpu.memory_space<hbm>> -> memref<128xi32, #tpu.memory_space<hbm>>
        %dma_start3A_185 = tpu.memref_slice %arg3[%add3A_49] : memref<321536xi32, #tpu.memory_space<hbm>> -> memref<128xi32, #tpu.memory_space<hbm>>
        tpu.enqueue_dma source(%dma_start3A_185 : memref<128xi32, #tpu.memory_space<hbm>>) target(%arg14 : memref<128xi32, #tpu.memory_space<vmem>>) target_semaphore(%run_scoped3A : memref<!tpu.dma_semaphore, #tpu.memory_space<semaphore_mem>>)
        %dma_wait3A = tpu.memref_slice %arg3[%add3A_49] : memref<321536xi32, #tpu.memory_space<hbm>> -> memref<128xi32, #tpu.memory_space<hbm>>
        %dma_wait3A_186 = tpu.memref_slice %arg3[%add3A_49] : memref<321536xi32, #tpu.memory_space<hbm>> -> memref<128xi32, #tpu.memory_space<hbm>>
        tpu.wait_dma2 semaphore(%run_scoped3A : memref<!tpu.dma_semaphore, #tpu.memory_space<semaphore_mem>>) src(%dma_wait3A_186 : memref<128xi32, #tpu.memory_space<hbm>>) dst(%arg14 : memref<128xi32, #tpu.memory_space<vmem>>)
        tpu.yield
      }) : () -> ()
      %eq3A = arith.constant 0 : i32
      %eq3A_50 = arith.cmpi eq, %arg0, %eq3A : i32
      %convert_element_type3A = arith.extui %eq3A_50 : i1 to i32
      %cond3A = arith.constant 0 : i32
      %cond3A_51 = arith.cmpi ne, %convert_element_type3A, %cond3A : i32
      scf.if %cond3A_51 {
        %dma_start3A = arith.constant 0 : i32
        %dma_start3A_185 = arith.constant 0 : i32
        %dma_start3A_186 = tpu.memref_slice %arg7[%dma_start3A, %dma_start3A_185] : memref<10240x80xf32, #tpu.memory_space<hbm>> -> memref<10240x80xf32, #tpu.memory_space<hbm>>
        tpu.enqueue_indirect_dma source(%dma_start3A_186 : memref<10240x80xf32, #tpu.memory_space<hbm>>) target(%arg16 : memref<128x80xf32, #tpu.memory_space<vmem>>) offsets(%arg13 : memref<128xi32, #tpu.memory_space<vmem>>) semaphore(%arg18 : memref<!tpu.dma_semaphore, #tpu.memory_space<semaphore_mem>>)
        %dma_wait3A = arith.constant 0 : i32
        %dma_wait3A_187 = arith.constant 0 : i32
        %dma_wait3A_188 = tpu.memref_slice %arg7[%dma_wait3A, %dma_wait3A_187] : memref<10240x80xf32, #tpu.memory_space<hbm>> -> memref<10240x80xf32, #tpu.memory_space<hbm>>
        tpu.wait_indirect_dma semaphore(%arg18 : memref<!tpu.dma_semaphore, #tpu.memory_space<semaphore_mem>>) src(%dma_wait3A_188 : memref<10240x80xf32, #tpu.memory_space<hbm>>) dst(%arg16 : memref<128x80xf32, #tpu.memory_space<vmem>>)
      } else {
      }
      %eq3A_52 = arith.constant 1 : i32
      %eq3A_53 = arith.cmpi eq, %arg0, %eq3A_52 : i32
      %convert_element_type3A_54 = arith.extui %eq3A_53 : i1 to i32
      %cond3A_55 = arith.constant 0 : i32
      %cond3A_56 = arith.cmpi ne, %convert_element_type3A_54, %cond3A_55 : i32
      scf.if %cond3A_56 {
        %dma_start3A = arith.constant 0 : i32
        %dma_start3A_185 = arith.constant 0 : i32
        %dma_start3A_186 = tpu.memref_slice %arg8[%dma_start3A, %dma_start3A_185] : memref<10240x80xf32, #tpu.memory_space<hbm>> -> memref<10240x80xf32, #tpu.memory_space<hbm>>
        tpu.enqueue_indirect_dma source(%dma_start3A_186 : memref<10240x80xf32, #tpu.memory_space<hbm>>) target(%arg16 : memref<128x80xf32, #tpu.memory_space<vmem>>) offsets(%arg13 : memref<128xi32, #tpu.memory_space<vmem>>) semaphore(%arg18 : memref<!tpu.dma_semaphore, #tpu.memory_space<semaphore_mem>>)
        %dma_wait3A = arith.constant 0 : i32
        %dma_wait3A_187 = arith.constant 0 : i32
        %dma_wait3A_188 = tpu.memref_slice %arg8[%dma_wait3A, %dma_wait3A_187] : memref<10240x80xf32, #tpu.memory_space<hbm>> -> memref<10240x80xf32, #tpu.memory_space<hbm>>
        tpu.wait_indirect_dma semaphore(%arg18 : memref<!tpu.dma_semaphore, #tpu.memory_space<semaphore_mem>>) src(%dma_wait3A_188 : memref<10240x80xf32, #tpu.memory_space<hbm>>) dst(%arg16 : memref<128x80xf32, #tpu.memory_space<vmem>>)
      } else {
      }
      %get3A = arith.constant 0 : index
      %get3A_57 = tpu.vector_load %arg13[%get3A] {strides = array<i32>} : memref<128xi32, #tpu.memory_space<vmem>>, vector<16xi32>,
      %get3A_58 = arith.constant 0 : index
      %get3A_59 = tpu.vector_load %arg14[%get3A_58] {strides = array<i32>} : memref<128xi32, #tpu.memory_space<vmem>>, vector<16xi32>,
      %gather3A = tpu.vector_load_idx %arg10[%get3A_57] : memref<10240xf32, #tpu.memory_space<vmem>>[vector<16xi32>], vector<16xf32>,
      %gather3A_60 = tpu.vector_load_idx %arg11[%get3A_59] : memref<10240xf32, #tpu.memory_space<vmem>>[vector<16xi32>], vector<16xf32>,
      %add3A_61 = arith.addf %gather3A, %gather3A_60 : vector<16xf32>
      %mul3A_62 = arith.constant 2.000000e-01 : f32
      %mul3A_63 = vector.broadcast %mul3A_62 : f32 to vector<16xf32>
      %mul3A_64 = arith.mulf %mul3A_63, %add3A_61 : vector<16xf32>
      %max3A = arith.maximumf %add3A_61, %mul3A_64 : vector<16xf32>
      %gather3A_65 = tpu.vector_load_idx %arg12[%get3A_59] : memref<10240xf32, #tpu.memory_space<vmem>>[vector<16xi32>], vector<16xf32>,
      %sub3A = arith.subf %max3A, %gather3A_65 : vector<16xf32>
      %exp3A = math.exp %sub3A : vector<16xf32>
      %swap3A = arith.constant 0 : index
      %swap3A_66 = tpu.vector_load %arg15[%swap3A] {strides = array<i32>} : memref<128xf32, #tpu.memory_space<vmem>>, vector<16xf32>,
      tpu.vector_store %arg15[%swap3A], %exp3A {strides = array<i32>} : memref<128xf32, #tpu.memory_space<vmem>>, vector<16xf32>,
      %get3A_67 = arith.constant 16 : index
      %get3A_68 = tpu.vector_load %arg13[%get3A_67] {strides = array<i32>} : memref<128xi32, #tpu.memory_space<vmem>>, vector<16xi32>,
      %get3A_69 = arith.constant 16 : index
      %get3A_70 = tpu.vector_load %arg14[%get3A_69] {strides = array<i32>} : memref<128xi32, #tpu.memory_space<vmem>>, vector<16xi32>,
      %gather3A_71 = tpu.vector_load_idx %arg10[%get3A_68] : memref<10240xf32, #tpu.memory_space<vmem>>[vector<16xi32>], vector<16xf32>,
      %gather3A_72 = tpu.vector_load_idx %arg11[%get3A_70] : memref<10240xf32, #tpu.memory_space<vmem>>[vector<16xi32>], vector<16xf32>,
      %add3A_73 = arith.addf %gather3A_71, %gather3A_72 : vector<16xf32>
      %mul3A_74 = arith.constant 2.000000e-01 : f32
      %mul3A_75 = vector.broadcast %mul3A_74 : f32 to vector<16xf32>
      %mul3A_76 = arith.mulf %mul3A_75, %add3A_73 : vector<16xf32>
      %max3A_77 = arith.maximumf %add3A_73, %mul3A_76 : vector<16xf32>
      %gather3A_78 = tpu.vector_load_idx %arg12[%get3A_70] : memref<10240xf32, #tpu.memory_space<vmem>>[vector<16xi32>], vector<16xf32>,
      %sub3A_79 = arith.subf %max3A_77, %gather3A_78 : vector<16xf32>
      %exp3A_80 = math.exp %sub3A_79 : vector<16xf32>
      %swap3A_81 = arith.constant 16 : index
      %swap3A_82 = tpu.vector_load %arg15[%swap3A_81] {strides = array<i32>} : memref<128xf32, #tpu.memory_space<vmem>>, vector<16xf32>,
      tpu.vector_store %arg15[%swap3A_81], %exp3A_80 {strides = array<i32>} : memref<128xf32, #tpu.memory_space<vmem>>, vector<16xf32>,
      %get3A_83 = arith.constant 32 : index
      %get3A_84 = tpu.vector_load %arg13[%get3A_83] {strides = array<i32>} : memref<128xi32, #tpu.memory_space<vmem>>, vector<16xi32>,
      %get3A_85 = arith.constant 32 : index
      %get3A_86 = tpu.vector_load %arg14[%get3A_85] {strides = array<i32>} : memref<128xi32, #tpu.memory_space<vmem>>, vector<16xi32>,
      %gather3A_87 = tpu.vector_load_idx %arg10[%get3A_84] : memref<10240xf32, #tpu.memory_space<vmem>>[vector<16xi32>], vector<16xf32>,
      %gather3A_88 = tpu.vector_load_idx %arg11[%get3A_86] : memref<10240xf32, #tpu.memory_space<vmem>>[vector<16xi32>], vector<16xf32>,
      %add3A_89 = arith.addf %gather3A_87, %gather3A_88 : vector<16xf32>
      %mul3A_90 = arith.constant 2.000000e-01 : f32
      %mul3A_91 = vector.broadcast %mul3A_90 : f32 to vector<16xf32>
      %mul3A_92 = arith.mulf %mul3A_91, %add3A_89 : vector<16xf32>
      %max3A_93 = arith.maximumf %add3A_89, %mul3A_92 : vector<16xf32>
      %gather3A_94 = tpu.vector_load_idx %arg12[%get3A_86] : memref<10240xf32, #tpu.memory_space<vmem>>[vector<16xi32>], vector<16xf32>,
      %sub3A_95 = arith.subf %max3A_93, %gather3A_94 : vector<16xf32>
      %exp3A_96 = math.exp %sub3A_95 : vector<16xf32>
      %swap3A_97 = arith.constant 32 : index
      %swap3A_98 = tpu.vector_load %arg15[%swap3A_97] {strides = array<i32>} : memref<128xf32, #tpu.memory_space<vmem>>, vector<16xf32>,
      tpu.vector_store %arg15[%swap3A_97], %exp3A_96 {strides = array<i32>} : memref<128xf32, #tpu.memory_space<vmem>>, vector<16xf32>,
      %get3A_99 = arith.constant 48 : index
      %get3A_100 = tpu.vector_load %arg13[%get3A_99] {strides = array<i32>} : memref<128xi32, #tpu.memory_space<vmem>>, vector<16xi32>,
      %get3A_101 = arith.constant 48 : index
      %get3A_102 = tpu.vector_load %arg14[%get3A_101] {strides = array<i32>} : memref<128xi32, #tpu.memory_space<vmem>>, vector<16xi32>,
      %gather3A_103 = tpu.vector_load_idx %arg10[%get3A_100] : memref<10240xf32, #tpu.memory_space<vmem>>[vector<16xi32>], vector<16xf32>,
      %gather3A_104 = tpu.vector_load_idx %arg11[%get3A_102] : memref<10240xf32, #tpu.memory_space<vmem>>[vector<16xi32>], vector<16xf32>,
      %add3A_105 = arith.addf %gather3A_103, %gather3A_104 : vector<16xf32>
      %mul3A_106 = arith.constant 2.000000e-01 : f32
      %mul3A_107 = vector.broadcast %mul3A_106 : f32 to vector<16xf32>
      %mul3A_108 = arith.mulf %mul3A_107, %add3A_105 : vector<16xf32>
      %max3A_109 = arith.maximumf %add3A_105, %mul3A_108 : vector<16xf32>
      %gather3A_110 = tpu.vector_load_idx %arg12[%get3A_102] : memref<10240xf32, #tpu.memory_space<vmem>>[vector<16xi32>], vector<16xf32>,
      %sub3A_111 = arith.subf %max3A_109, %gather3A_110 : vector<16xf32>
      %exp3A_112 = math.exp %sub3A_111 : vector<16xf32>
      %swap3A_113 = arith.constant 48 : index
      %swap3A_114 = tpu.vector_load %arg15[%swap3A_113] {strides = array<i32>} : memref<128xf32, #tpu.memory_space<vmem>>, vector<16xf32>,
      tpu.vector_store %arg15[%swap3A_113], %exp3A_112 {strides = array<i32>} : memref<128xf32, #tpu.memory_space<vmem>>, vector<16xf32>,
      %get3A_115 = arith.constant 64 : index
      %get3A_116 = tpu.vector_load %arg13[%get3A_115] {strides = array<i32>} : memref<128xi32, #tpu.memory_space<vmem>>, vector<16xi32>,
      %get3A_117 = arith.constant 64 : index
      %get3A_118 = tpu.vector_load %arg14[%get3A_117] {strides = array<i32>} : memref<128xi32, #tpu.memory_space<vmem>>, vector<16xi32>,
      %gather3A_119 = tpu.vector_load_idx %arg10[%get3A_116] : memref<10240xf32, #tpu.memory_space<vmem>>[vector<16xi32>], vector<16xf32>,
      %gather3A_120 = tpu.vector_load_idx %arg11[%get3A_118] : memref<10240xf32, #tpu.memory_space<vmem>>[vector<16xi32>], vector<16xf32>,
      %add3A_121 = arith.addf %gather3A_119, %gather3A_120 : vector<16xf32>
      %mul3A_122 = arith.constant 2.000000e-01 : f32
      %mul3A_123 = vector.broadcast %mul3A_122 : f32 to vector<16xf32>
      %mul3A_124 = arith.mulf %mul3A_123, %add3A_121 : vector<16xf32>
      %max3A_125 = arith.maximumf %add3A_121, %mul3A_124 : vector<16xf32>
      %gather3A_126 = tpu.vector_load_idx %arg12[%get3A_118] : memref<10240xf32, #tpu.memory_space<vmem>>[vector<16xi32>], vector<16xf32>,
      %sub3A_127 = arith.subf %max3A_125, %gather3A_126 : vector<16xf32>
      %exp3A_128 = math.exp %sub3A_127 : vector<16xf32>
      %swap3A_129 = arith.constant 64 : index
      %swap3A_130 = tpu.vector_load %arg15[%swap3A_129] {strides = array<i32>} : memref<128xf32, #tpu.memory_space<vmem>>, vector<16xf32>,
      tpu.vector_store %arg15[%swap3A_129], %exp3A_128 {strides = array<i32>} : memref<128xf32, #tpu.memory_space<vmem>>, vector<16xf32>,
      %get3A_131 = arith.constant 80 : index
      %get3A_132 = tpu.vector_load %arg13[%get3A_131] {strides = array<i32>} : memref<128xi32, #tpu.memory_space<vmem>>, vector<16xi32>,
      %get3A_133 = arith.constant 80 : index
      %get3A_134 = tpu.vector_load %arg14[%get3A_133] {strides = array<i32>} : memref<128xi32, #tpu.memory_space<vmem>>, vector<16xi32>,
      %gather3A_135 = tpu.vector_load_idx %arg10[%get3A_132] : memref<10240xf32, #tpu.memory_space<vmem>>[vector<16xi32>], vector<16xf32>,
      %gather3A_136 = tpu.vector_load_idx %arg11[%get3A_134] : memref<10240xf32, #tpu.memory_space<vmem>>[vector<16xi32>], vector<16xf32>,
      %add3A_137 = arith.addf %gather3A_135, %gather3A_136 : vector<16xf32>
      %mul3A_138 = arith.constant 2.000000e-01 : f32
      %mul3A_139 = vector.broadcast %mul3A_138 : f32 to vector<16xf32>
      %mul3A_140 = arith.mulf %mul3A_139, %add3A_137 : vector<16xf32>
      %max3A_141 = arith.maximumf %add3A_137, %mul3A_140 : vector<16xf32>
      %gather3A_142 = tpu.vector_load_idx %arg12[%get3A_134] : memref<10240xf32, #tpu.memory_space<vmem>>[vector<16xi32>], vector<16xf32>,
      %sub3A_143 = arith.subf %max3A_141, %gather3A_142 : vector<16xf32>
      %exp3A_144 = math.exp %sub3A_143 : vector<16xf32>
      %swap3A_145 = arith.constant 80 : index
      %swap3A_146 = tpu.vector_load %arg15[%swap3A_145] {strides = array<i32>} : memref<128xf32, #tpu.memory_space<vmem>>, vector<16xf32>,
      tpu.vector_store %arg15[%swap3A_145], %exp3A_144 {strides = array<i32>} : memref<128xf32, #tpu.memory_space<vmem>>, vector<16xf32>,
      %get3A_147 = arith.constant 96 : index
      %get3A_148 = tpu.vector_load %arg13[%get3A_147] {strides = array<i32>} : memref<128xi32, #tpu.memory_space<vmem>>, vector<16xi32>,
      %get3A_149 = arith.constant 96 : index
      %get3A_150 = tpu.vector_load %arg14[%get3A_149] {strides = array<i32>} : memref<128xi32, #tpu.memory_space<vmem>>, vector<16xi32>,
      %gather3A_151 = tpu.vector_load_idx %arg10[%get3A_148] : memref<10240xf32, #tpu.memory_space<vmem>>[vector<16xi32>], vector<16xf32>,
      %gather3A_152 = tpu.vector_load_idx %arg11[%get3A_150] : memref<10240xf32, #tpu.memory_space<vmem>>[vector<16xi32>], vector<16xf32>,
      %add3A_153 = arith.addf %gather3A_151, %gather3A_152 : vector<16xf32>
      %mul3A_154 = arith.constant 2.000000e-01 : f32
      %mul3A_155 = vector.broadcast %mul3A_154 : f32 to vector<16xf32>
      %mul3A_156 = arith.mulf %mul3A_155, %add3A_153 : vector<16xf32>
      %max3A_157 = arith.maximumf %add3A_153, %mul3A_156 : vector<16xf32>
      %gather3A_158 = tpu.vector_load_idx %arg12[%get3A_150] : memref<10240xf32, #tpu.memory_space<vmem>>[vector<16xi32>], vector<16xf32>,
      %sub3A_159 = arith.subf %max3A_157, %gather3A_158 : vector<16xf32>
      %exp3A_160 = math.exp %sub3A_159 : vector<16xf32>
      %swap3A_161 = arith.constant 96 : index
      %swap3A_162 = tpu.vector_load %arg15[%swap3A_161] {strides = array<i32>} : memref<128xf32, #tpu.memory_space<vmem>>, vector<16xf32>,
      tpu.vector_store %arg15[%swap3A_161], %exp3A_160 {strides = array<i32>} : memref<128xf32, #tpu.memory_space<vmem>>, vector<16xf32>,
      %get3A_163 = arith.constant 112 : index
      %get3A_164 = tpu.vector_load %arg13[%get3A_163] {strides = array<i32>} : memref<128xi32, #tpu.memory_space<vmem>>, vector<16xi32>,
      %get3A_165 = arith.constant 112 : index
      %get3A_166 = tpu.vector_load %arg14[%get3A_165] {strides = array<i32>} : memref<128xi32, #tpu.memory_space<vmem>>, vector<16xi32>,
      %gather3A_167 = tpu.vector_load_idx %arg10[%get3A_164] : memref<10240xf32, #tpu.memory_space<vmem>>[vector<16xi32>], vector<16xf32>,
      %gather3A_168 = tpu.vector_load_idx %arg11[%get3A_166] : memref<10240xf32, #tpu.memory_space<vmem>>[vector<16xi32>], vector<16xf32>,
      %add3A_169 = arith.addf %gather3A_167, %gather3A_168 : vector<16xf32>
      %mul3A_170 = arith.constant 2.000000e-01 : f32
      %mul3A_171 = vector.broadcast %mul3A_170 : f32 to vector<16xf32>
      %mul3A_172 = arith.mulf %mul3A_171, %add3A_169 : vector<16xf32>
      %max3A_173 = arith.maximumf %add3A_169, %mul3A_172 : vector<16xf32>
      %gather3A_174 = tpu.vector_load_idx %arg12[%get3A_166] : memref<10240xf32, #tpu.memory_space<vmem>>[vector<16xi32>], vector<16xf32>,
      %sub3A_175 = arith.subf %max3A_173, %gather3A_174 : vector<16xf32>
      %exp3A_176 = math.exp %sub3A_175 : vector<16xf32>
      %swap3A_177 = arith.constant 112 : index
      %swap3A_178 = tpu.vector_load %arg15[%swap3A_177] {strides = array<i32>} : memref<128xf32, #tpu.memory_space<vmem>>, vector<16xf32>,
      tpu.vector_store %arg15[%swap3A_177], %exp3A_176 {strides = array<i32>} : memref<128xf32, #tpu.memory_space<vmem>>, vector<16xf32>,
      %scan3A_179 = arith.constant 0 : i32
      %scan3A_180 = arith.constant 0 : i32
      %scan3A_181 = arith.constant 128 : i32
      %scan3A_182 = arith.addi %scan3A_180, %scan3A_181 : i32
      %scan3A_183 = arith.constant 1 : i32
      scf.for %scan3A_185 = %scan3A_180 to %scan3A_182 step %scan3A_183  : i32 {
        %broadcast_in_dim3A = vector.broadcast %scan3A_185 : i32 to vector<16xi32>
        %gather3A_186 = tpu.vector_load_idx %arg15[%broadcast_in_dim3A] : memref<128xf32, #tpu.memory_space<vmem>>[vector<16xi32>], vector<16xf32>,
        %get3A_187 = arith.index_cast %scan3A_185 : i32 to index
        %get3A_188 = arith.constant 0 : index
        %get3A_189 = tpu.vector_load %arg16[%get3A_187, %get3A_188] {strides = array<i32>} : memref<128x80xf32, #tpu.memory_space<vmem>>, vector<16xf32>,
        %mul3A_190 = arith.mulf %get3A_189, %gather3A_186 : vector<16xf32>
        %swap3A_191 = arith.index_cast %scan3A_185 : i32 to index
        %swap3A_192 = arith.constant 0 : index
        %swap3A_193 = tpu.vector_load %arg16[%swap3A_191, %swap3A_192] {strides = array<i32>} : memref<128x80xf32, #tpu.memory_space<vmem>>, vector<16xf32>,
        tpu.vector_store %arg16[%swap3A_191, %swap3A_192], %mul3A_190 {strides = array<i32>} : memref<128x80xf32, #tpu.memory_space<vmem>>, vector<16xf32>,
        %get3A_194 = arith.index_cast %scan3A_185 : i32 to index
        %get3A_195 = arith.constant 16 : index
        %get3A_196 = tpu.vector_load %arg16[%get3A_194, %get3A_195] {strides = array<i32>} : memref<128x80xf32, #tpu.memory_space<vmem>>, vector<16xf32>,
        %mul3A_197 = arith.mulf %get3A_196, %gather3A_186 : vector<16xf32>
        %swap3A_198 = arith.index_cast %scan3A_185 : i32 to index
        %swap3A_199 = arith.constant 16 : index
        %swap3A_200 = tpu.vector_load %arg16[%swap3A_198, %swap3A_199] {strides = array<i32>} : memref<128x80xf32, #tpu.memory_space<vmem>>, vector<16xf32>,
        tpu.vector_store %arg16[%swap3A_198, %swap3A_199], %mul3A_197 {strides = array<i32>} : memref<128x80xf32, #tpu.memory_space<vmem>>, vector<16xf32>,
        %get3A_201 = arith.index_cast %scan3A_185 : i32 to index
        %get3A_202 = arith.constant 32 : index
        %get3A_203 = tpu.vector_load %arg16[%get3A_201, %get3A_202] {strides = array<i32>} : memref<128x80xf32, #tpu.memory_space<vmem>>, vector<16xf32>,
        %mul3A_204 = arith.mulf %get3A_203, %gather3A_186 : vector<16xf32>
        %swap3A_205 = arith.index_cast %scan3A_185 : i32 to index
        %swap3A_206 = arith.constant 32 : index
        %swap3A_207 = tpu.vector_load %arg16[%swap3A_205, %swap3A_206] {strides = array<i32>} : memref<128x80xf32, #tpu.memory_space<vmem>>, vector<16xf32>,
        tpu.vector_store %arg16[%swap3A_205, %swap3A_206], %mul3A_204 {strides = array<i32>} : memref<128x80xf32, #tpu.memory_space<vmem>>, vector<16xf32>,
        %get3A_208 = arith.index_cast %scan3A_185 : i32 to index
        %get3A_209 = arith.constant 48 : index
        %get3A_210 = tpu.vector_load %arg16[%get3A_208, %get3A_209] {strides = array<i32>} : memref<128x80xf32, #tpu.memory_space<vmem>>, vector<16xf32>,
        %mul3A_211 = arith.mulf %get3A_210, %gather3A_186 : vector<16xf32>
        %swap3A_212 = arith.index_cast %scan3A_185 : i32 to index
        %swap3A_213 = arith.constant 48 : index
        %swap3A_214 = tpu.vector_load %arg16[%swap3A_212, %swap3A_213] {strides = array<i32>} : memref<128x80xf32, #tpu.memory_space<vmem>>, vector<16xf32>,
        tpu.vector_store %arg16[%swap3A_212, %swap3A_213], %mul3A_211 {strides = array<i32>} : memref<128x80xf32, #tpu.memory_space<vmem>>, vector<16xf32>,
        %get3A_215 = arith.index_cast %scan3A_185 : i32 to index
        %get3A_216 = arith.constant 64 : index
        %get3A_217 = tpu.vector_load %arg16[%get3A_215, %get3A_216] {strides = array<i32>} : memref<128x80xf32, #tpu.memory_space<vmem>>, vector<16xf32>,
        %mul3A_218 = arith.mulf %get3A_217, %gather3A_186 : vector<16xf32>
        %swap3A_219 = arith.index_cast %scan3A_185 : i32 to index
        %swap3A_220 = arith.constant 64 : index
        %swap3A_221 = tpu.vector_load %arg16[%swap3A_219, %swap3A_220] {strides = array<i32>} : memref<128x80xf32, #tpu.memory_space<vmem>>, vector<16xf32>,
        tpu.vector_store %arg16[%swap3A_219, %swap3A_220], %mul3A_218 {strides = array<i32>} : memref<128x80xf32, #tpu.memory_space<vmem>>, vector<16xf32>,
      }
      %scan3A_184 = arith.constant 128 : i32
      "tpu.region"() ({
        %run_scoped3A = tpu.sem_alloc : memref<!tpu.dma_semaphore, #tpu.memory_space<semaphore_mem>>
        %dma_start3A = arith.constant 0 : i32
        %dma_start3A_185 = arith.constant 0 : i32
        %dma_start3A_186 = tpu.memref_slice %arg17[%dma_start3A, %dma_start3A_185] : memref<10240x80xf32, #tpu.memory_space<vmem_shared>> -> memref<10240x80xf32, #tpu.memory_space<vmem_shared>>
        tpu.enqueue_indirect_dma source(%arg16 : memref<128x80xf32, #tpu.memory_space<vmem>>) target(%dma_start3A_186 : memref<10240x80xf32, #tpu.memory_space<vmem_shared>>) offsets(%arg14 : memref<128xi32, #tpu.memory_space<vmem>>) semaphore(%run_scoped3A : memref<!tpu.dma_semaphore, #tpu.memory_space<semaphore_mem>>) {add = true}
        %dma_wait3A = arith.constant 0 : i32
        %dma_wait3A_187 = arith.constant 0 : i32
        %dma_wait3A_188 = tpu.memref_slice %arg17[%dma_wait3A, %dma_wait3A_187] : memref<10240x80xf32, #tpu.memory_space<vmem_shared>> -> memref<10240x80xf32, #tpu.memory_space<vmem_shared>>
        tpu.wait_indirect_dma semaphore(%run_scoped3A : memref<!tpu.dma_semaphore, #tpu.memory_space<semaphore_mem>>) src(%arg16 : memref<128x80xf32, #tpu.memory_space<vmem>>) dst(%dma_wait3A_188 : memref<10240x80xf32, #tpu.memory_space<vmem_shared>>)
        tpu.yield
      }) : () -> ()
    }
    %scan3A_22 = arith.constant 157 : i32
    %barrier3A_23 = arith.constant 0 : index
    tpu.barrier barrier_id(%barrier3A_23)
    %mul3A_24 = arith.constant 640 : i32
    %mul3A_25 = arith.muli %arg1, %mul3A_24 : i32
    %add3A_26 = arith.constant 0 : i32
    %add3A_27 = arith.addi %mul3A_25, %add3A_26 : i32
    "tpu.region"() ({
      %run_scoped3A = tpu.sem_alloc : memref<!tpu.dma_semaphore, #tpu.memory_space<semaphore_mem>>
      %dma_start3A = arith.constant 0 : i32
      %dma_start3A_46 = tpu.memref_slice %arg17[%add3A_27, %dma_start3A] : memref<10240x80xf32, #tpu.memory_space<vmem_shared>> -> memref<128x80xf32, #tpu.memory_space<vmem_shared>>
      %dma_start3A_47 = arith.constant 0 : i32
      %dma_start3A_48 = tpu.memref_slice %arg17[%add3A_27, %dma_start3A_47] : memref<10240x80xf32, #tpu.memory_space<vmem_shared>> -> memref<128x80xf32, #tpu.memory_space<vmem_shared>>
      tpu.enqueue_dma source(%dma_start3A_48 : memref<128x80xf32, #tpu.memory_space<vmem_shared>>) target(%arg16 : memref<128x80xf32, #tpu.memory_space<vmem>>) target_semaphore(%run_scoped3A : memref<!tpu.dma_semaphore, #tpu.memory_space<semaphore_mem>>)
      %dma_wait3A = arith.constant 0 : i32
      %dma_wait3A_49 = tpu.memref_slice %arg17[%add3A_27, %dma_wait3A] : memref<10240x80xf32, #tpu.memory_space<vmem_shared>> -> memref<128x80xf32, #tpu.memory_space<vmem_shared>>
      %dma_wait3A_50 = arith.constant 0 : i32
      %dma_wait3A_51 = tpu.memref_slice %arg17[%add3A_27, %dma_wait3A_50] : memref<10240x80xf32, #tpu.memory_space<vmem_shared>> -> memref<128x80xf32, #tpu.memory_space<vmem_shared>>
      tpu.wait_dma2 semaphore(%run_scoped3A : memref<!tpu.dma_semaphore, #tpu.memory_space<semaphore_mem>>) src(%dma_wait3A_51 : memref<128x80xf32, #tpu.memory_space<vmem_shared>>) dst(%arg16 : memref<128x80xf32, #tpu.memory_space<vmem>>)
      tpu.yield
    }) : () -> ()
    %add3A_28 = arith.constant 0 : i32
    %add3A_29 = arith.addi %mul3A_25, %add3A_28 : i32
    "tpu.region"() ({
      %run_scoped3A = tpu.sem_alloc : memref<!tpu.dma_semaphore, #tpu.memory_space<semaphore_mem>>
      %dma_start3A = arith.constant 0 : i32
      %dma_start3A_46 = arith.constant 0 : i32
      %dma_start3A_47 = tpu.memref_slice %arg9[%arg0, %dma_start3A, %dma_start3A_46] : memref<2x10240x80xf32, #tpu.memory_space<hbm>> -> memref<1x10240x80xf32, #tpu.memory_space<hbm>>
      %dma_start3A_48 = tpu.memref_squeeze %dma_start3A_47 : memref<1x10240x80xf32, #tpu.memory_space<hbm>> -> memref<10240x80xf32, #tpu.memory_space<hbm>>
      %dma_start3A_49 = arith.constant 0 : i32
      %dma_start3A_50 = tpu.memref_slice %dma_start3A_48[%add3A_29, %dma_start3A_49] : memref<10240x80xf32, #tpu.memory_space<hbm>> -> memref<128x80xf32, #tpu.memory_space<hbm>>
      %dma_start3A_51 = arith.constant 0 : i32
      %dma_start3A_52 = arith.constant 0 : i32
      %dma_start3A_53 = tpu.memref_slice %arg9[%arg0, %dma_start3A_51, %dma_start3A_52] : memref<2x10240x80xf32, #tpu.memory_space<hbm>> -> memref<1x10240x80xf32, #tpu.memory_space<hbm>>
      %dma_start3A_54 = tpu.memref_squeeze %dma_start3A_53 : memref<1x10240x80xf32, #tpu.memory_space<hbm>> -> memref<10240x80xf32, #tpu.memory_space<hbm>>
      %dma_start3A_55 = arith.constant 0 : i32
      %dma_start3A_56 = tpu.memref_slice %dma_start3A_54[%add3A_29, %dma_start3A_55] : memref<10240x80xf32, #tpu.memory_space<hbm>> -> memref<128x80xf32, #tpu.memory_space<hbm>>
      tpu.enqueue_dma source(%arg16 : memref<128x80xf32, #tpu.memory_space<vmem>>) target(%dma_start3A_56 : memref<128x80xf32, #tpu.memory_space<hbm>>) target_semaphore(%run_scoped3A : memref<!tpu.dma_semaphore, #tpu.memory_space<semaphore_mem>>)
      %dma_wait3A = arith.constant 0 : i32
      %dma_wait3A_57 = arith.constant 0 : i32
      %dma_wait3A_58 = tpu.memref_slice %arg9[%arg0, %dma_wait3A, %dma_wait3A_57] : memref<2x10240x80xf32, #tpu.memory_space<hbm>> -> memref<1x10240x80xf32, #tpu.memory_space<hbm>>
      %dma_wait3A_59 = tpu.memref_squeeze %dma_wait3A_58 : memref<1x10240x80xf32, #tpu.memory_space<hbm>> -> memref<10240x80xf32, #tpu.memory_space<hbm>>
      %dma_wait3A_60 = arith.constant 0 : i32
      %dma_wait3A_61 = tpu.memref_slice %dma_wait3A_59[%add3A_29, %dma_wait3A_60] : memref<10240x80xf32, #tpu.memory_space<hbm>> -> memref<128x80xf32, #tpu.memory_space<hbm>>
      %dma_wait3A_62 = arith.constant 0 : i32
      %dma_wait3A_63 = arith.constant 0 : i32
      %dma_wait3A_64 = tpu.memref_slice %arg9[%arg0, %dma_wait3A_62, %dma_wait3A_63] : memref<2x10240x80xf32, #tpu.memory_space<hbm>> -> memref<1x10240x80xf32, #tpu.memory_space<hbm>>
      %dma_wait3A_65 = tpu.memref_squeeze %dma_wait3A_64 : memref<1x10240x80xf32, #tpu.memory_space<hbm>> -> memref<10240x80xf32, #tpu.memory_space<hbm>>
      %dma_wait3A_66 = arith.constant 0 : i32
      %dma_wait3A_67 = tpu.memref_slice %dma_wait3A_65[%add3A_29, %dma_wait3A_66] : memref<10240x80xf32, #tpu.memory_space<hbm>> -> memref<128x80xf32, #tpu.memory_space<hbm>>
      tpu.wait_dma2 semaphore(%run_scoped3A : memref<!tpu.dma_semaphore, #tpu.memory_space<semaphore_mem>>) src(%arg16 : memref<128x80xf32, #tpu.memory_space<vmem>>) dst(%dma_wait3A_67 : memref<128x80xf32, #tpu.memory_space<hbm>>)
      tpu.yield
    }) : () -> ()
    %add3A_30 = arith.constant 128 : i32
    %add3A_31 = arith.addi %mul3A_25, %add3A_30 : i32
    "tpu.region"() ({
      %run_scoped3A = tpu.sem_alloc : memref<!tpu.dma_semaphore, #tpu.memory_space<semaphore_mem>>
      %dma_start3A = arith.constant 0 : i32
      %dma_start3A_46 = tpu.memref_slice %arg17[%add3A_31, %dma_start3A] : memref<10240x80xf32, #tpu.memory_space<vmem_shared>> -> memref<128x80xf32, #tpu.memory_space<vmem_shared>>
      %dma_start3A_47 = arith.constant 0 : i32
      %dma_start3A_48 = tpu.memref_slice %arg17[%add3A_31, %dma_start3A_47] : memref<10240x80xf32, #tpu.memory_space<vmem_shared>> -> memref<128x80xf32, #tpu.memory_space<vmem_shared>>
      tpu.enqueue_dma source(%dma_start3A_48 : memref<128x80xf32, #tpu.memory_space<vmem_shared>>) target(%arg16 : memref<128x80xf32, #tpu.memory_space<vmem>>) target_semaphore(%run_scoped3A : memref<!tpu.dma_semaphore, #tpu.memory_space<semaphore_mem>>)
      %dma_wait3A = arith.constant 0 : i32
      %dma_wait3A_49 = tpu.memref_slice %arg17[%add3A_31, %dma_wait3A] : memref<10240x80xf32, #tpu.memory_space<vmem_shared>> -> memref<128x80xf32, #tpu.memory_space<vmem_shared>>
      %dma_wait3A_50 = arith.constant 0 : i32
      %dma_wait3A_51 = tpu.memref_slice %arg17[%add3A_31, %dma_wait3A_50] : memref<10240x80xf32, #tpu.memory_space<vmem_shared>> -> memref<128x80xf32, #tpu.memory_space<vmem_shared>>
      tpu.wait_dma2 semaphore(%run_scoped3A : memref<!tpu.dma_semaphore, #tpu.memory_space<semaphore_mem>>) src(%dma_wait3A_51 : memref<128x80xf32, #tpu.memory_space<vmem_shared>>) dst(%arg16 : memref<128x80xf32, #tpu.memory_space<vmem>>)
      tpu.yield
    }) : () -> ()
    %add3A_32 = arith.constant 128 : i32
    %add3A_33 = arith.addi %mul3A_25, %add3A_32 : i32
    "tpu.region"() ({
      %run_scoped3A = tpu.sem_alloc : memref<!tpu.dma_semaphore, #tpu.memory_space<semaphore_mem>>
      %dma_start3A = arith.constant 0 : i32
      %dma_start3A_46 = arith.constant 0 : i32
      %dma_start3A_47 = tpu.memref_slice %arg9[%arg0, %dma_start3A, %dma_start3A_46] : memref<2x10240x80xf32, #tpu.memory_space<hbm>> -> memref<1x10240x80xf32, #tpu.memory_space<hbm>>
      %dma_start3A_48 = tpu.memref_squeeze %dma_start3A_47 : memref<1x10240x80xf32, #tpu.memory_space<hbm>> -> memref<10240x80xf32, #tpu.memory_space<hbm>>
      %dma_start3A_49 = arith.constant 0 : i32
      %dma_start3A_50 = tpu.memref_slice %dma_start3A_48[%add3A_33, %dma_start3A_49] : memref<10240x80xf32, #tpu.memory_space<hbm>> -> memref<128x80xf32, #tpu.memory_space<hbm>>
      %dma_start3A_51 = arith.constant 0 : i32
      %dma_start3A_52 = arith.constant 0 : i32
      %dma_start3A_53 = tpu.memref_slice %arg9[%arg0, %dma_start3A_51, %dma_start3A_52] : memref<2x10240x80xf32, #tpu.memory_space<hbm>> -> memref<1x10240x80xf32, #tpu.memory_space<hbm>>
      %dma_start3A_54 = tpu.memref_squeeze %dma_start3A_53 : memref<1x10240x80xf32, #tpu.memory_space<hbm>> -> memref<10240x80xf32, #tpu.memory_space<hbm>>
      %dma_start3A_55 = arith.constant 0 : i32
      %dma_start3A_56 = tpu.memref_slice %dma_start3A_54[%add3A_33, %dma_start3A_55] : memref<10240x80xf32, #tpu.memory_space<hbm>> -> memref<128x80xf32, #tpu.memory_space<hbm>>
      tpu.enqueue_dma source(%arg16 : memref<128x80xf32, #tpu.memory_space<vmem>>) target(%dma_start3A_56 : memref<128x80xf32, #tpu.memory_space<hbm>>) target_semaphore(%run_scoped3A : memref<!tpu.dma_semaphore, #tpu.memory_space<semaphore_mem>>)
      %dma_wait3A = arith.constant 0 : i32
      %dma_wait3A_57 = arith.constant 0 : i32
      %dma_wait3A_58 = tpu.memref_slice %arg9[%arg0, %dma_wait3A, %dma_wait3A_57] : memref<2x10240x80xf32, #tpu.memory_space<hbm>> -> memref<1x10240x80xf32, #tpu.memory_space<hbm>>
      %dma_wait3A_59 = tpu.memref_squeeze %dma_wait3A_58 : memref<1x10240x80xf32, #tpu.memory_space<hbm>> -> memref<10240x80xf32, #tpu.memory_space<hbm>>
      %dma_wait3A_60 = arith.constant 0 : i32
      %dma_wait3A_61 = tpu.memref_slice %dma_wait3A_59[%add3A_33, %dma_wait3A_60] : memref<10240x80xf32, #tpu.memory_space<hbm>> -> memref<128x80xf32, #tpu.memory_space<hbm>>
      %dma_wait3A_62 = arith.constant 0 : i32
      %dma_wait3A_63 = arith.constant 0 : i32
      %dma_wait3A_64 = tpu.memref_slice %arg9[%arg0, %dma_wait3A_62, %dma_wait3A_63] : memref<2x10240x80xf32, #tpu.memory_space<hbm>> -> memref<1x10240x80xf32, #tpu.memory_space<hbm>>
      %dma_wait3A_65 = tpu.memref_squeeze %dma_wait3A_64 : memref<1x10240x80xf32, #tpu.memory_space<hbm>> -> memref<10240x80xf32, #tpu.memory_space<hbm>>
      %dma_wait3A_66 = arith.constant 0 : i32
      %dma_wait3A_67 = tpu.memref_slice %dma_wait3A_65[%add3A_33, %dma_wait3A_66] : memref<10240x80xf32, #tpu.memory_space<hbm>> -> memref<128x80xf32, #tpu.memory_space<hbm>>
      tpu.wait_dma2 semaphore(%run_scoped3A : memref<!tpu.dma_semaphore, #tpu.memory_space<semaphore_mem>>) src(%arg16 : memref<128x80xf32, #tpu.memory_space<vmem>>) dst(%dma_wait3A_67 : memref<128x80xf32, #tpu.memory_space<hbm>>)
      tpu.yield
    }) : () -> ()
    %add3A_34 = arith.constant 256 : i32
    %add3A_35 = arith.addi %mul3A_25, %add3A_34 : i32
    "tpu.region"() ({
      %run_scoped3A = tpu.sem_alloc : memref<!tpu.dma_semaphore, #tpu.memory_space<semaphore_mem>>
      %dma_start3A = arith.constant 0 : i32
      %dma_start3A_46 = tpu.memref_slice %arg17[%add3A_35, %dma_start3A] : memref<10240x80xf32, #tpu.memory_space<vmem_shared>> -> memref<128x80xf32, #tpu.memory_space<vmem_shared>>
      %dma_start3A_47 = arith.constant 0 : i32
      %dma_start3A_48 = tpu.memref_slice %arg17[%add3A_35, %dma_start3A_47] : memref<10240x80xf32, #tpu.memory_space<vmem_shared>> -> memref<128x80xf32, #tpu.memory_space<vmem_shared>>
      tpu.enqueue_dma source(%dma_start3A_48 : memref<128x80xf32, #tpu.memory_space<vmem_shared>>) target(%arg16 : memref<128x80xf32, #tpu.memory_space<vmem>>) target_semaphore(%run_scoped3A : memref<!tpu.dma_semaphore, #tpu.memory_space<semaphore_mem>>)
      %dma_wait3A = arith.constant 0 : i32
      %dma_wait3A_49 = tpu.memref_slice %arg17[%add3A_35, %dma_wait3A] : memref<10240x80xf32, #tpu.memory_space<vmem_shared>> -> memref<128x80xf32, #tpu.memory_space<vmem_shared>>
      %dma_wait3A_50 = arith.constant 0 : i32
      %dma_wait3A_51 = tpu.memref_slice %arg17[%add3A_35, %dma_wait3A_50] : memref<10240x80xf32, #tpu.memory_space<vmem_shared>> -> memref<128x80xf32, #tpu.memory_space<vmem_shared>>
      tpu.wait_dma2 semaphore(%run_scoped3A : memref<!tpu.dma_semaphore, #tpu.memory_space<semaphore_mem>>) src(%dma_wait3A_51 : memref<128x80xf32, #tpu.memory_space<vmem_shared>>) dst(%arg16 : memref<128x80xf32, #tpu.memory_space<vmem>>)
      tpu.yield
    }) : () -> ()
    %add3A_36 = arith.constant 256 : i32
    %add3A_37 = arith.addi %mul3A_25, %add3A_36 : i32
    "tpu.region"() ({
      %run_scoped3A = tpu.sem_alloc : memref<!tpu.dma_semaphore, #tpu.memory_space<semaphore_mem>>
      %dma_start3A = arith.constant 0 : i32
      %dma_start3A_46 = arith.constant 0 : i32
      %dma_start3A_47 = tpu.memref_slice %arg9[%arg0, %dma_start3A, %dma_start3A_46] : memref<2x10240x80xf32, #tpu.memory_space<hbm>> -> memref<1x10240x80xf32, #tpu.memory_space<hbm>>
      %dma_start3A_48 = tpu.memref_squeeze %dma_start3A_47 : memref<1x10240x80xf32, #tpu.memory_space<hbm>> -> memref<10240x80xf32, #tpu.memory_space<hbm>>
      %dma_start3A_49 = arith.constant 0 : i32
      %dma_start3A_50 = tpu.memref_slice %dma_start3A_48[%add3A_37, %dma_start3A_49] : memref<10240x80xf32, #tpu.memory_space<hbm>> -> memref<128x80xf32, #tpu.memory_space<hbm>>
      %dma_start3A_51 = arith.constant 0 : i32
      %dma_start3A_52 = arith.constant 0 : i32
      %dma_start3A_53 = tpu.memref_slice %arg9[%arg0, %dma_start3A_51, %dma_start3A_52] : memref<2x10240x80xf32, #tpu.memory_space<hbm>> -> memref<1x10240x80xf32, #tpu.memory_space<hbm>>
      %dma_start3A_54 = tpu.memref_squeeze %dma_start3A_53 : memref<1x10240x80xf32, #tpu.memory_space<hbm>> -> memref<10240x80xf32, #tpu.memory_space<hbm>>
      %dma_start3A_55 = arith.constant 0 : i32
      %dma_start3A_56 = tpu.memref_slice %dma_start3A_54[%add3A_37, %dma_start3A_55] : memref<10240x80xf32, #tpu.memory_space<hbm>> -> memref<128x80xf32, #tpu.memory_space<hbm>>
      tpu.enqueue_dma source(%arg16 : memref<128x80xf32, #tpu.memory_space<vmem>>) target(%dma_start3A_56 : memref<128x80xf32, #tpu.memory_space<hbm>>) target_semaphore(%run_scoped3A : memref<!tpu.dma_semaphore, #tpu.memory_space<semaphore_mem>>)
      %dma_wait3A = arith.constant 0 : i32
      %dma_wait3A_57 = arith.constant 0 : i32
      %dma_wait3A_58 = tpu.memref_slice %arg9[%arg0, %dma_wait3A, %dma_wait3A_57] : memref<2x10240x80xf32, #tpu.memory_space<hbm>> -> memref<1x10240x80xf32, #tpu.memory_space<hbm>>
      %dma_wait3A_59 = tpu.memref_squeeze %dma_wait3A_58 : memref<1x10240x80xf32, #tpu.memory_space<hbm>> -> memref<10240x80xf32, #tpu.memory_space<hbm>>
      %dma_wait3A_60 = arith.constant 0 : i32
      %dma_wait3A_61 = tpu.memref_slice %dma_wait3A_59[%add3A_37, %dma_wait3A_60] : memref<10240x80xf32, #tpu.memory_space<hbm>> -> memref<128x80xf32, #tpu.memory_space<hbm>>
      %dma_wait3A_62 = arith.constant 0 : i32
      %dma_wait3A_63 = arith.constant 0 : i32
      %dma_wait3A_64 = tpu.memref_slice %arg9[%arg0, %dma_wait3A_62, %dma_wait3A_63] : memref<2x10240x80xf32, #tpu.memory_space<hbm>> -> memref<1x10240x80xf32, #tpu.memory_space<hbm>>
      %dma_wait3A_65 = tpu.memref_squeeze %dma_wait3A_64 : memref<1x10240x80xf32, #tpu.memory_space<hbm>> -> memref<10240x80xf32, #tpu.memory_space<hbm>>
      %dma_wait3A_66 = arith.constant 0 : i32
      %dma_wait3A_67 = tpu.memref_slice %dma_wait3A_65[%add3A_37, %dma_wait3A_66] : memref<10240x80xf32, #tpu.memory_space<hbm>> -> memref<128x80xf32, #tpu.memory_space<hbm>>
      tpu.wait_dma2 semaphore(%run_scoped3A : memref<!tpu.dma_semaphore, #tpu.memory_space<semaphore_mem>>) src(%arg16 : memref<128x80xf32, #tpu.memory_space<vmem>>) dst(%dma_wait3A_67 : memref<128x80xf32, #tpu.memory_space<hbm>>)
      tpu.yield
    }) : () -> ()
    %add3A_38 = arith.constant 384 : i32
    %add3A_39 = arith.addi %mul3A_25, %add3A_38 : i32
    "tpu.region"() ({
      %run_scoped3A = tpu.sem_alloc : memref<!tpu.dma_semaphore, #tpu.memory_space<semaphore_mem>>
      %dma_start3A = arith.constant 0 : i32
      %dma_start3A_46 = tpu.memref_slice %arg17[%add3A_39, %dma_start3A] : memref<10240x80xf32, #tpu.memory_space<vmem_shared>> -> memref<128x80xf32, #tpu.memory_space<vmem_shared>>
      %dma_start3A_47 = arith.constant 0 : i32
      %dma_start3A_48 = tpu.memref_slice %arg17[%add3A_39, %dma_start3A_47] : memref<10240x80xf32, #tpu.memory_space<vmem_shared>> -> memref<128x80xf32, #tpu.memory_space<vmem_shared>>
      tpu.enqueue_dma source(%dma_start3A_48 : memref<128x80xf32, #tpu.memory_space<vmem_shared>>) target(%arg16 : memref<128x80xf32, #tpu.memory_space<vmem>>) target_semaphore(%run_scoped3A : memref<!tpu.dma_semaphore, #tpu.memory_space<semaphore_mem>>)
      %dma_wait3A = arith.constant 0 : i32
      %dma_wait3A_49 = tpu.memref_slice %arg17[%add3A_39, %dma_wait3A] : memref<10240x80xf32, #tpu.memory_space<vmem_shared>> -> memref<128x80xf32, #tpu.memory_space<vmem_shared>>
      %dma_wait3A_50 = arith.constant 0 : i32
      %dma_wait3A_51 = tpu.memref_slice %arg17[%add3A_39, %dma_wait3A_50] : memref<10240x80xf32, #tpu.memory_space<vmem_shared>> -> memref<128x80xf32, #tpu.memory_space<vmem_shared>>
      tpu.wait_dma2 semaphore(%run_scoped3A : memref<!tpu.dma_semaphore, #tpu.memory_space<semaphore_mem>>) src(%dma_wait3A_51 : memref<128x80xf32, #tpu.memory_space<vmem_shared>>) dst(%arg16 : memref<128x80xf32, #tpu.memory_space<vmem>>)
      tpu.yield
    }) : () -> ()
    %add3A_40 = arith.constant 384 : i32
    %add3A_41 = arith.addi %mul3A_25, %add3A_40 : i32
    "tpu.region"() ({
      %run_scoped3A = tpu.sem_alloc : memref<!tpu.dma_semaphore, #tpu.memory_space<semaphore_mem>>
      %dma_start3A = arith.constant 0 : i32
      %dma_start3A_46 = arith.constant 0 : i32
      %dma_start3A_47 = tpu.memref_slice %arg9[%arg0, %dma_start3A, %dma_start3A_46] : memref<2x10240x80xf32, #tpu.memory_space<hbm>> -> memref<1x10240x80xf32, #tpu.memory_space<hbm>>
      %dma_start3A_48 = tpu.memref_squeeze %dma_start3A_47 : memref<1x10240x80xf32, #tpu.memory_space<hbm>> -> memref<10240x80xf32, #tpu.memory_space<hbm>>
      %dma_start3A_49 = arith.constant 0 : i32
      %dma_start3A_50 = tpu.memref_slice %dma_start3A_48[%add3A_41, %dma_start3A_49] : memref<10240x80xf32, #tpu.memory_space<hbm>> -> memref<128x80xf32, #tpu.memory_space<hbm>>
      %dma_start3A_51 = arith.constant 0 : i32
      %dma_start3A_52 = arith.constant 0 : i32
      %dma_start3A_53 = tpu.memref_slice %arg9[%arg0, %dma_start3A_51, %dma_start3A_52] : memref<2x10240x80xf32, #tpu.memory_space<hbm>> -> memref<1x10240x80xf32, #tpu.memory_space<hbm>>
      %dma_start3A_54 = tpu.memref_squeeze %dma_start3A_53 : memref<1x10240x80xf32, #tpu.memory_space<hbm>> -> memref<10240x80xf32, #tpu.memory_space<hbm>>
      %dma_start3A_55 = arith.constant 0 : i32
      %dma_start3A_56 = tpu.memref_slice %dma_start3A_54[%add3A_41, %dma_start3A_55] : memref<10240x80xf32, #tpu.memory_space<hbm>> -> memref<128x80xf32, #tpu.memory_space<hbm>>
      tpu.enqueue_dma source(%arg16 : memref<128x80xf32, #tpu.memory_space<vmem>>) target(%dma_start3A_56 : memref<128x80xf32, #tpu.memory_space<hbm>>) target_semaphore(%run_scoped3A : memref<!tpu.dma_semaphore, #tpu.memory_space<semaphore_mem>>)
      %dma_wait3A = arith.constant 0 : i32
      %dma_wait3A_57 = arith.constant 0 : i32
      %dma_wait3A_58 = tpu.memref_slice %arg9[%arg0, %dma_wait3A, %dma_wait3A_57] : memref<2x10240x80xf32, #tpu.memory_space<hbm>> -> memref<1x10240x80xf32, #tpu.memory_space<hbm>>
      %dma_wait3A_59 = tpu.memref_squeeze %dma_wait3A_58 : memref<1x10240x80xf32, #tpu.memory_space<hbm>> -> memref<10240x80xf32, #tpu.memory_space<hbm>>
      %dma_wait3A_60 = arith.constant 0 : i32
      %dma_wait3A_61 = tpu.memref_slice %dma_wait3A_59[%add3A_41, %dma_wait3A_60] : memref<10240x80xf32, #tpu.memory_space<hbm>> -> memref<128x80xf32, #tpu.memory_space<hbm>>
      %dma_wait3A_62 = arith.constant 0 : i32
      %dma_wait3A_63 = arith.constant 0 : i32
      %dma_wait3A_64 = tpu.memref_slice %arg9[%arg0, %dma_wait3A_62, %dma_wait3A_63] : memref<2x10240x80xf32, #tpu.memory_space<hbm>> -> memref<1x10240x80xf32, #tpu.memory_space<hbm>>
      %dma_wait3A_65 = tpu.memref_squeeze %dma_wait3A_64 : memref<1x10240x80xf32, #tpu.memory_space<hbm>> -> memref<10240x80xf32, #tpu.memory_space<hbm>>
      %dma_wait3A_66 = arith.constant 0 : i32
      %dma_wait3A_67 = tpu.memref_slice %dma_wait3A_65[%add3A_41, %dma_wait3A_66] : memref<10240x80xf32, #tpu.memory_space<hbm>> -> memref<128x80xf32, #tpu.memory_space<hbm>>
      tpu.wait_dma2 semaphore(%run_scoped3A : memref<!tpu.dma_semaphore, #tpu.memory_space<semaphore_mem>>) src(%arg16 : memref<128x80xf32, #tpu.memory_space<vmem>>) dst(%dma_wait3A_67 : memref<128x80xf32, #tpu.memory_space<hbm>>)
      tpu.yield
    }) : () -> ()
    %add3A_42 = arith.constant 512 : i32
    %add3A_43 = arith.addi %mul3A_25, %add3A_42 : i32
    "tpu.region"() ({
      %run_scoped3A = tpu.sem_alloc : memref<!tpu.dma_semaphore, #tpu.memory_space<semaphore_mem>>
      %dma_start3A = arith.constant 0 : i32
      %dma_start3A_46 = tpu.memref_slice %arg17[%add3A_43, %dma_start3A] : memref<10240x80xf32, #tpu.memory_space<vmem_shared>> -> memref<128x80xf32, #tpu.memory_space<vmem_shared>>
      %dma_start3A_47 = arith.constant 0 : i32
      %dma_start3A_48 = tpu.memref_slice %arg17[%add3A_43, %dma_start3A_47] : memref<10240x80xf32, #tpu.memory_space<vmem_shared>> -> memref<128x80xf32, #tpu.memory_space<vmem_shared>>
      tpu.enqueue_dma source(%dma_start3A_48 : memref<128x80xf32, #tpu.memory_space<vmem_shared>>) target(%arg16 : memref<128x80xf32, #tpu.memory_space<vmem>>) target_semaphore(%run_scoped3A : memref<!tpu.dma_semaphore, #tpu.memory_space<semaphore_mem>>)
      %dma_wait3A = arith.constant 0 : i32
      %dma_wait3A_49 = tpu.memref_slice %arg17[%add3A_43, %dma_wait3A] : memref<10240x80xf32, #tpu.memory_space<vmem_shared>> -> memref<128x80xf32, #tpu.memory_space<vmem_shared>>
      %dma_wait3A_50 = arith.constant 0 : i32
      %dma_wait3A_51 = tpu.memref_slice %arg17[%add3A_43, %dma_wait3A_50] : memref<10240x80xf32, #tpu.memory_space<vmem_shared>> -> memref<128x80xf32, #tpu.memory_space<vmem_shared>>
      tpu.wait_dma2 semaphore(%run_scoped3A : memref<!tpu.dma_semaphore, #tpu.memory_space<semaphore_mem>>) src(%dma_wait3A_51 : memref<128x80xf32, #tpu.memory_space<vmem_shared>>) dst(%arg16 : memref<128x80xf32, #tpu.memory_space<vmem>>)
      tpu.yield
    }) : () -> ()
    %add3A_44 = arith.constant 512 : i32
    %add3A_45 = arith.addi %mul3A_25, %add3A_44 : i32
    "tpu.region"() ({
      %run_scoped3A = tpu.sem_alloc : memref<!tpu.dma_semaphore, #tpu.memory_space<semaphore_mem>>
      %dma_start3A = arith.constant 0 : i32
      %dma_start3A_46 = arith.constant 0 : i32
      %dma_start3A_47 = tpu.memref_slice %arg9[%arg0, %dma_start3A, %dma_start3A_46] : memref<2x10240x80xf32, #tpu.memory_space<hbm>> -> memref<1x10240x80xf32, #tpu.memory_space<hbm>>
      %dma_start3A_48 = tpu.memref_squeeze %dma_start3A_47 : memref<1x10240x80xf32, #tpu.memory_space<hbm>> -> memref<10240x80xf32, #tpu.memory_space<hbm>>
      %dma_start3A_49 = arith.constant 0 : i32
      %dma_start3A_50 = tpu.memref_slice %dma_start3A_48[%add3A_45, %dma_start3A_49] : memref<10240x80xf32, #tpu.memory_space<hbm>> -> memref<128x80xf32, #tpu.memory_space<hbm>>
      %dma_start3A_51 = arith.constant 0 : i32
      %dma_start3A_52 = arith.constant 0 : i32
      %dma_start3A_53 = tpu.memref_slice %arg9[%arg0, %dma_start3A_51, %dma_start3A_52] : memref<2x10240x80xf32, #tpu.memory_space<hbm>> -> memref<1x10240x80xf32, #tpu.memory_space<hbm>>
      %dma_start3A_54 = tpu.memref_squeeze %dma_start3A_53 : memref<1x10240x80xf32, #tpu.memory_space<hbm>> -> memref<10240x80xf32, #tpu.memory_space<hbm>>
      %dma_start3A_55 = arith.constant 0 : i32
      %dma_start3A_56 = tpu.memref_slice %dma_start3A_54[%add3A_45, %dma_start3A_55] : memref<10240x80xf32, #tpu.memory_space<hbm>> -> memref<128x80xf32, #tpu.memory_space<hbm>>
      tpu.enqueue_dma source(%arg16 : memref<128x80xf32, #tpu.memory_space<vmem>>) target(%dma_start3A_56 : memref<128x80xf32, #tpu.memory_space<hbm>>) target_semaphore(%run_scoped3A : memref<!tpu.dma_semaphore, #tpu.memory_space<semaphore_mem>>)
      %dma_wait3A = arith.constant 0 : i32
      %dma_wait3A_57 = arith.constant 0 : i32
      %dma_wait3A_58 = tpu.memref_slice %arg9[%arg0, %dma_wait3A, %dma_wait3A_57] : memref<2x10240x80xf32, #tpu.memory_space<hbm>> -> memref<1x10240x80xf32, #tpu.memory_space<hbm>>
      %dma_wait3A_59 = tpu.memref_squeeze %dma_wait3A_58 : memref<1x10240x80xf32, #tpu.memory_space<hbm>> -> memref<10240x80xf32, #tpu.memory_space<hbm>>
      %dma_wait3A_60 = arith.constant 0 : i32
      %dma_wait3A_61 = tpu.memref_slice %dma_wait3A_59[%add3A_45, %dma_wait3A_60] : memref<10240x80xf32, #tpu.memory_space<hbm>> -> memref<128x80xf32, #tpu.memory_space<hbm>>
      %dma_wait3A_62 = arith.constant 0 : i32
      %dma_wait3A_63 = arith.constant 0 : i32
      %dma_wait3A_64 = tpu.memref_slice %arg9[%arg0, %dma_wait3A_62, %dma_wait3A_63] : memref<2x10240x80xf32, #tpu.memory_space<hbm>> -> memref<1x10240x80xf32, #tpu.memory_space<hbm>>
      %dma_wait3A_65 = tpu.memref_squeeze %dma_wait3A_64 : memref<1x10240x80xf32, #tpu.memory_space<hbm>> -> memref<10240x80xf32, #tpu.memory_space<hbm>>
      %dma_wait3A_66 = arith.constant 0 : i32
      %dma_wait3A_67 = tpu.memref_slice %dma_wait3A_65[%add3A_45, %dma_wait3A_66] : memref<10240x80xf32, #tpu.memory_space<hbm>> -> memref<128x80xf32, #tpu.memory_space<hbm>>
      tpu.wait_dma2 semaphore(%run_scoped3A : memref<!tpu.dma_semaphore, #tpu.memory_space<semaphore_mem>>) src(%arg16 : memref<128x80xf32, #tpu.memory_space<vmem>>) dst(%dma_wait3A_67 : memref<128x80xf32, #tpu.memory_space<hbm>>)
      tpu.yield
    }) : () -> ()
    return
  }
}

#map = affine_map<(d0, d1) -> (0)>
#map1 = affine_map<(d0, d1) -> (0, 0)>
#map2 = affine_map<(d0, d1) -> (0, 0, 0)>
module attributes {stable_mosaic.version = 14 : i64} {
  func.func @k(%arg0: i32, %arg1: i32, %arg2: memref<321536xi32, #tpu.memory_space<hbm>>, %arg3: memref<321536xi32, #tpu.memory_space<hbm>>, %arg4: memref<10240xf32, #tpu.memory_space<hbm>>, %arg5: memref<10240xf32, #tpu.memory_space<hbm>>, %arg6: memref<10240xf32, #tpu.memory_space<hbm>>, %arg7: memref<10240x80xf32, #tpu.memory_space<hbm>>, %arg8: memref<10240x80xf32, #tpu.memory_space<hbm>>, %arg9: memref<2x10240x80xf32, #tpu.memory_space<hbm>>, %arg10: memref<10240xf32, #tpu.memory_space<vmem>>, %arg11: memref<10240xf32, #tpu.memory_space<vmem>>, %arg12: memref<10240xf32, #tpu.memory_space<vmem>>, %arg13: memref<128xi32, #tpu.memory_space<vmem>>, %arg14: memref<128xi32, #tpu.memory_space<vmem>>, %arg15: memref<128xf32, #tpu.memory_space<vmem>>, %arg16: memref<128x80xf32, #tpu.memory_space<vmem>>, %arg17: memref<10240x80xf32, #tpu.memory_space<vmem_shared>>, %arg18: memref<!tpu.dma_semaphore, #tpu.memory_space<semaphore_mem>>) attributes {dimension_semantics = [#tpu.dimension_semantics<core_parallel>, #tpu.dimension_semantics<subcore_parallel>], iteration_bounds = array<i64: 2, 16>, scalar_prefetch = 0 : i64, scratch_operands = 9 : i64, tpu.core_type = #tpu.core_type<sc_vector_subcore>, window_params = [{transform_indices = #map}, {transform_indices = #map}, {transform_indices = #map}, {transform_indices = #map}, {transform_indices = #map}, {transform_indices = #map1}, {transform_indices = #map1}, {transform_indices = #map2}]} {
    %scan3A = arith.constant 0 : i32
    %scan3A_0 = arith.constant 0 : i32
    %scan3A_1 = arith.constant 128 : i32
    %scan3A_2 = arith.addi %scan3A_0, %scan3A_1 : i32
    %scan3A_3 = arith.constant 1 : i32
    scf.for %scan3A_46 = %scan3A_0 to %scan3A_2 step %scan3A_3  : i32 {
      %broadcast_in_dim3A = arith.constant 0.000000e+00 : f32
      %broadcast_in_dim3A_47 = vector.broadcast %broadcast_in_dim3A : f32 to vector<16xf32>
      %swap3A = arith.index_cast %scan3A_46 : i32 to index
      %swap3A_48 = arith.constant 0 : index
      %swap3A_49 = tpu.vector_load %arg16[%swap3A, %swap3A_48] {strides = array<i32>} : memref<128x80xf32, #tpu.memory_space<vmem>>, vector<16xf32>,
      tpu.vector_store %arg16[%swap3A, %swap3A_48], %broadcast_in_dim3A_47 {strides = array<i32>} : memref<128x80xf32, #tpu.memory_space<vmem>>, vector<16xf32>,
      %broadcast_in_dim3A_50 = arith.constant 0.000000e+00 : f32
      %broadcast_in_dim3A_51 = vector.broadcast %broadcast_in_dim3A_50 : f32 to vector<16xf32>
      %swap3A_52 = arith.index_cast %scan3A_46 : i32 to index
      %swap3A_53 = arith.constant 16 : index
      %swap3A_54 = tpu.vector_load %arg16[%swap3A_52, %swap3A_53] {strides = array<i32>} : memref<128x80xf32, #tpu.memory_space<vmem>>, vector<16xf32>,
      tpu.vector_store %arg16[%swap3A_52, %swap3A_53], %broadcast_in_dim3A_51 {strides = array<i32>} : memref<128x80xf32, #tpu.memory_space<vmem>>, vector<16xf32>,
      %broadcast_in_dim3A_55 = arith.constant 0.000000e+00 : f32
      %broadcast_in_dim3A_56 = vector.broadcast %broadcast_in_dim3A_55 : f32 to vector<16xf32>
      %swap3A_57 = arith.index_cast %scan3A_46 : i32 to index
      %swap3A_58 = arith.constant 32 : index
      %swap3A_59 = tpu.vector_load %arg16[%swap3A_57, %swap3A_58] {strides = array<i32>} : memref<128x80xf32, #tpu.memory_space<vmem>>, vector<16xf32>,
      tpu.vector_store %arg16[%swap3A_57, %swap3A_58], %broadcast_in_dim3A_56 {strides = array<i32>} : memref<128x80xf32, #tpu.memory_space<vmem>>, vector<16xf32>,
      %broadcast_in_dim3A_60 = arith.constant 0.000000e+00 : f32
      %broadcast_in_dim3A_61 = vector.broadcast %broadcast_in_dim3A_60 : f32 to vector<16xf32>
      %swap3A_62 = arith.index_cast %scan3A_46 : i32 to index
      %swap3A_63 = arith.constant 48 : index
      %swap3A_64 = tpu.vector_load %arg16[%swap3A_62, %swap3A_63] {strides = array<i32>} : memref<128x80xf32, #tpu.memory_space<vmem>>, vector<16xf32>,
      tpu.vector_store %arg16[%swap3A_62, %swap3A_63], %broadcast_in_dim3A_61 {strides = array<i32>} : memref<128x80xf32, #tpu.memory_space<vmem>>, vector<16xf32>,
      %broadcast_in_dim3A_65 = arith.constant 0.000000e+00 : f32
      %broadcast_in_dim3A_66 = vector.broadcast %broadcast_in_dim3A_65 : f32 to vector<16xf32>
      %swap3A_67 = arith.index_cast %scan3A_46 : i32 to index
      %swap3A_68 = arith.constant 64 : index
      %swap3A_69 = tpu.vector_load %arg16[%swap3A_67, %swap3A_68] {strides = array<i32>} : memref<128x80xf32, #tpu.memory_space<vmem>>, vector<16xf32>,
      tpu.vector_store %arg16[%swap3A_67, %swap3A_68], %broadcast_in_dim3A_66 {strides = array<i32>} : memref<128x80xf32, #tpu.memory_space<vmem>>, vector<16xf32>,
    }
    %scan3A_4 = arith.constant 128 : i32
    %mul3A = arith.constant 640 : i32
    %mul3A_5 = arith.muli %arg1, %mul3A : i32
    %add3A = arith.constant 0 : i32
    %add3A_6 = arith.addi %mul3A_5, %add3A : i32
    "tpu.region"() ({
      %run_scoped3A = tpu.sem_alloc : memref<!tpu.dma_semaphore, #tpu.memory_space<semaphore_mem>>
      %dma_start3A = arith.constant 0 : i32
      %dma_start3A_46 = tpu.memref_slice %arg17[%add3A_6, %dma_start3A] : memref<10240x80xf32, #tpu.memory_space<vmem_shared>> -> memref<128x80xf32, #tpu.memory_space<vmem_shared>>
      %dma_start3A_47 = arith.constant 0 : i32
      %dma_start3A_48 = tpu.memref_slice %arg17[%add3A_6, %dma_start3A_47] : memref<10240x80xf32, #tpu.memory_space<vmem_shared>> -> memref<128x80xf32, #tpu.memory_space<vmem_shared>>
      tpu.enqueue_dma source(%arg16 : memref<128x80xf32, #tpu.memory_space<vmem>>) target(%dma_start3A_48 : memref<128x80xf32, #tpu.memory_space<vmem_shared>>) target_semaphore(%run_scoped3A : memref<!tpu.dma_semaphore, #tpu.memory_space<semaphore_mem>>)
      %dma_wait3A = arith.constant 0 : i32
      %dma_wait3A_49 = tpu.memref_slice %arg17[%add3A_6, %dma_wait3A] : memref<10240x80xf32, #tpu.memory_space<vmem_shared>> -> memref<128x80xf32, #tpu.memory_space<vmem_shared>>
      %dma_wait3A_50 = arith.constant 0 : i32
      %dma_wait3A_51 = tpu.memref_slice %arg17[%add3A_6, %dma_wait3A_50] : memref<10240x80xf32, #tpu.memory_space<vmem_shared>> -> memref<128x80xf32, #tpu.memory_space<vmem_shared>>
      tpu.wait_dma2 semaphore(%run_scoped3A : memref<!tpu.dma_semaphore, #tpu.memory_space<semaphore_mem>>) src(%arg16 : memref<128x80xf32, #tpu.memory_space<vmem>>) dst(%dma_wait3A_51 : memref<128x80xf32, #tpu.memory_space<vmem_shared>>)
      tpu.yield
    }) : () -> ()
    %add3A_7 = arith.constant 128 : i32
    %add3A_8 = arith.addi %mul3A_5, %add3A_7 : i32
    "tpu.region"() ({
      %run_scoped3A = tpu.sem_alloc : memref<!tpu.dma_semaphore, #tpu.memory_space<semaphore_mem>>
      %dma_start3A = arith.constant 0 : i32
      %dma_start3A_46 = tpu.memref_slice %arg17[%add3A_8, %dma_start3A] : memref<10240x80xf32, #tpu.memory_space<vmem_shared>> -> memref<128x80xf32, #tpu.memory_space<vmem_shared>>
      %dma_start3A_47 = arith.constant 0 : i32
      %dma_start3A_48 = tpu.memref_slice %arg17[%add3A_8, %dma_start3A_47] : memref<10240x80xf32, #tpu.memory_space<vmem_shared>> -> memref<128x80xf32, #tpu.memory_space<vmem_shared>>
      tpu.enqueue_dma source(%arg16 : memref<128x80xf32, #tpu.memory_space<vmem>>) target(%dma_start3A_48 : memref<128x80xf32, #tpu.memory_space<vmem_shared>>) target_semaphore(%run_scoped3A : memref<!tpu.dma_semaphore, #tpu.memory_space<semaphore_mem>>)
      %dma_wait3A = arith.constant 0 : i32
      %dma_wait3A_49 = tpu.memref_slice %arg17[%add3A_8, %dma_wait3A] : memref<10240x80xf32, #tpu.memory_space<vmem_shared>> -> memref<128x80xf32, #tpu.memory_space<vmem_shared>>
      %dma_wait3A_50 = arith.constant 0 : i32
      %dma_wait3A_51 = tpu.memref_slice %arg17[%add3A_8, %dma_wait3A_50] : memref<10240x80xf32, #tpu.memory_space<vmem_shared>> -> memref<128x80xf32, #tpu.memory_space<vmem_shared>>
      tpu.wait_dma2 semaphore(%run_scoped3A : memref<!tpu.dma_semaphore, #tpu.memory_space<semaphore_mem>>) src(%arg16 : memref<128x80xf32, #tpu.memory_space<vmem>>) dst(%dma_wait3A_51 : memref<128x80xf32, #tpu.memory_space<vmem_shared>>)
      tpu.yield
    }) : () -> ()
    %add3A_9 = arith.constant 256 : i32
    %add3A_10 = arith.addi %mul3A_5, %add3A_9 : i32
    "tpu.region"() ({
      %run_scoped3A = tpu.sem_alloc : memref<!tpu.dma_semaphore, #tpu.memory_space<semaphore_mem>>
      %dma_start3A = arith.constant 0 : i32
      %dma_start3A_46 = tpu.memref_slice %arg17[%add3A_10, %dma_start3A] : memref<10240x80xf32, #tpu.memory_space<vmem_shared>> -> memref<128x80xf32, #tpu.memory_space<vmem_shared>>
      %dma_start3A_47 = arith.constant 0 : i32
      %dma_start3A_48 = tpu.memref_slice %arg17[%add3A_10, %dma_start3A_47] : memref<10240x80xf32, #tpu.memory_space<vmem_shared>> -> memref<128x80xf32, #tpu.memory_space<vmem_shared>>
      tpu.enqueue_dma source(%arg16 : memref<128x80xf32, #tpu.memory_space<vmem>>) target(%dma_start3A_48 : memref<128x80xf32, #tpu.memory_space<vmem_shared>>) target_semaphore(%run_scoped3A : memref<!tpu.dma_semaphore, #tpu.memory_space<semaphore_mem>>)
      %dma_wait3A = arith.constant 0 : i32
      %dma_wait3A_49 = tpu.memref_slice %arg17[%add3A_10, %dma_wait3A] : memref<10240x80xf32, #tpu.memory_space<vmem_shared>> -> memref<128x80xf32, #tpu.memory_space<vmem_shared>>
      %dma_wait3A_50 = arith.constant 0 : i32
      %dma_wait3A_51 = tpu.memref_slice %arg17[%add3A_10, %dma_wait3A_50] : memref<10240x80xf32, #tpu.memory_space<vmem_shared>> -> memref<128x80xf32, #tpu.memory_space<vmem_shared>>
      tpu.wait_dma2 semaphore(%run_scoped3A : memref<!tpu.dma_semaphore, #tpu.memory_space<semaphore_mem>>) src(%arg16 : memref<128x80xf32, #tpu.memory_space<vmem>>) dst(%dma_wait3A_51 : memref<128x80xf32, #tpu.memory_space<vmem_shared>>)
      tpu.yield
    }) : () -> ()
    %add3A_11 = arith.constant 384 : i32
    %add3A_12 = arith.addi %mul3A_5, %add3A_11 : i32
    "tpu.region"() ({
      %run_scoped3A = tpu.sem_alloc : memref<!tpu.dma_semaphore, #tpu.memory_space<semaphore_mem>>
      %dma_start3A = arith.constant 0 : i32
      %dma_start3A_46 = tpu.memref_slice %arg17[%add3A_12, %dma_start3A] : memref<10240x80xf32, #tpu.memory_space<vmem_shared>> -> memref<128x80xf32, #tpu.memory_space<vmem_shared>>
      %dma_start3A_47 = arith.constant 0 : i32
      %dma_start3A_48 = tpu.memref_slice %arg17[%add3A_12, %dma_start3A_47] : memref<10240x80xf32, #tpu.memory_space<vmem_shared>> -> memref<128x80xf32, #tpu.memory_space<vmem_shared>>
      tpu.enqueue_dma source(%arg16 : memref<128x80xf32, #tpu.memory_space<vmem>>) target(%dma_start3A_48 : memref<128x80xf32, #tpu.memory_space<vmem_shared>>) target_semaphore(%run_scoped3A : memref<!tpu.dma_semaphore, #tpu.memory_space<semaphore_mem>>)
      %dma_wait3A = arith.constant 0 : i32
      %dma_wait3A_49 = tpu.memref_slice %arg17[%add3A_12, %dma_wait3A] : memref<10240x80xf32, #tpu.memory_space<vmem_shared>> -> memref<128x80xf32, #tpu.memory_space<vmem_shared>>
      %dma_wait3A_50 = arith.constant 0 : i32
      %dma_wait3A_51 = tpu.memref_slice %arg17[%add3A_12, %dma_wait3A_50] : memref<10240x80xf32, #tpu.memory_space<vmem_shared>> -> memref<128x80xf32, #tpu.memory_space<vmem_shared>>
      tpu.wait_dma2 semaphore(%run_scoped3A : memref<!tpu.dma_semaphore, #tpu.memory_space<semaphore_mem>>) src(%arg16 : memref<128x80xf32, #tpu.memory_space<vmem>>) dst(%dma_wait3A_51 : memref<128x80xf32, #tpu.memory_space<vmem_shared>>)
      tpu.yield
    }) : () -> ()
    %add3A_13 = arith.constant 512 : i32
    %add3A_14 = arith.addi %mul3A_5, %add3A_13 : i32
    "tpu.region"() ({
      %run_scoped3A = tpu.sem_alloc : memref<!tpu.dma_semaphore, #tpu.memory_space<semaphore_mem>>
      %dma_start3A = arith.constant 0 : i32
      %dma_start3A_46 = tpu.memref_slice %arg17[%add3A_14, %dma_start3A] : memref<10240x80xf32, #tpu.memory_space<vmem_shared>> -> memref<128x80xf32, #tpu.memory_space<vmem_shared>>
      %dma_start3A_47 = arith.constant 0 : i32
      %dma_start3A_48 = tpu.memref_slice %arg17[%add3A_14, %dma_start3A_47] : memref<10240x80xf32, #tpu.memory_space<vmem_shared>> -> memref<128x80xf32, #tpu.memory_space<vmem_shared>>
      tpu.enqueue_dma source(%arg16 : memref<128x80xf32, #tpu.memory_space<vmem>>) target(%dma_start3A_48 : memref<128x80xf32, #tpu.memory_space<vmem_shared>>) target_semaphore(%run_scoped3A : memref<!tpu.dma_semaphore, #tpu.memory_space<semaphore_mem>>)
      %dma_wait3A = arith.constant 0 : i32
      %dma_wait3A_49 = tpu.memref_slice %arg17[%add3A_14, %dma_wait3A] : memref<10240x80xf32, #tpu.memory_space<vmem_shared>> -> memref<128x80xf32, #tpu.memory_space<vmem_shared>>
      %dma_wait3A_50 = arith.constant 0 : i32
      %dma_wait3A_51 = tpu.memref_slice %arg17[%add3A_14, %dma_wait3A_50] : memref<10240x80xf32, #tpu.memory_space<vmem_shared>> -> memref<128x80xf32, #tpu.memory_space<vmem_shared>>
      tpu.wait_dma2 semaphore(%run_scoped3A : memref<!tpu.dma_semaphore, #tpu.memory_space<semaphore_mem>>) src(%arg16 : memref<128x80xf32, #tpu.memory_space<vmem>>) dst(%dma_wait3A_51 : memref<128x80xf32, #tpu.memory_space<vmem_shared>>)
      tpu.yield
    }) : () -> ()
    "tpu.region"() ({
      %run_scoped3A = tpu.sem_alloc : memref<!tpu.dma_semaphore, #tpu.memory_space<semaphore_mem>>
      tpu.enqueue_dma source(%arg4 : memref<10240xf32, #tpu.memory_space<hbm>>) target(%arg10 : memref<10240xf32, #tpu.memory_space<vmem>>) target_semaphore(%run_scoped3A : memref<!tpu.dma_semaphore, #tpu.memory_space<semaphore_mem>>)
      tpu.wait_dma2 semaphore(%run_scoped3A : memref<!tpu.dma_semaphore, #tpu.memory_space<semaphore_mem>>) src(%arg4 : memref<10240xf32, #tpu.memory_space<hbm>>) dst(%arg10 : memref<10240xf32, #tpu.memory_space<vmem>>)
      tpu.yield
    }) : () -> ()
    "tpu.region"() ({
      %run_scoped3A = tpu.sem_alloc : memref<!tpu.dma_semaphore, #tpu.memory_space<semaphore_mem>>
      tpu.enqueue_dma source(%arg5 : memref<10240xf32, #tpu.memory_space<hbm>>) target(%arg11 : memref<10240xf32, #tpu.memory_space<vmem>>) target_semaphore(%run_scoped3A : memref<!tpu.dma_semaphore, #tpu.memory_space<semaphore_mem>>)
      tpu.wait_dma2 semaphore(%run_scoped3A : memref<!tpu.dma_semaphore, #tpu.memory_space<semaphore_mem>>) src(%arg5 : memref<10240xf32, #tpu.memory_space<hbm>>) dst(%arg11 : memref<10240xf32, #tpu.memory_space<vmem>>)
      tpu.yield
    }) : () -> ()
    "tpu.region"() ({
      %run_scoped3A = tpu.sem_alloc : memref<!tpu.dma_semaphore, #tpu.memory_space<semaphore_mem>>
      tpu.enqueue_dma source(%arg6 : memref<10240xf32, #tpu.memory_space<hbm>>) target(%arg12 : memref<10240xf32, #tpu.memory_space<vmem>>) target_semaphore(%run_scoped3A : memref<!tpu.dma_semaphore, #tpu.memory_space<semaphore_mem>>)
      tpu.wait_dma2 semaphore(%run_scoped3A : memref<!tpu.dma_semaphore, #tpu.memory_space<semaphore_mem>>) src(%arg6 : memref<10240xf32, #tpu.memory_space<hbm>>) dst(%arg12 : memref<10240xf32, #tpu.memory_space<vmem>>)
      tpu.yield
    }) : () -> ()
    %barrier3A = arith.constant 0 : index
    tpu.barrier barrier_id(%barrier3A)
    %mul3A_15 = arith.constant 20096 : i32
    %mul3A_16 = arith.muli %arg1, %mul3A_15 : i32
    %scan3A_17 = arith.constant 0 : i32
    %scan3A_18 = arith.constant 0 : i32
    %scan3A_19 = arith.constant 157 : i32
    %scan3A_20 = arith.addi %scan3A_18, %scan3A_19 : i32
    %scan3A_21 = arith.constant 1 : i32
    scf.for %scan3A_46 = %scan3A_18 to %scan3A_20 step %scan3A_21  : i32 {
      %mul3A_47 = arith.constant 128 : i32
      %mul3A_48 = arith.muli %scan3A_46, %mul3A_47 : i32
      %add3A_49 = arith.addi %mul3A_16, %mul3A_48 : i32
      "tpu.region"() ({
        %run_scoped3A = tpu.sem_alloc : memref<!tpu.dma_semaphore, #tpu.memory_space<semaphore_mem>>
        %dma_start3A = tpu.memref_slice %arg2[%add3A_49] : memref<321536xi32, #tpu.memory_space<hbm>> -> memref<128xi32, #tpu.memory_space<hbm>>
        %dma_start3A_185 = tpu.memref_slice %arg2[%add3A_49] : memref<321536xi32, #tpu.memory_space<hbm>> -> memref<128xi32, #tpu.memory_space<hbm>>
        tpu.enqueue_dma source(%dma_start3A_185 : memref<128xi32, #tpu.memory_space<hbm>>) target(%arg13 : memref<128xi32, #tpu.memory_space<vmem>>) target_semaphore(%run_scoped3A : memref<!tpu.dma_semaphore, #tpu.memory_space<semaphore_mem>>)
        %dma_wait3A = tpu.memref_slice %arg2[%add3A_49] : memref<321536xi32, #tpu.memory_space<hbm>> -> memref<128xi32, #tpu.memory_space<hbm>>
        %dma_wait3A_186 = tpu.memref_slice %arg2[%add3A_49] : memref<321536xi32, #tpu.memory_space<hbm>> -> memref<128xi32, #tpu.memory_space<hbm>>
        tpu.wait_dma2 semaphore(%run_scoped3A : memref<!tpu.dma_semaphore, #tpu.memory_space<semaphore_mem>>) src(%dma_wait3A_186 : memref<128xi32, #tpu.memory_space<hbm>>) dst(%arg13 : memref<128xi32, #tpu.memory_space<vmem>>)
        tpu.yield
      }) : () -> ()
      "tpu.region"() ({
        %run_scoped3A = tpu.sem_alloc : memref<!tpu.dma_semaphore, #tpu.memory_space<semaphore_mem>>
        %dma_start3A = tpu.memref_slice %arg3[%add3A_49] : memref<321536xi32, #tpu.memory_space<hbm>> -> memref<128xi32, #tpu.memory_space<hbm>>
        %dma_start3A_185 = tpu.memref_slice %arg3[%add3A_49] : memref<321536xi32, #tpu.memory_space<hbm>> -> memref<128xi32, #tpu.memory_space<hbm>>
        tpu.enqueue_dma source(%dma_start3A_185 : memref<128xi32, #tpu.memory_space<hbm>>) target(%arg14 : memref<128xi32, #tpu.memory_space<vmem>>) target_semaphore(%run_scoped3A : memref<!tpu.dma_semaphore, #tpu.memory_space<semaphore_mem>>)
        %dma_wait3A = tpu.memref_slice %arg3[%add3A_49] : memref<321536xi32, #tpu.memory_space<hbm>> -> memref<128xi32, #tpu.memory_space<hbm>>
        %dma_wait3A_186 = tpu.memref_slice %arg3[%add3A_49] : memref<321536xi32, #tpu.memory_space<hbm>> -> memref<128xi32, #tpu.memory_space<hbm>>
        tpu.wait_dma2 semaphore(%run_scoped3A : memref<!tpu.dma_semaphore, #tpu.memory_space<semaphore_mem>>) src(%dma_wait3A_186 : memref<128xi32, #tpu.memory_space<hbm>>) dst(%arg14 : memref<128xi32, #tpu.memory_space<vmem>>)
        tpu.yield
      }) : () -> ()
      %eq3A = arith.constant 0 : i32
      %eq3A_50 = arith.cmpi eq, %arg0, %eq3A : i32
      %convert_element_type3A = arith.extui %eq3A_50 : i1 to i32
      %cond3A = arith.constant 0 : i32
      %cond3A_51 = arith.cmpi ne, %convert_element_type3A, %cond3A : i32
      scf.if %cond3A_51 {
        %dma_start3A = arith.constant 0 : i32
        %dma_start3A_185 = arith.constant 0 : i32
        %dma_start3A_186 = tpu.memref_slice %arg7[%dma_start3A, %dma_start3A_185] : memref<10240x80xf32, #tpu.memory_space<hbm>> -> memref<10240x80xf32, #tpu.memory_space<hbm>>
        tpu.enqueue_indirect_dma source(%dma_start3A_186 : memref<10240x80xf32, #tpu.memory_space<hbm>>) target(%arg16 : memref<128x80xf32, #tpu.memory_space<vmem>>) offsets(%arg13 : memref<128xi32, #tpu.memory_space<vmem>>) semaphore(%arg18 : memref<!tpu.dma_semaphore, #tpu.memory_space<semaphore_mem>>)
        %dma_wait3A = arith.constant 0 : i32
        %dma_wait3A_187 = arith.constant 0 : i32
        %dma_wait3A_188 = tpu.memref_slice %arg7[%dma_wait3A, %dma_wait3A_187] : memref<10240x80xf32, #tpu.memory_space<hbm>> -> memref<10240x80xf32, #tpu.memory_space<hbm>>
        tpu.wait_indirect_dma semaphore(%arg18 : memref<!tpu.dma_semaphore, #tpu.memory_space<semaphore_mem>>) src(%dma_wait3A_188 : memref<10240x80xf32, #tpu.memory_space<hbm>>) dst(%arg16 : memref<128x80xf32, #tpu.memory_space<vmem>>)
      } else {
      }
      %eq3A_52 = arith.constant 1 : i32
      %eq3A_53 = arith.cmpi eq, %arg0, %eq3A_52 : i32
      %convert_element_type3A_54 = arith.extui %eq3A_53 : i1 to i32
      %cond3A_55 = arith.constant 0 : i32
      %cond3A_56 = arith.cmpi ne, %convert_element_type3A_54, %cond3A_55 : i32
      scf.if %cond3A_56 {
        %dma_start3A = arith.constant 0 : i32
        %dma_start3A_185 = arith.constant 0 : i32
        %dma_start3A_186 = tpu.memref_slice %arg8[%dma_start3A, %dma_start3A_185] : memref<10240x80xf32, #tpu.memory_space<hbm>> -> memref<10240x80xf32, #tpu.memory_space<hbm>>
        tpu.enqueue_indirect_dma source(%dma_start3A_186 : memref<10240x80xf32, #tpu.memory_space<hbm>>) target(%arg16 : memref<128x80xf32, #tpu.memory_space<vmem>>) offsets(%arg13 : memref<128xi32, #tpu.memory_space<vmem>>) semaphore(%arg18 : memref<!tpu.dma_semaphore, #tpu.memory_space<semaphore_mem>>)
        %dma_wait3A = arith.constant 0 : i32
        %dma_wait3A_187 = arith.constant 0 : i32
        %dma_wait3A_188 = tpu.memref_slice %arg8[%dma_wait3A, %dma_wait3A_187] : memref<10240x80xf32, #tpu.memory_space<hbm>> -> memref<10240x80xf32, #tpu.memory_space<hbm>>
        tpu.wait_indirect_dma semaphore(%arg18 : memref<!tpu.dma_semaphore, #tpu.memory_space<semaphore_mem>>) src(%dma_wait3A_188 : memref<10240x80xf32, #tpu.memory_space<hbm>>) dst(%arg16 : memref<128x80xf32, #tpu.memory_space<vmem>>)
      } else {
      }
      %get3A = arith.constant 0 : index
      %get3A_57 = tpu.vector_load %arg13[%get3A] {strides = array<i32>} : memref<128xi32, #tpu.memory_space<vmem>>, vector<16xi32>,
      %get3A_58 = arith.constant 0 : index
      %get3A_59 = tpu.vector_load %arg14[%get3A_58] {strides = array<i32>} : memref<128xi32, #tpu.memory_space<vmem>>, vector<16xi32>,
      %gather3A = tpu.vector_load_idx %arg10[%get3A_57] : memref<10240xf32, #tpu.memory_space<vmem>>[vector<16xi32>], vector<16xf32>,
      %gather3A_60 = tpu.vector_load_idx %arg11[%get3A_59] : memref<10240xf32, #tpu.memory_space<vmem>>[vector<16xi32>], vector<16xf32>,
      %add3A_61 = arith.addf %gather3A, %gather3A_60 : vector<16xf32>
      %mul3A_62 = arith.constant 2.000000e-01 : f32
      %mul3A_63 = vector.broadcast %mul3A_62 : f32 to vector<16xf32>
      %mul3A_64 = arith.mulf %mul3A_63, %add3A_61 : vector<16xf32>
      %max3A = arith.maximumf %add3A_61, %mul3A_64 : vector<16xf32>
      %gather3A_65 = tpu.vector_load_idx %arg12[%get3A_59] : memref<10240xf32, #tpu.memory_space<vmem>>[vector<16xi32>], vector<16xf32>,
      %sub3A = arith.subf %max3A, %gather3A_65 : vector<16xf32>
      %exp3A = math.exp %sub3A : vector<16xf32>
      %swap3A = arith.constant 0 : index
      %swap3A_66 = tpu.vector_load %arg15[%swap3A] {strides = array<i32>} : memref<128xf32, #tpu.memory_space<vmem>>, vector<16xf32>,
      tpu.vector_store %arg15[%swap3A], %exp3A {strides = array<i32>} : memref<128xf32, #tpu.memory_space<vmem>>, vector<16xf32>,
      %get3A_67 = arith.constant 16 : index
      %get3A_68 = tpu.vector_load %arg13[%get3A_67] {strides = array<i32>} : memref<128xi32, #tpu.memory_space<vmem>>, vector<16xi32>,
      %get3A_69 = arith.constant 16 : index
      %get3A_70 = tpu.vector_load %arg14[%get3A_69] {strides = array<i32>} : memref<128xi32, #tpu.memory_space<vmem>>, vector<16xi32>,
      %gather3A_71 = tpu.vector_load_idx %arg10[%get3A_68] : memref<10240xf32, #tpu.memory_space<vmem>>[vector<16xi32>], vector<16xf32>,
      %gather3A_72 = tpu.vector_load_idx %arg11[%get3A_70] : memref<10240xf32, #tpu.memory_space<vmem>>[vector<16xi32>], vector<16xf32>,
      %add3A_73 = arith.addf %gather3A_71, %gather3A_72 : vector<16xf32>
      %mul3A_74 = arith.constant 2.000000e-01 : f32
      %mul3A_75 = vector.broadcast %mul3A_74 : f32 to vector<16xf32>
      %mul3A_76 = arith.mulf %mul3A_75, %add3A_73 : vector<16xf32>
      %max3A_77 = arith.maximumf %add3A_73, %mul3A_76 : vector<16xf32>
      %gather3A_78 = tpu.vector_load_idx %arg12[%get3A_70] : memref<10240xf32, #tpu.memory_space<vmem>>[vector<16xi32>], vector<16xf32>,
      %sub3A_79 = arith.subf %max3A_77, %gather3A_78 : vector<16xf32>
      %exp3A_80 = math.exp %sub3A_79 : vector<16xf32>
      %swap3A_81 = arith.constant 16 : index
      %swap3A_82 = tpu.vector_load %arg15[%swap3A_81] {strides = array<i32>} : memref<128xf32, #tpu.memory_space<vmem>>, vector<16xf32>,
      tpu.vector_store %arg15[%swap3A_81], %exp3A_80 {strides = array<i32>} : memref<128xf32, #tpu.memory_space<vmem>>, vector<16xf32>,
      %get3A_83 = arith.constant 32 : index
      %get3A_84 = tpu.vector_load %arg13[%get3A_83] {strides = array<i32>} : memref<128xi32, #tpu.memory_space<vmem>>, vector<16xi32>,
      %get3A_85 = arith.constant 32 : index
      %get3A_86 = tpu.vector_load %arg14[%get3A_85] {strides = array<i32>} : memref<128xi32, #tpu.memory_space<vmem>>, vector<16xi32>,
      %gather3A_87 = tpu.vector_load_idx %arg10[%get3A_84] : memref<10240xf32, #tpu.memory_space<vmem>>[vector<16xi32>], vector<16xf32>,
      %gather3A_88 = tpu.vector_load_idx %arg11[%get3A_86] : memref<10240xf32, #tpu.memory_space<vmem>>[vector<16xi32>], vector<16xf32>,
      %add3A_89 = arith.addf %gather3A_87, %gather3A_88 : vector<16xf32>
      %mul3A_90 = arith.constant 2.000000e-01 : f32
      %mul3A_91 = vector.broadcast %mul3A_90 : f32 to vector<16xf32>
      %mul3A_92 = arith.mulf %mul3A_91, %add3A_89 : vector<16xf32>
      %max3A_93 = arith.maximumf %add3A_89, %mul3A_92 : vector<16xf32>
      %gather3A_94 = tpu.vector_load_idx %arg12[%get3A_86] : memref<10240xf32, #tpu.memory_space<vmem>>[vector<16xi32>], vector<16xf32>,
      %sub3A_95 = arith.subf %max3A_93, %gather3A_94 : vector<16xf32>
      %exp3A_96 = math.exp %sub3A_95 : vector<16xf32>
      %swap3A_97 = arith.constant 32 : index
      %swap3A_98 = tpu.vector_load %arg15[%swap3A_97] {strides = array<i32>} : memref<128xf32, #tpu.memory_space<vmem>>, vector<16xf32>,
      tpu.vector_store %arg15[%swap3A_97], %exp3A_96 {strides = array<i32>} : memref<128xf32, #tpu.memory_space<vmem>>, vector<16xf32>,
      %get3A_99 = arith.constant 48 : index
      %get3A_100 = tpu.vector_load %arg13[%get3A_99] {strides = array<i32>} : memref<128xi32, #tpu.memory_space<vmem>>, vector<16xi32>,
      %get3A_101 = arith.constant 48 : index
      %get3A_102 = tpu.vector_load %arg14[%get3A_101] {strides = array<i32>} : memref<128xi32, #tpu.memory_space<vmem>>, vector<16xi32>,
      %gather3A_103 = tpu.vector_load_idx %arg10[%get3A_100] : memref<10240xf32, #tpu.memory_space<vmem>>[vector<16xi32>], vector<16xf32>,
      %gather3A_104 = tpu.vector_load_idx %arg11[%get3A_102] : memref<10240xf32, #tpu.memory_space<vmem>>[vector<16xi32>], vector<16xf32>,
      %add3A_105 = arith.addf %gather3A_103, %gather3A_104 : vector<16xf32>
      %mul3A_106 = arith.constant 2.000000e-01 : f32
      %mul3A_107 = vector.broadcast %mul3A_106 : f32 to vector<16xf32>
      %mul3A_108 = arith.mulf %mul3A_107, %add3A_105 : vector<16xf32>
      %max3A_109 = arith.maximumf %add3A_105, %mul3A_108 : vector<16xf32>
      %gather3A_110 = tpu.vector_load_idx %arg12[%get3A_102] : memref<10240xf32, #tpu.memory_space<vmem>>[vector<16xi32>], vector<16xf32>,
      %sub3A_111 = arith.subf %max3A_109, %gather3A_110 : vector<16xf32>
      %exp3A_112 = math.exp %sub3A_111 : vector<16xf32>
      %swap3A_113 = arith.constant 48 : index
      %swap3A_114 = tpu.vector_load %arg15[%swap3A_113] {strides = array<i32>} : memref<128xf32, #tpu.memory_space<vmem>>, vector<16xf32>,
      tpu.vector_store %arg15[%swap3A_113], %exp3A_112 {strides = array<i32>} : memref<128xf32, #tpu.memory_space<vmem>>, vector<16xf32>,
      %get3A_115 = arith.constant 64 : index
      %get3A_116 = tpu.vector_load %arg13[%get3A_115] {strides = array<i32>} : memref<128xi32, #tpu.memory_space<vmem>>, vector<16xi32>,
      %get3A_117 = arith.constant 64 : index
      %get3A_118 = tpu.vector_load %arg14[%get3A_117] {strides = array<i32>} : memref<128xi32, #tpu.memory_space<vmem>>, vector<16xi32>,
      %gather3A_119 = tpu.vector_load_idx %arg10[%get3A_116] : memref<10240xf32, #tpu.memory_space<vmem>>[vector<16xi32>], vector<16xf32>,
      %gather3A_120 = tpu.vector_load_idx %arg11[%get3A_118] : memref<10240xf32, #tpu.memory_space<vmem>>[vector<16xi32>], vector<16xf32>,
      %add3A_121 = arith.addf %gather3A_119, %gather3A_120 : vector<16xf32>
      %mul3A_122 = arith.constant 2.000000e-01 : f32
      %mul3A_123 = vector.broadcast %mul3A_122 : f32 to vector<16xf32>
      %mul3A_124 = arith.mulf %mul3A_123, %add3A_121 : vector<16xf32>
      %max3A_125 = arith.maximumf %add3A_121, %mul3A_124 : vector<16xf32>
      %gather3A_126 = tpu.vector_load_idx %arg12[%get3A_118] : memref<10240xf32, #tpu.memory_space<vmem>>[vector<16xi32>], vector<16xf32>,
      %sub3A_127 = arith.subf %max3A_125, %gather3A_126 : vector<16xf32>
      %exp3A_128 = math.exp %sub3A_127 : vector<16xf32>
      %swap3A_129 = arith.constant 64 : index
      %swap3A_130 = tpu.vector_load %arg15[%swap3A_129] {strides = array<i32>} : memref<128xf32, #tpu.memory_space<vmem>>, vector<16xf32>,
      tpu.vector_store %arg15[%swap3A_129], %exp3A_128 {strides = array<i32>} : memref<128xf32, #tpu.memory_space<vmem>>, vector<16xf32>,
      %get3A_131 = arith.constant 80 : index
      %get3A_132 = tpu.vector_load %arg13[%get3A_131] {strides = array<i32>} : memref<128xi32, #tpu.memory_space<vmem>>, vector<16xi32>,
      %get3A_133 = arith.constant 80 : index
      %get3A_134 = tpu.vector_load %arg14[%get3A_133] {strides = array<i32>} : memref<128xi32, #tpu.memory_space<vmem>>, vector<16xi32>,
      %gather3A_135 = tpu.vector_load_idx %arg10[%get3A_132] : memref<10240xf32, #tpu.memory_space<vmem>>[vector<16xi32>], vector<16xf32>,
      %gather3A_136 = tpu.vector_load_idx %arg11[%get3A_134] : memref<10240xf32, #tpu.memory_space<vmem>>[vector<16xi32>], vector<16xf32>,
      %add3A_137 = arith.addf %gather3A_135, %gather3A_136 : vector<16xf32>
      %mul3A_138 = arith.constant 2.000000e-01 : f32
      %mul3A_139 = vector.broadcast %mul3A_138 : f32 to vector<16xf32>
      %mul3A_140 = arith.mulf %mul3A_139, %add3A_137 : vector<16xf32>
      %max3A_141 = arith.maximumf %add3A_137, %mul3A_140 : vector<16xf32>
      %gather3A_142 = tpu.vector_load_idx %arg12[%get3A_134] : memref<10240xf32, #tpu.memory_space<vmem>>[vector<16xi32>], vector<16xf32>,
      %sub3A_143 = arith.subf %max3A_141, %gather3A_142 : vector<16xf32>
      %exp3A_144 = math.exp %sub3A_143 : vector<16xf32>
      %swap3A_145 = arith.constant 80 : index
      %swap3A_146 = tpu.vector_load %arg15[%swap3A_145] {strides = array<i32>} : memref<128xf32, #tpu.memory_space<vmem>>, vector<16xf32>,
      tpu.vector_store %arg15[%swap3A_145], %exp3A_144 {strides = array<i32>} : memref<128xf32, #tpu.memory_space<vmem>>, vector<16xf32>,
      %get3A_147 = arith.constant 96 : index
      %get3A_148 = tpu.vector_load %arg13[%get3A_147] {strides = array<i32>} : memref<128xi32, #tpu.memory_space<vmem>>, vector<16xi32>,
      %get3A_149 = arith.constant 96 : index
      %get3A_150 = tpu.vector_load %arg14[%get3A_149] {strides = array<i32>} : memref<128xi32, #tpu.memory_space<vmem>>, vector<16xi32>,
      %gather3A_151 = tpu.vector_load_idx %arg10[%get3A_148] : memref<10240xf32, #tpu.memory_space<vmem>>[vector<16xi32>], vector<16xf32>,
      %gather3A_152 = tpu.vector_load_idx %arg11[%get3A_150] : memref<10240xf32, #tpu.memory_space<vmem>>[vector<16xi32>], vector<16xf32>,
      %add3A_153 = arith.addf %gather3A_151, %gather3A_152 : vector<16xf32>
      %mul3A_154 = arith.constant 2.000000e-01 : f32
      %mul3A_155 = vector.broadcast %mul3A_154 : f32 to vector<16xf32>
      %mul3A_156 = arith.mulf %mul3A_155, %add3A_153 : vector<16xf32>
      %max3A_157 = arith.maximumf %add3A_153, %mul3A_156 : vector<16xf32>
      %gather3A_158 = tpu.vector_load_idx %arg12[%get3A_150] : memref<10240xf32, #tpu.memory_space<vmem>>[vector<16xi32>], vector<16xf32>,
      %sub3A_159 = arith.subf %max3A_157, %gather3A_158 : vector<16xf32>
      %exp3A_160 = math.exp %sub3A_159 : vector<16xf32>
      %swap3A_161 = arith.constant 96 : index
      %swap3A_162 = tpu.vector_load %arg15[%swap3A_161] {strides = array<i32>} : memref<128xf32, #tpu.memory_space<vmem>>, vector<16xf32>,
      tpu.vector_store %arg15[%swap3A_161], %exp3A_160 {strides = array<i32>} : memref<128xf32, #tpu.memory_space<vmem>>, vector<16xf32>,
      %get3A_163 = arith.constant 112 : index
      %get3A_164 = tpu.vector_load %arg13[%get3A_163] {strides = array<i32>} : memref<128xi32, #tpu.memory_space<vmem>>, vector<16xi32>,
      %get3A_165 = arith.constant 112 : index
      %get3A_166 = tpu.vector_load %arg14[%get3A_165] {strides = array<i32>} : memref<128xi32, #tpu.memory_space<vmem>>, vector<16xi32>,
      %gather3A_167 = tpu.vector_load_idx %arg10[%get3A_164] : memref<10240xf32, #tpu.memory_space<vmem>>[vector<16xi32>], vector<16xf32>,
      %gather3A_168 = tpu.vector_load_idx %arg11[%get3A_166] : memref<10240xf32, #tpu.memory_space<vmem>>[vector<16xi32>], vector<16xf32>,
      %add3A_169 = arith.addf %gather3A_167, %gather3A_168 : vector<16xf32>
      %mul3A_170 = arith.constant 2.000000e-01 : f32
      %mul3A_171 = vector.broadcast %mul3A_170 : f32 to vector<16xf32>
      %mul3A_172 = arith.mulf %mul3A_171, %add3A_169 : vector<16xf32>
      %max3A_173 = arith.maximumf %add3A_169, %mul3A_172 : vector<16xf32>
      %gather3A_174 = tpu.vector_load_idx %arg12[%get3A_166] : memref<10240xf32, #tpu.memory_space<vmem>>[vector<16xi32>], vector<16xf32>,
      %sub3A_175 = arith.subf %max3A_173, %gather3A_174 : vector<16xf32>
      %exp3A_176 = math.exp %sub3A_175 : vector<16xf32>
      %swap3A_177 = arith.constant 112 : index
      %swap3A_178 = tpu.vector_load %arg15[%swap3A_177] {strides = array<i32>} : memref<128xf32, #tpu.memory_space<vmem>>, vector<16xf32>,
      tpu.vector_store %arg15[%swap3A_177], %exp3A_176 {strides = array<i32>} : memref<128xf32, #tpu.memory_space<vmem>>, vector<16xf32>,
      %scan3A_179 = arith.constant 0 : i32
      %scan3A_180 = arith.constant 0 : i32
      %scan3A_181 = arith.constant 128 : i32
      %scan3A_182 = arith.addi %scan3A_180, %scan3A_181 : i32
      %scan3A_183 = arith.constant 1 : i32
      scf.for %scan3A_185 = %scan3A_180 to %scan3A_182 step %scan3A_183  : i32 {
        %broadcast_in_dim3A = vector.broadcast %scan3A_185 : i32 to vector<16xi32>
        %gather3A_186 = tpu.vector_load_idx %arg15[%broadcast_in_dim3A] : memref<128xf32, #tpu.memory_space<vmem>>[vector<16xi32>], vector<16xf32>,
        %get3A_187 = arith.index_cast %scan3A_185 : i32 to index
        %get3A_188 = arith.constant 0 : index
        %get3A_189 = tpu.vector_load %arg16[%get3A_187, %get3A_188] {strides = array<i32>} : memref<128x80xf32, #tpu.memory_space<vmem>>, vector<16xf32>,
        %mul3A_190 = arith.mulf %get3A_189, %gather3A_186 : vector<16xf32>
        %swap3A_191 = arith.index_cast %scan3A_185 : i32 to index
        %swap3A_192 = arith.constant 0 : index
        %swap3A_193 = tpu.vector_load %arg16[%swap3A_191, %swap3A_192] {strides = array<i32>} : memref<128x80xf32, #tpu.memory_space<vmem>>, vector<16xf32>,
        tpu.vector_store %arg16[%swap3A_191, %swap3A_192], %mul3A_190 {strides = array<i32>} : memref<128x80xf32, #tpu.memory_space<vmem>>, vector<16xf32>,
        %get3A_194 = arith.index_cast %scan3A_185 : i32 to index
        %get3A_195 = arith.constant 16 : index
        %get3A_196 = tpu.vector_load %arg16[%get3A_194, %get3A_195] {strides = array<i32>} : memref<128x80xf32, #tpu.memory_space<vmem>>, vector<16xf32>,
        %mul3A_197 = arith.mulf %get3A_196, %gather3A_186 : vector<16xf32>
        %swap3A_198 = arith.index_cast %scan3A_185 : i32 to index
        %swap3A_199 = arith.constant 16 : index
        %swap3A_200 = tpu.vector_load %arg16[%swap3A_198, %swap3A_199] {strides = array<i32>} : memref<128x80xf32, #tpu.memory_space<vmem>>, vector<16xf32>,
        tpu.vector_store %arg16[%swap3A_198, %swap3A_199], %mul3A_197 {strides = array<i32>} : memref<128x80xf32, #tpu.memory_space<vmem>>, vector<16xf32>,
        %get3A_201 = arith.index_cast %scan3A_185 : i32 to index
        %get3A_202 = arith.constant 32 : index
        %get3A_203 = tpu.vector_load %arg16[%get3A_201, %get3A_202] {strides = array<i32>} : memref<128x80xf32, #tpu.memory_space<vmem>>, vector<16xf32>,
        %mul3A_204 = arith.mulf %get3A_203, %gather3A_186 : vector<16xf32>
        %swap3A_205 = arith.index_cast %scan3A_185 : i32 to index
        %swap3A_206 = arith.constant 32 : index
        %swap3A_207 = tpu.vector_load %arg16[%swap3A_205, %swap3A_206] {strides = array<i32>} : memref<128x80xf32, #tpu.memory_space<vmem>>, vector<16xf32>,
        tpu.vector_store %arg16[%swap3A_205, %swap3A_206], %mul3A_204 {strides = array<i32>} : memref<128x80xf32, #tpu.memory_space<vmem>>, vector<16xf32>,
        %get3A_208 = arith.index_cast %scan3A_185 : i32 to index
        %get3A_209 = arith.constant 48 : index
        %get3A_210 = tpu.vector_load %arg16[%get3A_208, %get3A_209] {strides = array<i32>} : memref<128x80xf32, #tpu.memory_space<vmem>>, vector<16xf32>,
        %mul3A_211 = arith.mulf %get3A_210, %gather3A_186 : vector<16xf32>
        %swap3A_212 = arith.index_cast %scan3A_185 : i32 to index
        %swap3A_213 = arith.constant 48 : index
        %swap3A_214 = tpu.vector_load %arg16[%swap3A_212, %swap3A_213] {strides = array<i32>} : memref<128x80xf32, #tpu.memory_space<vmem>>, vector<16xf32>,
        tpu.vector_store %arg16[%swap3A_212, %swap3A_213], %mul3A_211 {strides = array<i32>} : memref<128x80xf32, #tpu.memory_space<vmem>>, vector<16xf32>,
        %get3A_215 = arith.index_cast %scan3A_185 : i32 to index
        %get3A_216 = arith.constant 64 : index
        %get3A_217 = tpu.vector_load %arg16[%get3A_215, %get3A_216] {strides = array<i32>} : memref<128x80xf32, #tpu.memory_space<vmem>>, vector<16xf32>,
        %mul3A_218 = arith.mulf %get3A_217, %gather3A_186 : vector<16xf32>
        %swap3A_219 = arith.index_cast %scan3A_185 : i32 to index
        %swap3A_220 = arith.constant 64 : index
        %swap3A_221 = tpu.vector_load %arg16[%swap3A_219, %swap3A_220] {strides = array<i32>} : memref<128x80xf32, #tpu.memory_space<vmem>>, vector<16xf32>,
        tpu.vector_store %arg16[%swap3A_219, %swap3A_220], %mul3A_218 {strides = array<i32>} : memref<128x80xf32, #tpu.memory_space<vmem>>, vector<16xf32>,
      }
      %scan3A_184 = arith.constant 128 : i32
      "tpu.region"() ({
        %run_scoped3A = tpu.sem_alloc : memref<!tpu.dma_semaphore, #tpu.memory_space<semaphore_mem>>
        %dma_start3A = arith.constant 0 : i32
        %dma_start3A_185 = arith.constant 0 : i32
        %dma_start3A_186 = tpu.memref_slice %arg17[%dma_start3A, %dma_start3A_185] : memref<10240x80xf32, #tpu.memory_space<vmem_shared>> -> memref<10240x80xf32, #tpu.memory_space<vmem_shared>>
        tpu.enqueue_indirect_dma source(%arg16 : memref<128x80xf32, #tpu.memory_space<vmem>>) target(%dma_start3A_186 : memref<10240x80xf32, #tpu.memory_space<vmem_shared>>) offsets(%arg14 : memref<128xi32, #tpu.memory_space<vmem>>) semaphore(%run_scoped3A : memref<!tpu.dma_semaphore, #tpu.memory_space<semaphore_mem>>) {add = true}
        %dma_wait3A = arith.constant 0 : i32
        %dma_wait3A_187 = arith.constant 0 : i32
        %dma_wait3A_188 = tpu.memref_slice %arg17[%dma_wait3A, %dma_wait3A_187] : memref<10240x80xf32, #tpu.memory_space<vmem_shared>> -> memref<10240x80xf32, #tpu.memory_space<vmem_shared>>
        tpu.wait_indirect_dma semaphore(%run_scoped3A : memref<!tpu.dma_semaphore, #tpu.memory_space<semaphore_mem>>) src(%arg16 : memref<128x80xf32, #tpu.memory_space<vmem>>) dst(%dma_wait3A_188 : memref<10240x80xf32, #tpu.memory_space<vmem_shared>>)
        tpu.yield
      }) : () -> ()
    }
    %scan3A_22 = arith.constant 157 : i32
    %barrier3A_23 = arith.constant 0 : index
    tpu.barrier barrier_id(%barrier3A_23)
    %mul3A_24 = arith.constant 640 : i32
    %mul3A_25 = arith.muli %arg1, %mul3A_24 : i32
    %add3A_26 = arith.constant 0 : i32
    %add3A_27 = arith.addi %mul3A_25, %add3A_26 : i32
    "tpu.region"() ({
      %run_scoped3A = tpu.sem_alloc : memref<!tpu.dma_semaphore, #tpu.memory_space<semaphore_mem>>
      %dma_start3A = arith.constant 0 : i32
      %dma_start3A_46 = tpu.memref_slice %arg17[%add3A_27, %dma_start3A] : memref<10240x80xf32, #tpu.memory_space<vmem_shared>> -> memref<128x80xf32, #tpu.memory_space<vmem_shared>>
      %dma_start3A_47 = arith.constant 0 : i32
      %dma_start3A_48 = tpu.memref_slice %arg17[%add3A_27, %dma_start3A_47] : memref<10240x80xf32, #tpu.memory_space<vmem_shared>> -> memref<128x80xf32, #tpu.memory_space<vmem_shared>>
      tpu.enqueue_dma source(%dma_start3A_48 : memref<128x80xf32, #tpu.memory_space<vmem_shared>>) target(%arg16 : memref<128x80xf32, #tpu.memory_space<vmem>>) target_semaphore(%run_scoped3A : memref<!tpu.dma_semaphore, #tpu.memory_space<semaphore_mem>>)
      %dma_wait3A = arith.constant 0 : i32
      %dma_wait3A_49 = tpu.memref_slice %arg17[%add3A_27, %dma_wait3A] : memref<10240x80xf32, #tpu.memory_space<vmem_shared>> -> memref<128x80xf32, #tpu.memory_space<vmem_shared>>
      %dma_wait3A_50 = arith.constant 0 : i32
      %dma_wait3A_51 = tpu.memref_slice %arg17[%add3A_27, %dma_wait3A_50] : memref<10240x80xf32, #tpu.memory_space<vmem_shared>> -> memref<128x80xf32, #tpu.memory_space<vmem_shared>>
      tpu.wait_dma2 semaphore(%run_scoped3A : memref<!tpu.dma_semaphore, #tpu.memory_space<semaphore_mem>>) src(%dma_wait3A_51 : memref<128x80xf32, #tpu.memory_space<vmem_shared>>) dst(%arg16 : memref<128x80xf32, #tpu.memory_space<vmem>>)
      tpu.yield
    }) : () -> ()
    %add3A_28 = arith.constant 0 : i32
    %add3A_29 = arith.addi %mul3A_25, %add3A_28 : i32
    "tpu.region"() ({
      %run_scoped3A = tpu.sem_alloc : memref<!tpu.dma_semaphore, #tpu.memory_space<semaphore_mem>>
      %dma_start3A = arith.constant 0 : i32
      %dma_start3A_46 = arith.constant 0 : i32
      %dma_start3A_47 = tpu.memref_slice %arg9[%arg0, %dma_start3A, %dma_start3A_46] : memref<2x10240x80xf32, #tpu.memory_space<hbm>> -> memref<1x10240x80xf32, #tpu.memory_space<hbm>>
      %dma_start3A_48 = tpu.memref_squeeze %dma_start3A_47 : memref<1x10240x80xf32, #tpu.memory_space<hbm>> -> memref<10240x80xf32, #tpu.memory_space<hbm>>
      %dma_start3A_49 = arith.constant 0 : i32
      %dma_start3A_50 = tpu.memref_slice %dma_start3A_48[%add3A_29, %dma_start3A_49] : memref<10240x80xf32, #tpu.memory_space<hbm>> -> memref<128x80xf32, #tpu.memory_space<hbm>>
      %dma_start3A_51 = arith.constant 0 : i32
      %dma_start3A_52 = arith.constant 0 : i32
      %dma_start3A_53 = tpu.memref_slice %arg9[%arg0, %dma_start3A_51, %dma_start3A_52] : memref<2x10240x80xf32, #tpu.memory_space<hbm>> -> memref<1x10240x80xf32, #tpu.memory_space<hbm>>
      %dma_start3A_54 = tpu.memref_squeeze %dma_start3A_53 : memref<1x10240x80xf32, #tpu.memory_space<hbm>> -> memref<10240x80xf32, #tpu.memory_space<hbm>>
      %dma_start3A_55 = arith.constant 0 : i32
      %dma_start3A_56 = tpu.memref_slice %dma_start3A_54[%add3A_29, %dma_start3A_55] : memref<10240x80xf32, #tpu.memory_space<hbm>> -> memref<128x80xf32, #tpu.memory_space<hbm>>
      tpu.enqueue_dma source(%arg16 : memref<128x80xf32, #tpu.memory_space<vmem>>) target(%dma_start3A_56 : memref<128x80xf32, #tpu.memory_space<hbm>>) target_semaphore(%run_scoped3A : memref<!tpu.dma_semaphore, #tpu.memory_space<semaphore_mem>>)
      %dma_wait3A = arith.constant 0 : i32
      %dma_wait3A_57 = arith.constant 0 : i32
      %dma_wait3A_58 = tpu.memref_slice %arg9[%arg0, %dma_wait3A, %dma_wait3A_57] : memref<2x10240x80xf32, #tpu.memory_space<hbm>> -> memref<1x10240x80xf32, #tpu.memory_space<hbm>>
      %dma_wait3A_59 = tpu.memref_squeeze %dma_wait3A_58 : memref<1x10240x80xf32, #tpu.memory_space<hbm>> -> memref<10240x80xf32, #tpu.memory_space<hbm>>
      %dma_wait3A_60 = arith.constant 0 : i32
      %dma_wait3A_61 = tpu.memref_slice %dma_wait3A_59[%add3A_29, %dma_wait3A_60] : memref<10240x80xf32, #tpu.memory_space<hbm>> -> memref<128x80xf32, #tpu.memory_space<hbm>>
      %dma_wait3A_62 = arith.constant 0 : i32
      %dma_wait3A_63 = arith.constant 0 : i32
      %dma_wait3A_64 = tpu.memref_slice %arg9[%arg0, %dma_wait3A_62, %dma_wait3A_63] : memref<2x10240x80xf32, #tpu.memory_space<hbm>> -> memref<1x10240x80xf32, #tpu.memory_space<hbm>>
      %dma_wait3A_65 = tpu.memref_squeeze %dma_wait3A_64 : memref<1x10240x80xf32, #tpu.memory_space<hbm>> -> memref<10240x80xf32, #tpu.memory_space<hbm>>
      %dma_wait3A_66 = arith.constant 0 : i32
      %dma_wait3A_67 = tpu.memref_slice %dma_wait3A_65[%add3A_29, %dma_wait3A_66] : memref<10240x80xf32, #tpu.memory_space<hbm>> -> memref<128x80xf32, #tpu.memory_space<hbm>>
      tpu.wait_dma2 semaphore(%run_scoped3A : memref<!tpu.dma_semaphore, #tpu.memory_space<semaphore_mem>>) src(%arg16 : memref<128x80xf32, #tpu.memory_space<vmem>>) dst(%dma_wait3A_67 : memref<128x80xf32, #tpu.memory_space<hbm>>)
      tpu.yield
    }) : () -> ()
    %add3A_30 = arith.constant 128 : i32
    %add3A_31 = arith.addi %mul3A_25, %add3A_30 : i32
    "tpu.region"() ({
      %run_scoped3A = tpu.sem_alloc : memref<!tpu.dma_semaphore, #tpu.memory_space<semaphore_mem>>
      %dma_start3A = arith.constant 0 : i32
      %dma_start3A_46 = tpu.memref_slice %arg17[%add3A_31, %dma_start3A] : memref<10240x80xf32, #tpu.memory_space<vmem_shared>> -> memref<128x80xf32, #tpu.memory_space<vmem_shared>>
      %dma_start3A_47 = arith.constant 0 : i32
      %dma_start3A_48 = tpu.memref_slice %arg17[%add3A_31, %dma_start3A_47] : memref<10240x80xf32, #tpu.memory_space<vmem_shared>> -> memref<128x80xf32, #tpu.memory_space<vmem_shared>>
      tpu.enqueue_dma source(%dma_start3A_48 : memref<128x80xf32, #tpu.memory_space<vmem_shared>>) target(%arg16 : memref<128x80xf32, #tpu.memory_space<vmem>>) target_semaphore(%run_scoped3A : memref<!tpu.dma_semaphore, #tpu.memory_space<semaphore_mem>>)
      %dma_wait3A = arith.constant 0 : i32
      %dma_wait3A_49 = tpu.memref_slice %arg17[%add3A_31, %dma_wait3A] : memref<10240x80xf32, #tpu.memory_space<vmem_shared>> -> memref<128x80xf32, #tpu.memory_space<vmem_shared>>
      %dma_wait3A_50 = arith.constant 0 : i32
      %dma_wait3A_51 = tpu.memref_slice %arg17[%add3A_31, %dma_wait3A_50] : memref<10240x80xf32, #tpu.memory_space<vmem_shared>> -> memref<128x80xf32, #tpu.memory_space<vmem_shared>>
      tpu.wait_dma2 semaphore(%run_scoped3A : memref<!tpu.dma_semaphore, #tpu.memory_space<semaphore_mem>>) src(%dma_wait3A_51 : memref<128x80xf32, #tpu.memory_space<vmem_shared>>) dst(%arg16 : memref<128x80xf32, #tpu.memory_space<vmem>>)
      tpu.yield
    }) : () -> ()
    %add3A_32 = arith.constant 128 : i32
    %add3A_33 = arith.addi %mul3A_25, %add3A_32 : i32
    "tpu.region"() ({
      %run_scoped3A = tpu.sem_alloc : memref<!tpu.dma_semaphore, #tpu.memory_space<semaphore_mem>>
      %dma_start3A = arith.constant 0 : i32
      %dma_start3A_46 = arith.constant 0 : i32
      %dma_start3A_47 = tpu.memref_slice %arg9[%arg0, %dma_start3A, %dma_start3A_46] : memref<2x10240x80xf32, #tpu.memory_space<hbm>> -> memref<1x10240x80xf32, #tpu.memory_space<hbm>>
      %dma_start3A_48 = tpu.memref_squeeze %dma_start3A_47 : memref<1x10240x80xf32, #tpu.memory_space<hbm>> -> memref<10240x80xf32, #tpu.memory_space<hbm>>
      %dma_start3A_49 = arith.constant 0 : i32
      %dma_start3A_50 = tpu.memref_slice %dma_start3A_48[%add3A_33, %dma_start3A_49] : memref<10240x80xf32, #tpu.memory_space<hbm>> -> memref<128x80xf32, #tpu.memory_space<hbm>>
      %dma_start3A_51 = arith.constant 0 : i32
      %dma_start3A_52 = arith.constant 0 : i32
      %dma_start3A_53 = tpu.memref_slice %arg9[%arg0, %dma_start3A_51, %dma_start3A_52] : memref<2x10240x80xf32, #tpu.memory_space<hbm>> -> memref<1x10240x80xf32, #tpu.memory_space<hbm>>
      %dma_start3A_54 = tpu.memref_squeeze %dma_start3A_53 : memref<1x10240x80xf32, #tpu.memory_space<hbm>> -> memref<10240x80xf32, #tpu.memory_space<hbm>>
      %dma_start3A_55 = arith.constant 0 : i32
      %dma_start3A_56 = tpu.memref_slice %dma_start3A_54[%add3A_33, %dma_start3A_55] : memref<10240x80xf32, #tpu.memory_space<hbm>> -> memref<128x80xf32, #tpu.memory_space<hbm>>
      tpu.enqueue_dma source(%arg16 : memref<128x80xf32, #tpu.memory_space<vmem>>) target(%dma_start3A_56 : memref<128x80xf32, #tpu.memory_space<hbm>>) target_semaphore(%run_scoped3A : memref<!tpu.dma_semaphore, #tpu.memory_space<semaphore_mem>>)
      %dma_wait3A = arith.constant 0 : i32
      %dma_wait3A_57 = arith.constant 0 : i32
      %dma_wait3A_58 = tpu.memref_slice %arg9[%arg0, %dma_wait3A, %dma_wait3A_57] : memref<2x10240x80xf32, #tpu.memory_space<hbm>> -> memref<1x10240x80xf32, #tpu.memory_space<hbm>>
      %dma_wait3A_59 = tpu.memref_squeeze %dma_wait3A_58 : memref<1x10240x80xf32, #tpu.memory_space<hbm>> -> memref<10240x80xf32, #tpu.memory_space<hbm>>
      %dma_wait3A_60 = arith.constant 0 : i32
      %dma_wait3A_61 = tpu.memref_slice %dma_wait3A_59[%add3A_33, %dma_wait3A_60] : memref<10240x80xf32, #tpu.memory_space<hbm>> -> memref<128x80xf32, #tpu.memory_space<hbm>>
      %dma_wait3A_62 = arith.constant 0 : i32
      %dma_wait3A_63 = arith.constant 0 : i32
      %dma_wait3A_64 = tpu.memref_slice %arg9[%arg0, %dma_wait3A_62, %dma_wait3A_63] : memref<2x10240x80xf32, #tpu.memory_space<hbm>> -> memref<1x10240x80xf32, #tpu.memory_space<hbm>>
      %dma_wait3A_65 = tpu.memref_squeeze %dma_wait3A_64 : memref<1x10240x80xf32, #tpu.memory_space<hbm>> -> memref<10240x80xf32, #tpu.memory_space<hbm>>
      %dma_wait3A_66 = arith.constant 0 : i32
      %dma_wait3A_67 = tpu.memref_slice %dma_wait3A_65[%add3A_33, %dma_wait3A_66] : memref<10240x80xf32, #tpu.memory_space<hbm>> -> memref<128x80xf32, #tpu.memory_space<hbm>>
      tpu.wait_dma2 semaphore(%run_scoped3A : memref<!tpu.dma_semaphore, #tpu.memory_space<semaphore_mem>>) src(%arg16 : memref<128x80xf32, #tpu.memory_space<vmem>>) dst(%dma_wait3A_67 : memref<128x80xf32, #tpu.memory_space<hbm>>)
      tpu.yield
    }) : () -> ()
    %add3A_34 = arith.constant 256 : i32
    %add3A_35 = arith.addi %mul3A_25, %add3A_34 : i32
    "tpu.region"() ({
      %run_scoped3A = tpu.sem_alloc : memref<!tpu.dma_semaphore, #tpu.memory_space<semaphore_mem>>
      %dma_start3A = arith.constant 0 : i32
      %dma_start3A_46 = tpu.memref_slice %arg17[%add3A_35, %dma_start3A] : memref<10240x80xf32, #tpu.memory_space<vmem_shared>> -> memref<128x80xf32, #tpu.memory_space<vmem_shared>>
      %dma_start3A_47 = arith.constant 0 : i32
      %dma_start3A_48 = tpu.memref_slice %arg17[%add3A_35, %dma_start3A_47] : memref<10240x80xf32, #tpu.memory_space<vmem_shared>> -> memref<128x80xf32, #tpu.memory_space<vmem_shared>>
      tpu.enqueue_dma source(%dma_start3A_48 : memref<128x80xf32, #tpu.memory_space<vmem_shared>>) target(%arg16 : memref<128x80xf32, #tpu.memory_space<vmem>>) target_semaphore(%run_scoped3A : memref<!tpu.dma_semaphore, #tpu.memory_space<semaphore_mem>>)
      %dma_wait3A = arith.constant 0 : i32
      %dma_wait3A_49 = tpu.memref_slice %arg17[%add3A_35, %dma_wait3A] : memref<10240x80xf32, #tpu.memory_space<vmem_shared>> -> memref<128x80xf32, #tpu.memory_space<vmem_shared>>
      %dma_wait3A_50 = arith.constant 0 : i32
      %dma_wait3A_51 = tpu.memref_slice %arg17[%add3A_35, %dma_wait3A_50] : memref<10240x80xf32, #tpu.memory_space<vmem_shared>> -> memref<128x80xf32, #tpu.memory_space<vmem_shared>>
      tpu.wait_dma2 semaphore(%run_scoped3A : memref<!tpu.dma_semaphore, #tpu.memory_space<semaphore_mem>>) src(%dma_wait3A_51 : memref<128x80xf32, #tpu.memory_space<vmem_shared>>) dst(%arg16 : memref<128x80xf32, #tpu.memory_space<vmem>>)
      tpu.yield
    }) : () -> ()
    %add3A_36 = arith.constant 256 : i32
    %add3A_37 = arith.addi %mul3A_25, %add3A_36 : i32
    "tpu.region"() ({
      %run_scoped3A = tpu.sem_alloc : memref<!tpu.dma_semaphore, #tpu.memory_space<semaphore_mem>>
      %dma_start3A = arith.constant 0 : i32
      %dma_start3A_46 = arith.constant 0 : i32
      %dma_start3A_47 = tpu.memref_slice %arg9[%arg0, %dma_start3A, %dma_start3A_46] : memref<2x10240x80xf32, #tpu.memory_space<hbm>> -> memref<1x10240x80xf32, #tpu.memory_space<hbm>>
      %dma_start3A_48 = tpu.memref_squeeze %dma_start3A_47 : memref<1x10240x80xf32, #tpu.memory_space<hbm>> -> memref<10240x80xf32, #tpu.memory_space<hbm>>
      %dma_start3A_49 = arith.constant 0 : i32
      %dma_start3A_50 = tpu.memref_slice %dma_start3A_48[%add3A_37, %dma_start3A_49] : memref<10240x80xf32, #tpu.memory_space<hbm>> -> memref<128x80xf32, #tpu.memory_space<hbm>>
      %dma_start3A_51 = arith.constant 0 : i32
      %dma_start3A_52 = arith.constant 0 : i32
      %dma_start3A_53 = tpu.memref_slice %arg9[%arg0, %dma_start3A_51, %dma_start3A_52] : memref<2x10240x80xf32, #tpu.memory_space<hbm>> -> memref<1x10240x80xf32, #tpu.memory_space<hbm>>
      %dma_start3A_54 = tpu.memref_squeeze %dma_start3A_53 : memref<1x10240x80xf32, #tpu.memory_space<hbm>> -> memref<10240x80xf32, #tpu.memory_space<hbm>>
      %dma_start3A_55 = arith.constant 0 : i32
      %dma_start3A_56 = tpu.memref_slice %dma_start3A_54[%add3A_37, %dma_start3A_55] : memref<10240x80xf32, #tpu.memory_space<hbm>> -> memref<128x80xf32, #tpu.memory_space<hbm>>
      tpu.enqueue_dma source(%arg16 : memref<128x80xf32, #tpu.memory_space<vmem>>) target(%dma_start3A_56 : memref<128x80xf32, #tpu.memory_space<hbm>>) target_semaphore(%run_scoped3A : memref<!tpu.dma_semaphore, #tpu.memory_space<semaphore_mem>>)
      %dma_wait3A = arith.constant 0 : i32
      %dma_wait3A_57 = arith.constant 0 : i32
      %dma_wait3A_58 = tpu.memref_slice %arg9[%arg0, %dma_wait3A, %dma_wait3A_57] : memref<2x10240x80xf32, #tpu.memory_space<hbm>> -> memref<1x10240x80xf32, #tpu.memory_space<hbm>>
      %dma_wait3A_59 = tpu.memref_squeeze %dma_wait3A_58 : memref<1x10240x80xf32, #tpu.memory_space<hbm>> -> memref<10240x80xf32, #tpu.memory_space<hbm>>
      %dma_wait3A_60 = arith.constant 0 : i32
      %dma_wait3A_61 = tpu.memref_slice %dma_wait3A_59[%add3A_37, %dma_wait3A_60] : memref<10240x80xf32, #tpu.memory_space<hbm>> -> memref<128x80xf32, #tpu.memory_space<hbm>>
      %dma_wait3A_62 = arith.constant 0 : i32
      %dma_wait3A_63 = arith.constant 0 : i32
      %dma_wait3A_64 = tpu.memref_slice %arg9[%arg0, %dma_wait3A_62, %dma_wait3A_63] : memref<2x10240x80xf32, #tpu.memory_space<hbm>> -> memref<1x10240x80xf32, #tpu.memory_space<hbm>>
      %dma_wait3A_65 = tpu.memref_squeeze %dma_wait3A_64 : memref<1x10240x80xf32, #tpu.memory_space<hbm>> -> memref<10240x80xf32, #tpu.memory_space<hbm>>
      %dma_wait3A_66 = arith.constant 0 : i32
      %dma_wait3A_67 = tpu.memref_slice %dma_wait3A_65[%add3A_37, %dma_wait3A_66] : memref<10240x80xf32, #tpu.memory_space<hbm>> -> memref<128x80xf32, #tpu.memory_space<hbm>>
      tpu.wait_dma2 semaphore(%run_scoped3A : memref<!tpu.dma_semaphore, #tpu.memory_space<semaphore_mem>>) src(%arg16 : memref<128x80xf32, #tpu.memory_space<vmem>>) dst(%dma_wait3A_67 : memref<128x80xf32, #tpu.memory_space<hbm>>)
      tpu.yield
    }) : () -> ()
    %add3A_38 = arith.constant 384 : i32
    %add3A_39 = arith.addi %mul3A_25, %add3A_38 : i32
    "tpu.region"() ({
      %run_scoped3A = tpu.sem_alloc : memref<!tpu.dma_semaphore, #tpu.memory_space<semaphore_mem>>
      %dma_start3A = arith.constant 0 : i32
      %dma_start3A_46 = tpu.memref_slice %arg17[%add3A_39, %dma_start3A] : memref<10240x80xf32, #tpu.memory_space<vmem_shared>> -> memref<128x80xf32, #tpu.memory_space<vmem_shared>>
      %dma_start3A_47 = arith.constant 0 : i32
      %dma_start3A_48 = tpu.memref_slice %arg17[%add3A_39, %dma_start3A_47] : memref<10240x80xf32, #tpu.memory_space<vmem_shared>> -> memref<128x80xf32, #tpu.memory_space<vmem_shared>>
      tpu.enqueue_dma source(%dma_start3A_48 : memref<128x80xf32, #tpu.memory_space<vmem_shared>>) target(%arg16 : memref<128x80xf32, #tpu.memory_space<vmem>>) target_semaphore(%run_scoped3A : memref<!tpu.dma_semaphore, #tpu.memory_space<semaphore_mem>>)
      %dma_wait3A = arith.constant 0 : i32
      %dma_wait3A_49 = tpu.memref_slice %arg17[%add3A_39, %dma_wait3A] : memref<10240x80xf32, #tpu.memory_space<vmem_shared>> -> memref<128x80xf32, #tpu.memory_space<vmem_shared>>
      %dma_wait3A_50 = arith.constant 0 : i32
      %dma_wait3A_51 = tpu.memref_slice %arg17[%add3A_39, %dma_wait3A_50] : memref<10240x80xf32, #tpu.memory_space<vmem_shared>> -> memref<128x80xf32, #tpu.memory_space<vmem_shared>>
      tpu.wait_dma2 semaphore(%run_scoped3A : memref<!tpu.dma_semaphore, #tpu.memory_space<semaphore_mem>>) src(%dma_wait3A_51 : memref<128x80xf32, #tpu.memory_space<vmem_shared>>) dst(%arg16 : memref<128x80xf32, #tpu.memory_space<vmem>>)
      tpu.yield
    }) : () -> ()
    %add3A_40 = arith.constant 384 : i32
    %add3A_41 = arith.addi %mul3A_25, %add3A_40 : i32
    "tpu.region"() ({
      %run_scoped3A = tpu.sem_alloc : memref<!tpu.dma_semaphore, #tpu.memory_space<semaphore_mem>>
      %dma_start3A = arith.constant 0 : i32
      %dma_start3A_46 = arith.constant 0 : i32
      %dma_start3A_47 = tpu.memref_slice %arg9[%arg0, %dma_start3A, %dma_start3A_46] : memref<2x10240x80xf32, #tpu.memory_space<hbm>> -> memref<1x10240x80xf32, #tpu.memory_space<hbm>>
      %dma_start3A_48 = tpu.memref_squeeze %dma_start3A_47 : memref<1x10240x80xf32, #tpu.memory_space<hbm>> -> memref<10240x80xf32, #tpu.memory_space<hbm>>
      %dma_start3A_49 = arith.constant 0 : i32
      %dma_start3A_50 = tpu.memref_slice %dma_start3A_48[%add3A_41, %dma_start3A_49] : memref<10240x80xf32, #tpu.memory_space<hbm>> -> memref<128x80xf32, #tpu.memory_space<hbm>>
      %dma_start3A_51 = arith.constant 0 : i32
      %dma_start3A_52 = arith.constant 0 : i32
      %dma_start3A_53 = tpu.memref_slice %arg9[%arg0, %dma_start3A_51, %dma_start3A_52] : memref<2x10240x80xf32, #tpu.memory_space<hbm>> -> memref<1x10240x80xf32, #tpu.memory_space<hbm>>
      %dma_start3A_54 = tpu.memref_squeeze %dma_start3A_53 : memref<1x10240x80xf32, #tpu.memory_space<hbm>> -> memref<10240x80xf32, #tpu.memory_space<hbm>>
      %dma_start3A_55 = arith.constant 0 : i32
      %dma_start3A_56 = tpu.memref_slice %dma_start3A_54[%add3A_41, %dma_start3A_55] : memref<10240x80xf32, #tpu.memory_space<hbm>> -> memref<128x80xf32, #tpu.memory_space<hbm>>
      tpu.enqueue_dma source(%arg16 : memref<128x80xf32, #tpu.memory_space<vmem>>) target(%dma_start3A_56 : memref<128x80xf32, #tpu.memory_space<hbm>>) target_semaphore(%run_scoped3A : memref<!tpu.dma_semaphore, #tpu.memory_space<semaphore_mem>>)
      %dma_wait3A = arith.constant 0 : i32
      %dma_wait3A_57 = arith.constant 0 : i32
      %dma_wait3A_58 = tpu.memref_slice %arg9[%arg0, %dma_wait3A, %dma_wait3A_57] : memref<2x10240x80xf32, #tpu.memory_space<hbm>> -> memref<1x10240x80xf32, #tpu.memory_space<hbm>>
      %dma_wait3A_59 = tpu.memref_squeeze %dma_wait3A_58 : memref<1x10240x80xf32, #tpu.memory_space<hbm>> -> memref<10240x80xf32, #tpu.memory_space<hbm>>
      %dma_wait3A_60 = arith.constant 0 : i32
      %dma_wait3A_61 = tpu.memref_slice %dma_wait3A_59[%add3A_41, %dma_wait3A_60] : memref<10240x80xf32, #tpu.memory_space<hbm>> -> memref<128x80xf32, #tpu.memory_space<hbm>>
      %dma_wait3A_62 = arith.constant 0 : i32
      %dma_wait3A_63 = arith.constant 0 : i32
      %dma_wait3A_64 = tpu.memref_slice %arg9[%arg0, %dma_wait3A_62, %dma_wait3A_63] : memref<2x10240x80xf32, #tpu.memory_space<hbm>> -> memref<1x10240x80xf32, #tpu.memory_space<hbm>>
      %dma_wait3A_65 = tpu.memref_squeeze %dma_wait3A_64 : memref<1x10240x80xf32, #tpu.memory_space<hbm>> -> memref<10240x80xf32, #tpu.memory_space<hbm>>
      %dma_wait3A_66 = arith.constant 0 : i32
      %dma_wait3A_67 = tpu.memref_slice %dma_wait3A_65[%add3A_41, %dma_wait3A_66] : memref<10240x80xf32, #tpu.memory_space<hbm>> -> memref<128x80xf32, #tpu.memory_space<hbm>>
      tpu.wait_dma2 semaphore(%run_scoped3A : memref<!tpu.dma_semaphore, #tpu.memory_space<semaphore_mem>>) src(%arg16 : memref<128x80xf32, #tpu.memory_space<vmem>>) dst(%dma_wait3A_67 : memref<128x80xf32, #tpu.memory_space<hbm>>)
      tpu.yield
    }) : () -> ()
    %add3A_42 = arith.constant 512 : i32
    %add3A_43 = arith.addi %mul3A_25, %add3A_42 : i32
    "tpu.region"() ({
      %run_scoped3A = tpu.sem_alloc : memref<!tpu.dma_semaphore, #tpu.memory_space<semaphore_mem>>
      %dma_start3A = arith.constant 0 : i32
      %dma_start3A_46 = tpu.memref_slice %arg17[%add3A_43, %dma_start3A] : memref<10240x80xf32, #tpu.memory_space<vmem_shared>> -> memref<128x80xf32, #tpu.memory_space<vmem_shared>>
      %dma_start3A_47 = arith.constant 0 : i32
      %dma_start3A_48 = tpu.memref_slice %arg17[%add3A_43, %dma_start3A_47] : memref<10240x80xf32, #tpu.memory_space<vmem_shared>> -> memref<128x80xf32, #tpu.memory_space<vmem_shared>>
      tpu.enqueue_dma source(%dma_start3A_48 : memref<128x80xf32, #tpu.memory_space<vmem_shared>>) target(%arg16 : memref<128x80xf32, #tpu.memory_space<vmem>>) target_semaphore(%run_scoped3A : memref<!tpu.dma_semaphore, #tpu.memory_space<semaphore_mem>>)
      %dma_wait3A = arith.constant 0 : i32
      %dma_wait3A_49 = tpu.memref_slice %arg17[%add3A_43, %dma_wait3A] : memref<10240x80xf32, #tpu.memory_space<vmem_shared>> -> memref<128x80xf32, #tpu.memory_space<vmem_shared>>
      %dma_wait3A_50 = arith.constant 0 : i32
      %dma_wait3A_51 = tpu.memref_slice %arg17[%add3A_43, %dma_wait3A_50] : memref<10240x80xf32, #tpu.memory_space<vmem_shared>> -> memref<128x80xf32, #tpu.memory_space<vmem_shared>>
      tpu.wait_dma2 semaphore(%run_scoped3A : memref<!tpu.dma_semaphore, #tpu.memory_space<semaphore_mem>>) src(%dma_wait3A_51 : memref<128x80xf32, #tpu.memory_space<vmem_shared>>) dst(%arg16 : memref<128x80xf32, #tpu.memory_space<vmem>>)
      tpu.yield
    }) : () -> ()
    %add3A_44 = arith.constant 512 : i32
    %add3A_45 = arith.addi %mul3A_25, %add3A_44 : i32
    "tpu.region"() ({
      %run_scoped3A = tpu.sem_alloc : memref<!tpu.dma_semaphore, #tpu.memory_space<semaphore_mem>>
      %dma_start3A = arith.constant 0 : i32
      %dma_start3A_46 = arith.constant 0 : i32
      %dma_start3A_47 = tpu.memref_slice %arg9[%arg0, %dma_start3A, %dma_start3A_46] : memref<2x10240x80xf32, #tpu.memory_space<hbm>> -> memref<1x10240x80xf32, #tpu.memory_space<hbm>>
      %dma_start3A_48 = tpu.memref_squeeze %dma_start3A_47 : memref<1x10240x80xf32, #tpu.memory_space<hbm>> -> memref<10240x80xf32, #tpu.memory_space<hbm>>
      %dma_start3A_49 = arith.constant 0 : i32
      %dma_start3A_50 = tpu.memref_slice %dma_start3A_48[%add3A_45, %dma_start3A_49] : memref<10240x80xf32, #tpu.memory_space<hbm>> -> memref<128x80xf32, #tpu.memory_space<hbm>>
      %dma_start3A_51 = arith.constant 0 : i32
      %dma_start3A_52 = arith.constant 0 : i32
      %dma_start3A_53 = tpu.memref_slice %arg9[%arg0, %dma_start3A_51, %dma_start3A_52] : memref<2x10240x80xf32, #tpu.memory_space<hbm>> -> memref<1x10240x80xf32, #tpu.memory_space<hbm>>
      %dma_start3A_54 = tpu.memref_squeeze %dma_start3A_53 : memref<1x10240x80xf32, #tpu.memory_space<hbm>> -> memref<10240x80xf32, #tpu.memory_space<hbm>>
      %dma_start3A_55 = arith.constant 0 : i32
      %dma_start3A_56 = tpu.memref_slice %dma_start3A_54[%add3A_45, %dma_start3A_55] : memref<10240x80xf32, #tpu.memory_space<hbm>> -> memref<128x80xf32, #tpu.memory_space<hbm>>
      tpu.enqueue_dma source(%arg16 : memref<128x80xf32, #tpu.memory_space<vmem>>) target(%dma_start3A_56 : memref<128x80xf32, #tpu.memory_space<hbm>>) target_semaphore(%run_scoped3A : memref<!tpu.dma_semaphore, #tpu.memory_space<semaphore_mem>>)
      %dma_wait3A = arith.constant 0 : i32
      %dma_wait3A_57 = arith.constant 0 : i32
      %dma_wait3A_58 = tpu.memref_slice %arg9[%arg0, %dma_wait3A, %dma_wait3A_57] : memref<2x10240x80xf32, #tpu.memory_space<hbm>> -> memref<1x10240x80xf32, #tpu.memory_space<hbm>>
      %dma_wait3A_59 = tpu.memref_squeeze %dma_wait3A_58 : memref<1x10240x80xf32, #tpu.memory_space<hbm>> -> memref<10240x80xf32, #tpu.memory_space<hbm>>
      %dma_wait3A_60 = arith.constant 0 : i32
      %dma_wait3A_61 = tpu.memref_slice %dma_wait3A_59[%add3A_45, %dma_wait3A_60] : memref<10240x80xf32, #tpu.memory_space<hbm>> -> memref<128x80xf32, #tpu.memory_space<hbm>>
      %dma_wait3A_62 = arith.constant 0 : i32
      %dma_wait3A_63 = arith.constant 0 : i32
      %dma_wait3A_64 = tpu.memref_slice %arg9[%arg0, %dma_wait3A_62, %dma_wait3A_63] : memref<2x10240x80xf32, #tpu.memory_space<hbm>> -> memref<1x10240x80xf32, #tpu.memory_space<hbm>>
      %dma_wait3A_65 = tpu.memref_squeeze %dma_wait3A_64 : memref<1x10240x80xf32, #tpu.memory_space<hbm>> -> memref<10240x80xf32, #tpu.memory_space<hbm>>
      %dma_wait3A_66 = arith.constant 0 : i32
      %dma_wait3A_67 = tpu.memref_slice %dma_wait3A_65[%add3A_45, %dma_wait3A_66] : memref<10240x80xf32, #tpu.memory_space<hbm>> -> memref<128x80xf32, #tpu.memory_space<hbm>>
      tpu.wait_dma2 semaphore(%run_scoped3A : memref<!tpu.dma_semaphore, #tpu.memory_space<semaphore_mem>>) src(%arg16 : memref<128x80xf32, #tpu.memory_space<vmem>>) dst(%dma_wait3A_67 : memref<128x80xf32, #tpu.memory_space<hbm>>)
      tpu.yield
    }) : () -> ()
    return
  }
}

module attributes {stable_mosaic.version = 14 : i64} {
  func.func @_tc_split_body(%arg0: memref<10000x128xf32, #tpu.memory_space<vmem>>, %arg1: memref<128x128xf32, #tpu.memory_space<vmem>>, %arg2: memref<1x128xf32, #tpu.memory_space<vmem>>, %arg3: memref<1x128xf32, #tpu.memory_space<vmem>>, %arg4: memref<10240x80xf32, #tpu.memory_space<vmem>>, %arg5: memref<10240x80xf32, #tpu.memory_space<vmem>>, %arg6: memref<10240x1xf32, #tpu.memory_space<vmem>>, %arg7: memref<10240x1xf32, #tpu.memory_space<vmem>>, %arg8: memref<10240x1xf32, #tpu.memory_space<vmem>>) attributes {dimension_semantics = [], scalar_prefetch = 0 : i64, scratch_operands = 0 : i64, tpu.core_type = #tpu.core_type<tc>} {
    %get3A = arith.constant 0 : index
    %get3A_0 = arith.constant 0 : index
    %get3A_1 = vector.load %arg0[%get3A, %get3A_0] : memref<10000x128xf32, #tpu.memory_space<vmem>>, vector<10000x128xf32>
    %get3A_2 = arith.constant 0 : index
    %get3A_3 = arith.constant 0 : index
    %get3A_4 = vector.load %arg1[%get3A_2, %get3A_3] : memref<128x128xf32, #tpu.memory_space<vmem>>, vector<128x128xf32>
    %dot_general3A = arith.constant dense<0.000000e+00> : vector<10000x128xf32>
    %dot_general3A_5 = tpu.matmul %get3A_1, %get3A_4, %dot_general3A {dimension_numbers = #tpu.dot_dimension_numbers<[1], [0], [0], [1], [0, 0, 1, 1], [], []>, transpose_lhs_hint = false} : vector<10000x128xf32>, vector<128x128xf32>, vector<10000x128xf32> -> vector<10000x128xf32>
    %slice3A = vector.extract_strided_slice %dot_general3A_5 {offsets = [0, 0], sizes = [10000, 64], strides = [1, 1]} : vector<10000x128xf32> to vector<10000x64xf32>
    %swap3A = arith.constant 0 : index
    %swap3A_6 = arith.constant 0 : index
    %swap3A_7 = vector.load %arg4[%swap3A, %swap3A_6] : memref<10240x80xf32, #tpu.memory_space<vmem>>, vector<10000x64xf32>
    tpu.vector_store %arg4[%swap3A, %swap3A_6], %slice3A {strides = array<i32>} : memref<10240x80xf32, #tpu.memory_space<vmem>>, vector<10000x64xf32>,
    %iota3A = tpu.iota {dimensions = array<i32: 1>} : vector<10000x16xi32>
    %eq3A = arith.constant 0 : i32
    %eq3A_8 = vector.broadcast %eq3A : i32 to vector<10000x16xi32>
    %eq3A_9 = arith.cmpi eq, %iota3A, %eq3A_8 : vector<10000x16xi32>
    %jit3A = arith.constant 1.000000e+00 : f32
    %jit3A_10 = arith.constant 0.000000e+00 : f32
    %broadcast_in_dim3A = vector.broadcast %jit3A : f32 to vector<10000x16xf32>
    %broadcast_in_dim3A_11 = vector.broadcast %jit3A_10 : f32 to vector<10000x16xf32>
    %select_n3A = arith.select %eq3A_9, %broadcast_in_dim3A, %broadcast_in_dim3A_11 : vector<10000x16xi1>, vector<10000x16xf32>
    %swap3A_12 = arith.constant 0 : index
    %swap3A_13 = arith.constant 64 : index
    %swap3A_14 = vector.load %arg4[%swap3A_12, %swap3A_13] : memref<10240x80xf32, #tpu.memory_space<vmem>>, vector<10000x16xf32>
    tpu.vector_store %arg4[%swap3A_12, %swap3A_13], %select_n3A {strides = array<i32>} : memref<10240x80xf32, #tpu.memory_space<vmem>>, vector<10000x16xf32>,
    %broadcast_in_dim3A_15 = arith.constant 0.000000e+00 : f32
    %broadcast_in_dim3A_16 = vector.broadcast %broadcast_in_dim3A_15 : f32 to vector<240x80xf32>
    %swap3A_17 = arith.constant 10000 : index
    %swap3A_18 = arith.constant 0 : index
    %swap3A_19 = vector.load %arg4[%swap3A_17, %swap3A_18] : memref<10240x80xf32, #tpu.memory_space<vmem>>, vector<240x80xf32>
    tpu.vector_store %arg4[%swap3A_17, %swap3A_18], %broadcast_in_dim3A_16 {strides = array<i32>} : memref<10240x80xf32, #tpu.memory_space<vmem>>, vector<240x80xf32>,
    %slice3A_20 = vector.extract_strided_slice %dot_general3A_5 {offsets = [0, 64], sizes = [10000, 64], strides = [1, 1]} : vector<10000x128xf32> to vector<10000x64xf32>
    %swap3A_21 = arith.constant 0 : index
    %swap3A_22 = arith.constant 0 : index
    %swap3A_23 = vector.load %arg5[%swap3A_21, %swap3A_22] : memref<10240x80xf32, #tpu.memory_space<vmem>>, vector<10000x64xf32>
    tpu.vector_store %arg5[%swap3A_21, %swap3A_22], %slice3A_20 {strides = array<i32>} : memref<10240x80xf32, #tpu.memory_space<vmem>>, vector<10000x64xf32>,
    %broadcast_in_dim3A_24 = arith.constant 0.000000e+00 : f32
    %broadcast_in_dim3A_25 = vector.broadcast %broadcast_in_dim3A_24 : f32 to vector<10000x16xf32>
    %swap3A_26 = arith.constant 0 : index
    %swap3A_27 = arith.constant 64 : index
    %swap3A_28 = vector.load %arg5[%swap3A_26, %swap3A_27] : memref<10240x80xf32, #tpu.memory_space<vmem>>, vector<10000x16xf32>
    tpu.vector_store %arg5[%swap3A_26, %swap3A_27], %broadcast_in_dim3A_25 {strides = array<i32>} : memref<10240x80xf32, #tpu.memory_space<vmem>>, vector<10000x16xf32>,
    %broadcast_in_dim3A_29 = arith.constant 0.000000e+00 : f32
    %broadcast_in_dim3A_30 = vector.broadcast %broadcast_in_dim3A_29 : f32 to vector<240x80xf32>
    %swap3A_31 = arith.constant 10000 : index
    %swap3A_32 = arith.constant 0 : index
    %swap3A_33 = vector.load %arg5[%swap3A_31, %swap3A_32] : memref<10240x80xf32, #tpu.memory_space<vmem>>, vector<240x80xf32>
    tpu.vector_store %arg5[%swap3A_31, %swap3A_32], %broadcast_in_dim3A_30 {strides = array<i32>} : memref<10240x80xf32, #tpu.memory_space<vmem>>, vector<240x80xf32>,
    %get3A_34 = arith.constant 0 : index
    %get3A_35 = arith.constant 0 : index
    %get3A_36 = vector.load %arg2[%get3A_34, %get3A_35] : memref<1x128xf32, #tpu.memory_space<vmem>>, vector<1x128xf32>
    %get3A_37 = arith.constant 0 : index
    %get3A_38 = arith.constant 0 : index
    %get3A_39 = vector.load %arg3[%get3A_37, %get3A_38] : memref<1x128xf32, #tpu.memory_space<vmem>>, vector<1x128xf32>
    %mul3A = vector.broadcast %get3A_36 : vector<1x128xf32> to vector<10000x128xf32>
    %mul3A_40 = arith.mulf %dot_general3A_5, %mul3A : vector<10000x128xf32>
    %reduce_sum3A = arith.constant dense<0.000000e+00> : vector<10000xf32>
    %reduce_sum3A_41 = vector.multi_reduction <add>, %mul3A_40, %reduce_sum3A [1] : vector<10000x128xf32> to vector<10000xf32>
    %broadcast_in_dim3A_42 = vector.shape_cast %reduce_sum3A_41 : vector<10000xf32> to vector<10000x1xf32>
    %mul3A_43 = vector.broadcast %get3A_39 : vector<1x128xf32> to vector<10000x128xf32>
    %mul3A_44 = arith.mulf %dot_general3A_5, %mul3A_43 : vector<10000x128xf32>
    %reduce_sum3A_45 = arith.constant dense<0.000000e+00> : vector<10000xf32>
    %reduce_sum3A_46 = vector.multi_reduction <add>, %mul3A_44, %reduce_sum3A_45 [1] : vector<10000x128xf32> to vector<10000xf32>
    %broadcast_in_dim3A_47 = vector.shape_cast %reduce_sum3A_46 : vector<10000xf32> to vector<10000x1xf32>
    %swap3A_48 = arith.constant 0 : index
    %swap3A_49 = arith.constant 0 : index
    %swap3A_50 = vector.load %arg6[%swap3A_48, %swap3A_49] : memref<10240x1xf32, #tpu.memory_space<vmem>>, vector<10000x1xf32>
    tpu.vector_store %arg6[%swap3A_48, %swap3A_49], %broadcast_in_dim3A_42 {strides = array<i32>} : memref<10240x1xf32, #tpu.memory_space<vmem>>, vector<10000x1xf32>,
    %broadcast_in_dim3A_51 = arith.constant -1.000000e+30 : f32
    %broadcast_in_dim3A_52 = vector.broadcast %broadcast_in_dim3A_51 : f32 to vector<240x1xf32>
    %swap3A_53 = arith.constant 10000 : index
    %swap3A_54 = arith.constant 0 : index
    %swap3A_55 = vector.load %arg6[%swap3A_53, %swap3A_54] : memref<10240x1xf32, #tpu.memory_space<vmem>>, vector<240x1xf32>
    tpu.vector_store %arg6[%swap3A_53, %swap3A_54], %broadcast_in_dim3A_52 {strides = array<i32>} : memref<10240x1xf32, #tpu.memory_space<vmem>>, vector<240x1xf32>,
    %swap3A_56 = arith.constant 0 : index
    %swap3A_57 = arith.constant 0 : index
    %swap3A_58 = vector.load %arg7[%swap3A_56, %swap3A_57] : memref<10240x1xf32, #tpu.memory_space<vmem>>, vector<10000x1xf32>
    tpu.vector_store %arg7[%swap3A_56, %swap3A_57], %broadcast_in_dim3A_47 {strides = array<i32>} : memref<10240x1xf32, #tpu.memory_space<vmem>>, vector<10000x1xf32>,
    %broadcast_in_dim3A_59 = arith.constant -1.000000e+30 : f32
    %broadcast_in_dim3A_60 = vector.broadcast %broadcast_in_dim3A_59 : f32 to vector<240x1xf32>
    %swap3A_61 = arith.constant 10000 : index
    %swap3A_62 = arith.constant 0 : index
    %swap3A_63 = vector.load %arg7[%swap3A_61, %swap3A_62] : memref<10240x1xf32, #tpu.memory_space<vmem>>, vector<240x1xf32>
    tpu.vector_store %arg7[%swap3A_61, %swap3A_62], %broadcast_in_dim3A_60 {strides = array<i32>} : memref<10240x1xf32, #tpu.memory_space<vmem>>, vector<240x1xf32>,
    %reduce_max3A = vector.shape_cast %broadcast_in_dim3A_42 : vector<10000x1xf32> to vector<1x10000x1xf32>
    %reduce_max3A_64 = arith.constant dense<0xFF800000> : vector<1xf32>
    %reduce_max3A_65 = vector.multi_reduction <maximumf>, %reduce_max3A, %reduce_max3A_64 [1, 2] : vector<1x10000x1xf32> to vector<1xf32>
    %reduce_max3A_66 = vector.shape_cast %reduce_max3A_65 : vector<1xf32> to vector<1x1x1xf32>
    %reduce_max3A_67 = vector.extract %reduce_max3A_66[0, 0, 0] : f32 from vector<1x1x1xf32>
    %add3A = vector.broadcast %reduce_max3A_67 : f32 to vector<10000x1xf32>
    %add3A_68 = arith.addf %add3A, %broadcast_in_dim3A_47 : vector<10000x1xf32>
    %max3A = arith.constant 0.000000e+00 : f32
    %max3A_69 = vector.broadcast %max3A : f32 to vector<10000x1xf32>
    %max3A_70 = arith.maximumf %add3A_68, %max3A_69 : vector<10000x1xf32>
    %swap3A_71 = arith.constant 0 : index
    %swap3A_72 = arith.constant 0 : index
    %swap3A_73 = vector.load %arg8[%swap3A_71, %swap3A_72] : memref<10240x1xf32, #tpu.memory_space<vmem>>, vector<10000x1xf32>
    tpu.vector_store %arg8[%swap3A_71, %swap3A_72], %max3A_70 {strides = array<i32>} : memref<10240x1xf32, #tpu.memory_space<vmem>>, vector<10000x1xf32>,
    %broadcast_in_dim3A_74 = arith.constant 0.000000e+00 : f32
    %broadcast_in_dim3A_75 = vector.broadcast %broadcast_in_dim3A_74 : f32 to vector<240x1xf32>
    %swap3A_76 = arith.constant 10000 : index
    %swap3A_77 = arith.constant 0 : index
    %swap3A_78 = vector.load %arg8[%swap3A_76, %swap3A_77] : memref<10240x1xf32, #tpu.memory_space<vmem>>, vector<240x1xf32>
    tpu.vector_store %arg8[%swap3A_76, %swap3A_77], %broadcast_in_dim3A_75 {strides = array<i32>} : memref<10240x1xf32, #tpu.memory_space<vmem>>, vector<240x1xf32>,
    return
  }
}

module attributes {stable_mosaic.version = 14 : i64} {
  func.func @_tc_split_body(%arg0: memref<2x10240x80xf32, #tpu.memory_space<vmem>>, %arg1: memref<128x128xf32, #tpu.memory_space<vmem>>, %arg2: memref<1x128xf32, #tpu.memory_space<vmem>>, %arg3: memref<1x128xf32, #tpu.memory_space<vmem>>, %arg4: memref<10240x80xf32, #tpu.memory_space<vmem>>, %arg5: memref<10240x80xf32, #tpu.memory_space<vmem>>, %arg6: memref<10240x1xf32, #tpu.memory_space<vmem>>, %arg7: memref<10240x1xf32, #tpu.memory_space<vmem>>, %arg8: memref<10240x1xf32, #tpu.memory_space<vmem>>) attributes {dimension_semantics = [], scalar_prefetch = 0 : i64, scratch_operands = 0 : i64, tpu.core_type = #tpu.core_type<tc>} {
    %get3A = arith.constant 0 : index
    %get3A_0 = arith.constant 0 : index
    %get3A_1 = arith.constant 0 : index
    %get3A_2 = vector.load %arg0[%get3A, %get3A_0, %get3A_1] : memref<2x10240x80xf32, #tpu.memory_space<vmem>>, vector<1x10240x80xf32>
    %get3A_3 = vector.shape_cast %get3A_2 : vector<1x10240x80xf32> to vector<10240x80xf32>
    %get3A_4 = arith.constant 1 : index
    %get3A_5 = arith.constant 0 : index
    %get3A_6 = arith.constant 0 : index
    %get3A_7 = vector.load %arg0[%get3A_4, %get3A_5, %get3A_6] : memref<2x10240x80xf32, #tpu.memory_space<vmem>>, vector<1x10240x80xf32>
    %get3A_8 = vector.shape_cast %get3A_7 : vector<1x10240x80xf32> to vector<10240x80xf32>
    %slice3A = vector.extract_strided_slice %get3A_3 {offsets = [0, 64], sizes = [10000, 1], strides = [1, 1]} : vector<10240x80xf32> to vector<10000x1xf32>
    %gt3A = arith.constant 0.000000e+00 : f32
    %gt3A_9 = vector.broadcast %gt3A : f32 to vector<10000x1xf32>
    %gt3A_10 = arith.cmpf ogt, %slice3A, %gt3A_9 : vector<10000x1xf32>
    %jit3A = arith.constant 1.000000e+00 : f32
    %broadcast_in_dim3A = vector.broadcast %jit3A : f32 to vector<10000x1xf32>
    %select_n3A = arith.select %gt3A_10, %slice3A, %broadcast_in_dim3A : vector<10000x1xi1>, vector<10000x1xf32>
    %slice3A_11 = vector.extract_strided_slice %get3A_3 {offsets = [0, 0], sizes = [10000, 64], strides = [1, 1]} : vector<10240x80xf32> to vector<10000x64xf32>
    %slice3A_12 = vector.extract_strided_slice %get3A_8 {offsets = [0, 0], sizes = [10000, 64], strides = [1, 1]} : vector<10240x80xf32> to vector<10000x64xf32>
    %concatenate3A = tpu.concatenate %slice3A_11, %slice3A_12 in 1 : vector<10000x64xf32>, vector<10000x64xf32> -> vector<10000x128xf32>
    %div3A = vector.broadcast %select_n3A : vector<10000x1xf32> to vector<10000x128xf32>
    %div3A_13 = arith.divf %concatenate3A, %div3A : vector<10000x128xf32>
    %get3A_14 = arith.constant 0 : index
    %get3A_15 = arith.constant 0 : index
    %get3A_16 = vector.load %arg1[%get3A_14, %get3A_15] : memref<128x128xf32, #tpu.memory_space<vmem>>, vector<128x128xf32>
    %dot_general3A = arith.constant dense<0.000000e+00> : vector<10000x128xf32>
    %dot_general3A_17 = tpu.matmul %div3A_13, %get3A_16, %dot_general3A {dimension_numbers = #tpu.dot_dimension_numbers<[1], [0], [0], [1], [0, 0, 1, 1], [], []>, transpose_lhs_hint = false} : vector<10000x128xf32>, vector<128x128xf32>, vector<10000x128xf32> -> vector<10000x128xf32>
    %slice3A_18 = vector.extract_strided_slice %dot_general3A_17 {offsets = [0, 0], sizes = [10000, 64], strides = [1, 1]} : vector<10000x128xf32> to vector<10000x64xf32>
    %swap3A = arith.constant 0 : index
    %swap3A_19 = arith.constant 0 : index
    %swap3A_20 = vector.load %arg4[%swap3A, %swap3A_19] : memref<10240x80xf32, #tpu.memory_space<vmem>>, vector<10000x64xf32>
    tpu.vector_store %arg4[%swap3A, %swap3A_19], %slice3A_18 {strides = array<i32>} : memref<10240x80xf32, #tpu.memory_space<vmem>>, vector<10000x64xf32>,
    %iota3A = tpu.iota {dimensions = array<i32: 1>} : vector<10000x16xi32>
    %eq3A = arith.constant 0 : i32
    %eq3A_21 = vector.broadcast %eq3A : i32 to vector<10000x16xi32>
    %eq3A_22 = arith.cmpi eq, %iota3A, %eq3A_21 : vector<10000x16xi32>
    %jit3A_23 = arith.constant 1.000000e+00 : f32
    %jit3A_24 = arith.constant 0.000000e+00 : f32
    %broadcast_in_dim3A_25 = vector.broadcast %jit3A_23 : f32 to vector<10000x16xf32>
    %broadcast_in_dim3A_26 = vector.broadcast %jit3A_24 : f32 to vector<10000x16xf32>
    %select_n3A_27 = arith.select %eq3A_22, %broadcast_in_dim3A_25, %broadcast_in_dim3A_26 : vector<10000x16xi1>, vector<10000x16xf32>
    %swap3A_28 = arith.constant 0 : index
    %swap3A_29 = arith.constant 64 : index
    %swap3A_30 = vector.load %arg4[%swap3A_28, %swap3A_29] : memref<10240x80xf32, #tpu.memory_space<vmem>>, vector<10000x16xf32>
    tpu.vector_store %arg4[%swap3A_28, %swap3A_29], %select_n3A_27 {strides = array<i32>} : memref<10240x80xf32, #tpu.memory_space<vmem>>, vector<10000x16xf32>,
    %broadcast_in_dim3A_31 = arith.constant 0.000000e+00 : f32
    %broadcast_in_dim3A_32 = vector.broadcast %broadcast_in_dim3A_31 : f32 to vector<240x80xf32>
    %swap3A_33 = arith.constant 10000 : index
    %swap3A_34 = arith.constant 0 : index
    %swap3A_35 = vector.load %arg4[%swap3A_33, %swap3A_34] : memref<10240x80xf32, #tpu.memory_space<vmem>>, vector<240x80xf32>
    tpu.vector_store %arg4[%swap3A_33, %swap3A_34], %broadcast_in_dim3A_32 {strides = array<i32>} : memref<10240x80xf32, #tpu.memory_space<vmem>>, vector<240x80xf32>,
    %slice3A_36 = vector.extract_strided_slice %dot_general3A_17 {offsets = [0, 64], sizes = [10000, 64], strides = [1, 1]} : vector<10000x128xf32> to vector<10000x64xf32>
    %swap3A_37 = arith.constant 0 : index
    %swap3A_38 = arith.constant 0 : index
    %swap3A_39 = vector.load %arg5[%swap3A_37, %swap3A_38] : memref<10240x80xf32, #tpu.memory_space<vmem>>, vector<10000x64xf32>
    tpu.vector_store %arg5[%swap3A_37, %swap3A_38], %slice3A_36 {strides = array<i32>} : memref<10240x80xf32, #tpu.memory_space<vmem>>, vector<10000x64xf32>,
    %broadcast_in_dim3A_40 = arith.constant 0.000000e+00 : f32
    %broadcast_in_dim3A_41 = vector.broadcast %broadcast_in_dim3A_40 : f32 to vector<10000x16xf32>
    %swap3A_42 = arith.constant 0 : index
    %swap3A_43 = arith.constant 64 : index
    %swap3A_44 = vector.load %arg5[%swap3A_42, %swap3A_43] : memref<10240x80xf32, #tpu.memory_space<vmem>>, vector<10000x16xf32>
    tpu.vector_store %arg5[%swap3A_42, %swap3A_43], %broadcast_in_dim3A_41 {strides = array<i32>} : memref<10240x80xf32, #tpu.memory_space<vmem>>, vector<10000x16xf32>,
    %broadcast_in_dim3A_45 = arith.constant 0.000000e+00 : f32
    %broadcast_in_dim3A_46 = vector.broadcast %broadcast_in_dim3A_45 : f32 to vector<240x80xf32>
    %swap3A_47 = arith.constant 10000 : index
    %swap3A_48 = arith.constant 0 : index
    %swap3A_49 = vector.load %arg5[%swap3A_47, %swap3A_48] : memref<10240x80xf32, #tpu.memory_space<vmem>>, vector<240x80xf32>
    tpu.vector_store %arg5[%swap3A_47, %swap3A_48], %broadcast_in_dim3A_46 {strides = array<i32>} : memref<10240x80xf32, #tpu.memory_space<vmem>>, vector<240x80xf32>,
    %get3A_50 = arith.constant 0 : index
    %get3A_51 = arith.constant 0 : index
    %get3A_52 = vector.load %arg2[%get3A_50, %get3A_51] : memref<1x128xf32, #tpu.memory_space<vmem>>, vector<1x128xf32>
    %get3A_53 = arith.constant 0 : index
    %get3A_54 = arith.constant 0 : index
    %get3A_55 = vector.load %arg3[%get3A_53, %get3A_54] : memref<1x128xf32, #tpu.memory_space<vmem>>, vector<1x128xf32>
    %mul3A = vector.broadcast %get3A_52 : vector<1x128xf32> to vector<10000x128xf32>
    %mul3A_56 = arith.mulf %dot_general3A_17, %mul3A : vector<10000x128xf32>
    %reduce_sum3A = arith.constant dense<0.000000e+00> : vector<10000xf32>
    %reduce_sum3A_57 = vector.multi_reduction <add>, %mul3A_56, %reduce_sum3A [1] : vector<10000x128xf32> to vector<10000xf32>
    %broadcast_in_dim3A_58 = vector.shape_cast %reduce_sum3A_57 : vector<10000xf32> to vector<10000x1xf32>
    %mul3A_59 = vector.broadcast %get3A_55 : vector<1x128xf32> to vector<10000x128xf32>
    %mul3A_60 = arith.mulf %dot_general3A_17, %mul3A_59 : vector<10000x128xf32>
    %reduce_sum3A_61 = arith.constant dense<0.000000e+00> : vector<10000xf32>
    %reduce_sum3A_62 = vector.multi_reduction <add>, %mul3A_60, %reduce_sum3A_61 [1] : vector<10000x128xf32> to vector<10000xf32>
    %broadcast_in_dim3A_63 = vector.shape_cast %reduce_sum3A_62 : vector<10000xf32> to vector<10000x1xf32>
    %swap3A_64 = arith.constant 0 : index
    %swap3A_65 = arith.constant 0 : index
    %swap3A_66 = vector.load %arg6[%swap3A_64, %swap3A_65] : memref<10240x1xf32, #tpu.memory_space<vmem>>, vector<10000x1xf32>
    tpu.vector_store %arg6[%swap3A_64, %swap3A_65], %broadcast_in_dim3A_58 {strides = array<i32>} : memref<10240x1xf32, #tpu.memory_space<vmem>>, vector<10000x1xf32>,
    %broadcast_in_dim3A_67 = arith.constant -1.000000e+30 : f32
    %broadcast_in_dim3A_68 = vector.broadcast %broadcast_in_dim3A_67 : f32 to vector<240x1xf32>
    %swap3A_69 = arith.constant 10000 : index
    %swap3A_70 = arith.constant 0 : index
    %swap3A_71 = vector.load %arg6[%swap3A_69, %swap3A_70] : memref<10240x1xf32, #tpu.memory_space<vmem>>, vector<240x1xf32>
    tpu.vector_store %arg6[%swap3A_69, %swap3A_70], %broadcast_in_dim3A_68 {strides = array<i32>} : memref<10240x1xf32, #tpu.memory_space<vmem>>, vector<240x1xf32>,
    %swap3A_72 = arith.constant 0 : index
    %swap3A_73 = arith.constant 0 : index
    %swap3A_74 = vector.load %arg7[%swap3A_72, %swap3A_73] : memref<10240x1xf32, #tpu.memory_space<vmem>>, vector<10000x1xf32>
    tpu.vector_store %arg7[%swap3A_72, %swap3A_73], %broadcast_in_dim3A_63 {strides = array<i32>} : memref<10240x1xf32, #tpu.memory_space<vmem>>, vector<10000x1xf32>,
    %broadcast_in_dim3A_75 = arith.constant -1.000000e+30 : f32
    %broadcast_in_dim3A_76 = vector.broadcast %broadcast_in_dim3A_75 : f32 to vector<240x1xf32>
    %swap3A_77 = arith.constant 10000 : index
    %swap3A_78 = arith.constant 0 : index
    %swap3A_79 = vector.load %arg7[%swap3A_77, %swap3A_78] : memref<10240x1xf32, #tpu.memory_space<vmem>>, vector<240x1xf32>
    tpu.vector_store %arg7[%swap3A_77, %swap3A_78], %broadcast_in_dim3A_76 {strides = array<i32>} : memref<10240x1xf32, #tpu.memory_space<vmem>>, vector<240x1xf32>,
    %reduce_max3A = vector.shape_cast %broadcast_in_dim3A_58 : vector<10000x1xf32> to vector<1x10000x1xf32>
    %reduce_max3A_80 = arith.constant dense<0xFF800000> : vector<1xf32>
    %reduce_max3A_81 = vector.multi_reduction <maximumf>, %reduce_max3A, %reduce_max3A_80 [1, 2] : vector<1x10000x1xf32> to vector<1xf32>
    %reduce_max3A_82 = vector.shape_cast %reduce_max3A_81 : vector<1xf32> to vector<1x1x1xf32>
    %reduce_max3A_83 = vector.extract %reduce_max3A_82[0, 0, 0] : f32 from vector<1x1x1xf32>
    %add3A = vector.broadcast %reduce_max3A_83 : f32 to vector<10000x1xf32>
    %add3A_84 = arith.addf %add3A, %broadcast_in_dim3A_63 : vector<10000x1xf32>
    %max3A = arith.constant 0.000000e+00 : f32
    %max3A_85 = vector.broadcast %max3A : f32 to vector<10000x1xf32>
    %max3A_86 = arith.maximumf %add3A_84, %max3A_85 : vector<10000x1xf32>
    %swap3A_87 = arith.constant 0 : index
    %swap3A_88 = arith.constant 0 : index
    %swap3A_89 = vector.load %arg8[%swap3A_87, %swap3A_88] : memref<10240x1xf32, #tpu.memory_space<vmem>>, vector<10000x1xf32>
    tpu.vector_store %arg8[%swap3A_87, %swap3A_88], %max3A_86 {strides = array<i32>} : memref<10240x1xf32, #tpu.memory_space<vmem>>, vector<10000x1xf32>,
    %broadcast_in_dim3A_90 = arith.constant 0.000000e+00 : f32
    %broadcast_in_dim3A_91 = vector.broadcast %broadcast_in_dim3A_90 : f32 to vector<240x1xf32>
    %swap3A_92 = arith.constant 10000 : index
    %swap3A_93 = arith.constant 0 : index
    %swap3A_94 = vector.load %arg8[%swap3A_92, %swap3A_93] : memref<10240x1xf32, #tpu.memory_space<vmem>>, vector<240x1xf32>
    tpu.vector_store %arg8[%swap3A_92, %swap3A_93], %broadcast_in_dim3A_91 {strides = array<i32>} : memref<10240x1xf32, #tpu.memory_space<vmem>>, vector<240x1xf32>,
    return
  }
}

module attributes {stable_mosaic.version = 14 : i64} {
  func.func @_tc_mid48_body(%arg0: memref<2x10240x80xf32, #tpu.memory_space<vmem>>, %arg1: memref<128x40xf32, #tpu.memory_space<vmem>>, %arg2: memref<1x40xf32, #tpu.memory_space<vmem>>, %arg3: memref<1x40xf32, #tpu.memory_space<vmem>>, %arg4: memref<10240x48xf32, #tpu.memory_space<vmem>>, %arg5: memref<10240x1xf32, #tpu.memory_space<vmem>>, %arg6: memref<10240x1xf32, #tpu.memory_space<vmem>>, %arg7: memref<10240x1xf32, #tpu.memory_space<vmem>>) attributes {dimension_semantics = [], scalar_prefetch = 0 : i64, scratch_operands = 0 : i64, tpu.core_type = #tpu.core_type<tc>} {
    %get3A = arith.constant 0 : index
    %get3A_0 = arith.constant 0 : index
    %get3A_1 = arith.constant 0 : index
    %get3A_2 = vector.load %arg0[%get3A, %get3A_0, %get3A_1] : memref<2x10240x80xf32, #tpu.memory_space<vmem>>, vector<1x10240x80xf32>
    %get3A_3 = vector.shape_cast %get3A_2 : vector<1x10240x80xf32> to vector<10240x80xf32>
    %get3A_4 = arith.constant 1 : index
    %get3A_5 = arith.constant 0 : index
    %get3A_6 = arith.constant 0 : index
    %get3A_7 = vector.load %arg0[%get3A_4, %get3A_5, %get3A_6] : memref<2x10240x80xf32, #tpu.memory_space<vmem>>, vector<1x10240x80xf32>
    %get3A_8 = vector.shape_cast %get3A_7 : vector<1x10240x80xf32> to vector<10240x80xf32>
    %slice3A = vector.extract_strided_slice %get3A_3 {offsets = [0, 64], sizes = [10000, 1], strides = [1, 1]} : vector<10240x80xf32> to vector<10000x1xf32>
    %gt3A = arith.constant 0.000000e+00 : f32
    %gt3A_9 = vector.broadcast %gt3A : f32 to vector<10000x1xf32>
    %gt3A_10 = arith.cmpf ogt, %slice3A, %gt3A_9 : vector<10000x1xf32>
    %jit3A = arith.constant 1.000000e+00 : f32
    %broadcast_in_dim3A = vector.broadcast %jit3A : f32 to vector<10000x1xf32>
    %select_n3A = arith.select %gt3A_10, %slice3A, %broadcast_in_dim3A : vector<10000x1xi1>, vector<10000x1xf32>
    %slice3A_11 = vector.extract_strided_slice %get3A_3 {offsets = [0, 0], sizes = [10000, 64], strides = [1, 1]} : vector<10240x80xf32> to vector<10000x64xf32>
    %slice3A_12 = vector.extract_strided_slice %get3A_8 {offsets = [0, 0], sizes = [10000, 64], strides = [1, 1]} : vector<10240x80xf32> to vector<10000x64xf32>
    %concatenate3A = tpu.concatenate %slice3A_11, %slice3A_12 in 1 : vector<10000x64xf32>, vector<10000x64xf32> -> vector<10000x128xf32>
    %div3A = vector.broadcast %select_n3A : vector<10000x1xf32> to vector<10000x128xf32>
    %div3A_13 = arith.divf %concatenate3A, %div3A : vector<10000x128xf32>
    %get3A_14 = arith.constant 0 : index
    %get3A_15 = arith.constant 0 : index
    %get3A_16 = vector.load %arg1[%get3A_14, %get3A_15] : memref<128x40xf32, #tpu.memory_space<vmem>>, vector<128x40xf32>
    %dot_general3A = arith.constant dense<0.000000e+00> : vector<10000x40xf32>
    %dot_general3A_17 = tpu.matmul %div3A_13, %get3A_16, %dot_general3A {dimension_numbers = #tpu.dot_dimension_numbers<[1], [0], [0], [1], [0, 0, 1, 1], [], []>, transpose_lhs_hint = false} : vector<10000x128xf32>, vector<128x40xf32>, vector<10000x40xf32> -> vector<10000x40xf32>
    %swap3A = arith.constant 0 : index
    %swap3A_18 = arith.constant 0 : index
    %swap3A_19 = vector.load %arg4[%swap3A, %swap3A_18] : memref<10240x48xf32, #tpu.memory_space<vmem>>, vector<10000x40xf32>
    tpu.vector_store %arg4[%swap3A, %swap3A_18], %dot_general3A_17 {strides = array<i32>} : memref<10240x48xf32, #tpu.memory_space<vmem>>, vector<10000x40xf32>,
    %iota3A = tpu.iota {dimensions = array<i32: 1>} : vector<10000x8xi32>
    %eq3A = arith.constant 0 : i32
    %eq3A_20 = vector.broadcast %eq3A : i32 to vector<10000x8xi32>
    %eq3A_21 = arith.cmpi eq, %iota3A, %eq3A_20 : vector<10000x8xi32>
    %jit3A_22 = arith.constant 1.000000e+00 : f32
    %jit3A_23 = arith.constant 0.000000e+00 : f32
    %broadcast_in_dim3A_24 = vector.broadcast %jit3A_22 : f32 to vector<10000x8xf32>
    %broadcast_in_dim3A_25 = vector.broadcast %jit3A_23 : f32 to vector<10000x8xf32>
    %select_n3A_26 = arith.select %eq3A_21, %broadcast_in_dim3A_24, %broadcast_in_dim3A_25 : vector<10000x8xi1>, vector<10000x8xf32>
    %swap3A_27 = arith.constant 0 : index
    %swap3A_28 = arith.constant 40 : index
    %swap3A_29 = vector.load %arg4[%swap3A_27, %swap3A_28] : memref<10240x48xf32, #tpu.memory_space<vmem>>, vector<10000x8xf32>
    tpu.vector_store %arg4[%swap3A_27, %swap3A_28], %select_n3A_26 {strides = array<i32>} : memref<10240x48xf32, #tpu.memory_space<vmem>>, vector<10000x8xf32>,
    %broadcast_in_dim3A_30 = arith.constant 0.000000e+00 : f32
    %broadcast_in_dim3A_31 = vector.broadcast %broadcast_in_dim3A_30 : f32 to vector<240x48xf32>
    %swap3A_32 = arith.constant 10000 : index
    %swap3A_33 = arith.constant 0 : index
    %swap3A_34 = vector.load %arg4[%swap3A_32, %swap3A_33] : memref<10240x48xf32, #tpu.memory_space<vmem>>, vector<240x48xf32>
    tpu.vector_store %arg4[%swap3A_32, %swap3A_33], %broadcast_in_dim3A_31 {strides = array<i32>} : memref<10240x48xf32, #tpu.memory_space<vmem>>, vector<240x48xf32>,
    %get3A_35 = arith.constant 0 : index
    %get3A_36 = arith.constant 0 : index
    %get3A_37 = vector.load %arg2[%get3A_35, %get3A_36] : memref<1x40xf32, #tpu.memory_space<vmem>>, vector<1x40xf32>
    %get3A_38 = arith.constant 0 : index
    %get3A_39 = arith.constant 0 : index
    %get3A_40 = vector.load %arg3[%get3A_38, %get3A_39] : memref<1x40xf32, #tpu.memory_space<vmem>>, vector<1x40xf32>
    %mul3A = vector.broadcast %get3A_37 : vector<1x40xf32> to vector<10000x40xf32>
    %mul3A_41 = arith.mulf %dot_general3A_17, %mul3A : vector<10000x40xf32>
    %reduce_sum3A = arith.constant dense<0.000000e+00> : vector<10000xf32>
    %reduce_sum3A_42 = vector.multi_reduction <add>, %mul3A_41, %reduce_sum3A [1] : vector<10000x40xf32> to vector<10000xf32>
    %broadcast_in_dim3A_43 = vector.shape_cast %reduce_sum3A_42 : vector<10000xf32> to vector<10000x1xf32>
    %mul3A_44 = vector.broadcast %get3A_40 : vector<1x40xf32> to vector<10000x40xf32>
    %mul3A_45 = arith.mulf %dot_general3A_17, %mul3A_44 : vector<10000x40xf32>
    %reduce_sum3A_46 = arith.constant dense<0.000000e+00> : vector<10000xf32>
    %reduce_sum3A_47 = vector.multi_reduction <add>, %mul3A_45, %reduce_sum3A_46 [1] : vector<10000x40xf32> to vector<10000xf32>
    %broadcast_in_dim3A_48 = vector.shape_cast %reduce_sum3A_47 : vector<10000xf32> to vector<10000x1xf32>
    %swap3A_49 = arith.constant 0 : index
    %swap3A_50 = arith.constant 0 : index
    %swap3A_51 = vector.load %arg5[%swap3A_49, %swap3A_50] : memref<10240x1xf32, #tpu.memory_space<vmem>>, vector<10000x1xf32>
    tpu.vector_store %arg5[%swap3A_49, %swap3A_50], %broadcast_in_dim3A_43 {strides = array<i32>} : memref<10240x1xf32, #tpu.memory_space<vmem>>, vector<10000x1xf32>,
    %broadcast_in_dim3A_52 = arith.constant -1.000000e+30 : f32
    %broadcast_in_dim3A_53 = vector.broadcast %broadcast_in_dim3A_52 : f32 to vector<240x1xf32>
    %swap3A_54 = arith.constant 10000 : index
    %swap3A_55 = arith.constant 0 : index
    %swap3A_56 = vector.load %arg5[%swap3A_54, %swap3A_55] : memref<10240x1xf32, #tpu.memory_space<vmem>>, vector<240x1xf32>
    tpu.vector_store %arg5[%swap3A_54, %swap3A_55], %broadcast_in_dim3A_53 {strides = array<i32>} : memref<10240x1xf32, #tpu.memory_space<vmem>>, vector<240x1xf32>,
    %swap3A_57 = arith.constant 0 : index
    %swap3A_58 = arith.constant 0 : index
    %swap3A_59 = vector.load %arg6[%swap3A_57, %swap3A_58] : memref<10240x1xf32, #tpu.memory_space<vmem>>, vector<10000x1xf32>
    tpu.vector_store %arg6[%swap3A_57, %swap3A_58], %broadcast_in_dim3A_48 {strides = array<i32>} : memref<10240x1xf32, #tpu.memory_space<vmem>>, vector<10000x1xf32>,
    %broadcast_in_dim3A_60 = arith.constant -1.000000e+30 : f32
    %broadcast_in_dim3A_61 = vector.broadcast %broadcast_in_dim3A_60 : f32 to vector<240x1xf32>
    %swap3A_62 = arith.constant 10000 : index
    %swap3A_63 = arith.constant 0 : index
    %swap3A_64 = vector.load %arg6[%swap3A_62, %swap3A_63] : memref<10240x1xf32, #tpu.memory_space<vmem>>, vector<240x1xf32>
    tpu.vector_store %arg6[%swap3A_62, %swap3A_63], %broadcast_in_dim3A_61 {strides = array<i32>} : memref<10240x1xf32, #tpu.memory_space<vmem>>, vector<240x1xf32>,
    %reduce_max3A = vector.shape_cast %broadcast_in_dim3A_43 : vector<10000x1xf32> to vector<1x10000x1xf32>
    %reduce_max3A_65 = arith.constant dense<0xFF800000> : vector<1xf32>
    %reduce_max3A_66 = vector.multi_reduction <maximumf>, %reduce_max3A, %reduce_max3A_65 [1, 2] : vector<1x10000x1xf32> to vector<1xf32>
    %reduce_max3A_67 = vector.shape_cast %reduce_max3A_66 : vector<1xf32> to vector<1x1x1xf32>
    %reduce_max3A_68 = vector.extract %reduce_max3A_67[0, 0, 0] : f32 from vector<1x1x1xf32>
    %add3A = vector.broadcast %reduce_max3A_68 : f32 to vector<10000x1xf32>
    %add3A_69 = arith.addf %add3A, %broadcast_in_dim3A_48 : vector<10000x1xf32>
    %max3A = arith.constant 0.000000e+00 : f32
    %max3A_70 = vector.broadcast %max3A : f32 to vector<10000x1xf32>
    %max3A_71 = arith.maximumf %add3A_69, %max3A_70 : vector<10000x1xf32>
    %swap3A_72 = arith.constant 0 : index
    %swap3A_73 = arith.constant 0 : index
    %swap3A_74 = vector.load %arg7[%swap3A_72, %swap3A_73] : memref<10240x1xf32, #tpu.memory_space<vmem>>, vector<10000x1xf32>
    tpu.vector_store %arg7[%swap3A_72, %swap3A_73], %max3A_71 {strides = array<i32>} : memref<10240x1xf32, #tpu.memory_space<vmem>>, vector<10000x1xf32>,
    %broadcast_in_dim3A_75 = arith.constant 0.000000e+00 : f32
    %broadcast_in_dim3A_76 = vector.broadcast %broadcast_in_dim3A_75 : f32 to vector<240x1xf32>
    %swap3A_77 = arith.constant 10000 : index
    %swap3A_78 = arith.constant 0 : index
    %swap3A_79 = vector.load %arg7[%swap3A_77, %swap3A_78] : memref<10240x1xf32, #tpu.memory_space<vmem>>, vector<240x1xf32>
    tpu.vector_store %arg7[%swap3A_77, %swap3A_78], %broadcast_in_dim3A_76 {strides = array<i32>} : memref<10240x1xf32, #tpu.memory_space<vmem>>, vector<240x1xf32>,
    return
  }
}

module attributes {stable_mosaic.version = 14 : i64} {
  func.func @_tc_last_body(%arg0: memref<2x10240x48xf32, #tpu.memory_space<vmem>>, %arg1: memref<10000x40xf32, #tpu.memory_space<vmem>>) attributes {dimension_semantics = [], scalar_prefetch = 0 : i64, scratch_operands = 0 : i64, tpu.core_type = #tpu.core_type<tc>} {
    %get3A = arith.constant 0 : index
    %get3A_0 = arith.constant 0 : index
    %get3A_1 = arith.constant 0 : index
    %get3A_2 = vector.load %arg0[%get3A, %get3A_0, %get3A_1] : memref<2x10240x48xf32, #tpu.memory_space<vmem>>, vector<1x10240x48xf32>
    %get3A_3 = vector.shape_cast %get3A_2 : vector<1x10240x48xf32> to vector<10240x48xf32>
    %get3A_4 = arith.constant 1 : index
    %get3A_5 = arith.constant 0 : index
    %get3A_6 = arith.constant 0 : index
    %get3A_7 = vector.load %arg0[%get3A_4, %get3A_5, %get3A_6] : memref<2x10240x48xf32, #tpu.memory_space<vmem>>, vector<1x10240x48xf32>
    %get3A_8 = vector.shape_cast %get3A_7 : vector<1x10240x48xf32> to vector<10240x48xf32>
    %add3A = arith.addf %get3A_3, %get3A_8 : vector<10240x48xf32>
    %slice3A = vector.extract_strided_slice %add3A {offsets = [0, 40], sizes = [10000, 1], strides = [1, 1]} : vector<10240x48xf32> to vector<10000x1xf32>
    %gt3A = arith.constant 0.000000e+00 : f32
    %gt3A_9 = vector.broadcast %gt3A : f32 to vector<10000x1xf32>
    %gt3A_10 = arith.cmpf ogt, %slice3A, %gt3A_9 : vector<10000x1xf32>
    %jit3A = arith.constant 1.000000e+00 : f32
    %broadcast_in_dim3A = vector.broadcast %jit3A : f32 to vector<10000x1xf32>
    %select_n3A = arith.select %gt3A_10, %slice3A, %broadcast_in_dim3A : vector<10000x1xi1>, vector<10000x1xf32>
    %slice3A_11 = vector.extract_strided_slice %add3A {offsets = [0, 0], sizes = [10000, 40], strides = [1, 1]} : vector<10240x48xf32> to vector<10000x40xf32>
    %div3A = vector.broadcast %select_n3A : vector<10000x1xf32> to vector<10000x40xf32>
    %div3A_12 = arith.divf %slice3A_11, %div3A : vector<10000x40xf32>
    %reduce_max3A = arith.constant dense<0xFF800000> : vector<10000xf32>
    %reduce_max3A_13 = vector.multi_reduction <maximumf>, %div3A_12, %reduce_max3A [1] : vector<10000x40xf32> to vector<10000xf32>
    %broadcast_in_dim3A_14 = vector.shape_cast %reduce_max3A_13 : vector<10000xf32> to vector<10000x1xf32>
    %sub3A = vector.broadcast %broadcast_in_dim3A_14 : vector<10000x1xf32> to vector<10000x40xf32>
    %sub3A_15 = arith.subf %div3A_12, %sub3A : vector<10000x40xf32>
    %exp3A = math.exp %sub3A_15 : vector<10000x40xf32>
    %reduce_sum3A = arith.constant dense<0.000000e+00> : vector<10000xf32>
    %reduce_sum3A_16 = vector.multi_reduction <add>, %exp3A, %reduce_sum3A [1] : vector<10000x40xf32> to vector<10000xf32>
    %broadcast_in_dim3A_17 = vector.shape_cast %reduce_sum3A_16 : vector<10000xf32> to vector<10000x1xf32>
    %log3A = math.log %broadcast_in_dim3A_17 : vector<10000x1xf32>
    %add3A_18 = arith.addf %log3A, %broadcast_in_dim3A_14 : vector<10000x1xf32>
    %sub3A_19 = vector.broadcast %add3A_18 : vector<10000x1xf32> to vector<10000x40xf32>
    %sub3A_20 = arith.subf %div3A_12, %sub3A_19 : vector<10000x40xf32>
    %swap3A = arith.constant 0 : index
    %swap3A_21 = arith.constant 0 : index
    %swap3A_22 = vector.load %arg1[%swap3A, %swap3A_21] : memref<10000x40xf32, #tpu.memory_space<vmem>>, vector<10000x40xf32>
    tpu.vector_store %arg1[%swap3A, %swap3A_21], %sub3A_20 {strides = array<i32>} : memref<10000x40xf32, #tpu.memory_space<vmem>>, vector<10000x40xf32>,
    return
  }
}

</mosaic_0001>

<sc_bundles>
// kernel: kernel.12.cloned.1.call-start
scs
__scs_entry_jumppad:
0x0: {  	(pc) =	sbr.rel $0x88, $3  }
0x1: {  	(tag) =	ssettag $0x0;
	lr =	simm.s32 $0x1  }
0x2: {  	[smem:$0x3F96] =	sst lr;
	_ =	strace $0xD0000000  }
0x3: {  	_ = 	snop  }
0x4: {  	_ = 	snop  }
0x5: {  	_ = 	snop  }
0x6: {  	_ = 	snop  }
0x7: {  	_ = 	snop  }
__scs_overlays_trampoline_lowered:
0x8: {  	[smem:$0x3FA5] =	sst s0  }
0x9: {  	[smem:$0x3FA6] =	sst s1  }
0xa: {  	[smem:$0x3FA7] =	sst s2  }
0xb: {  	[smem:$0x3FA8] =	sst s3  }
0xc: {  	[smem:$0x3FA9] =	sst s4  }
0xd: {  	[smem:$0x3FAA] =	sst s5  }
0xe: {  	[smem:$0x3FAB] =	sst s6  }
0xf: {  	[smem:$0x3FAC] =	sst s7  }
0x10: {  	[smem:$0x3FAD] =	sst s8  }
0x11: {  	[smem:$0x3FAE] =	sst s9;
	s0 =	simm.s32 @!p0 $0x0  }
0x12: {  	s1 =	sld [smem:$0x3F94];
	s0 =	simm.s32 @p0 $0x1  }
0x13: {  	[smem:$0x3FAF] =	sst s0;
	s0 =	simm.s32 @!p1 $0x0  }
0x14: {  	s2 =	sld [smem:$0x3F93];
	s0 =	simm.s32 @p1 $0x1  }
0x15: {  	[smem:$0x3FB0] =	sst s0;
	s0 =	simm.s32 @!p2 $0x0  }
0x16: {  	s3 =	sld [smem:$0x3FDB];
	s0 =	simm.s32 @p2 $0x1  }
0x17: {  	s4 =	simm.s32 $0x1BF5;
	[smem:$0x3FB2] =	sst s0  }
0x18: {  	s0 =	sld [smem:$0x3F95];
	_ =	swait.ge [sflag:s4], $0x0  }
0x19: {  	s7 =	sld [smem:$0x3F96]  }
0x1a: {  	s8 =	sadd.s32 $0xFFFFE003, lr  }
0x1b: {  	s9 =	sadd.s32 $0xFFFFFEF7, lr;
	s5 =	simm.s32 $0xFFFFFFFF;
	p2 =	slt.u32 s8, $0xFFFFF086  }
0x1c: {  	p1 =	slt.u32 s9, $0xF7A;
	s5 =	simm.s32 @!p2 $0x0  }
0x1d: {  	s5 =	simm.s32 @p1 $0x1;
	p0 =	seq.s32 s7, s2  }
0x1e: {  	s7 =	smul.u32 @!p0 $0xF7A, s2;
	p2 =	seq.s32 @!p0 s5, $0x0  }
0x1f: {  	s9 =	smul.u32 $0xF7A, s1;
	s8 =	simm.s32 @!p0 $0x1BF5;
	p2 =	por !p2, p0  }
0x20: {  	[sflag:s8] =	ssyncset.s32 @!p0 $0xFFFFF086;
	s6 =	sadd.s32 @!p0 s3, s7;
	s7 =	simm.s32 @!p0 $0x108  }
0x21: {  	s3 =	sadd.s32 s3, s9;
	s6 =	sadd.s32 @!p0 $0x88, s6;
	s7 =	simm.s32 @p2 $0x1082  }
0x22: {  	[simem:s7], [sflag:s8] =	dma.local @!p0 [hbm:s6], $0xF7A  }
0x23: {  	s9 =	sor.u32 $0xD0000000, s2;
	s6 =	simm.s32 $0x108;
	_ =	swait.ge @!p0 [sflag:s8], $0x0  }
0x24: {  	s3 =	sadd.s32 $0x88, s3;
	s6 =	simm.s32 @!p1 $0x1082;
	[sflag:s4] =	ssyncset.s32 $0xFFFFF086  }
0x25: {  	[simem:s6], [sflag:s4] =	dma.local [hbm:s3], $0xF7A  }
0x26: {  	[smem:$0x3F96] =	sst s1;
	(tag) =	ssettag s2;
	_ =	strace s9  }
0x27: {  	s1 =	sld [smem:$0x3FA6]  }
0x28: {  	s2 =	sld [smem:$0x3FA7]  }
0x29: {  	s4 =	sld [smem:$0x3FA9]  }
0x2a: {  	p0 =	seq.s32 s5, $0x0;
	s5 =	sld [smem:$0x3FAA]  }
0x2b: {  	s6 =	sld [smem:$0x3FAB]  }
0x2c: {  	s7 =	sld [smem:$0x3FAC]  }
0x2d: {  	s3 =	simm.s32 $0x108;
	s8 =	sld [smem:$0x3FAD]  }
0x2e: {  	s3 =	simm.s32 @!p0 $0x1082;
	s9 =	sld [smem:$0x3FAE]  }
0x2f: {  	lr =	sadd.s32 s0, s3;
	s0 =	sld [smem:$0x3FA5]  }
0x30: {  	s3 =	sld [smem:$0x3FA8]  }
0x31: {  	[smem:$0x3FB1] =	sst s10  }
0x32: {  	s10 =	sld [smem:$0x3FAF];
	_ =	sdelay $0x3  }
0x33: {  	p0 =	seq.s32 s10, $0x1;
	s10 =	sld [smem:$0x3FB1];
	_ =	sdelay $0x3  }
0x34: {  	[smem:$0x3FB1] =	sst s10  }
0x35: {  	s10 =	sld [smem:$0x3FB0];
	_ =	sdelay $0x3  }
0x36: {  	p1 =	seq.s32 s10, $0x1;
	s10 =	sld [smem:$0x3FB1];
	_ =	sdelay $0x3  }
0x37: {  	[smem:$0x3FB1] =	sst s10  }
0x38: {  	s10 =	sld [smem:$0x3FB2]  }
0x39: {  	_ = 	snop;
	(pc) =	sbr.ind lr, $3  }
0x3a: {  	_ = 	snop  }
0x3b: {  	_ = 	snop  }
0x3c: {  	p2 =	seq.s32 s10, $0x1;
	s10 =	sld [smem:$0x3FB1]  }
0x3d: {  	_ =	shalt  }
0x3e: {  	_ =	shalt  }
0x3f: {  	_ =	shalt  }
0x40: {  	_ =	shalt  }
0x41: {  	_ =	shalt  }
0x42: {  	_ =	shalt  }
0x43: {  	_ =	shalt  }
0x44: {  	_ =	shalt  }
0x45: {  	_ =	shalt  }
0x46: {  	_ =	shalt  }
0x47: {  	_ =	shalt  }
0x48: {  	_ =	shalt  }
0x49: {  	_ =	shalt  }
0x4a: {  	_ =	shalt  }
0x4b: {  	_ =	shalt  }
0x4c: {  	_ =	shalt  }
0x4d: {  	_ =	shalt  }
0x4e: {  	_ =	shalt  }
0x4f: {  	_ =	shalt  }
0x50: {  	_ =	shalt  }
0x51: {  	_ =	shalt  }
0x52: {  	_ =	shalt  }
0x53: {  	_ =	shalt  }
0x54: {  	_ =	shalt  }
0x55: {  	_ =	shalt  }
0x56: {  	_ =	shalt  }
0x57: {  	_ =	shalt  }
0x58: {  	_ =	shalt  }
0x59: {  	_ =	shalt  }
0x5a: {  	_ =	shalt  }
0x5b: {  	_ =	shalt  }
0x5c: {  	_ =	shalt  }
0x5d: {  	_ =	shalt  }
0x5e: {  	_ =	shalt  }
0x5f: {  	_ =	shalt  }
0x60: {  	_ =	shalt  }
0x61: {  	_ =	shalt  }
0x62: {  	_ =	shalt  }
0x63: {  	_ =	shalt  }
0x64: {  	_ =	shalt  }
0x65: {  	_ =	shalt  }
0x66: {  	_ =	shalt  }
0x67: {  	_ =	shalt  }
0x68: {  	_ =	shalt  }
0x69: {  	_ =	shalt  }
0x6a: {  	_ =	shalt  }
0x6b: {  	_ =	shalt  }
0x6c: {  	_ =	shalt  }
0x6d: {  	_ =	shalt  }
0x6e: {  	_ =	shalt  }
0x6f: {  	_ =	shalt  }
0x70: {  	_ =	shalt  }
0x71: {  	_ =	shalt  }
0x72: {  	_ =	shalt  }
0x73: {  	_ =	shalt  }
0x74: {  	_ =	shalt  }
0x75: {  	_ =	shalt  }
0x76: {  	_ =	shalt  }
0x77: {  	_ =	shalt  }
0x78: {  	_ =	shalt  }
0x79: {  	_ =	shalt  }
0x7a: {  	_ =	shalt  }
0x7b: {  	_ =	shalt  }
0x7c: {  	_ =	shalt  }
0x7d: {  	_ =	shalt  }
0x7e: {  	_ =	shalt  }
0x7f: {  	_ =	shalt  }
0x80: {  	_ =	shalt  }
0x81: {  	_ =	shalt  }
0x82: {  	_ =	shalt  }
0x83: {  	_ =	shalt  }
0x84: {  	_ =	shalt  }
0x85: {  	_ =	shalt  }
0x86: {  	_ =	shalt  }
0x87: {  	_ =	shalt  }
.Lfunc_end0:
.L_simem_size_0:
called_computation.1_lowered:
.L_overlay_start_0:
0x88: {  	s2 =	sld [smem:$0x3FD9]  }
0x89: {  	s3 =	sld [smem:$0x3FFE];
	_ =	sdelay $0x1  }
0x8a: {  	s1 =	srdreg.scid  }
0x8b: {  	s0 =	sand.u32 $0x1, s1  }
0x8c: {  	s16 =	sshll.u32 s0, $0xA;
	s2 =	sadd.s32 s3, s2  }
0x8d: {  	s2 =	sadd.s32 s2, s16  }
0x8e: {  	[smem:$0x3FBD] =	sst s2  }
0x8f: {  	_ = 	snop  }
0x90: {  	(tm) =	ssettm $0x1  }
0x91: {  	s17 =	sld [smem:$0x3FFB];
	_ =	sdelay $0x3  }
0x92: {  	_ =	strace s17  }
0x93: {  	s2 =	sld [smem:$0x3FFC];
	_ =	sdelay $0x3  }
0x94: {  	_ =	strace s2  }
0x95: {  	s2 =	sld [smem:$0x3FFD];
	_ =	sdelay $0x3  }
0x96: {  	_ =	strace s2  }
0x97: {  	_ =	strace $0x8FFFFFFF  }
0x98: {  	s18 =	sld [smem:$0x3FDB];
	_ =	sdelay $0x1  }
0x99: {  	s19 =	simm.s32 $_scs_section_size  }
0x9a: {  	s4 =	simm.s32 $_size__tile_overlayer_lowered;
	s5 =	simm.s32 $_tile_overlayer_lowered  }
0x9b: {  	s22 =	simm.s32 $0x1BFF;
	s21 =	sshll.u32 s5, $0x1;
	s2 =	sadd.s32 s19, s18  }
0x9c: {  	s6 =	simm.s32 $0x0;
	s20 =	sshll.u32 s4, $0x1;
	s4 =	sadd.s32 s21, s2  }
0x9d: {  	[timem:s6], [sflag:s22] =	dma.local [hbm:s4], s20  }
0x9e: {  	_ =	swait.ge [sflag:s22], s20  }
0x9f: {  	s3 =	ssub.s32 $0x0, s20;
	[sflag:s22] =	ssyncset.done $0x0  }
0xa0: {  	[sflag:s22] =	ssyncadd.s32 s3;
	_ =	sdelay $0x1  }
0xa1: {  	s23 =	simm.s32 $0x1B8B  }
0xa2: {  	_ =	swait.ge [sflag:s23], $0x1  }
0xa3: {  	[sflag:s23] =	ssyncset.done $0x0  }
0xa4: {  	s25 =	simm.s32 $0x1B8E;
	s24 =	sld [smem:$0x3FFE];
	[sflag:s23] =	ssyncadd.s32 $0xFFFFFFFF  }
0xa5: {  	s26 =	simm.s32 $execute0_lowered;
	[smem:$0x3FD2] =	sst s25  }
0xa6: {  	s4 =	sshll.u32 s26, $0x1;
	_ =	strace $0x80000049;
	[dreg:$0x1] =	wrdreg $0xFFFFFFFF  }
0xa7: {  	s28 =	simm.s32 $_size_execute0_lowered;
	s2 =	sadd.s32 s2, s4;
	[dreg:$0x0] =	wrdreg $0x0  }
0xa8: {  	s4 =	sshll.u32 s28, $0x1;
	[dreg:$0x2] =	wrdreg s2  }
0xa9: {  	[dreg:$0x3] =	wrdreg s4  }
0xaa: {  	[dreg:$0x4] =	wrdreg $0xC0  }
0xab: {  	_ =	task [dreg:s6], $0x5FFFF  }
0xac: {  	[dreg:$0x1] =	wrdreg $0xFFFFFFFF  }
0xad: {  	[dreg:$0x0] =	wrdreg $0x60  }
0xae: {  	[dreg:$0x2] =	wrdreg s24  }
0xaf: {  	[dreg:$0x3] =	wrdreg $0xA1800  }
0xb0: {  	[dreg:$0x4] =	wrdreg $0x9  }
0xb1: {  	_ =	task.clear_ibuf [dreg:s6], $0x5FFFF;
	_ =	strace $0x90000049  }
0xb2: {  	s29 =	simm.s32 $0x9;
	_ =	strace $0x8000004B  }
0xb3: {  	_ =	swait.ge [sflag:s29], $0x1  }
0xb4: {  	[sflag:s29] =	ssyncadd.s32 $0xFFFFFFFF  }
0xb5: {  	_ =	strace $0x9000004B  }
0xb6: {  	_ =	sfence  }
0xb7: {  	s30 =	sld [smem:$0x0];
	_ =	sdelay $0x2  }
0xb8: {  	s31 =	sshll.u32 s1, $0xD;
	s1 =	sshrl.u32 s1, $0x2  }
0xb9: {  	s3 =	sand.u32 $0x4000, s31;
	s1 =	sadd.s32 s1, s30  }
0xba: {  	s0 =	sor.u32 s3, s0;
	s1 =	sshll.u32 s1, $0x11  }
0xbb: {  	s0 =	sor.u32 s1, s0  }
0xbc: {  	s0 =	sadd.s32 $0x8F2B, s0  }
0xbd: {  	[sflag:s0] =	ssyncadd.remote.s32 $0x1  }
0xbe: {  	_ =	sfence.sel $0xFFFF  }
0xbf: {  	[dreg:$0x0] =	wrdreg $0xFFFFFFFF;
	(pc) =	sbr.abs _section_cstart, $3  }
0xc0: {  	[dreg:$0x1] =	wrdreg $0xFFFFFFFF  }
0xc1: {  	_ =	task.clear_ibuf [dreg:s6], $0x2FFFF;
	_ =	strace $0x9FFFFFFF  }
0xc2: {  	(tm) =	ssettm $0x7FFFFFFF  }
0xc3: {  	_ =	shalt  }
tec
execute0_lowered:
.L_overlay_start_1:
0x0: {  	(tag) =	ssettag $0x1  }
0x1: {  	s18 =	rddreg [dreg:$0x0]  }
0x2: {  	s2 =	rddreg [dreg:$0x1];
	s3 =	simm.s32 $0x0  }
0x3: {  	s0 =	srdreg.scid;
	s14 =	stileid.u32;
	s19 =	simm.s32 $0x2800  }
0x4: {  	s28 =	simm.s32 $0x7880;
	s29 =	simm.s32 $0x80;
	s30 =	simm.s32 $0x1  }
0x5: {  	s31 =	simm.s32 $0x7900;
	[smem:$0x7FF] =	sst s3;
	s0 =	sand.u32 $0x1, s0  }
0x6: {  	s5 =	sadd.s32 $0xAA00, s18;
	s6 =	sadd.s32 $0xC00, s18;
	s4 =	smul.u32 $0xC800, s14  }
0x7: {  	s7 =	sadd.s32 $0x14800, s18;
	s22 =	sadd.s32 $0x600, s18;
	s14 =	smul.u32 $0x4E80, s14  }
0x8: {  	_ =	strace $0x8000004A;
	s1 =	smul.u32 $0x19000, s0;
	[dreg:$0x3] =	wrdreg s7  }
0x9: {  	[dreg:$0x4] =	wrdreg s22;
	s23 =	ssub.s32 $0x2, s0;
	p0 =	seq.s32 s0, $0x1  }
0xa: {  	s8 =	sshrl.u32 s23, $0x1;
	s15 =	sadd.s32 $0x2800, s4;
	s9 =	sadd.s32 s4, s2  }
0xb: {  	s24 =	sadd.s32 $0x5000, s4;
	s16 =	sadd.s32 $0x7800, s4;
	s17 =	sadd.s32 $0xA000, s4  }
0xc: {  	s25 =	sshrl.u32 s4, $0x3;
	s1 =	sadd.s32 s1, s18;
	s7 =	ssub.s32 s23, s8  }
0xd: {  	s10 =	sadd.s32 s15, s2;
	s11 =	sadd.s32 s24, s2;
	s12 =	sadd.s32 s16, s2  }
0xe: {  	s13 =	sadd.s32 s17, s2;
	s26 =	sshrl.u32 s15, $0x3;
	s15 =	simm.s32 $0x3C800  }
0xf: {  	s8 =	sshrl.u32 s24, $0x3;
	s23 =	sshrl.u32 s16, $0x3;
	s24 =	sshrl.u32 s17, $0x3  }
0x10: {  	s17 =	simm.s32 $0x7980;
	s15 =	simm.s32 @!p0 $0x55800;
	s7 =	smax.u32 s7, $0x1  }
0x11: {  	s0 =	sadd.s32 $0x6E800, s1;
	[dreg:$0x5] =	wrdreg s7;
	s16 =	sadd.s32 s15, s18  }
0x12: {  	s18 =	simm.s32 $0x2;
	s20 =	sadd.s32 s25, s0;
	s21 =	sadd.s32 s26, s0  }
0x13: {  	s22 =	sadd.s32 s8, s0;
	s23 =	sadd.s32 s23, s0;
	s24 =	sadd.s32 s24, s0  }
0x14: {  	v0 =	vimm.f32 $0.0e+00;
	s25 =	simm.s32 $0x5000;
	s26 =	simm.s32 $0x7800;
	s0 =	simm.s32 $0x0  }
.LBB2_1:
0x15: {  	s4 =	simm.s32 $0x140;
	s1 =	simm.s32 $0x0  }
.LBB2_2:
0x16: {  	p0 =	sne.s32 s4, $0x9EC0;
	[tilespmem:s1+$0x79C0] =	vst v0;
	s7 =	smov.u32 s4;
	s4 =	sadd.s32 $0x140, s4  }
.Ltmp0:
0x17: {  	[tilespmem:s1+$0x79B0] =	vst v0;
	(pc) =	sbr.rel @p0 .LBB2_2-.Ltmp0, $4  }
0x18: {  	[tilespmem:s1+$0x79A0] =	vst v0  }
0x19: {  	[tilespmem:s1+$0x7980] =	vst v0  }
0x1a: {  	[tilespmem:s1+$0x7990] =	vst v0  }
0x1b: {  	s1 =	sshra.s32 s7, $0x2  }
0x1c: {  	[tilespmem:s1+$0x79C0] =	vst v0  }
0x1d: {  	[tilespmem:s1+$0x79B0] =	vst v0  }
0x1e: {  	[tilespmem:s1+$0x79A0] =	vst v0  }
0x1f: {  	[tilespmem:s1+$0x7980] =	vst v0  }
0x20: {  	[tilespmem:s1+$0x7990] =	vst v0  }
0x21: {  	[spmem:s9] =	stream.linear.scatter [tilespmem:s17], [sflag:$0x2], $0x2800, $0x38;
	[tilespmem:$0x16980] =	vst v63  }
0x22: {  	_ =	swait.ge [sflag:s18], $0x2800  }
0x23: {  	[sflag:s18] =	ssyncset.done $0x0  }
0x24: {  	[sflag:s18] =	ssyncadd.s32 $0xFFFFD800  }
0x25: {  	[spmem:s10] =	stream.linear.scatter [tilespmem:s17], [sflag:$0x2], $0x2800, $0x38;
	[tilespmem:$0x16980] =	vst v63  }
0x26: {  	_ =	swait.ge [sflag:s18], $0x2800  }
0x27: {  	[sflag:s18] =	ssyncset.done $0x0  }
0x28: {  	[sflag:s18] =	ssyncadd.s32 $0xFFFFD800  }
0x29: {  	[spmem:s11] =	stream.linear.scatter [tilespmem:s17], [sflag:$0x2], $0x2800, $0x38;
	[tilespmem:$0x16980] =	vst v63  }
0x2a: {  	_ =	swait.ge [sflag:s18], $0x2800  }
0x2b: {  	[sflag:s18] =	ssyncset.done $0x0  }
0x2c: {  	[sflag:s18] =	ssyncadd.s32 $0xFFFFD800  }
0x2d: {  	[spmem:s12] =	stream.linear.scatter [tilespmem:s17], [sflag:$0x2], $0x2800, $0x38;
	[tilespmem:$0x16980] =	vst v63  }
0x2e: {  	_ =	swait.ge [sflag:s18], $0x2800  }
0x2f: {  	[sflag:s18] =	ssyncset.done $0x0  }
0x30: {  	[sflag:s18] =	ssyncadd.s32 $0xFFFFD800  }
0x31: {  	[spmem:s13] =	stream.linear.scatter [tilespmem:s17], [sflag:$0x2], $0x2800, $0x38;
	[tilespmem:$0x16980] =	vst v63  }
0x32: {  	_ =	swait.ge [sflag:s18], $0x2800  }
0x33: {  	[sflag:s18] =	ssyncset.done $0x0  }
0x34: {  	[sflag:s18] =	ssyncadd.s32 $0xFFFFD800  }
0x35: {  	s4 =	simm.s32 $0x0;
	s7 =	rddreg [dreg:$0x0]  }
0x36: {  	[tilespmem:s4], [sflag:$0x2] =	stream.linear.gather [hbm4b:s7+s4], $0x2800, $0x38;
	[tilespmem:$0x16980] =	vst v63  }
0x37: {  	_ =	swait.ge [sflag:s18], $0x2800  }
0x38: {  	[sflag:s18] =	ssyncset.done $0x0  }
0x39: {  	s8 =	rddreg [dreg:$0x3];
	[sflag:s18] =	ssyncadd.s32 $0xFFFFD800  }
0x3a: {  	[tilespmem:s19], [sflag:$0x2] =	stream.linear.gather [hbm4b:s8+s4], $0x2800, $0x38;
	[tilespmem:$0x16980] =	vst v63  }
0x3b: {  	_ =	swait.ge [sflag:s18], $0x2800  }
0x3c: {  	[sflag:s18] =	ssyncset.done $0x0  }
0x3d: {  	s15 =	rddreg [dreg:$0x4];
	[sflag:s18] =	ssyncadd.s32 $0xFFFFD800  }
0x3e: {  	[tilespmem:s25], [sflag:$0x2] =	stream.linear.gather [hbm4b:s15+s4], $0x2800, $0x38;
	[tilespmem:$0x16980] =	vst v63  }
0x3f: {  	_ =	swait.ge [sflag:s18], $0x2800  }
0x40: {  	[sflag:s18] =	ssyncset.done $0x0  }
0x41: {  	[sflag:s18] =	ssyncadd.s32 $0xFFFFD800  }
0x42: {  	s1 =	simm.s32 $0x0;
	[bflag:$0x0] =	sbarrier.arrive $0xFFFF  }
.LBB2_4:
0x43: {  	s7 =	sshll.u32 s1, $0x7  }
0x44: {  	s7 =	sadd.s32 s14, s7  }
0x45: {  	s7 =	sshrl.u32 s7, $0x3  }
0x46: {  	s8 =	sadd.s32 s5, s7  }
0x47: {  	[tilespmem:s26], [sflag:$0x2] =	stream.linear.gather [hbm4b:s8+s4], $0x80, $0x38;
	[tilespmem:$0x16980] =	vst v63  }
0x48: {  	_ =	swait.ge [sflag:s18], $0x80  }
0x49: {  	[sflag:s18] =	ssyncset.done $0x0  }
0x4a: {  	s7 =	sadd.s32 s6, s7;
	[sflag:s18] =	ssyncadd.s32 $0xFFFFFF80  }
0x4b: {  	[tilespmem:s28], [sflag:$0x2] =	stream.linear.gather [hbm4b:s7+s4], $0x80, $0x38;
	[tilespmem:$0x16980] =	vst v63  }
0x4c: {  	_ =	swait.ge [sflag:s18], $0x80  }
0x4d: {  	[sflag:s18] =	ssyncset.done $0x0  }
0x4e: {  	[sflag:s18] =	ssyncadd.s32 $0xFFFFFF80  }
0x4f: {  	[tilespmem:s17], [sflag:$0x1] =	stream.indirect.gather [hbm4b:s16+s29], $0x50, s26, s29, $0xb8;
	[tilespmem:$0x16980] =	vst v63  }
0x50: {  	_ =	swait.ge [sflag:s30], $0x2800  }
0x51: {  	[sflag:s30] =	ssyncset.done $0x0  }
0x52: {  	[sflag:s30] =	ssyncadd.s32 $0xFFFFD800  }
0x53: {  	v1 =	vld [tilespmem:$0x7800]  }
0x54: {  	v2 =	vld [tilespmem:$0x7880];
	_ =	sdelay $0x6  }
0x55: {  	v1 =	vld.idx.msk [tilespmem:v1+s4+$0x0], $0xffff  }
0x56: {  	v3 =	vld.idx.msk [tilespmem:v2+s19+$0x0], $0xffff;
	_ =	sdelay $0x4  }
0x57: {  	v2 =	vld.idx.msk [tilespmem:v2+s25+$0x0], $0xffff;
	v1 =	vadd.f32 v3, v1;
	_ =	sdelay $0x1  }
0x58: {  	v3 =	vmul.f32 $2.000000030e-01, v1;
	_ =	sdelay $0x1  }
0x59: {  	v1 =	vmax.f32 v1, v3  }
0x5a: {  	v1 =	vsub.f32 v1, v2;
	_ =	sdelay $0x1  }
0x5b: {  	v1 =	vmul.f32 $1.442695020e+00, v1;
	_ =	sdelay $0x1  }
0x5c: {  	(erf) = vpow2.f32 v1;
	_ =	sdelay $0x2  }
0x5d: {  	v1 =	vld [tilespmem:$0x7810]  }
0x5e: {  	v2 =	vld [tilespmem:$0x7890];
	_ =	sdelay $0x4  }
0x5f: {  	v3 =	vpop (erf)  }
0x60: {  	[tilespmem:$0x7900] =	vst v3  }
0x61: {  	v1 =	vld.idx.msk [tilespmem:v1+s4+$0x0], $0xffff  }
0x62: {  	v3 =	vld.idx.msk [tilespmem:v2+s19+$0x0], $0xffff;
	_ =	sdelay $0x4  }
0x63: {  	v2 =	vld.idx.msk [tilespmem:v2+s25+$0x0], $0xffff;
	v1 =	vadd.f32 v3, v1;
	_ =	sdelay $0x1  }
0x64: {  	v3 =	vmul.f32 $2.000000030e-01, v1;
	_ =	sdelay $0x1  }
0x65: {  	v1 =	vmax.f32 v1, v3  }
0x66: {  	v1 =	vsub.f32 v1, v2;
	_ =	sdelay $0x1  }
0x67: {  	v1 =	vmul.f32 $1.442695020e+00, v1;
	_ =	sdelay $0x1  }
0x68: {  	(erf) = vpow2.f32 v1;
	_ =	sdelay $0x2  }
0x69: {  	v1 =	vld [tilespmem:$0x7820]  }
0x6a: {  	v2 =	vld [tilespmem:$0x78A0];
	_ =	sdelay $0x4  }
0x6b: {  	v3 =	vpop (erf)  }
0x6c: {  	[tilespmem:$0x7910] =	vst v3  }
0x6d: {  	v1 =	vld.idx.msk [tilespmem:v1+s4+$0x0], $0xffff  }
0x6e: {  	v3 =	vld.idx.msk [tilespmem:v2+s19+$0x0], $0xffff;
	_ =	sdelay $0x4  }
0x6f: {  	v2 =	vld.idx.msk [tilespmem:v2+s25+$0x0], $0xffff;
	v1 =	vadd.f32 v3, v1;
	_ =	sdelay $0x1  }
0x70: {  	v3 =	vmul.f32 $2.000000030e-01, v1;
	_ =	sdelay $0x1  }
0x71: {  	v1 =	vmax.f32 v1, v3  }
0x72: {  	v1 =	vsub.f32 v1, v2;
	_ =	sdelay $0x1  }
0x73: {  	v1 =	vmul.f32 $1.442695020e+00, v1;
	_ =	sdelay $0x1  }
0x74: {  	(erf) = vpow2.f32 v1;
	_ =	sdelay $0x2  }
0x75: {  	v1 =	vld [tilespmem:$0x7830]  }
0x76: {  	v2 =	vld [tilespmem:$0x78B0];
	_ =	sdelay $0x4  }
0x77: {  	v3 =	vpop (erf)  }
0x78: {  	[tilespmem:$0x7920] =	vst v3  }
0x79: {  	v1 =	vld.idx.msk [tilespmem:v1+s4+$0x0], $0xffff  }
0x7a: {  	v3 =	vld.idx.msk [tilespmem:v2+s19+$0x0], $0xffff;
	_ =	sdelay $0x4  }
0x7b: {  	v2 =	vld.idx.msk [tilespmem:v2+s25+$0x0], $0xffff;
	v1 =	vadd.f32 v3, v1;
	_ =	sdelay $0x1  }
0x7c: {  	v3 =	vmul.f32 $2.000000030e-01, v1;
	_ =	sdelay $0x1  }
0x7d: {  	v1 =	vmax.f32 v1, v3  }
0x7e: {  	v1 =	vsub.f32 v1, v2;
	_ =	sdelay $0x1  }
0x7f: {  	v1 =	vmul.f32 $1.442695020e+00, v1;
	_ =	sdelay $0x1  }
0x80: {  	(erf) = vpow2.f32 v1;
	_ =	sdelay $0x2  }
0x81: {  	v1 =	vld [tilespmem:$0x7840]  }
0x82: {  	v2 =	vld [tilespmem:$0x78C0];
	_ =	sdelay $0x4  }
0x83: {  	v3 =	vpop (erf)  }
0x84: {  	[tilespmem:$0x7930] =	vst v3  }
0x85: {  	v1 =	vld.idx.msk [tilespmem:v1+s4+$0x0], $0xffff  }
0x86: {  	v3 =	vld.idx.msk [tilespmem:v2+s19+$0x0], $0xffff;
	_ =	sdelay $0x4  }
0x87: {  	v2 =	vld.idx.msk [tilespmem:v2+s25+$0x0], $0xffff;
	v1 =	vadd.f32 v3, v1;
	_ =	sdelay $0x1  }
0x88: {  	v3 =	vmul.f32 $2.000000030e-01, v1;
	_ =	sdelay $0x1  }
0x89: {  	v1 =	vmax.f32 v1, v3  }
0x8a: {  	v1 =	vsub.f32 v1, v2;
	_ =	sdelay $0x1  }
0x8b: {  	v1 =	vmul.f32 $1.442695020e+00, v1;
	_ =	sdelay $0x1  }
0x8c: {  	(erf) = vpow2.f32 v1;
	_ =	sdelay $0x2  }
0x8d: {  	v1 =	vld [tilespmem:$0x7850]  }
0x8e: {  	v2 =	vld [tilespmem:$0x78D0];
	_ =	sdelay $0x4  }
0x8f: {  	v3 =	vpop (erf)  }
0x90: {  	[tilespmem:$0x7940] =	vst v3  }
0x91: {  	v1 =	vld.idx.msk [tilespmem:v1+s4+$0x0], $0xffff  }
0x92: {  	v3 =	vld.idx.msk [tilespmem:v2+s19+$0x0], $0xffff;
	_ =	sdelay $0x4  }
0x93: {  	v2 =	vld.idx.msk [tilespmem:v2+s25+$0x0], $0xffff;
	v1 =	vadd.f32 v3, v1;
	_ =	sdelay $0x1  }
0x94: {  	v3 =	vmul.f32 $2.000000030e-01, v1;
	_ =	sdelay $0x1  }
0x95: {  	v1 =	vmax.f32 v1, v3  }
0x96: {  	v1 =	vsub.f32 v1, v2;
	_ =	sdelay $0x1  }
0x97: {  	v1 =	vmul.f32 $1.442695020e+00, v1;
	_ =	sdelay $0x1  }
0x98: {  	(erf) = vpow2.f32 v1;
	_ =	sdelay $0x2  }
0x99: {  	v1 =	vld [tilespmem:$0x7860]  }
0x9a: {  	v2 =	vld [tilespmem:$0x78E0];
	_ =	sdelay $0x4  }
0x9b: {  	v3 =	vpop (erf)  }
0x9c: {  	[tilespmem:$0x7950] =	vst v3  }
0x9d: {  	v1 =	vld.idx.msk [tilespmem:v1+s4+$0x0], $0xffff  }
0x9e: {  	v3 =	vld.idx.msk [tilespmem:v2+s19+$0x0], $0xffff;
	_ =	sdelay $0x4  }
0x9f: {  	v2 =	vld.idx.msk [tilespmem:v2+s25+$0x0], $0xffff;
	v1 =	vadd.f32 v3, v1;
	_ =	sdelay $0x1  }
0xa0: {  	v3 =	vmul.f32 $2.000000030e-01, v1;
	_ =	sdelay $0x1  }
0xa1: {  	v1 =	vmax.f32 v1, v3  }
0xa2: {  	v1 =	vsub.f32 v1, v2;
	_ =	sdelay $0x1  }
0xa3: {  	v1 =	vmul.f32 $1.442695020e+00, v1;
	_ =	sdelay $0x1  }
0xa4: {  	(erf) = vpow2.f32 v1;
	_ =	sdelay $0x2  }
0xa5: {  	v1 =	vld [tilespmem:$0x7870]  }
0xa6: {  	v2 =	vld [tilespmem:$0x78F0];
	_ =	sdelay $0x4  }
0xa7: {  	v3 =	vpop (erf)  }
0xa8: {  	[tilespmem:$0x7960] =	vst v3  }
0xa9: {  	v1 =	vld.idx.msk [tilespmem:v1+s4+$0x0], $0xffff  }
0xaa: {  	v3 =	vld.idx.msk [tilespmem:v2+s19+$0x0], $0xffff;
	_ =	sdelay $0x4  }
0xab: {  	v2 =	vld.idx.msk [tilespmem:v2+s25+$0x0], $0xffff;
	v1 =	vadd.f32 v3, v1;
	_ =	sdelay $0x1  }
0xac: {  	v3 =	vmul.f32 $2.000000030e-01, v1;
	_ =	sdelay $0x1  }
0xad: {  	v1 =	vmax.f32 v1, v3  }
0xae: {  	v1 =	vsub.f32 v1, v2;
	_ =	sdelay $0x1  }
0xaf: {  	v1 =	vmul.f32 $1.442695020e+00, v1;
	_ =	sdelay $0x1  }
0xb0: {  	(erf) = vpow2.f32 v1;
	_ =	sdelay $0x7  }
0xb1: {  	v1 =	vmov s4  }
0xb2: {  	v2 =	vpop (erf)  }
0xb3: {  	s7 =	simm.s32 $0x79A0;
	[tilespmem:$0x7970] =	vst v2  }
0xb4: {  	v2 =	vld [tilespmem:s7+$0xFFFFFFF0]  }
0xb5: {  	v3 =	vld [tilespmem:s7+$0x10]  }
0xb6: {  	v6 =	vld.idx.msk [tilespmem:v1+s31+$0x0], $0xffff  }
0xb7: {  	v1 =	vld [tilespmem:s7+$0xFFFFFFE0]  }
0xb8: {  	v5 =	vld [tilespmem:s7+$0x0]  }
0xb9: {  	v7 =	vld [tilespmem:s7+$0x20];
	_ =	sdelay $0x2  }
0xba: {  	v8 =	vmul.f32 v1, v6  }
0xbb: {  	s15 =	simm.s32 $0x1;
	v4 =	vmul.f32 v2, v6;
	v5 =	vmul.f32 v5, v6  }
0xbc: {  	s8 =	simm.s32 $0x79A0;
	v2 =	vmul.f32 v3, v6;
	v1 =	vmov s15;
	s15 =	simm.s32 $0x2;
	v3 =	vmul.f32 v7, v6;
	[tilespmem:s7+$0xFFFFFFE0] =	vst v8  }
.LBB2_5:
0xbd: {  	p0 =	sne.s32 s15, $0x7F;
	[tilespmem:s7+$0xFFFFFFF0] =	vst v4  }
0xbe: {  	s7 =	sadd.s32 $0x50, s7;
	[tilespmem:s8+$0x0] =	vst v5  }
0xbf: {  	v4 =	vld [tilespmem:s7+$0xFFFFFFF0];
	[tilespmem:s8+$0x10] =	vst v2  }
0xc0: {  	v2 =	vld [tilespmem:s7+$0x10];
	[tilespmem:s8+$0x20] =	vst v3;
	s8 =	smov.u32 s7  }
0xc1: {  	v3 =	vld.idx.msk [tilespmem:v1+s31+$0x0], $0xffff  }
0xc2: {  	v1 =	vld [tilespmem:s7+$0xFFFFFFE0]  }
0xc3: {  	v5 =	vld [tilespmem:s7+$0x0]  }
0xc4: {  	v6 =	vld [tilespmem:s7+$0x20]  }
.Ltmp1:
0xc5: {  	(pc) =	sbr.rel @p0 .LBB2_5-.Ltmp1, $4  }
0xc6: {  	_ = 	snop  }
0xc7: {  	v4 =	vmul.f32 v4, v3;
	v7 =	vmul.f32 v1, v3  }
0xc8: {  	v2 =	vmul.f32 v2, v3;
	v5 =	vmul.f32 v5, v3  }
0xc9: {  	v1 =	vmov s15;
	s15 =	sadd.s32 $0x1, s15;
	[tilespmem:s7+$0xFFFFFFE0] =	vst v7;
	v3 =	vmul.f32 v6, v3  }
0xca: {  	[tilespmem:s7+$0xFFFFFFF0] =	vst v4  }
0xcb: {  	s15 =	sadd.s32 $0x50, s7;
	[tilespmem:s8+$0x0] =	vst v5  }
0xcc: {  	v4 =	vld [tilespmem:s15+$0xFFFFFFF0];
	[tilespmem:s8+$0x10] =	vst v2  }
0xcd: {  	v2 =	vld [tilespmem:s15+$0x10]  }
0xce: {  	[tilespmem:s8+$0x20] =	vst v3;
	v3 =	vld [tilespmem:s15+$0xFFFFFFE0]  }
0xcf: {  	v1 =	vld.idx.msk [tilespmem:v1+s31+$0x0], $0xffff;
	_ =	sdelay $0x1  }
0xd0: {  	v5 =	vld [tilespmem:s15+$0x0];
	_ =	sdelay $0x1  }
0xd1: {  	v6 =	vld [tilespmem:s15+$0x20]  }
0xd2: {  	v3 =	vmul.f32 v3, v1  }
0xd3: {  	v4 =	vmul.f32 v4, v1  }
0xd4: {  	v5 =	vmul.f32 v5, v1;
	[tilespmem:s15+$0xFFFFFFE0] =	vst v3  }
0xd5: {  	v2 =	vmul.f32 v2, v1;
	[tilespmem:s15+$0xFFFFFFF0] =	vst v4  }
0xd6: {  	s1 =	sadd.s32 $0x1, s1;
	v1 =	vmul.f32 v6, v1;
	[tilespmem:s15+$0x0] =	vst v5  }
0xd7: {  	p0 =	sne.s32 s1, $0x9D;
	[tilespmem:s15+$0x10] =	vst v2  }
.Ltmp2:
0xd8: {  	[tilespmem:s15+$0x20] =	vst v1;
	(pc) =	sbr.rel @p0 .LBB2_4-.Ltmp2, $4  }
0xd9: {  	[spmem:s2] =	stream.indirect.scatter.add.f32 [tilespmem:s17], [sflag:$0x2], $0x50, s28, s29, $0xb8;
	[tilespmem:$0x16980] =	vst v63  }
0xda: {  	_ =	swait.ge [sflag:s18], $0x2800  }
0xdb: {  	[sflag:s18] =	ssyncset.done $0x0  }
0xdc: {  	[sflag:s18] =	ssyncadd.s32 $0xFFFFD800  }
0xdd: {  	[bflag:$0x0] =	sbarrier.arrive $0xFFFF  }
0xde: {  	[tilespmem:s17], [sflag:$0x2] =	stream.linear.gather [spmem:s9], $0x2800, $0x38;
	[tilespmem:$0x16980] =	vst v63  }
0xdf: {  	_ =	swait.ge [sflag:s18], $0x2800  }
0xe0: {  	[sflag:s18] =	ssyncset.done $0x0  }
0xe1: {  	[sflag:s18] =	ssyncadd.s32 $0xFFFFD800  }
0xe2: {  	[hbm4b:s20+s3] =	stream.linear.scatter [tilespmem:s17], [sflag:$0x2], $0x2800, $0x38;
	[tilespmem:$0x16980] =	vst v63  }
0xe3: {  	_ =	swait.ge [sflag:s18], $0x2800  }
0xe4: {  	[sflag:s18] =	ssyncset.done $0x0  }
0xe5: {  	[sflag:s18] =	ssyncadd.s32 $0xFFFFD800  }
0xe6: {  	[tilespmem:s17], [sflag:$0x2] =	stream.linear.gather [spmem:s10], $0x2800, $0x38;
	[tilespmem:$0x16980] =	vst v63  }
0xe7: {  	_ =	swait.ge [sflag:s18], $0x2800  }
0xe8: {  	[sflag:s18] =	ssyncset.done $0x0  }
0xe9: {  	[sflag:s18] =	ssyncadd.s32 $0xFFFFD800  }
0xea: {  	[hbm4b:s21+s3] =	stream.linear.scatter [tilespmem:s17], [sflag:$0x2], $0x2800, $0x38;
	[tilespmem:$0x16980] =	vst v63  }
0xeb: {  	_ =	swait.ge [sflag:s18], $0x2800  }
0xec: {  	[sflag:s18] =	ssyncset.done $0x0  }
0xed: {  	[sflag:s18] =	ssyncadd.s32 $0xFFFFD800  }
0xee: {  	[tilespmem:s17], [sflag:$0x2] =	stream.linear.gather [spmem:s11], $0x2800, $0x38;
	[tilespmem:$0x16980] =	vst v63  }
0xef: {  	_ =	swait.ge [sflag:s18], $0x2800  }
0xf0: {  	[sflag:s18] =	ssyncset.done $0x0  }
0xf1: {  	[sflag:s18] =	ssyncadd.s32 $0xFFFFD800  }
0xf2: {  	[hbm4b:s22+s3] =	stream.linear.scatter [tilespmem:s17], [sflag:$0x2], $0x2800, $0x38;
	[tilespmem:$0x16980] =	vst v63  }
0xf3: {  	_ =	swait.ge [sflag:s18], $0x2800  }
0xf4: {  	[sflag:s18] =	ssyncset.done $0x0  }
0xf5: {  	[sflag:s18] =	ssyncadd.s32 $0xFFFFD800  }
0xf6: {  	[tilespmem:s17], [sflag:$0x2] =	stream.linear.gather [spmem:s12], $0x2800, $0x38;
	[tilespmem:$0x16980] =	vst v63  }
0xf7: {  	_ =	swait.ge [sflag:s18], $0x2800  }
0xf8: {  	[sflag:s18] =	ssyncset.done $0x0  }
0xf9: {  	[sflag:s18] =	ssyncadd.s32 $0xFFFFD800  }
0xfa: {  	[hbm4b:s23+s3] =	stream.linear.scatter [tilespmem:s17], [sflag:$0x2], $0x2800, $0x38;
	[tilespmem:$0x16980] =	vst v63  }
0xfb: {  	_ =	swait.ge [sflag:s18], $0x2800  }
0xfc: {  	[sflag:s18] =	ssyncset.done $0x0  }
0xfd: {  	[sflag:s18] =	ssyncadd.s32 $0xFFFFD800  }
0xfe: {  	[tilespmem:s17], [sflag:$0x2] =	stream.linear.gather [spmem:s13], $0x2800, $0x38;
	[tilespmem:$0x16980] =	vst v63  }
0xff: {  	_ =	swait.ge [sflag:s18], $0x2800  }
0x100: {  	[sflag:s18] =	ssyncset.done $0x0  }
0x101: {  	[sflag:s18] =	ssyncadd.s32 $0xFFFFD800  }
0x102: {  	[hbm4b:s24+s3] =	stream.linear.scatter [tilespmem:s17], [sflag:$0x2], $0x2800, $0x38;
	[tilespmem:$0x16980] =	vst v63  }
0x103: {  	_ =	swait.ge [sflag:s18], $0x2800  }
0x104: {  	s0 =	sadd.s32 $0x1, s0;
	s1 =	rddreg [dreg:$0x5]  }
0x105: {  	p0 =	sne.s32 s0, s1  }
.Ltmp3:
0x106: {  	_ = 	snop;
	(pc) =	sbr.rel @p0 .LBB2_1-.Ltmp3, $3  }
0x107: {  	_ =	sdelay $0x1  }
0x108: {  	[sflag:s18] =	ssyncset.done $0x0  }
0x109: {  	[sflag:s18] =	ssyncadd.s32 $0xFFFFD800  }
0x10a: {  	_ =	sfence.sel $0x180000  }
0x10b: {  	[bflag:$0x0] =	sbarrier.arrive $0xFFFF  }
0x10c: {  	_ =	strace $0x9000004A  }
0x10d: {  	s0 =	stileid.u32;
	[bflag:$0x2] =	sbarrier.arrive $0xFFFF  }
0x10e: {  	p0 =	sne.s32 s0, $0x0;
	s0 =	rddreg [dreg:$0x2]  }
0x10f: {  	s0 =	sadd.s32 @!p0 $0x100000, s0  }
0x110: {  	[sflag:s0] =	ssyncadd.tile.s32 @!p0 $0x1;
	_ =	shalt  }
.Lfunc_end2:
_tile_overlayer_lowered:
.L_overlay_start_2:
0x111: {  	(tag) =	ssettag $0x2  }
0x112: {  	s0 =	rddreg [dreg:$0x0];
	s2 =	stileid.u32  }
0x113: {  	s1 =	rddreg [dreg:$0x1];
	p0 =	sne.s32 s2, $0x0  }
0x114: {  	s3 =	rddreg [dreg:$0x2];
	[bflag:$0x3] =	sbarrier.arrive $0xFFFF;
	s2 =	simm.s32 @!p0 $0x1C02  }
0x115: {  	[timem:s3], [sflag:s2] =	dma.local @!p0 [hbm:s0], s1  }
0x116: {  	s0 =	simm.s32 @!p0 $0x2  }
0x117: {  	_ =	swait.ge @!p0 [sflag:s0], s1  }
0x118: {  	s1 =	ssub.s32 @!p0 $0x0, s1;
	[sflag:s0] =	ssyncset.done @!p0 $0x0  }
0x119: {  	[sflag:s0] =	ssyncadd.s32 @!p0 s1  }
0x11a: {  	[bflag:$0x3] =	sbarrier.arrive $0xFFFF  }
0x11b: {  	_ =	shalt  }

// kernel: kernel.15.cloned.1.call-start
scs
__scs_entry_jumppad:
0x0: {  	(pc) =	sbr.rel $0x88, $3  }
0x1: {  	(tag) =	ssettag $0x0;
	lr =	simm.s32 $0x1  }
0x2: {  	[smem:$0x3F96] =	sst lr;
	_ =	strace $0xD0000000  }
0x3: {  	_ = 	snop  }
0x4: {  	_ = 	snop  }
0x5: {  	_ = 	snop  }
0x6: {  	_ = 	snop  }
0x7: {  	_ = 	snop  }
__scs_overlays_trampoline_lowered:
0x8: {  	[smem:$0x3FA5] =	sst s0  }
0x9: {  	[smem:$0x3FA6] =	sst s1  }
0xa: {  	[smem:$0x3FA7] =	sst s2  }
0xb: {  	[smem:$0x3FA8] =	sst s3  }
0xc: {  	[smem:$0x3FA9] =	sst s4  }
0xd: {  	[smem:$0x3FAA] =	sst s5  }
0xe: {  	[smem:$0x3FAB] =	sst s6  }
0xf: {  	[smem:$0x3FAC] =	sst s7  }
0x10: {  	[smem:$0x3FAD] =	sst s8  }
0x11: {  	[smem:$0x3FAE] =	sst s9;
	s0 =	simm.s32 @!p0 $0x0  }
0x12: {  	s1 =	sld [smem:$0x3F94];
	s0 =	simm.s32 @p0 $0x1  }
0x13: {  	[smem:$0x3FAF] =	sst s0;
	s0 =	simm.s32 @!p1 $0x0  }
0x14: {  	s2 =	sld [smem:$0x3F93];
	s0 =	simm.s32 @p1 $0x1  }
0x15: {  	[smem:$0x3FB0] =	sst s0;
	s0 =	simm.s32 @!p2 $0x0  }
0x16: {  	s3 =	sld [smem:$0x3FDB];
	s0 =	simm.s32 @p2 $0x1  }
0x17: {  	s4 =	simm.s32 $0x1BF5;
	[smem:$0x3FB2] =	sst s0  }
0x18: {  	s0 =	sld [smem:$0x3F95];
	_ =	swait.ge [sflag:s4], $0x0  }
0x19: {  	s7 =	sld [smem:$0x3F96]  }
0x1a: {  	s8 =	sadd.s32 $0xFFFFE003, lr  }
0x1b: {  	s9 =	sadd.s32 $0xFFFFFEF7, lr;
	s5 =	simm.s32 $0xFFFFFFFF;
	p2 =	slt.u32 s8, $0xFFFFF086  }
0x1c: {  	p1 =	slt.u32 s9, $0xF7A;
	s5 =	simm.s32 @!p2 $0x0  }
0x1d: {  	s5 =	simm.s32 @p1 $0x1;
	p0 =	seq.s32 s7, s2  }
0x1e: {  	s7 =	smul.u32 @!p0 $0xF7A, s2;
	p2 =	seq.s32 @!p0 s5, $0x0  }
0x1f: {  	s9 =	smul.u32 $0xF7A, s1;
	s8 =	simm.s32 @!p0 $0x1BF5;
	p2 =	por !p2, p0  }
0x20: {  	[sflag:s8] =	ssyncset.s32 @!p0 $0xFFFFF086;
	s6 =	sadd.s32 @!p0 s3, s7;
	s7 =	simm.s32 @!p0 $0x108  }
0x21: {  	s3 =	sadd.s32 s3, s9;
	s6 =	sadd.s32 @!p0 $0x88, s6;
	s7 =	simm.s32 @p2 $0x1082  }
0x22: {  	[simem:s7], [sflag:s8] =	dma.local @!p0 [hbm:s6], $0xF7A  }
0x23: {  	s9 =	sor.u32 $0xD0000000, s2;
	s6 =	simm.s32 $0x108;
	_ =	swait.ge @!p0 [sflag:s8], $0x0  }
0x24: {  	s3 =	sadd.s32 $0x88, s3;
	s6 =	simm.s32 @!p1 $0x1082;
	[sflag:s4] =	ssyncset.s32 $0xFFFFF086  }
0x25: {  	[simem:s6], [sflag:s4] =	dma.local [hbm:s3], $0xF7A  }
0x26: {  	[smem:$0x3F96] =	sst s1;
	(tag) =	ssettag s2;
	_ =	strace s9  }
0x27: {  	s1 =	sld [smem:$0x3FA6]  }
0x28: {  	s2 =	sld [smem:$0x3FA7]  }
0x29: {  	s4 =	sld [smem:$0x3FA9]  }
0x2a: {  	p0 =	seq.s32 s5, $0x0;
	s5 =	sld [smem:$0x3FAA]  }
0x2b: {  	s6 =	sld [smem:$0x3FAB]  }
0x2c: {  	s7 =	sld [smem:$0x3FAC]  }
0x2d: {  	s3 =	simm.s32 $0x108;
	s8 =	sld [smem:$0x3FAD]  }
0x2e: {  	s3 =	simm.s32 @!p0 $0x1082;
	s9 =	sld [smem:$0x3FAE]  }
0x2f: {  	lr =	sadd.s32 s0, s3;
	s0 =	sld [smem:$0x3FA5]  }
0x30: {  	s3 =	sld [smem:$0x3FA8]  }
0x31: {  	[smem:$0x3FB1] =	sst s10  }
0x32: {  	s10 =	sld [smem:$0x3FAF];
	_ =	sdelay $0x3  }
0x33: {  	p0 =	seq.s32 s10, $0x1;
	s10 =	sld [smem:$0x3FB1];
	_ =	sdelay $0x3  }
0x34: {  	[smem:$0x3FB1] =	sst s10  }
0x35: {  	s10 =	sld [smem:$0x3FB0];
	_ =	sdelay $0x3  }
0x36: {  	p1 =	seq.s32 s10, $0x1;
	s10 =	sld [smem:$0x3FB1];
	_ =	sdelay $0x3  }
0x37: {  	[smem:$0x3FB1] =	sst s10  }
0x38: {  	s10 =	sld [smem:$0x3FB2]  }
0x39: {  	_ = 	snop;
	(pc) =	sbr.ind lr, $3  }
0x3a: {  	_ = 	snop  }
0x3b: {  	_ = 	snop  }
0x3c: {  	p2 =	seq.s32 s10, $0x1;
	s10 =	sld [smem:$0x3FB1]  }
0x3d: {  	_ =	shalt  }
0x3e: {  	_ =	shalt  }
0x3f: {  	_ =	shalt  }
0x40: {  	_ =	shalt  }
0x41: {  	_ =	shalt  }
0x42: {  	_ =	shalt  }
0x43: {  	_ =	shalt  }
0x44: {  	_ =	shalt  }
0x45: {  	_ =	shalt  }
0x46: {  	_ =	shalt  }
0x47: {  	_ =	shalt  }
0x48: {  	_ =	shalt  }
0x49: {  	_ =	shalt  }
0x4a: {  	_ =	shalt  }
0x4b: {  	_ =	shalt  }
0x4c: {  	_ =	shalt  }
0x4d: {  	_ =	shalt  }
0x4e: {  	_ =	shalt  }
0x4f: {  	_ =	shalt  }
0x50: {  	_ =	shalt  }
0x51: {  	_ =	shalt  }
0x52: {  	_ =	shalt  }
0x53: {  	_ =	shalt  }
0x54: {  	_ =	shalt  }
0x55: {  	_ =	shalt  }
0x56: {  	_ =	shalt  }
0x57: {  	_ =	shalt  }
0x58: {  	_ =	shalt  }
0x59: {  	_ =	shalt  }
0x5a: {  	_ =	shalt  }
0x5b: {  	_ =	shalt  }
0x5c: {  	_ =	shalt  }
0x5d: {  	_ =	shalt  }
0x5e: {  	_ =	shalt  }
0x5f: {  	_ =	shalt  }
0x60: {  	_ =	shalt  }
0x61: {  	_ =	shalt  }
0x62: {  	_ =	shalt  }
0x63: {  	_ =	shalt  }
0x64: {  	_ =	shalt  }
0x65: {  	_ =	shalt  }
0x66: {  	_ =	shalt  }
0x67: {  	_ =	shalt  }
0x68: {  	_ =	shalt  }
0x69: {  	_ =	shalt  }
0x6a: {  	_ =	shalt  }
0x6b: {  	_ =	shalt  }
0x6c: {  	_ =	shalt  }
0x6d: {  	_ =	shalt  }
0x6e: {  	_ =	shalt  }
0x6f: {  	_ =	shalt  }
0x70: {  	_ =	shalt  }
0x71: {  	_ =	shalt  }
0x72: {  	_ =	shalt  }
0x73: {  	_ =	shalt  }
0x74: {  	_ =	shalt  }
0x75: {  	_ =	shalt  }
0x76: {  	_ =	shalt  }
0x77: {  	_ =	shalt  }
0x78: {  	_ =	shalt  }
0x79: {  	_ =	shalt  }
0x7a: {  	_ =	shalt  }
0x7b: {  	_ =	shalt  }
0x7c: {  	_ =	shalt  }
0x7d: {  	_ =	shalt  }
0x7e: {  	_ =	shalt  }
0x7f: {  	_ =	shalt  }
0x80: {  	_ =	shalt  }
0x81: {  	_ =	shalt  }
0x82: {  	_ =	shalt  }
0x83: {  	_ =	shalt  }
0x84: {  	_ =	shalt  }
0x85: {  	_ =	shalt  }
0x86: {  	_ =	shalt  }
0x87: {  	_ =	shalt  }
.Lfunc_end0:
.L_simem_size_0:
called_computation.2_lowered:
.L_overlay_start_0:
0x88: {  	s2 =	sld [smem:$0x3FD9]  }
0x89: {  	s3 =	sld [smem:$0x3FFE];
	_ =	sdelay $0x1  }
0x8a: {  	s1 =	srdreg.scid  }
0x8b: {  	s0 =	sand.u32 $0x1, s1  }
0x8c: {  	s17 =	sshll.u32 s0, $0xA;
	s2 =	sadd.s32 s3, s2  }
0x8d: {  	s2 =	sadd.s32 s2, s17  }
0x8e: {  	[smem:$0x3FBD] =	sst s2  }
0x8f: {  	_ = 	snop  }
0x90: {  	s2 =	sld [smem:$0x3FD0];
	(tm) =	ssettm $0x1  }
0x91: {  	s18 =	sld [smem:$0x3FFB];
	_ =	sdelay $0x3  }
0x92: {  	_ =	strace s18  }
0x93: {  	s3 =	sld [smem:$0x3FFC];
	_ =	sdelay $0x3  }
0x94: {  	_ =	strace s3  }
0x95: {  	s3 =	sld [smem:$0x3FFD];
	_ =	sdelay $0x3  }
0x96: {  	_ =	strace s3  }
0x97: {  	_ =	strace $0x8FFFFFFF  }
0x98: {  	s19 =	sld [smem:$0x3FDB];
	_ =	sdelay $0x1  }
0x99: {  	s4 =	simm.s32 $_scs_section_size  }
0x9a: {  	s5 =	simm.s32 $_size__tile_overlayer_lowered;
	s6 =	simm.s32 $_tile_overlayer_lowered  }
0x9b: {  	s22 =	simm.s32 $0x1BFF;
	s21 =	sshll.u32 s6, $0x1;
	s3 =	sadd.s32 s4, s19  }
0x9c: {  	s7 =	simm.s32 $0x0;
	s20 =	sshll.u32 s5, $0x1;
	s5 =	sadd.s32 s21, s3  }
0x9d: {  	[timem:s7], [sflag:s22] =	dma.local [hbm:s5], s20  }
0x9e: {  	_ =	swait.ge [sflag:s22], s20  }
0x9f: {  	s4 =	ssub.s32 $0x0, s20;
	[sflag:s22] =	ssyncset.done $0x0  }
0xa0: {  	[sflag:s22] =	ssyncadd.s32 s4;
	_ =	sdelay $0x1  }
0xa1: {  	s23 =	simm.s32 $0x1B8B  }
0xa2: {  	_ =	swait.ge [sflag:s23], $0x1  }
0xa3: {  	[sflag:s23] =	ssyncset.done $0x0  }
0xa4: {  	s25 =	simm.s32 $0x1B8E;
	s24 =	sld [smem:$0x3FFE];
	[sflag:s23] =	ssyncadd.s32 $0xFFFFFFFF  }
0xa5: {  	s26 =	simm.s32 $execute0_lowered;
	[smem:$0x3FD2] =	sst s25  }
0xa6: {  	s5 =	sshll.u32 s26, $0x1;
	_ =	strace $0x8000004C;
	[dreg:$0x1] =	wrdreg $0xFFFFFFFF  }
0xa7: {  	s28 =	simm.s32 $_size_execute0_lowered;
	s3 =	sadd.s32 s3, s5;
	[dreg:$0x0] =	wrdreg $0x0  }
0xa8: {  	s5 =	sshll.u32 s28, $0x1;
	[dreg:$0x2] =	wrdreg s3  }
0xa9: {  	[dreg:$0x3] =	wrdreg s5  }
0xaa: {  	[dreg:$0x4] =	wrdreg $0xC0  }
0xab: {  	_ =	task [dreg:s7], $0x5FFFF  }
0xac: {  	[dreg:$0x1] =	wrdreg $0xFFFFFFFF  }
0xad: {  	[dreg:$0x0] =	wrdreg $0x60  }
0xae: {  	[dreg:$0x2] =	wrdreg s2  }
0xaf: {  	[dreg:$0x3] =	wrdreg s24  }
0xb0: {  	[dreg:$0x4] =	wrdreg $0x91800  }
0xb1: {  	[dreg:$0x5] =	wrdreg $0x9  }
0xb2: {  	_ =	task.clear_ibuf [dreg:s7], $0x6FFFF;
	_ =	strace $0x9000004C  }
0xb3: {  	s29 =	simm.s32 $0x9;
	_ =	strace $0x8000004E  }
0xb4: {  	_ =	swait.ge [sflag:s29], $0x1  }
0xb5: {  	[sflag:s29] =	ssyncadd.s32 $0xFFFFFFFF  }
0xb6: {  	_ =	strace $0x9000004E  }
0xb7: {  	_ =	sfence  }
0xb8: {  	s30 =	sld [smem:$0x0];
	_ =	sdelay $0x2  }
0xb9: {  	s31 =	sshll.u32 s1, $0xD;
	s1 =	sshrl.u32 s1, $0x2  }
0xba: {  	s3 =	sand.u32 $0x4000, s31;
	s1 =	sadd.s32 s1, s30  }
0xbb: {  	s0 =	sor.u32 s3, s0;
	s1 =	sshll.u32 s1, $0x11  }
0xbc: {  	s0 =	sor.u32 s1, s0  }
0xbd: {  	s0 =	sadd.s32 $0x8F2B, s0  }
0xbe: {  	[sflag:s0] =	ssyncadd.remote.s32 $0x1  }
0xbf: {  	_ =	sfence.sel $0xFFFF  }
0xc0: {  	[dreg:$0x0] =	wrdreg $0xFFFFFFFF;
	(pc) =	sbr.abs _section_cstart, $3  }
0xc1: {  	[dreg:$0x1] =	wrdreg $0xFFFFFFFF  }
0xc2: {  	_ =	task.clear_ibuf [dreg:s7], $0x2FFFF;
	_ =	strace $0x9FFFFFFF  }
0xc3: {  	(tm) =	ssettm $0x7FFFFFFF  }
tec
execute0_lowered:
.L_overlay_start_1:
0x0: {  	(tag) =	ssettag $0x1  }
0x1: {  	s1 =	rddreg [dreg:$0x0]  }
0x2: {  	s2 =	rddreg [dreg:$0x1]  }
0x3: {  	s3 =	rddreg [dreg:$0x2]  }
0x4: {  	s4 =	simm.s32 $0x0;
	s0 =	srdreg.scid;
	s10 =	stileid.u32  }
0x5: {  	s28 =	simm.s32 $0x7880;
	s29 =	simm.s32 $0x80;
	s30 =	simm.s32 $0x1  }
0x6: {  	s31 =	simm.s32 $0x7900;
	[smem:$0x7FF] =	sst s4;
	s5 =	sadd.s32 $0x14E00, s2  }
0x7: {  	s6 =	sadd.s32 $0xFC00, s2;
	s18 =	sadd.s32 $0xF600, s2;
	s0 =	sand.u32 $0x1, s0  }
0x8: {  	s8 =	sadd.s32 $0xF000, s2;
	_ =	strace $0x8000004D;
	[dreg:$0x4] =	wrdreg s6  }
0x9: {  	s9 =	smul.u32 $0x7800, s10;
	s21 =	sshll.u32 s10, $0x1;
	[dreg:$0x5] =	wrdreg s18  }
0xa: {  	s19 =	smul.u32 $0xF000, s0;
	s7 =	ssub.s32 $0x2, s0;
	[dreg:$0x6] =	wrdreg s8  }
0xb: {  	s0 =	sor.u32 s0, s21;
	s20 =	sshrl.u32 s7, $0x1;
	s10 =	sadd.s32 s9, s3  }
0xc: {  	s22 =	sadd.s32 $0x1800, s9;
	s16 =	sadd.s32 $0x3000, s9;
	s17 =	sadd.s32 $0x4800, s9  }
0xd: {  	s18 =	sadd.s32 $0x6000, s9;
	s15 =	smul.u32 $0x2780, s0;
	s23 =	sshrl.u32 s9, $0x3  }
0xe: {  	s6 =	sadd.s32 s19, s2;
	s7 =	ssub.s32 s7, s20;
	s11 =	sadd.s32 s22, s3  }
0xf: {  	s12 =	sadd.s32 s16, s3;
	s13 =	sadd.s32 s17, s3;
	s14 =	sadd.s32 s18, s3  }
0x10: {  	s8 =	sshrl.u32 s22, $0x3;
	s25 =	sshrl.u32 s16, $0x3;
	s26 =	sshrl.u32 s17, $0x3  }
0x11: {  	s24 =	sshrl.u32 s18, $0x3;
	s17 =	simm.s32 $0x7980;
	s18 =	simm.s32 $0x2  }
0x12: {  	s19 =	simm.s32 $0x2800;
	s0 =	sadd.s32 $0x1EC00, s6;
	s7 =	smax.u32 s7, $0x1  }
0x13: {  	[dreg:$0x7] =	wrdreg s7;
	s20 =	sadd.s32 s23, s0;
	s21 =	sadd.s32 s8, s0  }
0x14: {  	s22 =	sadd.s32 s25, s0;
	s23 =	sadd.s32 s26, s0;
	s24 =	sadd.s32 s24, s0  }
0x15: {  	v0 =	vimm.f32 $0.0e+00;
	s25 =	simm.s32 $0x5000;
	s26 =	simm.s32 $0x7800;
	s0 =	simm.s32 $0x0  }
.LBB2_1:
0x16: {  	s6 =	simm.s32 $0xC0;
	s7 =	simm.s32 $0x0  }
.LBB2_2:
0x17: {  	p0 =	sne.s32 s6, $0x5F40;
	[tilespmem:s7+$0x79A0] =	vst v0;
	s8 =	smov.u32 s6;
	s6 =	sadd.s32 $0xC0, s6  }
.Ltmp0:
0x18: {  	[tilespmem:s7+$0x7980] =	vst v0;
	(pc) =	sbr.rel @p0 .LBB2_2-.Ltmp0, $2  }
0x19: {  	[tilespmem:s7+$0x7990] =	vst v0;
	_ =	sdelay $0x2  }
0x1a: {  	s7 =	sshra.s32 s8, $0x2  }
0x1b: {  	[tilespmem:s7+$0x79A0] =	vst v0  }
0x1c: {  	[tilespmem:s7+$0x7980] =	vst v0  }
0x1d: {  	[tilespmem:s7+$0x7990] =	vst v0  }
0x1e: {  	[spmem:s10] =	stream.linear.scatter [tilespmem:s17], [sflag:$0x2], $0x1800, $0x38;
	[tilespmem:$0x10980] =	vst v63  }
0x1f: {  	_ =	swait.ge [sflag:s18], $0x1800  }
0x20: {  	[sflag:s18] =	ssyncset.done $0x0  }
0x21: {  	[sflag:s18] =	ssyncadd.s32 $0xFFFFE800  }
0x22: {  	[spmem:s11] =	stream.linear.scatter [tilespmem:s17], [sflag:$0x2], $0x1800, $0x38;
	[tilespmem:$0x10980] =	vst v63  }
0x23: {  	_ =	swait.ge [sflag:s18], $0x1800  }
0x24: {  	[sflag:s18] =	ssyncset.done $0x0  }
0x25: {  	[sflag:s18] =	ssyncadd.s32 $0xFFFFE800  }
0x26: {  	[spmem:s12] =	stream.linear.scatter [tilespmem:s17], [sflag:$0x2], $0x1800, $0x38;
	[tilespmem:$0x10980] =	vst v63  }
0x27: {  	_ =	swait.ge [sflag:s18], $0x1800  }
0x28: {  	[sflag:s18] =	ssyncset.done $0x0  }
0x29: {  	[sflag:s18] =	ssyncadd.s32 $0xFFFFE800  }
0x2a: {  	[spmem:s13] =	stream.linear.scatter [tilespmem:s17], [sflag:$0x2], $0x1800, $0x38;
	[tilespmem:$0x10980] =	vst v63  }
0x2b: {  	_ =	swait.ge [sflag:s18], $0x1800  }
0x2c: {  	[sflag:s18] =	ssyncset.done $0x0  }
0x2d: {  	[sflag:s18] =	ssyncadd.s32 $0xFFFFE800  }
0x2e: {  	[spmem:s14] =	stream.linear.scatter [tilespmem:s17], [sflag:$0x2], $0x1800, $0x38;
	[tilespmem:$0x10980] =	vst v63  }
0x2f: {  	_ =	swait.ge [sflag:s18], $0x1800  }
0x30: {  	[sflag:s18] =	ssyncset.done $0x0  }
0x31: {  	s6 =	simm.s32 $0x0;
	s8 =	rddreg [dreg:$0x4];
	[sflag:s18] =	ssyncadd.s32 $0xFFFFE800  }
0x32: {  	[tilespmem:s6], [sflag:$0x2] =	stream.linear.gather [hbm4b:s8+s6], $0x2800, $0x38;
	[tilespmem:$0x10980] =	vst v63  }
0x33: {  	_ =	swait.ge [sflag:s18], $0x2800  }
0x34: {  	[sflag:s18] =	ssyncset.done $0x0  }
0x35: {  	s9 =	rddreg [dreg:$0x5];
	[sflag:s18] =	ssyncadd.s32 $0xFFFFD800  }
0x36: {  	[tilespmem:s19], [sflag:$0x2] =	stream.linear.gather [hbm4b:s9+s6], $0x2800, $0x38;
	[tilespmem:$0x10980] =	vst v63  }
0x37: {  	_ =	swait.ge [sflag:s18], $0x2800  }
0x38: {  	[sflag:s18] =	ssyncset.done $0x0  }
0x39: {  	s16 =	rddreg [dreg:$0x6];
	[sflag:s18] =	ssyncadd.s32 $0xFFFFD800  }
0x3a: {  	[tilespmem:s25], [sflag:$0x2] =	stream.linear.gather [hbm4b:s16+s6], $0x2800, $0x38;
	[tilespmem:$0x10980] =	vst v63  }
0x3b: {  	_ =	swait.ge [sflag:s18], $0x2800  }
0x3c: {  	[sflag:s18] =	ssyncset.done $0x0  }
0x3d: {  	[sflag:s18] =	ssyncadd.s32 $0xFFFFD800  }
0x3e: {  	s7 =	simm.s32 $0x0;
	[bflag:$0x0] =	sbarrier.arrive $0xFFFF  }
.LBB2_4:
0x3f: {  	s8 =	sshll.u32 s7, $0x7  }
0x40: {  	s8 =	sadd.s32 s15, s8  }
0x41: {  	s8 =	sshrl.u32 s8, $0x3  }
0x42: {  	s9 =	sadd.s32 s1, s8  }
0x43: {  	[tilespmem:s26], [sflag:$0x2] =	stream.linear.gather [hbm4b:s9+s6], $0x80, $0x38;
	[tilespmem:$0x10980] =	vst v63  }
0x44: {  	_ =	swait.ge [sflag:s18], $0x80  }
0x45: {  	[sflag:s18] =	ssyncset.done $0x0  }
0x46: {  	s8 =	sadd.s32 s5, s8;
	[sflag:s18] =	ssyncadd.s32 $0xFFFFFF80  }
0x47: {  	[tilespmem:s28], [sflag:$0x2] =	stream.linear.gather [hbm4b:s8+s6], $0x80, $0x38;
	[tilespmem:$0x10980] =	vst v63  }
0x48: {  	_ =	swait.ge [sflag:s18], $0x80  }
0x49: {  	[sflag:s18] =	ssyncset.done $0x0  }
0x4a: {  	[sflag:s18] =	ssyncadd.s32 $0xFFFFFF80  }
0x4b: {  	[tilespmem:s17], [sflag:$0x1] =	stream.indirect.gather [hbm4b:s2+s29], $0x30, s26, s29, $0xb8;
	[tilespmem:$0x10980] =	vst v63  }
0x4c: {  	_ =	swait.ge [sflag:s30], $0x1800  }
0x4d: {  	[sflag:s30] =	ssyncset.done $0x0  }
0x4e: {  	[sflag:s30] =	ssyncadd.s32 $0xFFFFE800  }
0x4f: {  	v1 =	vld [tilespmem:$0x7800]  }
0x50: {  	v2 =	vld [tilespmem:$0x7880];
	_ =	sdelay $0x6  }
0x51: {  	v1 =	vld.idx.msk [tilespmem:v1+s6+$0x0], $0xffff  }
0x52: {  	v3 =	vld.idx.msk [tilespmem:v2+s19+$0x0], $0xffff;
	_ =	sdelay $0x4  }
0x53: {  	v2 =	vld.idx.msk [tilespmem:v2+s25+$0x0], $0xffff;
	v1 =	vadd.f32 v3, v1;
	_ =	sdelay $0x1  }
0x54: {  	v3 =	vmul.f32 $2.000000030e-01, v1;
	_ =	sdelay $0x1  }
0x55: {  	v1 =	vmax.f32 v1, v3  }
0x56: {  	v1 =	vsub.f32 v1, v2;
	_ =	sdelay $0x1  }
0x57: {  	v1 =	vmul.f32 $1.442695020e+00, v1;
	_ =	sdelay $0x1  }
0x58: {  	(erf) = vpow2.f32 v1;
	_ =	sdelay $0x2  }
0x59: {  	v1 =	vld [tilespmem:$0x7810]  }
0x5a: {  	v2 =	vld [tilespmem:$0x7890];
	_ =	sdelay $0x4  }
0x5b: {  	v3 =	vpop (erf)  }
0x5c: {  	[tilespmem:$0x7900] =	vst v3  }
0x5d: {  	v1 =	vld.idx.msk [tilespmem:v1+s6+$0x0], $0xffff  }
0x5e: {  	v3 =	vld.idx.msk [tilespmem:v2+s19+$0x0], $0xffff;
	_ =	sdelay $0x4  }
0x5f: {  	v2 =	vld.idx.msk [tilespmem:v2+s25+$0x0], $0xffff;
	v1 =	vadd.f32 v3, v1;
	_ =	sdelay $0x1  }
0x60: {  	v3 =	vmul.f32 $2.000000030e-01, v1;
	_ =	sdelay $0x1  }
0x61: {  	v1 =	vmax.f32 v1, v3  }
0x62: {  	v1 =	vsub.f32 v1, v2;
	_ =	sdelay $0x1  }
0x63: {  	v1 =	vmul.f32 $1.442695020e+00, v1;
	_ =	sdelay $0x1  }
0x64: {  	(erf) = vpow2.f32 v1;
	_ =	sdelay $0x2  }
0x65: {  	v1 =	vld [tilespmem:$0x7820]  }
0x66: {  	v2 =	vld [tilespmem:$0x78A0];
	_ =	sdelay $0x4  }
0x67: {  	v3 =	vpop (erf)  }
0x68: {  	[tilespmem:$0x7910] =	vst v3  }
0x69: {  	v1 =	vld.idx.msk [tilespmem:v1+s6+$0x0], $0xffff  }
0x6a: {  	v3 =	vld.idx.msk [tilespmem:v2+s19+$0x0], $0xffff;
	_ =	sdelay $0x4  }
0x6b: {  	v2 =	vld.idx.msk [tilespmem:v2+s25+$0x0], $0xffff;
	v1 =	vadd.f32 v3, v1;
	_ =	sdelay $0x1  }
0x6c: {  	v3 =	vmul.f32 $2.000000030e-01, v1;
	_ =	sdelay $0x1  }
0x6d: {  	v1 =	vmax.f32 v1, v3  }
0x6e: {  	v1 =	vsub.f32 v1, v2;
	_ =	sdelay $0x1  }
0x6f: {  	v1 =	vmul.f32 $1.442695020e+00, v1;
	_ =	sdelay $0x1  }
0x70: {  	(erf) = vpow2.f32 v1;
	_ =	sdelay $0x2  }
0x71: {  	v1 =	vld [tilespmem:$0x7830]  }
0x72: {  	v2 =	vld [tilespmem:$0x78B0];
	_ =	sdelay $0x4  }
0x73: {  	v3 =	vpop (erf)  }
0x74: {  	[tilespmem:$0x7920] =	vst v3  }
0x75: {  	v1 =	vld.idx.msk [tilespmem:v1+s6+$0x0], $0xffff  }
0x76: {  	v3 =	vld.idx.msk [tilespmem:v2+s19+$0x0], $0xffff;
	_ =	sdelay $0x4  }
0x77: {  	v2 =	vld.idx.msk [tilespmem:v2+s25+$0x0], $0xffff;
	v1 =	vadd.f32 v3, v1;
	_ =	sdelay $0x1  }
0x78: {  	v3 =	vmul.f32 $2.000000030e-01, v1;
	_ =	sdelay $0x1  }
0x79: {  	v1 =	vmax.f32 v1, v3  }
0x7a: {  	v1 =	vsub.f32 v1, v2;
	_ =	sdelay $0x1  }
0x7b: {  	v1 =	vmul.f32 $1.442695020e+00, v1;
	_ =	sdelay $0x1  }
0x7c: {  	(erf) = vpow2.f32 v1;
	_ =	sdelay $0x2  }
0x7d: {  	v1 =	vld [tilespmem:$0x7840]  }
0x7e: {  	v2 =	vld [tilespmem:$0x78C0];
	_ =	sdelay $0x4  }
0x7f: {  	v3 =	vpop (erf)  }
0x80: {  	[tilespmem:$0x7930] =	vst v3  }
0x81: {  	v1 =	vld.idx.msk [tilespmem:v1+s6+$0x0], $0xffff  }
0x82: {  	v3 =	vld.idx.msk [tilespmem:v2+s19+$0x0], $0xffff;
	_ =	sdelay $0x4  }
0x83: {  	v2 =	vld.idx.msk [tilespmem:v2+s25+$0x0], $0xffff;
	v1 =	vadd.f32 v3, v1;
	_ =	sdelay $0x1  }
0x84: {  	v3 =	vmul.f32 $2.000000030e-01, v1;
	_ =	sdelay $0x1  }
0x85: {  	v1 =	vmax.f32 v1, v3  }
0x86: {  	v1 =	vsub.f32 v1, v2;
	_ =	sdelay $0x1  }
0x87: {  	v1 =	vmul.f32 $1.442695020e+00, v1;
	_ =	sdelay $0x1  }
0x88: {  	(erf) = vpow2.f32 v1;
	_ =	sdelay $0x2  }
0x89: {  	v1 =	vld [tilespmem:$0x7850]  }
0x8a: {  	v2 =	vld [tilespmem:$0x78D0];
	_ =	sdelay $0x4  }
0x8b: {  	v3 =	vpop (erf)  }
0x8c: {  	[tilespmem:$0x7940] =	vst v3  }
0x8d: {  	v1 =	vld.idx.msk [tilespmem:v1+s6+$0x0], $0xffff  }
0x8e: {  	v3 =	vld.idx.msk [tilespmem:v2+s19+$0x0], $0xffff;
	_ =	sdelay $0x4  }
0x8f: {  	v2 =	vld.idx.msk [tilespmem:v2+s25+$0x0], $0xffff;
	v1 =	vadd.f32 v3, v1;
	_ =	sdelay $0x1  }
0x90: {  	v3 =	vmul.f32 $2.000000030e-01, v1;
	_ =	sdelay $0x1  }
0x91: {  	v1 =	vmax.f32 v1, v3  }
0x92: {  	v1 =	vsub.f32 v1, v2;
	_ =	sdelay $0x1  }
0x93: {  	v1 =	vmul.f32 $1.442695020e+00, v1;
	_ =	sdelay $0x1  }
0x94: {  	(erf) = vpow2.f32 v1;
	_ =	sdelay $0x2  }
0x95: {  	v1 =	vld [tilespmem:$0x7860]  }
0x96: {  	v2 =	vld [tilespmem:$0x78E0];
	_ =	sdelay $0x4  }
0x97: {  	v3 =	vpop (erf)  }
0x98: {  	[tilespmem:$0x7950] =	vst v3  }
0x99: {  	v1 =	vld.idx.msk [tilespmem:v1+s6+$0x0], $0xffff  }
0x9a: {  	v3 =	vld.idx.msk [tilespmem:v2+s19+$0x0], $0xffff;
	_ =	sdelay $0x4  }
0x9b: {  	v2 =	vld.idx.msk [tilespmem:v2+s25+$0x0], $0xffff;
	v1 =	vadd.f32 v3, v1;
	_ =	sdelay $0x1  }
0x9c: {  	v3 =	vmul.f32 $2.000000030e-01, v1;
	_ =	sdelay $0x1  }
0x9d: {  	v1 =	vmax.f32 v1, v3  }
0x9e: {  	v1 =	vsub.f32 v1, v2;
	_ =	sdelay $0x1  }
0x9f: {  	v1 =	vmul.f32 $1.442695020e+00, v1;
	_ =	sdelay $0x1  }
0xa0: {  	(erf) = vpow2.f32 v1;
	_ =	sdelay $0x2  }
0xa1: {  	v1 =	vld [tilespmem:$0x7870]  }
0xa2: {  	v2 =	vld [tilespmem:$0x78F0];
	_ =	sdelay $0x4  }
0xa3: {  	v3 =	vpop (erf)  }
0xa4: {  	[tilespmem:$0x7960] =	vst v3  }
0xa5: {  	v1 =	vld.idx.msk [tilespmem:v1+s6+$0x0], $0xffff  }
0xa6: {  	v3 =	vld.idx.msk [tilespmem:v2+s19+$0x0], $0xffff;
	_ =	sdelay $0x4  }
0xa7: {  	v2 =	vld.idx.msk [tilespmem:v2+s25+$0x0], $0xffff;
	v1 =	vadd.f32 v3, v1;
	_ =	sdelay $0x1  }
0xa8: {  	v3 =	vmul.f32 $2.000000030e-01, v1;
	_ =	sdelay $0x1  }
0xa9: {  	v1 =	vmax.f32 v1, v3  }
0xaa: {  	v1 =	vsub.f32 v1, v2;
	_ =	sdelay $0x1  }
0xab: {  	v1 =	vmul.f32 $1.442695020e+00, v1;
	_ =	sdelay $0x1  }
0xac: {  	(erf) = vpow2.f32 v1;
	_ =	sdelay $0x6  }
0xad: {  	v1 =	vmov s6;
	_ =	sdelay $0x1  }
0xae: {  	v2 =	vpop (erf)  }
0xaf: {  	s8 =	simm.s32 $0x79A0;
	[tilespmem:$0x7970] =	vst v2  }
0xb0: {  	v4 =	vld [tilespmem:s8+$0xFFFFFFF0]  }
0xb1: {  	v2 =	vld.idx.msk [tilespmem:v1+s31+$0x0], $0xffff  }
0xb2: {  	v5 =	vld [tilespmem:s8+$0xFFFFFFE0]  }
0xb3: {  	v3 =	vld [tilespmem:s8+$0x0];
	_ =	sdelay $0x2  }
0xb4: {  	s16 =	simm.s32 $0x1  }
0xb5: {  	s9 =	simm.s32 $0x79A0;
	v1 =	vmov s16;
	s16 =	simm.s32 $0x2;
	v5 =	vmul.f32 v5, v2;
	v4 =	vmul.f32 v4, v2  }
.LBB2_5:
0xb6: {  	p0 =	sne.s32 s16, $0x7F;
	v2 =	vmul.f32 v3, v2  }
0xb7: {  	[tilespmem:s8+$0xFFFFFFE0] =	vst v5  }
0xb8: {  	s8 =	sadd.s32 $0x30, s8;
	[tilespmem:s9+$0xFFFFFFF0] =	vst v4  }
0xb9: {  	v4 =	vld [tilespmem:s8+$0xFFFFFFF0];
	[tilespmem:s9+$0x0] =	vst v2;
	s9 =	smov.u32 s8  }
0xba: {  	v2 =	vld.idx.msk [tilespmem:v1+s31+$0x0], $0xffff  }
0xbb: {  	v5 =	vld [tilespmem:s8+$0xFFFFFFE0]  }
.Ltmp1:
0xbc: {  	v3 =	vld [tilespmem:s8+$0x0];
	(pc) =	sbr.rel @p0 .LBB2_5-.Ltmp1, $2  }
0xbd: {  	_ =	sdelay $0x2  }
0xbe: {  	v1 =	vmov s16;
	s16 =	sadd.s32 $0x1, s16;
	v4 =	vmul.f32 v4, v2;
	v5 =	vmul.f32 v5, v2  }
0xbf: {  	_ = 	snop  }
0xc0: {  	v2 =	vmul.f32 v3, v2;
	[tilespmem:s8+$0xFFFFFFE0] =	vst v5  }
0xc1: {  	s16 =	sadd.s32 $0x30, s8;
	[tilespmem:s9+$0xFFFFFFF0] =	vst v4  }
0xc2: {  	v3 =	vld [tilespmem:s16+$0xFFFFFFF0];
	[tilespmem:s9+$0x0] =	vst v2  }
0xc3: {  	v1 =	vld.idx.msk [tilespmem:v1+s31+$0x0], $0xffff  }
0xc4: {  	v2 =	vld [tilespmem:s16+$0xFFFFFFE0];
	_ =	sdelay $0x1  }
0xc5: {  	v4 =	vld [tilespmem:s16+$0x0];
	_ =	sdelay $0x2  }
0xc6: {  	v2 =	vmul.f32 v2, v1  }
0xc7: {  	v3 =	vmul.f32 v3, v1  }
0xc8: {  	s7 =	sadd.s32 $0x1, s7;
	v1 =	vmul.f32 v4, v1;
	[tilespmem:s16+$0xFFFFFFE0] =	vst v2  }
0xc9: {  	p0 =	sne.s32 s7, $0x4F;
	[tilespmem:s16+$0xFFFFFFF0] =	vst v3  }
.Ltmp2:
0xca: {  	[tilespmem:s16+$0x0] =	vst v1;
	(pc) =	sbr.rel @p0 .LBB2_4-.Ltmp2, $4  }
0xcb: {  	[spmem:s3] =	stream.indirect.scatter.add.f32 [tilespmem:s17], [sflag:$0x2], $0x30, s28, s29, $0xb8;
	[tilespmem:$0x10980] =	vst v63  }
0xcc: {  	_ =	swait.ge [sflag:s18], $0x1800  }
0xcd: {  	[sflag:s18] =	ssyncset.done $0x0  }
0xce: {  	[sflag:s18] =	ssyncadd.s32 $0xFFFFE800  }
0xcf: {  	[bflag:$0x0] =	sbarrier.arrive $0xFFFF  }
0xd0: {  	[tilespmem:s17], [sflag:$0x2] =	stream.linear.gather [spmem:s10], $0x1800, $0x38;
	[tilespmem:$0x10980] =	vst v63  }
0xd1: {  	_ =	swait.ge [sflag:s18], $0x1800  }
0xd2: {  	[sflag:s18] =	ssyncset.done $0x0  }
0xd3: {  	[sflag:s18] =	ssyncadd.s32 $0xFFFFE800  }
0xd4: {  	[hbm4b:s20+s4] =	stream.linear.scatter [tilespmem:s17], [sflag:$0x2], $0x1800, $0x38;
	[tilespmem:$0x10980] =	vst v63  }
0xd5: {  	_ =	swait.ge [sflag:s18], $0x1800  }
0xd6: {  	[sflag:s18] =	ssyncset.done $0x0  }
0xd7: {  	[sflag:s18] =	ssyncadd.s32 $0xFFFFE800  }
0xd8: {  	[tilespmem:s17], [sflag:$0x2] =	stream.linear.gather [spmem:s11], $0x1800, $0x38;
	[tilespmem:$0x10980] =	vst v63  }
0xd9: {  	_ =	swait.ge [sflag:s18], $0x1800  }
0xda: {  	[sflag:s18] =	ssyncset.done $0x0  }
0xdb: {  	[sflag:s18] =	ssyncadd.s32 $0xFFFFE800  }
0xdc: {  	[hbm4b:s21+s4] =	stream.linear.scatter [tilespmem:s17], [sflag:$0x2], $0x1800, $0x38;
	[tilespmem:$0x10980] =	vst v63  }
0xdd: {  	_ =	swait.ge [sflag:s18], $0x1800  }
0xde: {  	[sflag:s18] =	ssyncset.done $0x0  }
0xdf: {  	[sflag:s18] =	ssyncadd.s32 $0xFFFFE800  }
0xe0: {  	[tilespmem:s17], [sflag:$0x2] =	stream.linear.gather [spmem:s12], $0x1800, $0x38;
	[tilespmem:$0x10980] =	vst v63  }
0xe1: {  	_ =	swait.ge [sflag:s18], $0x1800  }
0xe2: {  	[sflag:s18] =	ssyncset.done $0x0  }
0xe3: {  	[sflag:s18] =	ssyncadd.s32 $0xFFFFE800  }
0xe4: {  	[hbm4b:s22+s4] =	stream.linear.scatter [tilespmem:s17], [sflag:$0x2], $0x1800, $0x38;
	[tilespmem:$0x10980] =	vst v63  }
0xe5: {  	_ =	swait.ge [sflag:s18], $0x1800  }
0xe6: {  	[sflag:s18] =	ssyncset.done $0x0  }
0xe7: {  	[sflag:s18] =	ssyncadd.s32 $0xFFFFE800  }
0xe8: {  	[tilespmem:s17], [sflag:$0x2] =	stream.linear.gather [spmem:s13], $0x1800, $0x38;
	[tilespmem:$0x10980] =	vst v63  }
0xe9: {  	_ =	swait.ge [sflag:s18], $0x1800  }
0xea: {  	[sflag:s18] =	ssyncset.done $0x0  }
0xeb: {  	[sflag:s18] =	ssyncadd.s32 $0xFFFFE800  }
0xec: {  	[hbm4b:s23+s4] =	stream.linear.scatter [tilespmem:s17], [sflag:$0x2], $0x1800, $0x38;
	[tilespmem:$0x10980] =	vst v63  }
0xed: {  	_ =	swait.ge [sflag:s18], $0x1800  }
0xee: {  	[sflag:s18] =	ssyncset.done $0x0  }
0xef: {  	[sflag:s18] =	ssyncadd.s32 $0xFFFFE800  }
0xf0: {  	[tilespmem:s17], [sflag:$0x2] =	stream.linear.gather [spmem:s14], $0x1800, $0x38;
	[tilespmem:$0x10980] =	vst v63  }
0xf1: {  	_ =	swait.ge [sflag:s18], $0x1800  }
0xf2: {  	[sflag:s18] =	ssyncset.done $0x0  }
0xf3: {  	[sflag:s18] =	ssyncadd.s32 $0xFFFFE800  }
0xf4: {  	[hbm4b:s24+s4] =	stream.linear.scatter [tilespmem:s17], [sflag:$0x2], $0x1800, $0x38;
	[tilespmem:$0x10980] =	vst v63  }
0xf5: {  	_ =	swait.ge [sflag:s18], $0x1800  }
0xf6: {  	s0 =	sadd.s32 $0x1, s0;
	s6 =	rddreg [dreg:$0x7]  }
0xf7: {  	p0 =	sne.s32 s0, s6  }
.Ltmp3:
0xf8: {  	_ = 	snop;
	(pc) =	sbr.rel @p0 .LBB2_1-.Ltmp3, $3  }
0xf9: {  	_ =	sdelay $0x1  }
0xfa: {  	[sflag:s18] =	ssyncset.done $0x0  }
0xfb: {  	[sflag:s18] =	ssyncadd.s32 $0xFFFFE800  }
0xfc: {  	_ =	sfence.sel $0x180000  }
0xfd: {  	[bflag:$0x0] =	sbarrier.arrive $0xFFFF  }
0xfe: {  	_ =	strace $0x9000004D  }
0xff: {  	s0 =	stileid.u32;
	[bflag:$0x2] =	sbarrier.arrive $0xFFFF  }
0x100: {  	p0 =	sne.s32 s0, $0x0;
	s0 =	rddreg [dreg:$0x3]  }
0x101: {  	s0 =	sadd.s32 @!p0 $0x100000, s0  }
0x102: {  	[sflag:s0] =	ssyncadd.tile.s32 @!p0 $0x1;
	_ =	shalt  }
.Lfunc_end2:
_tile_overlayer_lowered:
.L_overlay_start_2:
0x103: {  	(tag) =	ssettag $0x2  }
0x104: {  	s0 =	rddreg [dreg:$0x0];
	s2 =	stileid.u32  }
0x105: {  	s1 =	rddreg [dreg:$0x1];
	p0 =	sne.s32 s2, $0x0  }
0x106: {  	s3 =	rddreg [dreg:$0x2];
	[bflag:$0x3] =	sbarrier.arrive $0xFFFF;
	s2 =	simm.s32 @!p0 $0x1C02  }
0x107: {  	[timem:s3], [sflag:s2] =	dma.local @!p0 [hbm:s0], s1  }
0x108: {  	s0 =	simm.s32 @!p0 $0x2  }
0x109: {  	_ =	swait.ge @!p0 [sflag:s0], s1  }
0x10a: {  	s1 =	ssub.s32 @!p0 $0x0, s1;
	[sflag:s0] =	ssyncset.done @!p0 $0x0  }
0x10b: {  	[sflag:s0] =	ssyncadd.s32 @!p0 s1  }
0x10c: {  	[bflag:$0x3] =	sbarrier.arrive $0xFFFF  }
0x10d: {  	_ =	shalt  }

// kernel: kernel.9.cloned.1.call-start
scs
__scs_entry_jumppad:
0x0: {  	(pc) =	sbr.rel $0x88, $3  }
0x1: {  	(tag) =	ssettag $0x0;
	lr =	simm.s32 $0x1  }
0x2: {  	[smem:$0x3F96] =	sst lr;
	_ =	strace $0xD0000000  }
0x3: {  	_ = 	snop  }
0x4: {  	_ = 	snop  }
0x5: {  	_ = 	snop  }
0x6: {  	_ = 	snop  }
0x7: {  	_ = 	snop  }
__scs_overlays_trampoline_lowered:
0x8: {  	[smem:$0x3FA5] =	sst s0  }
0x9: {  	[smem:$0x3FA6] =	sst s1  }
0xa: {  	[smem:$0x3FA7] =	sst s2  }
0xb: {  	[smem:$0x3FA8] =	sst s3  }
0xc: {  	[smem:$0x3FA9] =	sst s4  }
0xd: {  	[smem:$0x3FAA] =	sst s5  }
0xe: {  	[smem:$0x3FAB] =	sst s6  }
0xf: {  	[smem:$0x3FAC] =	sst s7  }
0x10: {  	[smem:$0x3FAD] =	sst s8  }
0x11: {  	[smem:$0x3FAE] =	sst s9;
	s0 =	simm.s32 @!p0 $0x0  }
0x12: {  	s1 =	sld [smem:$0x3F94];
	s0 =	simm.s32 @p0 $0x1  }
0x13: {  	[smem:$0x3FAF] =	sst s0;
	s0 =	simm.s32 @!p1 $0x0  }
0x14: {  	s2 =	sld [smem:$0x3F93];
	s0 =	simm.s32 @p1 $0x1  }
0x15: {  	[smem:$0x3FB0] =	sst s0;
	s0 =	simm.s32 @!p2 $0x0  }
0x16: {  	s3 =	sld [smem:$0x3FDB];
	s0 =	simm.s32 @p2 $0x1  }
0x17: {  	s4 =	simm.s32 $0x1BF5;
	[smem:$0x3FB2] =	sst s0  }
0x18: {  	s0 =	sld [smem:$0x3F95];
	_ =	swait.ge [sflag:s4], $0x0  }
0x19: {  	s7 =	sld [smem:$0x3F96]  }
0x1a: {  	s8 =	sadd.s32 $0xFFFFE003, lr  }
0x1b: {  	s9 =	sadd.s32 $0xFFFFFEF7, lr;
	s5 =	simm.s32 $0xFFFFFFFF;
	p2 =	slt.u32 s8, $0xFFFFF086  }
0x1c: {  	p1 =	slt.u32 s9, $0xF7A;
	s5 =	simm.s32 @!p2 $0x0  }
0x1d: {  	s5 =	simm.s32 @p1 $0x1;
	p0 =	seq.s32 s7, s2  }
0x1e: {  	s7 =	smul.u32 @!p0 $0xF7A, s2;
	p2 =	seq.s32 @!p0 s5, $0x0  }
0x1f: {  	s9 =	smul.u32 $0xF7A, s1;
	s8 =	simm.s32 @!p0 $0x1BF5;
	p2 =	por !p2, p0  }
0x20: {  	[sflag:s8] =	ssyncset.s32 @!p0 $0xFFFFF086;
	s6 =	sadd.s32 @!p0 s3, s7;
	s7 =	simm.s32 @!p0 $0x108  }
0x21: {  	s3 =	sadd.s32 s3, s9;
	s6 =	sadd.s32 @!p0 $0x88, s6;
	s7 =	simm.s32 @p2 $0x1082  }
0x22: {  	[simem:s7], [sflag:s8] =	dma.local @!p0 [hbm:s6], $0xF7A  }
0x23: {  	s9 =	sor.u32 $0xD0000000, s2;
	s6 =	simm.s32 $0x108;
	_ =	swait.ge @!p0 [sflag:s8], $0x0  }
0x24: {  	s3 =	sadd.s32 $0x88, s3;
	s6 =	simm.s32 @!p1 $0x1082;
	[sflag:s4] =	ssyncset.s32 $0xFFFFF086  }
0x25: {  	[simem:s6], [sflag:s4] =	dma.local [hbm:s3], $0xF7A  }
0x26: {  	[smem:$0x3F96] =	sst s1;
	(tag) =	ssettag s2;
	_ =	strace s9  }
0x27: {  	s1 =	sld [smem:$0x3FA6]  }
0x28: {  	s2 =	sld [smem:$0x3FA7]  }
0x29: {  	s4 =	sld [smem:$0x3FA9]  }
0x2a: {  	p0 =	seq.s32 s5, $0x0;
	s5 =	sld [smem:$0x3FAA]  }
0x2b: {  	s6 =	sld [smem:$0x3FAB]  }
0x2c: {  	s7 =	sld [smem:$0x3FAC]  }
0x2d: {  	s3 =	simm.s32 $0x108;
	s8 =	sld [smem:$0x3FAD]  }
0x2e: {  	s3 =	simm.s32 @!p0 $0x1082;
	s9 =	sld [smem:$0x3FAE]  }
0x2f: {  	lr =	sadd.s32 s0, s3;
	s0 =	sld [smem:$0x3FA5]  }
0x30: {  	s3 =	sld [smem:$0x3FA8]  }
0x31: {  	[smem:$0x3FB1] =	sst s10  }
0x32: {  	s10 =	sld [smem:$0x3FAF];
	_ =	sdelay $0x3  }
0x33: {  	p0 =	seq.s32 s10, $0x1;
	s10 =	sld [smem:$0x3FB1];
	_ =	sdelay $0x3  }
0x34: {  	[smem:$0x3FB1] =	sst s10  }
0x35: {  	s10 =	sld [smem:$0x3FB0];
	_ =	sdelay $0x3  }
0x36: {  	p1 =	seq.s32 s10, $0x1;
	s10 =	sld [smem:$0x3FB1];
	_ =	sdelay $0x3  }
0x37: {  	[smem:$0x3FB1] =	sst s10  }
0x38: {  	s10 =	sld [smem:$0x3FB2]  }
0x39: {  	_ = 	snop;
	(pc) =	sbr.ind lr, $3  }
0x3a: {  	_ = 	snop  }
0x3b: {  	_ = 	snop  }
0x3c: {  	p2 =	seq.s32 s10, $0x1;
	s10 =	sld [smem:$0x3FB1]  }
0x3d: {  	_ =	shalt  }
0x3e: {  	_ =	shalt  }
0x3f: {  	_ =	shalt  }
0x40: {  	_ =	shalt  }
0x41: {  	_ =	shalt  }
0x42: {  	_ =	shalt  }
0x43: {  	_ =	shalt  }
0x44: {  	_ =	shalt  }
0x45: {  	_ =	shalt  }
0x46: {  	_ =	shalt  }
0x47: {  	_ =	shalt  }
0x48: {  	_ =	shalt  }
0x49: {  	_ =	shalt  }
0x4a: {  	_ =	shalt  }
0x4b: {  	_ =	shalt  }
0x4c: {  	_ =	shalt  }
0x4d: {  	_ =	shalt  }
0x4e: {  	_ =	shalt  }
0x4f: {  	_ =	shalt  }
0x50: {  	_ =	shalt  }
0x51: {  	_ =	shalt  }
0x52: {  	_ =	shalt  }
0x53: {  	_ =	shalt  }
0x54: {  	_ =	shalt  }
0x55: {  	_ =	shalt  }
0x56: {  	_ =	shalt  }
0x57: {  	_ =	shalt  }
0x58: {  	_ =	shalt  }
0x59: {  	_ =	shalt  }
0x5a: {  	_ =	shalt  }
0x5b: {  	_ =	shalt  }
0x5c: {  	_ =	shalt  }
0x5d: {  	_ =	shalt  }
0x5e: {  	_ =	shalt  }
0x5f: {  	_ =	shalt  }
0x60: {  	_ =	shalt  }
0x61: {  	_ =	shalt  }
0x62: {  	_ =	shalt  }
0x63: {  	_ =	shalt  }
0x64: {  	_ =	shalt  }
0x65: {  	_ =	shalt  }
0x66: {  	_ =	shalt  }
0x67: {  	_ =	shalt  }
0x68: {  	_ =	shalt  }
0x69: {  	_ =	shalt  }
0x6a: {  	_ =	shalt  }
0x6b: {  	_ =	shalt  }
0x6c: {  	_ =	shalt  }
0x6d: {  	_ =	shalt  }
0x6e: {  	_ =	shalt  }
0x6f: {  	_ =	shalt  }
0x70: {  	_ =	shalt  }
0x71: {  	_ =	shalt  }
0x72: {  	_ =	shalt  }
0x73: {  	_ =	shalt  }
0x74: {  	_ =	shalt  }
0x75: {  	_ =	shalt  }
0x76: {  	_ =	shalt  }
0x77: {  	_ =	shalt  }
0x78: {  	_ =	shalt  }
0x79: {  	_ =	shalt  }
0x7a: {  	_ =	shalt  }
0x7b: {  	_ =	shalt  }
0x7c: {  	_ =	shalt  }
0x7d: {  	_ =	shalt  }
0x7e: {  	_ =	shalt  }
0x7f: {  	_ =	shalt  }
0x80: {  	_ =	shalt  }
0x81: {  	_ =	shalt  }
0x82: {  	_ =	shalt  }
0x83: {  	_ =	shalt  }
0x84: {  	_ =	shalt  }
0x85: {  	_ =	shalt  }
0x86: {  	_ =	shalt  }
0x87: {  	_ =	shalt  }
.Lfunc_end0:
.L_simem_size_0:
called_computation_lowered:
.L_overlay_start_0:
0x88: {  	s2 =	sld [smem:$0x3FD9]  }
0x89: {  	s3 =	sld [smem:$0x3FFE];
	_ =	sdelay $0x1  }
0x8a: {  	s1 =	srdreg.scid  }
0x8b: {  	s0 =	sand.u32 $0x1, s1  }
0x8c: {  	s17 =	sshll.u32 s0, $0xA;
	s2 =	sadd.s32 s3, s2  }
0x8d: {  	s2 =	sadd.s32 s2, s17  }
0x8e: {  	[smem:$0x3FBD] =	sst s2  }
0x8f: {  	_ = 	snop  }
0x90: {  	s2 =	sld [smem:$0x3FD0];
	(tm) =	ssettm $0x1  }
0x91: {  	s18 =	sld [smem:$0x3FFB];
	_ =	sdelay $0x3  }
0x92: {  	_ =	strace s18  }
0x93: {  	s3 =	sld [smem:$0x3FFC];
	_ =	sdelay $0x3  }
0x94: {  	_ =	strace s3  }
0x95: {  	s3 =	sld [smem:$0x3FFD];
	_ =	sdelay $0x3  }
0x96: {  	_ =	strace s3  }
0x97: {  	_ =	strace $0x8FFFFFFF  }
0x98: {  	s19 =	sld [smem:$0x3FDB];
	_ =	sdelay $0x1  }
0x99: {  	s4 =	simm.s32 $_scs_section_size  }
0x9a: {  	s5 =	simm.s32 $_size__tile_overlayer_lowered;
	s6 =	simm.s32 $_tile_overlayer_lowered  }
0x9b: {  	s22 =	simm.s32 $0x1BFF;
	s21 =	sshll.u32 s6, $0x1;
	s3 =	sadd.s32 s4, s19  }
0x9c: {  	s7 =	simm.s32 $0x0;
	s20 =	sshll.u32 s5, $0x1;
	s5 =	sadd.s32 s21, s3  }
0x9d: {  	[timem:s7], [sflag:s22] =	dma.local [hbm:s5], s20  }
0x9e: {  	_ =	swait.ge [sflag:s22], s20  }
0x9f: {  	s4 =	ssub.s32 $0x0, s20;
	[sflag:s22] =	ssyncset.done $0x0  }
0xa0: {  	[sflag:s22] =	ssyncadd.s32 s4;
	_ =	sdelay $0x1  }
0xa1: {  	s23 =	simm.s32 $0x1B8B  }
0xa2: {  	_ =	swait.ge [sflag:s23], $0x1  }
0xa3: {  	[sflag:s23] =	ssyncset.done $0x0  }
0xa4: {  	s25 =	simm.s32 $0x1B8E;
	s24 =	sld [smem:$0x3FFE];
	[sflag:s23] =	ssyncadd.s32 $0xFFFFFFFF  }
0xa5: {  	s26 =	simm.s32 $execute0_lowered;
	[smem:$0x3FD2] =	sst s25  }
0xa6: {  	s5 =	sshll.u32 s26, $0x1;
	_ =	strace $0x80000046;
	[dreg:$0x1] =	wrdreg $0xFFFFFFFF  }
0xa7: {  	s28 =	simm.s32 $_size_execute0_lowered;
	s3 =	sadd.s32 s3, s5;
	[dreg:$0x0] =	wrdreg $0x0  }
0xa8: {  	s5 =	sshll.u32 s28, $0x1;
	[dreg:$0x2] =	wrdreg s3  }
0xa9: {  	[dreg:$0x3] =	wrdreg s5  }
0xaa: {  	[dreg:$0x4] =	wrdreg $0xC0  }
0xab: {  	_ =	task [dreg:s7], $0x5FFFF  }
0xac: {  	[dreg:$0x1] =	wrdreg $0xFFFFFFFF  }
0xad: {  	[dreg:$0x0] =	wrdreg $0x60  }
0xae: {  	[dreg:$0x2] =	wrdreg s24  }
0xaf: {  	[dreg:$0x3] =	wrdreg s2  }
0xb0: {  	[dreg:$0x4] =	wrdreg $0xA1800  }
0xb1: {  	[dreg:$0x5] =	wrdreg $0x9  }
0xb2: {  	_ =	task.clear_ibuf [dreg:s7], $0x6FFFF;
	_ =	strace $0x90000046  }
0xb3: {  	s29 =	simm.s32 $0x9;
	_ =	strace $0x80000048  }
0xb4: {  	_ =	swait.ge [sflag:s29], $0x1  }
0xb5: {  	[sflag:s29] =	ssyncadd.s32 $0xFFFFFFFF  }
0xb6: {  	_ =	strace $0x90000048  }
0xb7: {  	_ =	sfence  }
0xb8: {  	s30 =	sld [smem:$0x0];
	_ =	sdelay $0x2  }
0xb9: {  	s31 =	sshll.u32 s1, $0xD;
	s1 =	sshrl.u32 s1, $0x2  }
0xba: {  	s3 =	sand.u32 $0x4000, s31;
	s1 =	sadd.s32 s1, s30  }
0xbb: {  	s0 =	sor.u32 s3, s0;
	s1 =	sshll.u32 s1, $0x11  }
0xbc: {  	s0 =	sor.u32 s1, s0  }
0xbd: {  	s0 =	sadd.s32 $0x8F2B, s0  }
0xbe: {  	[sflag:s0] =	ssyncadd.remote.s32 $0x1  }
0xbf: {  	_ =	sfence.sel $0xFFFF  }
0xc0: {  	[dreg:$0x0] =	wrdreg $0xFFFFFFFF;
	(pc) =	sbr.abs _section_cstart, $3  }
0xc1: {  	[dreg:$0x1] =	wrdreg $0xFFFFFFFF  }
0xc2: {  	_ =	task.clear_ibuf [dreg:s7], $0x2FFFF;
	_ =	strace $0x9FFFFFFF  }
0xc3: {  	(tm) =	ssettm $0x7FFFFFFF  }
tec
execute0_lowered:
.L_overlay_start_1:
0x0: {  	(tag) =	ssettag $0x1  }
0x1: {  	s18 =	rddreg [dreg:$0x0]  }
0x2: {  	s3 =	rddreg [dreg:$0x2];
	s4 =	simm.s32 $0x0;
	s0 =	srdreg.scid  }
0x3: {  	s14 =	stileid.u32;
	s19 =	simm.s32 $0x2800;
	s28 =	simm.s32 $0x7880  }
0x4: {  	s29 =	simm.s32 $0x80;
	s30 =	simm.s32 $0x1;
	s31 =	simm.s32 $0x7900  }
0x5: {  	[smem:$0x7FF] =	sst s4;
	s0 =	sand.u32 $0x1, s0;
	s2 =	smul.u32 $0xC800, s14  }
0x6: {  	s6 =	sadd.s32 $0xAA00, s18;
	s7 =	sadd.s32 $0xC00, s18;
	s14 =	smul.u32 $0x4E80, s14  }
0x7: {  	s5 =	sadd.s32 $0x600, s18;
	s1 =	smul.u32 $0x19000, s0;
	_ =	strace $0x80000047  }
0x8: {  	[dreg:$0x4] =	wrdreg s5;
	s23 =	ssub.s32 $0x2, s0;
	p0 =	seq.s32 s0, $0x1  }
0x9: {  	s8 =	sshrl.u32 s23, $0x1;
	s15 =	sadd.s32 $0x2800, s2;
	s9 =	sadd.s32 s2, s3  }
0xa: {  	s24 =	sadd.s32 $0x5000, s2;
	s16 =	sadd.s32 $0x7800, s2;
	s17 =	sadd.s32 $0xA000, s2  }
0xb: {  	s25 =	sshrl.u32 s2, $0x3;
	s1 =	sadd.s32 s1, s18;
	s5 =	ssub.s32 s23, s8  }
0xc: {  	s10 =	sadd.s32 s15, s3;
	s11 =	sadd.s32 s24, s3;
	s12 =	sadd.s32 s16, s3  }
0xd: {  	s13 =	sadd.s32 s17, s3;
	s26 =	sshrl.u32 s15, $0x3;
	s15 =	simm.s32 $0x50000  }
0xe: {  	s8 =	sshrl.u32 s24, $0x3;
	s23 =	sshrl.u32 s16, $0x3;
	s24 =	sshrl.u32 s17, $0x3  }
0xf: {  	s17 =	simm.s32 $0x7980;
	s15 =	simm.s32 @!p0 $0x69000;
	s5 =	smax.u32 s5, $0x1  }
0x10: {  	s0 =	sadd.s32 $0x14800, s1;
	[dreg:$0x5] =	wrdreg s5;
	s16 =	sadd.s32 s15, s18  }
0x11: {  	s18 =	simm.s32 $0x2;
	s20 =	sadd.s32 s25, s0;
	s21 =	sadd.s32 s26, s0  }
0x12: {  	s22 =	sadd.s32 s8, s0;
	s23 =	sadd.s32 s23, s0;
	s24 =	sadd.s32 s24, s0  }
0x13: {  	v0 =	vimm.f32 $0.0e+00;
	s25 =	simm.s32 $0x5000;
	s26 =	simm.s32 $0x7800;
	s0 =	simm.s32 $0x0  }
.LBB2_1:
0x14: {  	s2 =	simm.s32 $0x140;
	s1 =	simm.s32 $0x0  }
.LBB2_2:
0x15: {  	p0 =	sne.s32 s2, $0x9EC0;
	[tilespmem:s1+$0x79C0] =	vst v0;
	s5 =	smov.u32 s2;
	s2 =	sadd.s32 $0x140, s2  }
.Ltmp0:
0x16: {  	[tilespmem:s1+$0x79B0] =	vst v0;
	(pc) =	sbr.rel @p0 .LBB2_2-.Ltmp0, $4  }
0x17: {  	[tilespmem:s1+$0x79A0] =	vst v0  }
0x18: {  	[tilespmem:s1+$0x7980] =	vst v0  }
0x19: {  	[tilespmem:s1+$0x7990] =	vst v0  }
0x1a: {  	s1 =	sshra.s32 s5, $0x2  }
0x1b: {  	[tilespmem:s1+$0x79C0] =	vst v0  }
0x1c: {  	[tilespmem:s1+$0x79B0] =	vst v0  }
0x1d: {  	[tilespmem:s1+$0x79A0] =	vst v0  }
0x1e: {  	[tilespmem:s1+$0x7980] =	vst v0  }
0x1f: {  	[tilespmem:s1+$0x7990] =	vst v0  }
0x20: {  	[spmem:s9] =	stream.linear.scatter [tilespmem:s17], [sflag:$0x2], $0x2800, $0x38;
	[tilespmem:$0x16980] =	vst v63  }
0x21: {  	_ =	swait.ge [sflag:s18], $0x2800  }
0x22: {  	[sflag:s18] =	ssyncset.done $0x0  }
0x23: {  	[sflag:s18] =	ssyncadd.s32 $0xFFFFD800  }
0x24: {  	[spmem:s10] =	stream.linear.scatter [tilespmem:s17], [sflag:$0x2], $0x2800, $0x38;
	[tilespmem:$0x16980] =	vst v63  }
0x25: {  	_ =	swait.ge [sflag:s18], $0x2800  }
0x26: {  	[sflag:s18] =	ssyncset.done $0x0  }
0x27: {  	[sflag:s18] =	ssyncadd.s32 $0xFFFFD800  }
0x28: {  	[spmem:s11] =	stream.linear.scatter [tilespmem:s17], [sflag:$0x2], $0x2800, $0x38;
	[tilespmem:$0x16980] =	vst v63  }
0x29: {  	_ =	swait.ge [sflag:s18], $0x2800  }
0x2a: {  	[sflag:s18] =	ssyncset.done $0x0  }
0x2b: {  	[sflag:s18] =	ssyncadd.s32 $0xFFFFD800  }
0x2c: {  	[spmem:s12] =	stream.linear.scatter [tilespmem:s17], [sflag:$0x2], $0x2800, $0x38;
	[tilespmem:$0x16980] =	vst v63  }
0x2d: {  	_ =	swait.ge [sflag:s18], $0x2800  }
0x2e: {  	[sflag:s18] =	ssyncset.done $0x0  }
0x2f: {  	[sflag:s18] =	ssyncadd.s32 $0xFFFFD800  }
0x30: {  	[spmem:s13] =	stream.linear.scatter [tilespmem:s17], [sflag:$0x2], $0x2800, $0x38;
	[tilespmem:$0x16980] =	vst v63  }
0x31: {  	_ =	swait.ge [sflag:s18], $0x2800  }
0x32: {  	[sflag:s18] =	ssyncset.done $0x0  }
0x33: {  	[sflag:s18] =	ssyncadd.s32 $0xFFFFD800  }
0x34: {  	s5 =	simm.s32 $0x0;
	s2 =	rddreg [dreg:$0x1]  }
0x35: {  	[tilespmem:s5], [sflag:$0x2] =	stream.linear.gather [hbm4b:s2+s5], $0x2800, $0x38;
	[tilespmem:$0x16980] =	vst v63  }
0x36: {  	_ =	swait.ge [sflag:s18], $0x2800  }
0x37: {  	[sflag:s18] =	ssyncset.done $0x0  }
0x38: {  	s8 =	rddreg [dreg:$0x4];
	[sflag:s18] =	ssyncadd.s32 $0xFFFFD800  }
0x39: {  	[tilespmem:s19], [sflag:$0x2] =	stream.linear.gather [hbm4b:s8+s5], $0x2800, $0x38;
	[tilespmem:$0x16980] =	vst v63  }
0x3a: {  	_ =	swait.ge [sflag:s18], $0x2800  }
0x3b: {  	[sflag:s18] =	ssyncset.done $0x0  }
0x3c: {  	[sflag:s18] =	ssyncadd.s32 $0xFFFFD800  }
0x3d: {  	s15 =	rddreg [dreg:$0x0]  }
0x3e: {  	[tilespmem:s25], [sflag:$0x2] =	stream.linear.gather [hbm4b:s15+s5], $0x2800, $0x38;
	[tilespmem:$0x16980] =	vst v63  }
0x3f: {  	_ =	swait.ge [sflag:s18], $0x2800  }
0x40: {  	[sflag:s18] =	ssyncset.done $0x0  }
0x41: {  	[sflag:s18] =	ssyncadd.s32 $0xFFFFD800  }
0x42: {  	s2 =	simm.s32 $0x0;
	[bflag:$0x0] =	sbarrier.arrive $0xFFFF  }
.LBB2_4:
0x43: {  	s1 =	sshll.u32 s2, $0x7  }
0x44: {  	s1 =	sadd.s32 s14, s1  }
0x45: {  	s1 =	sshrl.u32 s1, $0x3  }
0x46: {  	s8 =	sadd.s32 s6, s1  }
0x47: {  	[tilespmem:s26], [sflag:$0x2] =	stream.linear.gather [hbm4b:s8+s5], $0x80, $0x38;
	[tilespmem:$0x16980] =	vst v63  }
0x48: {  	_ =	swait.ge [sflag:s18], $0x80  }
0x49: {  	[sflag:s18] =	ssyncset.done $0x0  }
0x4a: {  	s1 =	sadd.s32 s7, s1;
	[sflag:s18] =	ssyncadd.s32 $0xFFFFFF80  }
0x4b: {  	[tilespmem:s28], [sflag:$0x2] =	stream.linear.gather [hbm4b:s1+s5], $0x80, $0x38;
	[tilespmem:$0x16980] =	vst v63  }
0x4c: {  	_ =	swait.ge [sflag:s18], $0x80  }
0x4d: {  	[sflag:s18] =	ssyncset.done $0x0  }
0x4e: {  	[sflag:s18] =	ssyncadd.s32 $0xFFFFFF80  }
0x4f: {  	[tilespmem:s17], [sflag:$0x1] =	stream.indirect.gather [hbm4b:s16+s29], $0x50, s26, s29, $0xb8;
	[tilespmem:$0x16980] =	vst v63  }
0x50: {  	_ =	swait.ge [sflag:s30], $0x2800  }
0x51: {  	[sflag:s30] =	ssyncset.done $0x0  }
0x52: {  	[sflag:s30] =	ssyncadd.s32 $0xFFFFD800  }
0x53: {  	v1 =	vld [tilespmem:$0x7800]  }
0x54: {  	v2 =	vld [tilespmem:$0x7880];
	_ =	sdelay $0x6  }
0x55: {  	v1 =	vld.idx.msk [tilespmem:v1+s5+$0x0], $0xffff  }
0x56: {  	v3 =	vld.idx.msk [tilespmem:v2+s19+$0x0], $0xffff;
	_ =	sdelay $0x4  }
0x57: {  	v2 =	vld.idx.msk [tilespmem:v2+s25+$0x0], $0xffff;
	v1 =	vadd.f32 v3, v1;
	_ =	sdelay $0x1  }
0x58: {  	v3 =	vmul.f32 $2.000000030e-01, v1;
	_ =	sdelay $0x1  }
0x59: {  	v1 =	vmax.f32 v1, v3  }
0x5a: {  	v1 =	vsub.f32 v1, v2;
	_ =	sdelay $0x1  }
0x5b: {  	v1 =	vmul.f32 $1.442695020e+00, v1;
	_ =	sdelay $0x1  }
0x5c: {  	(erf) = vpow2.f32 v1;
	_ =	sdelay $0x2  }
0x5d: {  	v1 =	vld [tilespmem:$0x7810]  }
0x5e: {  	v2 =	vld [tilespmem:$0x7890];
	_ =	sdelay $0x4  }
0x5f: {  	v3 =	vpop (erf)  }
0x60: {  	[tilespmem:$0x7900] =	vst v3  }
0x61: {  	v1 =	vld.idx.msk [tilespmem:v1+s5+$0x0], $0xffff  }
0x62: {  	v3 =	vld.idx.msk [tilespmem:v2+s19+$0x0], $0xffff;
	_ =	sdelay $0x4  }
0x63: {  	v2 =	vld.idx.msk [tilespmem:v2+s25+$0x0], $0xffff;
	v1 =	vadd.f32 v3, v1;
	_ =	sdelay $0x1  }
0x64: {  	v3 =	vmul.f32 $2.000000030e-01, v1;
	_ =	sdelay $0x1  }
0x65: {  	v1 =	vmax.f32 v1, v3  }
0x66: {  	v1 =	vsub.f32 v1, v2;
	_ =	sdelay $0x1  }
0x67: {  	v1 =	vmul.f32 $1.442695020e+00, v1;
	_ =	sdelay $0x1  }
0x68: {  	(erf) = vpow2.f32 v1;
	_ =	sdelay $0x2  }
0x69: {  	v1 =	vld [tilespmem:$0x7820]  }
0x6a: {  	v2 =	vld [tilespmem:$0x78A0];
	_ =	sdelay $0x4  }
0x6b: {  	v3 =	vpop (erf)  }
0x6c: {  	[tilespmem:$0x7910] =	vst v3  }
0x6d: {  	v1 =	vld.idx.msk [tilespmem:v1+s5+$0x0], $0xffff  }
0x6e: {  	v3 =	vld.idx.msk [tilespmem:v2+s19+$0x0], $0xffff;
	_ =	sdelay $0x4  }
0x6f: {  	v2 =	vld.idx.msk [tilespmem:v2+s25+$0x0], $0xffff;
	v1 =	vadd.f32 v3, v1;
	_ =	sdelay $0x1  }
0x70: {  	v3 =	vmul.f32 $2.000000030e-01, v1;
	_ =	sdelay $0x1  }
0x71: {  	v1 =	vmax.f32 v1, v3  }
0x72: {  	v1 =	vsub.f32 v1, v2;
	_ =	sdelay $0x1  }
0x73: {  	v1 =	vmul.f32 $1.442695020e+00, v1;
	_ =	sdelay $0x1  }
0x74: {  	(erf) = vpow2.f32 v1;
	_ =	sdelay $0x2  }
0x75: {  	v1 =	vld [tilespmem:$0x7830]  }
0x76: {  	v2 =	vld [tilespmem:$0x78B0];
	_ =	sdelay $0x4  }
0x77: {  	v3 =	vpop (erf)  }
0x78: {  	[tilespmem:$0x7920] =	vst v3  }
0x79: {  	v1 =	vld.idx.msk [tilespmem:v1+s5+$0x0], $0xffff  }
0x7a: {  	v3 =	vld.idx.msk [tilespmem:v2+s19+$0x0], $0xffff;
	_ =	sdelay $0x4  }
0x7b: {  	v2 =	vld.idx.msk [tilespmem:v2+s25+$0x0], $0xffff;
	v1 =	vadd.f32 v3, v1;
	_ =	sdelay $0x1  }
0x7c: {  	v3 =	vmul.f32 $2.000000030e-01, v1;
	_ =	sdelay $0x1  }
0x7d: {  	v1 =	vmax.f32 v1, v3  }
0x7e: {  	v1 =	vsub.f32 v1, v2;
	_ =	sdelay $0x1  }
0x7f: {  	v1 =	vmul.f32 $1.442695020e+00, v1;
	_ =	sdelay $0x1  }
0x80: {  	(erf) = vpow2.f32 v1;
	_ =	sdelay $0x2  }
0x81: {  	v1 =	vld [tilespmem:$0x7840]  }
0x82: {  	v2 =	vld [tilespmem:$0x78C0];
	_ =	sdelay $0x4  }
0x83: {  	v3 =	vpop (erf)  }
0x84: {  	[tilespmem:$0x7930] =	vst v3  }
0x85: {  	v1 =	vld.idx.msk [tilespmem:v1+s5+$0x0], $0xffff  }
0x86: {  	v3 =	vld.idx.msk [tilespmem:v2+s19+$0x0], $0xffff;
	_ =	sdelay $0x4  }
0x87: {  	v2 =	vld.idx.msk [tilespmem:v2+s25+$0x0], $0xffff;
	v1 =	vadd.f32 v3, v1;
	_ =	sdelay $0x1  }
0x88: {  	v3 =	vmul.f32 $2.000000030e-01, v1;
	_ =	sdelay $0x1  }
0x89: {  	v1 =	vmax.f32 v1, v3  }
0x8a: {  	v1 =	vsub.f32 v1, v2;
	_ =	sdelay $0x1  }
0x8b: {  	v1 =	vmul.f32 $1.442695020e+00, v1;
	_ =	sdelay $0x1  }
0x8c: {  	(erf) = vpow2.f32 v1;
	_ =	sdelay $0x2  }
0x8d: {  	v1 =	vld [tilespmem:$0x7850]  }
0x8e: {  	v2 =	vld [tilespmem:$0x78D0];
	_ =	sdelay $0x4  }
0x8f: {  	v3 =	vpop (erf)  }
0x90: {  	[tilespmem:$0x7940] =	vst v3  }
0x91: {  	v1 =	vld.idx.msk [tilespmem:v1+s5+$0x0], $0xffff  }
0x92: {  	v3 =	vld.idx.msk [tilespmem:v2+s19+$0x0], $0xffff;
	_ =	sdelay $0x4  }
0x93: {  	v2 =	vld.idx.msk [tilespmem:v2+s25+$0x0], $0xffff;
	v1 =	vadd.f32 v3, v1;
	_ =	sdelay $0x1  }
0x94: {  	v3 =	vmul.f32 $2.000000030e-01, v1;
	_ =	sdelay $0x1  }
0x95: {  	v1 =	vmax.f32 v1, v3  }
0x96: {  	v1 =	vsub.f32 v1, v2;
	_ =	sdelay $0x1  }
0x97: {  	v1 =	vmul.f32 $1.442695020e+00, v1;
	_ =	sdelay $0x1  }
0x98: {  	(erf) = vpow2.f32 v1;
	_ =	sdelay $0x2  }
0x99: {  	v1 =	vld [tilespmem:$0x7860]  }
0x9a: {  	v2 =	vld [tilespmem:$0x78E0];
	_ =	sdelay $0x4  }
0x9b: {  	v3 =	vpop (erf)  }
0x9c: {  	[tilespmem:$0x7950] =	vst v3  }
0x9d: {  	v1 =	vld.idx.msk [tilespmem:v1+s5+$0x0], $0xffff  }
0x9e: {  	v3 =	vld.idx.msk [tilespmem:v2+s19+$0x0], $0xffff;
	_ =	sdelay $0x4  }
0x9f: {  	v2 =	vld.idx.msk [tilespmem:v2+s25+$0x0], $0xffff;
	v1 =	vadd.f32 v3, v1;
	_ =	sdelay $0x1  }
0xa0: {  	v3 =	vmul.f32 $2.000000030e-01, v1;
	_ =	sdelay $0x1  }
0xa1: {  	v1 =	vmax.f32 v1, v3  }
0xa2: {  	v1 =	vsub.f32 v1, v2;
	_ =	sdelay $0x1  }
0xa3: {  	v1 =	vmul.f32 $1.442695020e+00, v1;
	_ =	sdelay $0x1  }
0xa4: {  	(erf) = vpow2.f32 v1;
	_ =	sdelay $0x2  }
0xa5: {  	v1 =	vld [tilespmem:$0x7870]  }
0xa6: {  	v2 =	vld [tilespmem:$0x78F0];
	_ =	sdelay $0x4  }
0xa7: {  	v3 =	vpop (erf)  }
0xa8: {  	[tilespmem:$0x7960] =	vst v3  }
0xa9: {  	v1 =	vld.idx.msk [tilespmem:v1+s5+$0x0], $0xffff  }
0xaa: {  	v3 =	vld.idx.msk [tilespmem:v2+s19+$0x0], $0xffff;
	_ =	sdelay $0x4  }
0xab: {  	v2 =	vld.idx.msk [tilespmem:v2+s25+$0x0], $0xffff;
	v1 =	vadd.f32 v3, v1;
	_ =	sdelay $0x1  }
0xac: {  	v3 =	vmul.f32 $2.000000030e-01, v1;
	_ =	sdelay $0x1  }
0xad: {  	v1 =	vmax.f32 v1, v3  }
0xae: {  	v1 =	vsub.f32 v1, v2;
	_ =	sdelay $0x1  }
0xaf: {  	v1 =	vmul.f32 $1.442695020e+00, v1;
	_ =	sdelay $0x1  }
0xb0: {  	(erf) = vpow2.f32 v1;
	_ =	sdelay $0x7  }
0xb1: {  	v1 =	vmov s5  }
0xb2: {  	v2 =	vpop (erf)  }
0xb3: {  	s1 =	simm.s32 $0x79A0;
	[tilespmem:$0x7970] =	vst v2  }
0xb4: {  	v2 =	vld [tilespmem:s1+$0xFFFFFFF0]  }
0xb5: {  	v3 =	vld [tilespmem:s1+$0x10]  }
0xb6: {  	v6 =	vld.idx.msk [tilespmem:v1+s31+$0x0], $0xffff  }
0xb7: {  	v1 =	vld [tilespmem:s1+$0xFFFFFFE0]  }
0xb8: {  	v5 =	vld [tilespmem:s1+$0x0]  }
0xb9: {  	v7 =	vld [tilespmem:s1+$0x20];
	_ =	sdelay $0x2  }
0xba: {  	v8 =	vmul.f32 v1, v6  }
0xbb: {  	s15 =	simm.s32 $0x1;
	v4 =	vmul.f32 v2, v6;
	v5 =	vmul.f32 v5, v6  }
0xbc: {  	s8 =	simm.s32 $0x79A0;
	v2 =	vmul.f32 v3, v6;
	v1 =	vmov s15;
	s15 =	simm.s32 $0x2;
	v3 =	vmul.f32 v7, v6;
	[tilespmem:s1+$0xFFFFFFE0] =	vst v8  }
.LBB2_5:
0xbd: {  	p0 =	sne.s32 s15, $0x7F;
	[tilespmem:s1+$0xFFFFFFF0] =	vst v4  }
0xbe: {  	s1 =	sadd.s32 $0x50, s1;
	[tilespmem:s8+$0x0] =	vst v5  }
0xbf: {  	v4 =	vld [tilespmem:s1+$0xFFFFFFF0];
	[tilespmem:s8+$0x10] =	vst v2  }
0xc0: {  	v2 =	vld [tilespmem:s1+$0x10];
	[tilespmem:s8+$0x20] =	vst v3;
	s8 =	smov.u32 s1  }
0xc1: {  	v3 =	vld.idx.msk [tilespmem:v1+s31+$0x0], $0xffff  }
0xc2: {  	v1 =	vld [tilespmem:s1+$0xFFFFFFE0]  }
0xc3: {  	v5 =	vld [tilespmem:s1+$0x0]  }
0xc4: {  	v6 =	vld [tilespmem:s1+$0x20]  }
.Ltmp1:
0xc5: {  	(pc) =	sbr.rel @p0 .LBB2_5-.Ltmp1, $4  }
0xc6: {  	_ = 	snop  }
0xc7: {  	v4 =	vmul.f32 v4, v3;
	v7 =	vmul.f32 v1, v3  }
0xc8: {  	v2 =	vmul.f32 v2, v3;
	v5 =	vmul.f32 v5, v3  }
0xc9: {  	v1 =	vmov s15;
	s15 =	sadd.s32 $0x1, s15;
	[tilespmem:s1+$0xFFFFFFE0] =	vst v7;
	v3 =	vmul.f32 v6, v3  }
0xca: {  	[tilespmem:s1+$0xFFFFFFF0] =	vst v4  }
0xcb: {  	s15 =	sadd.s32 $0x50, s1;
	[tilespmem:s8+$0x0] =	vst v5  }
0xcc: {  	v4 =	vld [tilespmem:s15+$0xFFFFFFF0];
	[tilespmem:s8+$0x10] =	vst v2  }
0xcd: {  	v2 =	vld [tilespmem:s15+$0x10]  }
0xce: {  	[tilespmem:s8+$0x20] =	vst v3;
	v3 =	vld [tilespmem:s15+$0xFFFFFFE0]  }
0xcf: {  	v1 =	vld.idx.msk [tilespmem:v1+s31+$0x0], $0xffff;
	_ =	sdelay $0x1  }
0xd0: {  	v5 =	vld [tilespmem:s15+$0x0];
	_ =	sdelay $0x1  }
0xd1: {  	v6 =	vld [tilespmem:s15+$0x20]  }
0xd2: {  	v3 =	vmul.f32 v3, v1  }
0xd3: {  	v4 =	vmul.f32 v4, v1  }
0xd4: {  	v5 =	vmul.f32 v5, v1;
	[tilespmem:s15+$0xFFFFFFE0] =	vst v3  }
0xd5: {  	v2 =	vmul.f32 v2, v1;
	[tilespmem:s15+$0xFFFFFFF0] =	vst v4  }
0xd6: {  	s2 =	sadd.s32 $0x1, s2;
	v1 =	vmul.f32 v6, v1;
	[tilespmem:s15+$0x0] =	vst v5  }
0xd7: {  	p0 =	sne.s32 s2, $0x9D;
	[tilespmem:s15+$0x10] =	vst v2  }
.Ltmp2:
0xd8: {  	[tilespmem:s15+$0x20] =	vst v1;
	(pc) =	sbr.rel @p0 .LBB2_4-.Ltmp2, $4  }
0xd9: {  	[spmem:s3] =	stream.indirect.scatter.add.f32 [tilespmem:s17], [sflag:$0x2], $0x50, s28, s29, $0xb8;
	[tilespmem:$0x16980] =	vst v63  }
0xda: {  	_ =	swait.ge [sflag:s18], $0x2800  }
0xdb: {  	[sflag:s18] =	ssyncset.done $0x0  }
0xdc: {  	[sflag:s18] =	ssyncadd.s32 $0xFFFFD800  }
0xdd: {  	[bflag:$0x0] =	sbarrier.arrive $0xFFFF  }
0xde: {  	[tilespmem:s17], [sflag:$0x2] =	stream.linear.gather [spmem:s9], $0x2800, $0x38;
	[tilespmem:$0x16980] =	vst v63  }
0xdf: {  	_ =	swait.ge [sflag:s18], $0x2800  }
0xe0: {  	[sflag:s18] =	ssyncset.done $0x0  }
0xe1: {  	[sflag:s18] =	ssyncadd.s32 $0xFFFFD800  }
0xe2: {  	[hbm4b:s20+s4] =	stream.linear.scatter [tilespmem:s17], [sflag:$0x2], $0x2800, $0x38;
	[tilespmem:$0x16980] =	vst v63  }
0xe3: {  	_ =	swait.ge [sflag:s18], $0x2800  }
0xe4: {  	[sflag:s18] =	ssyncset.done $0x0  }
0xe5: {  	[sflag:s18] =	ssyncadd.s32 $0xFFFFD800  }
0xe6: {  	[tilespmem:s17], [sflag:$0x2] =	stream.linear.gather [spmem:s10], $0x2800, $0x38;
	[tilespmem:$0x16980] =	vst v63  }
0xe7: {  	_ =	swait.ge [sflag:s18], $0x2800  }
0xe8: {  	[sflag:s18] =	ssyncset.done $0x0  }
0xe9: {  	[sflag:s18] =	ssyncadd.s32 $0xFFFFD800  }
0xea: {  	[hbm4b:s21+s4] =	stream.linear.scatter [tilespmem:s17], [sflag:$0x2], $0x2800, $0x38;
	[tilespmem:$0x16980] =	vst v63  }
0xeb: {  	_ =	swait.ge [sflag:s18], $0x2800  }
0xec: {  	[sflag:s18] =	ssyncset.done $0x0  }
0xed: {  	[sflag:s18] =	ssyncadd.s32 $0xFFFFD800  }
0xee: {  	[tilespmem:s17], [sflag:$0x2] =	stream.linear.gather [spmem:s11], $0x2800, $0x38;
	[tilespmem:$0x16980] =	vst v63  }
0xef: {  	_ =	swait.ge [sflag:s18], $0x2800  }
0xf0: {  	[sflag:s18] =	ssyncset.done $0x0  }
0xf1: {  	[sflag:s18] =	ssyncadd.s32 $0xFFFFD800  }
0xf2: {  	[hbm4b:s22+s4] =	stream.linear.scatter [tilespmem:s17], [sflag:$0x2], $0x2800, $0x38;
	[tilespmem:$0x16980] =	vst v63  }
0xf3: {  	_ =	swait.ge [sflag:s18], $0x2800  }
0xf4: {  	[sflag:s18] =	ssyncset.done $0x0  }
0xf5: {  	[sflag:s18] =	ssyncadd.s32 $0xFFFFD800  }
0xf6: {  	[tilespmem:s17], [sflag:$0x2] =	stream.linear.gather [spmem:s12], $0x2800, $0x38;
	[tilespmem:$0x16980] =	vst v63  }
0xf7: {  	_ =	swait.ge [sflag:s18], $0x2800  }
0xf8: {  	[sflag:s18] =	ssyncset.done $0x0  }
0xf9: {  	[sflag:s18] =	ssyncadd.s32 $0xFFFFD800  }
0xfa: {  	[hbm4b:s23+s4] =	stream.linear.scatter [tilespmem:s17], [sflag:$0x2], $0x2800, $0x38;
	[tilespmem:$0x16980] =	vst v63  }
0xfb: {  	_ =	swait.ge [sflag:s18], $0x2800  }
0xfc: {  	[sflag:s18] =	ssyncset.done $0x0  }
0xfd: {  	[sflag:s18] =	ssyncadd.s32 $0xFFFFD800  }
0xfe: {  	[tilespmem:s17], [sflag:$0x2] =	stream.linear.gather [spmem:s13], $0x2800, $0x38;
	[tilespmem:$0x16980] =	vst v63  }
0xff: {  	_ =	swait.ge [sflag:s18], $0x2800  }
0x100: {  	[sflag:s18] =	ssyncset.done $0x0  }
0x101: {  	[sflag:s18] =	ssyncadd.s32 $0xFFFFD800  }
0x102: {  	[hbm4b:s24+s4] =	stream.linear.scatter [tilespmem:s17], [sflag:$0x2], $0x2800, $0x38;
	[tilespmem:$0x16980] =	vst v63  }
0x103: {  	_ =	swait.ge [sflag:s18], $0x2800  }
0x104: {  	s0 =	sadd.s32 $0x1, s0;
	s1 =	rddreg [dreg:$0x5]  }
0x105: {  	p0 =	sne.s32 s0, s1  }
.Ltmp3:
0x106: {  	_ = 	snop;
	(pc) =	sbr.rel @p0 .LBB2_1-.Ltmp3, $3  }
0x107: {  	_ =	sdelay $0x1  }
0x108: {  	[sflag:s18] =	ssyncset.done $0x0  }
0x109: {  	[sflag:s18] =	ssyncadd.s32 $0xFFFFD800  }
0x10a: {  	_ =	sfence.sel $0x180000  }
0x10b: {  	[bflag:$0x0] =	sbarrier.arrive $0xFFFF  }
0x10c: {  	_ =	strace $0x90000047  }
0x10d: {  	s0 =	stileid.u32;
	[bflag:$0x2] =	sbarrier.arrive $0xFFFF  }
0x10e: {  	p0 =	sne.s32 s0, $0x0;
	s0 =	rddreg [dreg:$0x3]  }
0x10f: {  	s0 =	sadd.s32 @!p0 $0x100000, s0  }
0x110: {  	[sflag:s0] =	ssyncadd.tile.s32 @!p0 $0x1;
	_ =	shalt  }
.Lfunc_end2:
_tile_overlayer_lowered:
.L_overlay_start_2:
0x111: {  	(tag) =	ssettag $0x2  }
0x112: {  	s0 =	rddreg [dreg:$0x0];
	s2 =	stileid.u32  }
0x113: {  	s1 =	rddreg [dreg:$0x1];
	p0 =	sne.s32 s2, $0x0  }
0x114: {  	s3 =	rddreg [dreg:$0x2];
	[bflag:$0x3] =	sbarrier.arrive $0xFFFF;
	s2 =	simm.s32 @!p0 $0x1C02  }
0x115: {  	[timem:s3], [sflag:s2] =	dma.local @!p0 [hbm:s0], s1  }
0x116: {  	s0 =	simm.s32 @!p0 $0x2  }
0x117: {  	_ =	swait.ge @!p0 [sflag:s0], s1  }
0x118: {  	s1 =	ssub.s32 @!p0 $0x0, s1;
	[sflag:s0] =	ssyncset.done @!p0 $0x0  }
0x119: {  	[sflag:s0] =	ssyncadd.s32 @!p0 s1  }
0x11a: {  	[bflag:$0x3] =	sbarrier.arrive $0xFFFF  }
0x11b: {  	_ =	shalt  }

</sc_bundles>
